<compile_context>
chip_gen: v7x
topology: tpu7x:2x2x1
jax: 0.10.2.dev20260603
libtpu: 0.0.44.dev20260713+nightly
codegen_flags: <defaults>
</compile_context>

<pallas_src>
import functools

import jax
import jax.numpy as jnp
from jax import lax
from jax.experimental import pallas as pl
from jax.experimental.pallas import tpu as pltpu, tpu_sc as plsc

NC = 2
NS = 16
EC = 128


def _partition_kernel(Nf, prows, cap, half, nreal):
    NW = NC * NS
    mesh = plsc.VectorSubcoreMesh(core_axis_name="c", subcore_axis_name="s",
                                  num_cores=NC, num_subcores=NS)

    out_types = (
        jax.ShapeDtypeStruct((NW, Nf), jnp.float32),
        jax.ShapeDtypeStruct((NW, 4, cap), jnp.int32),
        jax.ShapeDtypeStruct((NW, 16), jnp.int32),
    )
    scratch = [pltpu.VMEM((prows, 128), jnp.int32),
               pltpu.VMEM((Nf,), jnp.float32)]
    scratch += [pltpu.VMEM((cap,), jnp.int32) for _ in range(4)]
    scratch += [pltpu.VMEM((16,), jnp.int32)]

    @functools.partial(
        pl.kernel, out_type=out_types, mesh=mesh, scratch_types=scratch,
        compiler_params=pltpu.CompilerParams(needs_layout_passes=False),
    )
    def k(packed_hbm, zeros_hbm, dummy_hbm, hist_out, lists_out, cnt_out,
          pbuf, hist, q0, q1, q2, q3, cbuf):
        c = lax.axis_index("c")
        s = lax.axis_index("s")
        wid = s * NC + c
        qbufs = (q0, q1, q2, q3)
        pltpu.sync_copy(zeros_hbm, hist)
        pltpu.sync_copy(packed_hbm.at[wid], pbuf)
        for q in range(4):
            pltpu.sync_copy(dummy_hbm.at[q], qbufs[q])
        ones = jnp.full((16,), 1.0, jnp.float32)

        def body(j, pos):
            p0, p1, p2, p3 = pos
            for o in range(128 // 16):
                v = pbuf[j, pl.ds(o * 16, 16)]
                row = lax.shift_right_logical(v, 14)
                col = lax.bitwise_and(v, 16383)
                plsc.addupdate_scatter(hist, [row], ones)
                rhi = row >= half
                chi = col >= half
                rlo = row < half
                val = jnp.logical_and(rhi, row < nreal)
                m0 = jnp.logical_and(rlo, jnp.logical_not(chi))
                m1 = jnp.logical_and(rlo, chi)
                m2 = jnp.logical_and(val, jnp.logical_not(chi))
                m3 = jnp.logical_and(val, chi)
                plsc.store_compressed(q0.at[pl.ds(p0, 16)], v, mask=m0)
                plsc.store_compressed(q1.at[pl.ds(p1, 16)], v, mask=m1)
                plsc.store_compressed(q2.at[pl.ds(p2, 16)], v, mask=m2)
                plsc.store_compressed(q3.at[pl.ds(p3, 16)], v, mask=m3)
                p0 = p0 + jnp.sum(m0.astype(jnp.int32))
                p1 = p1 + jnp.sum(m1.astype(jnp.int32))
                p2 = p2 + jnp.sum(m2.astype(jnp.int32))
                p3 = p3 + jnp.sum(m3.astype(jnp.int32))
            return (p0, p1, p2, p3)

        z = jnp.int32(0)
        pos = lax.fori_loop(0, prows, body, (z, z, z, z))
        for q in range(4):
            pltpu.sync_copy(qbufs[q], lists_out.at[wid, q])
        io16 = lax.iota(jnp.int32, 16)
        cv = jnp.where(io16 == 0, pos[0],
             jnp.where(io16 == 1, pos[1],
             jnp.where(io16 == 2, pos[2],
             jnp.where(io16 == 3, pos[3], 0))))
        cbuf[...] = cv
        pltpu.sync_copy(cbuf, cnt_out.at[wid])
        pltpu.sync_copy(hist, hist_out.at[wid])

    return k


def _aggr_kernel(D, cap, half, HR):
    rp = HR // NS
    rg = half // NS
    mesh = plsc.VectorSubcoreMesh(core_axis_name="c", subcore_axis_name="s",
                                  num_cores=NC, num_subcores=NS)

    scratch = [
        pltpu.VMEM((EC,), jnp.int32),
        pltpu.VMEM((EC,), jnp.int32),
        pltpu.VMEM((EC,), jnp.int32),
        pltpu.VMEM((EC, D), jnp.float32),
        pltpu.VMEM((16,), jnp.int32),
        pltpu.VMEM((16,), jnp.int32),
        pltpu.SemaphoreType.DMA,
        pltpu.VMEM_SHARED((half, D), jnp.float32),
        pltpu.VMEM_SHARED((HR, D), jnp.float32),
    ]

    @functools.partial(
        pl.kernel,
        out_type=jax.ShapeDtypeStruct((NC, HR, D), jnp.float32),
        mesh=mesh, scratch_types=scratch,
        compiler_params=pltpu.CompilerParams(needs_layout_passes=False),
    )
    def k(lists_hbm, cnts_hbm, g_hbm, zeros_hbm, out_hbm,
          lbA, colv, rowv, gbuf, cb0, cb1, sem, g_sh, acc):
        c = lax.axis_index("c")
        s = lax.axis_index("s")
        pltpu.sync_copy(zeros_hbm, acc.at[pl.ds(s * rp, rp)])
        pltpu.sync_copy(cnts_hbm.at[2 * s], cb0)
        pltpu.sync_copy(cnts_hbm.at[2 * s + 1], cb1)
        io16 = lax.iota(jnp.int32, 16)
        cv0 = cb0[...]
        cv1 = cb1[...]

        def stage(ch):
            pltpu.sync_copy(g_hbm.at[pl.ds(ch * half + s * rg, rg)],
                            g_sh.at[pl.ds(s * rg, rg)])

        def process(k0t, q, cnt, col_base):
            nch = lax.div(cnt + (EC - 1), jnp.int32(EC))

            def body(j, carry):
                pltpu.sync_copy(lists_hbm.at[k0t, q, pl.ds(j * EC, EC)], lbA)
                for o in range(EC // 16):
                    v = lbA[pl.ds(o * 16, 16)]
                    colv[pl.ds(o * 16, 16)] = \
                        lax.bitwise_and(v, 16383) - col_base
                    rowv[pl.ds(o * 16, 16)] = \
                        lax.shift_right_logical(v, 14) - c * half
                pltpu.async_copy(g_sh.at[colv], gbuf, sem).wait()
                pltpu.sync_copy(gbuf, acc.at[rowv], add=True)
                return carry

            lax.fori_loop(0, nch, body, 0)

        def cnt_of(cv, q):
            return jnp.sum(jnp.where(io16 == q, cv, 0))

        stage(c)
        plsc.subcore_barrier()
        qa = 3 * c
        process(2 * s, qa, cnt_of(cv0, qa), c * half)
        process(2 * s + 1, qa, cnt_of(cv1, qa), c * half)
        plsc.subcore_barrier()
        stage(1 - c)
        plsc.subcore_barrier()
        qb = 2 * c + (1 - c)
        process(2 * s, qb, cnt_of(cv0, qb), (1 - c) * half)
        process(2 * s + 1, qb, cnt_of(cv1, qb), (1 - c) * half)
        plsc.subcore_barrier()
        pltpu.sync_copy(acc.at[pl.ds(s * rp, rp)],
                        out_hbm.at[c, pl.ds(s * rp, rp)])

    return k


def _linear_kernel(x_ref, w_ref, b_ref, p_ref, g_ref):
    deg = jnp.sum(p_ref[...], axis=0) + 1.0
    dsq = lax.rsqrt(deg)[:, None]
    h = lax.dot_general(x_ref[...], w_ref[...],
                        (((1,), (1,)), ((), ())),
                        preferred_element_type=jnp.float32) + b_ref[...]
    g_ref[...] = h * dsq


def _final_kernel(g_ref, s_ref, p_ref, o_ref):
    deg = jnp.sum(p_ref[...], axis=0) + 1.0
    dsq = lax.rsqrt(deg)[:, None]
    o_ref[...] = dsq * (g_ref[...] + s_ref[0])


def kernel(x, edge_index, W, b):
    N, Din = x.shape
    Dout = W.shape[0]
    E = edge_index.shape[1]
    NW = NC * NS
    NB = 512
    half = NB * (-(-N // (2 * NB)))
    HR = half + NB

    rows = edge_index[0].astype(jnp.int32)
    cols = edge_index[1].astype(jnp.int32)
    ept = 128 * (-(-E // (128 * NW)))
    prows = ept // 128
    cap = ept
    pad = ept * NW - E
    rows_pad = jnp.full((pad,), N, jnp.int32)
    cols_pad = jnp.zeros((pad,), jnp.int32)
    packed = (jnp.concatenate([rows, rows_pad]) * 16384
              + jnp.concatenate([cols, cols_pad]))
    packed_p = packed.reshape(NW, prows, 128)
    dummies = jnp.array(
        [half * 16384 + 0, half * 16384 + half,
         N * 16384 + 0, N * 16384 + half], jnp.int32)
    dummy_hbm = jnp.broadcast_to(dummies[:, None], (4, cap))
    Nf = 128 * (-(-(N + 1) // 128))
    zerosF = jnp.zeros((Nf,), jnp.float32)
    zerosR = jnp.zeros((HR // NS, Dout), jnp.float32)
    assert half % NB == 0 and HR % (16 * NS) == 0 and half % (16 * NS) == 0
    b2 = b.reshape(1, Dout)

    hists, lists, cnts = _partition_kernel(Nf, prows, cap, half, N)(
        packed_p, zerosF, dummy_hbm)

    nblk = -(-N // NB)
    Ng = NB * nblk
    g = pl.pallas_call(
        _linear_kernel,
        grid=(nblk,),
        in_specs=[
            pl.BlockSpec((NB, Din), lambda i: (i, 0)),
            pl.BlockSpec((Dout, Din), lambda i: (0, 0)),
            pl.BlockSpec((1, Dout), lambda i: (0, 0)),
            pl.BlockSpec((NW, NB), lambda i: (0, i)),
        ],
        out_specs=pl.BlockSpec((NB, Dout), lambda i: (i, 0)),
        out_shape=jax.ShapeDtypeStruct((Ng, Dout), jnp.float32),
    )(x, W, b2, hists)

    sp = _aggr_kernel(Dout, cap, half, HR)(lists, cnts, g, zerosR)

    blocks_per_half = half // NB
    out = pl.pallas_call(
        _final_kernel,
        grid=(nblk,),
        in_specs=[
            pl.BlockSpec((NB, Dout), lambda i: (i, 0)),
            pl.BlockSpec((1, NB, Dout),
                         lambda i: (i // blocks_per_half,
                                    i % blocks_per_half, 0)),
            pl.BlockSpec((NW, NB), lambda i: (0, i)),
        ],
        out_specs=pl.BlockSpec((NB, Dout), lambda i: (i, 0)),
        out_shape=jax.ShapeDtypeStruct((N, Dout), jnp.float32),
    )(g, sp, hists)
    return out

# --- scband reference (transcript-rebuilt; emitter-appended) ---
"""Pipeline reference for scband-gcnconv-84043920048429 (READ-ONLY COPY).

The authoritative reference and input builder live on the scoring server;
editing this copy changes nothing except your own understanding.
"""

import jax, jax.numpy as jnp
import numpy as np

N_NODES = 10000
N_EDGES = 320000
D_IN = 128
D_OUT = 128


def setup_inputs(seed: int = 0) -> dict:
    key = jax.random.key(seed)
    k1, k2, k3, k4 = jax.random.split(key, 4)
    x = jax.random.normal(k1, (N_NODES, D_IN), dtype=jnp.float32)
    edge_index = jax.random.randint(k2, (2, N_EDGES), 0, N_NODES, dtype=jnp.int64)
    # nn.Linear(in_channel, out_channel) parameters
    bound = 1.0 / np.sqrt(D_IN)
    W = jax.random.uniform(k3, (D_OUT, D_IN), minval=-bound, maxval=bound, dtype=jnp.float32)
    b = jax.random.uniform(k4, (D_OUT,), minval=-bound, maxval=bound, dtype=jnp.float32)
    return {"x": x, "edge_index": edge_index, "W": W, "b": b}


def reference(x, edge_index, W, b):
    N = x.shape[0]
    # addSelfConnect: append (i, i) for every node
    self_conn = jnp.stack([jnp.arange(N, dtype=edge_index.dtype)] * 2, axis=0)
    ei = jnp.concatenate([edge_index, self_conn], axis=1)
    # linear
    h = x @ W.T + b
    row, col = ei[0], ei[1]
    # calDegree: count occurrences of each node id in row
    deg = jnp.bincount(row, length=N).astype(jnp.float32)
    deg_sqrt = deg ** (-0.5)
    norm = deg_sqrt[row] * deg_sqrt[col]
    # gather target node features and normalize
    tar = jnp.take(h, col, axis=0)
    tar = norm[:, None] * tar
    # AggrSum: mask-matmul is mathematically a scatter-add of tar rows into row ids
    aggr = jax.ops.segment_sum(tar, row, num_segments=N)
    return aggr

if __name__ == "__main__":
    import jax
    _d = setup_inputs()
    print(jax.jit(kernel)(*tuple(_d.values())))

</pallas_src>

<mosaic_0001>
#map = affine_map<(d0, d1) -> (0, 0, 0)>
#map1 = affine_map<(d0, d1) -> (0)>
#map2 = affine_map<(d0, d1) -> (0, 0)>
module attributes {stable_mosaic.version = 14 : i64} {
  func.func @k(%arg0: i32, %arg1: i32, %arg2: memref<32x79x128xi32, #tpu.memory_space<hbm>>, %arg3: memref<10112xf32, #tpu.memory_space<hbm>>, %arg4: memref<4x10112xi32, #tpu.memory_space<hbm>>, %arg5: memref<32x10112xf32, #tpu.memory_space<hbm>>, %arg6: memref<32x4x10112xi32, #tpu.memory_space<hbm>>, %arg7: memref<32x16xi32, #tpu.memory_space<hbm>>, %arg8: memref<79x128xi32, #tpu.memory_space<vmem>>, %arg9: memref<10112xf32, #tpu.memory_space<vmem>>, %arg10: memref<10112xi32, #tpu.memory_space<vmem>>, %arg11: memref<10112xi32, #tpu.memory_space<vmem>>, %arg12: memref<10112xi32, #tpu.memory_space<vmem>>, %arg13: memref<10112xi32, #tpu.memory_space<vmem>>, %arg14: memref<16xi32, #tpu.memory_space<vmem>>) attributes {dimension_semantics = [#tpu.dimension_semantics<core_parallel>, #tpu.dimension_semantics<subcore_parallel>], iteration_bounds = array<i64: 2, 16>, scalar_prefetch = 0 : i64, scratch_operands = 7 : i64, tpu.core_type = #tpu.core_type<sc_vector_subcore>, window_params = [{transform_indices = #map}, {transform_indices = #map1}, {transform_indices = #map2}, {transform_indices = #map2}, {transform_indices = #map}, {transform_indices = #map2}]} {
    %mul3A = arith.constant 2 : i32
    %mul3A_0 = arith.muli %arg1, %mul3A : i32
    %add3A = arith.addi %mul3A_0, %arg0 : i32
    "tpu.region"() ({
      %run_scoped3A_38 = tpu.sem_alloc : memref<!tpu.dma_semaphore, #tpu.memory_space<semaphore_mem>>
      tpu.enqueue_dma source(%arg3 : memref<10112xf32, #tpu.memory_space<hbm>>) target(%arg9 : memref<10112xf32, #tpu.memory_space<vmem>>) target_semaphore(%run_scoped3A_38 : memref<!tpu.dma_semaphore, #tpu.memory_space<semaphore_mem>>)
      tpu.wait_dma2 semaphore(%run_scoped3A_38 : memref<!tpu.dma_semaphore, #tpu.memory_space<semaphore_mem>>) src(%arg3 : memref<10112xf32, #tpu.memory_space<hbm>>) dst(%arg9 : memref<10112xf32, #tpu.memory_space<vmem>>)
      tpu.yield
    }) : () -> ()
    "tpu.region"() ({
      %run_scoped3A_38 = tpu.sem_alloc : memref<!tpu.dma_semaphore, #tpu.memory_space<semaphore_mem>>
      %dma_start3A = arith.constant 0 : i32
      %dma_start3A_39 = arith.constant 0 : i32
      %dma_start3A_40 = tpu.memref_slice %arg2[%add3A, %dma_start3A, %dma_start3A_39] : memref<32x79x128xi32, #tpu.memory_space<hbm>> -> memref<1x79x128xi32, #tpu.memory_space<hbm>>
      %dma_start3A_41 = tpu.memref_squeeze %dma_start3A_40 : memref<1x79x128xi32, #tpu.memory_space<hbm>> -> memref<79x128xi32, #tpu.memory_space<hbm>>
      %dma_start3A_42 = arith.constant 0 : i32
      %dma_start3A_43 = arith.constant 0 : i32
      %dma_start3A_44 = tpu.memref_slice %arg2[%add3A, %dma_start3A_42, %dma_start3A_43] : memref<32x79x128xi32, #tpu.memory_space<hbm>> -> memref<1x79x128xi32, #tpu.memory_space<hbm>>
      %dma_start3A_45 = tpu.memref_squeeze %dma_start3A_44 : memref<1x79x128xi32, #tpu.memory_space<hbm>> -> memref<79x128xi32, #tpu.memory_space<hbm>>
      tpu.enqueue_dma source(%dma_start3A_45 : memref<79x128xi32, #tpu.memory_space<hbm>>) target(%arg8 : memref<79x128xi32, #tpu.memory_space<vmem>>) target_semaphore(%run_scoped3A_38 : memref<!tpu.dma_semaphore, #tpu.memory_space<semaphore_mem>>)
      %dma_wait3A = arith.constant 0 : i32
      %dma_wait3A_46 = arith.constant 0 : i32
      %dma_wait3A_47 = tpu.memref_slice %arg2[%add3A, %dma_wait3A, %dma_wait3A_46] : memref<32x79x128xi32, #tpu.memory_space<hbm>> -> memref<1x79x128xi32, #tpu.memory_space<hbm>>
      %dma_wait3A_48 = tpu.memref_squeeze %dma_wait3A_47 : memref<1x79x128xi32, #tpu.memory_space<hbm>> -> memref<79x128xi32, #tpu.memory_space<hbm>>
      %dma_wait3A_49 = arith.constant 0 : i32
      %dma_wait3A_50 = arith.constant 0 : i32
      %dma_wait3A_51 = tpu.memref_slice %arg2[%add3A, %dma_wait3A_49, %dma_wait3A_50] : memref<32x79x128xi32, #tpu.memory_space<hbm>> -> memref<1x79x128xi32, #tpu.memory_space<hbm>>
      %dma_wait3A_52 = tpu.memref_squeeze %dma_wait3A_51 : memref<1x79x128xi32, #tpu.memory_space<hbm>> -> memref<79x128xi32, #tpu.memory_space<hbm>>
      tpu.wait_dma2 semaphore(%run_scoped3A_38 : memref<!tpu.dma_semaphore, #tpu.memory_space<semaphore_mem>>) src(%dma_wait3A_52 : memref<79x128xi32, #tpu.memory_space<hbm>>) dst(%arg8 : memref<79x128xi32, #tpu.memory_space<vmem>>)
      tpu.yield
    }) : () -> ()
    %run_scoped3A = arith.constant 0 : i32
    "tpu.region"() ({
      %run_scoped3A_38 = tpu.sem_alloc : memref<!tpu.dma_semaphore, #tpu.memory_space<semaphore_mem>>
      %dma_start3A = arith.constant 0 : i32
      %dma_start3A_39 = tpu.memref_slice %arg4[%run_scoped3A, %dma_start3A] : memref<4x10112xi32, #tpu.memory_space<hbm>> -> memref<1x10112xi32, #tpu.memory_space<hbm>>
      %dma_start3A_40 = tpu.memref_squeeze %dma_start3A_39 : memref<1x10112xi32, #tpu.memory_space<hbm>> -> memref<10112xi32, #tpu.memory_space<hbm>>
      %dma_start3A_41 = arith.constant 0 : i32
      %dma_start3A_42 = tpu.memref_slice %arg4[%run_scoped3A, %dma_start3A_41] : memref<4x10112xi32, #tpu.memory_space<hbm>> -> memref<1x10112xi32, #tpu.memory_space<hbm>>
      %dma_start3A_43 = tpu.memref_squeeze %dma_start3A_42 : memref<1x10112xi32, #tpu.memory_space<hbm>> -> memref<10112xi32, #tpu.memory_space<hbm>>
      tpu.enqueue_dma source(%dma_start3A_43 : memref<10112xi32, #tpu.memory_space<hbm>>) target(%arg10 : memref<10112xi32, #tpu.memory_space<vmem>>) target_semaphore(%run_scoped3A_38 : memref<!tpu.dma_semaphore, #tpu.memory_space<semaphore_mem>>)
      %dma_wait3A = arith.constant 0 : i32
      %dma_wait3A_44 = tpu.memref_slice %arg4[%run_scoped3A, %dma_wait3A] : memref<4x10112xi32, #tpu.memory_space<hbm>> -> memref<1x10112xi32, #tpu.memory_space<hbm>>
      %dma_wait3A_45 = tpu.memref_squeeze %dma_wait3A_44 : memref<1x10112xi32, #tpu.memory_space<hbm>> -> memref<10112xi32, #tpu.memory_space<hbm>>
      %dma_wait3A_46 = arith.constant 0 : i32
      %dma_wait3A_47 = tpu.memref_slice %arg4[%run_scoped3A, %dma_wait3A_46] : memref<4x10112xi32, #tpu.memory_space<hbm>> -> memref<1x10112xi32, #tpu.memory_space<hbm>>
      %dma_wait3A_48 = tpu.memref_squeeze %dma_wait3A_47 : memref<1x10112xi32, #tpu.memory_space<hbm>> -> memref<10112xi32, #tpu.memory_space<hbm>>
      tpu.wait_dma2 semaphore(%run_scoped3A_38 : memref<!tpu.dma_semaphore, #tpu.memory_space<semaphore_mem>>) src(%dma_wait3A_48 : memref<10112xi32, #tpu.memory_space<hbm>>) dst(%arg10 : memref<10112xi32, #tpu.memory_space<vmem>>)
      tpu.yield
    }) : () -> ()
    %run_scoped3A_1 = arith.constant 1 : i32
    "tpu.region"() ({
      %run_scoped3A_38 = tpu.sem_alloc : memref<!tpu.dma_semaphore, #tpu.memory_space<semaphore_mem>>
      %dma_start3A = arith.constant 0 : i32
      %dma_start3A_39 = tpu.memref_slice %arg4[%run_scoped3A_1, %dma_start3A] : memref<4x10112xi32, #tpu.memory_space<hbm>> -> memref<1x10112xi32, #tpu.memory_space<hbm>>
      %dma_start3A_40 = tpu.memref_squeeze %dma_start3A_39 : memref<1x10112xi32, #tpu.memory_space<hbm>> -> memref<10112xi32, #tpu.memory_space<hbm>>
      %dma_start3A_41 = arith.constant 0 : i32
      %dma_start3A_42 = tpu.memref_slice %arg4[%run_scoped3A_1, %dma_start3A_41] : memref<4x10112xi32, #tpu.memory_space<hbm>> -> memref<1x10112xi32, #tpu.memory_space<hbm>>
      %dma_start3A_43 = tpu.memref_squeeze %dma_start3A_42 : memref<1x10112xi32, #tpu.memory_space<hbm>> -> memref<10112xi32, #tpu.memory_space<hbm>>
      tpu.enqueue_dma source(%dma_start3A_43 : memref<10112xi32, #tpu.memory_space<hbm>>) target(%arg11 : memref<10112xi32, #tpu.memory_space<vmem>>) target_semaphore(%run_scoped3A_38 : memref<!tpu.dma_semaphore, #tpu.memory_space<semaphore_mem>>)
      %dma_wait3A = arith.constant 0 : i32
      %dma_wait3A_44 = tpu.memref_slice %arg4[%run_scoped3A_1, %dma_wait3A] : memref<4x10112xi32, #tpu.memory_space<hbm>> -> memref<1x10112xi32, #tpu.memory_space<hbm>>
      %dma_wait3A_45 = tpu.memref_squeeze %dma_wait3A_44 : memref<1x10112xi32, #tpu.memory_space<hbm>> -> memref<10112xi32, #tpu.memory_space<hbm>>
      %dma_wait3A_46 = arith.constant 0 : i32
      %dma_wait3A_47 = tpu.memref_slice %arg4[%run_scoped3A_1, %dma_wait3A_46] : memref<4x10112xi32, #tpu.memory_space<hbm>> -> memref<1x10112xi32, #tpu.memory_space<hbm>>
      %dma_wait3A_48 = tpu.memref_squeeze %dma_wait3A_47 : memref<1x10112xi32, #tpu.memory_space<hbm>> -> memref<10112xi32, #tpu.memory_space<hbm>>
      tpu.wait_dma2 semaphore(%run_scoped3A_38 : memref<!tpu.dma_semaphore, #tpu.memory_space<semaphore_mem>>) src(%dma_wait3A_48 : memref<10112xi32, #tpu.memory_space<hbm>>) dst(%arg11 : memref<10112xi32, #tpu.memory_space<vmem>>)
      tpu.yield
    }) : () -> ()
    %run_scoped3A_2 = arith.constant 2 : i32
    "tpu.region"() ({
      %run_scoped3A_38 = tpu.sem_alloc : memref<!tpu.dma_semaphore, #tpu.memory_space<semaphore_mem>>
      %dma_start3A = arith.constant 0 : i32
      %dma_start3A_39 = tpu.memref_slice %arg4[%run_scoped3A_2, %dma_start3A] : memref<4x10112xi32, #tpu.memory_space<hbm>> -> memref<1x10112xi32, #tpu.memory_space<hbm>>
      %dma_start3A_40 = tpu.memref_squeeze %dma_start3A_39 : memref<1x10112xi32, #tpu.memory_space<hbm>> -> memref<10112xi32, #tpu.memory_space<hbm>>
      %dma_start3A_41 = arith.constant 0 : i32
      %dma_start3A_42 = tpu.memref_slice %arg4[%run_scoped3A_2, %dma_start3A_41] : memref<4x10112xi32, #tpu.memory_space<hbm>> -> memref<1x10112xi32, #tpu.memory_space<hbm>>
      %dma_start3A_43 = tpu.memref_squeeze %dma_start3A_42 : memref<1x10112xi32, #tpu.memory_space<hbm>> -> memref<10112xi32, #tpu.memory_space<hbm>>
      tpu.enqueue_dma source(%dma_start3A_43 : memref<10112xi32, #tpu.memory_space<hbm>>) target(%arg12 : memref<10112xi32, #tpu.memory_space<vmem>>) target_semaphore(%run_scoped3A_38 : memref<!tpu.dma_semaphore, #tpu.memory_space<semaphore_mem>>)
      %dma_wait3A = arith.constant 0 : i32
      %dma_wait3A_44 = tpu.memref_slice %arg4[%run_scoped3A_2, %dma_wait3A] : memref<4x10112xi32, #tpu.memory_space<hbm>> -> memref<1x10112xi32, #tpu.memory_space<hbm>>
      %dma_wait3A_45 = tpu.memref_squeeze %dma_wait3A_44 : memref<1x10112xi32, #tpu.memory_space<hbm>> -> memref<10112xi32, #tpu.memory_space<hbm>>
      %dma_wait3A_46 = arith.constant 0 : i32
      %dma_wait3A_47 = tpu.memref_slice %arg4[%run_scoped3A_2, %dma_wait3A_46] : memref<4x10112xi32, #tpu.memory_space<hbm>> -> memref<1x10112xi32, #tpu.memory_space<hbm>>
      %dma_wait3A_48 = tpu.memref_squeeze %dma_wait3A_47 : memref<1x10112xi32, #tpu.memory_space<hbm>> -> memref<10112xi32, #tpu.memory_space<hbm>>
      tpu.wait_dma2 semaphore(%run_scoped3A_38 : memref<!tpu.dma_semaphore, #tpu.memory_space<semaphore_mem>>) src(%dma_wait3A_48 : memref<10112xi32, #tpu.memory_space<hbm>>) dst(%arg12 : memref<10112xi32, #tpu.memory_space<vmem>>)
      tpu.yield
    }) : () -> ()
    %run_scoped3A_3 = arith.constant 3 : i32
    "tpu.region"() ({
      %run_scoped3A_38 = tpu.sem_alloc : memref<!tpu.dma_semaphore, #tpu.memory_space<semaphore_mem>>
      %dma_start3A = arith.constant 0 : i32
      %dma_start3A_39 = tpu.memref_slice %arg4[%run_scoped3A_3, %dma_start3A] : memref<4x10112xi32, #tpu.memory_space<hbm>> -> memref<1x10112xi32, #tpu.memory_space<hbm>>
      %dma_start3A_40 = tpu.memref_squeeze %dma_start3A_39 : memref<1x10112xi32, #tpu.memory_space<hbm>> -> memref<10112xi32, #tpu.memory_space<hbm>>
      %dma_start3A_41 = arith.constant 0 : i32
      %dma_start3A_42 = tpu.memref_slice %arg4[%run_scoped3A_3, %dma_start3A_41] : memref<4x10112xi32, #tpu.memory_space<hbm>> -> memref<1x10112xi32, #tpu.memory_space<hbm>>
      %dma_start3A_43 = tpu.memref_squeeze %dma_start3A_42 : memref<1x10112xi32, #tpu.memory_space<hbm>> -> memref<10112xi32, #tpu.memory_space<hbm>>
      tpu.enqueue_dma source(%dma_start3A_43 : memref<10112xi32, #tpu.memory_space<hbm>>) target(%arg13 : memref<10112xi32, #tpu.memory_space<vmem>>) target_semaphore(%run_scoped3A_38 : memref<!tpu.dma_semaphore, #tpu.memory_space<semaphore_mem>>)
      %dma_wait3A = arith.constant 0 : i32
      %dma_wait3A_44 = tpu.memref_slice %arg4[%run_scoped3A_3, %dma_wait3A] : memref<4x10112xi32, #tpu.memory_space<hbm>> -> memref<1x10112xi32, #tpu.memory_space<hbm>>
      %dma_wait3A_45 = tpu.memref_squeeze %dma_wait3A_44 : memref<1x10112xi32, #tpu.memory_space<hbm>> -> memref<10112xi32, #tpu.memory_space<hbm>>
      %dma_wait3A_46 = arith.constant 0 : i32
      %dma_wait3A_47 = tpu.memref_slice %arg4[%run_scoped3A_3, %dma_wait3A_46] : memref<4x10112xi32, #tpu.memory_space<hbm>> -> memref<1x10112xi32, #tpu.memory_space<hbm>>
      %dma_wait3A_48 = tpu.memref_squeeze %dma_wait3A_47 : memref<1x10112xi32, #tpu.memory_space<hbm>> -> memref<10112xi32, #tpu.memory_space<hbm>>
      tpu.wait_dma2 semaphore(%run_scoped3A_38 : memref<!tpu.dma_semaphore, #tpu.memory_space<semaphore_mem>>) src(%dma_wait3A_48 : memref<10112xi32, #tpu.memory_space<hbm>>) dst(%arg13 : memref<10112xi32, #tpu.memory_space<vmem>>)
      tpu.yield
    }) : () -> ()
    %broadcast_in_dim3A = arith.constant 1.000000e+00 : f32
    %broadcast_in_dim3A_4 = vector.broadcast %broadcast_in_dim3A : f32 to vector<16xf32>
    %scan3A = arith.constant 0 : i32
    %scan3A_5 = arith.constant 0 : i32
    %scan3A_6 = arith.constant 0 : i32
    %scan3A_7 = arith.constant 0 : i32
    %scan3A_8 = arith.constant 0 : i32
    %scan3A_9 = arith.constant 79 : i32
    %scan3A_10 = arith.addi %scan3A_8, %scan3A_9 : i32
    %scan3A_11 = arith.constant 1 : i32
    %scan3A_12:4 = scf.for %scan3A_38 = %scan3A_8 to %scan3A_10 step %scan3A_11 iter_args(%scan3A_39 = %scan3A, %scan3A_40 = %scan3A_5, %scan3A_41 = %scan3A_6, %scan3A_42 = %scan3A_7) -> (i32, i32, i32, i32)  : i32 {
      %get3A = arith.index_cast %scan3A_38 : i32 to index
      %get3A_43 = arith.constant 0 : index
      %get3A_44 = tpu.vector_load %arg8[%get3A, %get3A_43] {strides = array<i32>} : memref<79x128xi32, #tpu.memory_space<vmem>>, vector<16xi32>,
      %shift_right_logical3A = arith.constant 14 : i32
      %shift_right_logical3A_45 = vector.broadcast %shift_right_logical3A : i32 to vector<16xi32>
      %shift_right_logical3A_46 = arith.shrui %get3A_44, %shift_right_logical3A_45 : vector<16xi32>
      %and3A = arith.constant 16383 : i32
      %and3A_47 = vector.broadcast %and3A : i32 to vector<16xi32>
      %and3A_48 = arith.andi %get3A_44, %and3A_47 : vector<16xi32>
      tpu.vector_store_idx %arg9[%shift_right_logical3A_46], %broadcast_in_dim3A_4 {add = true} : memref<10112xf32, #tpu.memory_space<vmem>>[vector<16xi32>], vector<16xf32>,
      %ge3A = arith.constant 5120 : i32
      %ge3A_49 = vector.broadcast %ge3A : i32 to vector<16xi32>
      %ge3A_50 = arith.cmpi sge, %shift_right_logical3A_46, %ge3A_49 : vector<16xi32>
      %ge3A_51 = arith.constant 5120 : i32
      %ge3A_52 = vector.broadcast %ge3A_51 : i32 to vector<16xi32>
      %ge3A_53 = arith.cmpi sge, %and3A_48, %ge3A_52 : vector<16xi32>
      %lt3A = arith.constant 5120 : i32
      %lt3A_54 = vector.broadcast %lt3A : i32 to vector<16xi32>
      %lt3A_55 = arith.cmpi slt, %shift_right_logical3A_46, %lt3A_54 : vector<16xi32>
      %lt3A_56 = arith.constant 10000 : i32
      %lt3A_57 = vector.broadcast %lt3A_56 : i32 to vector<16xi32>
      %lt3A_58 = arith.cmpi slt, %shift_right_logical3A_46, %lt3A_57 : vector<16xi32>
      %and3A_59 = arith.andi %ge3A_50, %lt3A_58 : vector<16xi1>
      %not3A = arith.constant dense<true> : vector<16xi1>
      %not3A_60 = arith.xori %ge3A_53, %not3A : vector<16xi1>
      %and3A_61 = arith.andi %lt3A_55, %not3A_60 : vector<16xi1>
      %and3A_62 = arith.andi %lt3A_55, %ge3A_53 : vector<16xi1>
      %not3A_63 = arith.constant dense<true> : vector<16xi1>
      %not3A_64 = arith.xori %ge3A_53, %not3A_63 : vector<16xi1>
      %and3A_65 = arith.andi %and3A_59, %not3A_64 : vector<16xi1>
      %and3A_66 = arith.andi %and3A_59, %ge3A_53 : vector<16xi1>
      %swap3A_67 = arith.index_cast %scan3A_39 : i32 to index
      %swap3A_68 = tpu.vector_load %arg10[%swap3A_67] masked %and3A_61 {strides = array<i32>} : memref<10112xi32, #tpu.memory_space<vmem>>, vector<16xi32>, vector<16xi1>
      tpu.vector_store %arg10[%swap3A_67], %get3A_44 masked %and3A_61 {strides = array<i32>} : memref<10112xi32, #tpu.memory_space<vmem>>, vector<16xi32>, vector<16xi1>
      %swap3A_69 = arith.index_cast %scan3A_40 : i32 to index
      %swap3A_70 = tpu.vector_load %arg11[%swap3A_69] masked %and3A_62 {strides = array<i32>} : memref<10112xi32, #tpu.memory_space<vmem>>, vector<16xi32>, vector<16xi1>
      tpu.vector_store %arg11[%swap3A_69], %get3A_44 masked %and3A_62 {strides = array<i32>} : memref<10112xi32, #tpu.memory_space<vmem>>, vector<16xi32>, vector<16xi1>
      %swap3A_71 = arith.index_cast %scan3A_41 : i32 to index
      %swap3A_72 = tpu.vector_load %arg12[%swap3A_71] masked %and3A_65 {strides = array<i32>} : memref<10112xi32, #tpu.memory_space<vmem>>, vector<16xi32>, vector<16xi1>
      tpu.vector_store %arg12[%swap3A_71], %get3A_44 masked %and3A_65 {strides = array<i32>} : memref<10112xi32, #tpu.memory_space<vmem>>, vector<16xi32>, vector<16xi1>
      %swap3A_73 = arith.index_cast %scan3A_42 : i32 to index
      %swap3A_74 = tpu.vector_load %arg13[%swap3A_73] masked %and3A_66 {strides = array<i32>} : memref<10112xi32, #tpu.memory_space<vmem>>, vector<16xi32>, vector<16xi1>
      tpu.vector_store %arg13[%swap3A_73], %get3A_44 masked %and3A_66 {strides = array<i32>} : memref<10112xi32, #tpu.memory_space<vmem>>, vector<16xi32>, vector<16xi1>
      %convert_element_type3A = arith.extui %and3A_61 : vector<16xi1> to vector<16xi32>
      %reduce_sum3A = arith.constant true
      %reduce_sum3A_75 = vector.broadcast %reduce_sum3A : i1 to vector<16xi1>
      %reduce_sum3A_76 = tpu.scan <sum>, %convert_element_type3A masked %reduce_sum3A_75 : vector<16xi32>, vector<16xi1> -> vector<16xi32>
      %reduce_sum3A_77 = vector.extract %reduce_sum3A_76[15] : i32 from vector<16xi32>
      %add3A_78 = arith.addi %scan3A_39, %reduce_sum3A_77 : i32
      %convert_element_type3A_79 = arith.extui %and3A_62 : vector<16xi1> to vector<16xi32>
      %reduce_sum3A_80 = arith.constant true
      %reduce_sum3A_81 = vector.broadcast %reduce_sum3A_80 : i1 to vector<16xi1>
      %reduce_sum3A_82 = tpu.scan <sum>, %convert_element_type3A_79 masked %reduce_sum3A_81 : vector<16xi32>, vector<16xi1> -> vector<16xi32>
      %reduce_sum3A_83 = vector.extract %reduce_sum3A_82[15] : i32 from vector<16xi32>
      %add3A_84 = arith.addi %scan3A_40, %reduce_sum3A_83 : i32
      %convert_element_type3A_85 = arith.extui %and3A_65 : vector<16xi1> to vector<16xi32>
      %reduce_sum3A_86 = arith.constant true
      %reduce_sum3A_87 = vector.broadcast %reduce_sum3A_86 : i1 to vector<16xi1>
      %reduce_sum3A_88 = tpu.scan <sum>, %convert_element_type3A_85 masked %reduce_sum3A_87 : vector<16xi32>, vector<16xi1> -> vector<16xi32>
      %reduce_sum3A_89 = vector.extract %reduce_sum3A_88[15] : i32 from vector<16xi32>
      %add3A_90 = arith.addi %scan3A_41, %reduce_sum3A_89 : i32
      %convert_element_type3A_91 = arith.extui %and3A_66 : vector<16xi1> to vector<16xi32>
      %reduce_sum3A_92 = arith.constant true
      %reduce_sum3A_93 = vector.broadcast %reduce_sum3A_92 : i1 to vector<16xi1>
      %reduce_sum3A_94 = tpu.scan <sum>, %convert_element_type3A_91 masked %reduce_sum3A_93 : vector<16xi32>, vector<16xi1> -> vector<16xi32>
      %reduce_sum3A_95 = vector.extract %reduce_sum3A_94[15] : i32 from vector<16xi32>
      %add3A_96 = arith.addi %scan3A_42, %reduce_sum3A_95 : i32
      %get3A_97 = arith.index_cast %scan3A_38 : i32 to index
      %get3A_98 = arith.constant 16 : index
      %get3A_99 = tpu.vector_load %arg8[%get3A_97, %get3A_98] {strides = array<i32>} : memref<79x128xi32, #tpu.memory_space<vmem>>, vector<16xi32>,
      %shift_right_logical3A_100 = arith.constant 14 : i32
      %shift_right_logical3A_101 = vector.broadcast %shift_right_logical3A_100 : i32 to vector<16xi32>
      %shift_right_logical3A_102 = arith.shrui %get3A_99, %shift_right_logical3A_101 : vector<16xi32>
      %and3A_103 = arith.constant 16383 : i32
      %and3A_104 = vector.broadcast %and3A_103 : i32 to vector<16xi32>
      %and3A_105 = arith.andi %get3A_99, %and3A_104 : vector<16xi32>
      tpu.vector_store_idx %arg9[%shift_right_logical3A_102], %broadcast_in_dim3A_4 {add = true} : memref<10112xf32, #tpu.memory_space<vmem>>[vector<16xi32>], vector<16xf32>,
      %ge3A_106 = arith.constant 5120 : i32
      %ge3A_107 = vector.broadcast %ge3A_106 : i32 to vector<16xi32>
      %ge3A_108 = arith.cmpi sge, %shift_right_logical3A_102, %ge3A_107 : vector<16xi32>
      %ge3A_109 = arith.constant 5120 : i32
      %ge3A_110 = vector.broadcast %ge3A_109 : i32 to vector<16xi32>
      %ge3A_111 = arith.cmpi sge, %and3A_105, %ge3A_110 : vector<16xi32>
      %lt3A_112 = arith.constant 5120 : i32
      %lt3A_113 = vector.broadcast %lt3A_112 : i32 to vector<16xi32>
      %lt3A_114 = arith.cmpi slt, %shift_right_logical3A_102, %lt3A_113 : vector<16xi32>
      %lt3A_115 = arith.constant 10000 : i32
      %lt3A_116 = vector.broadcast %lt3A_115 : i32 to vector<16xi32>
      %lt3A_117 = arith.cmpi slt, %shift_right_logical3A_102, %lt3A_116 : vector<16xi32>
      %and3A_118 = arith.andi %ge3A_108, %lt3A_117 : vector<16xi1>
      %not3A_119 = arith.constant dense<true> : vector<16xi1>
      %not3A_120 = arith.xori %ge3A_111, %not3A_119 : vector<16xi1>
      %and3A_121 = arith.andi %lt3A_114, %not3A_120 : vector<16xi1>
      %and3A_122 = arith.andi %lt3A_114, %ge3A_111 : vector<16xi1>
      %not3A_123 = arith.constant dense<true> : vector<16xi1>
      %not3A_124 = arith.xori %ge3A_111, %not3A_123 : vector<16xi1>
      %and3A_125 = arith.andi %and3A_118, %not3A_124 : vector<16xi1>
      %and3A_126 = arith.andi %and3A_118, %ge3A_111 : vector<16xi1>
      %swap3A_127 = arith.index_cast %add3A_78 : i32 to index
      %swap3A_128 = tpu.vector_load %arg10[%swap3A_127] masked %and3A_121 {strides = array<i32>} : memref<10112xi32, #tpu.memory_space<vmem>>, vector<16xi32>, vector<16xi1>
      tpu.vector_store %arg10[%swap3A_127], %get3A_99 masked %and3A_121 {strides = array<i32>} : memref<10112xi32, #tpu.memory_space<vmem>>, vector<16xi32>, vector<16xi1>
      %swap3A_129 = arith.index_cast %add3A_84 : i32 to index
      %swap3A_130 = tpu.vector_load %arg11[%swap3A_129] masked %and3A_122 {strides = array<i32>} : memref<10112xi32, #tpu.memory_space<vmem>>, vector<16xi32>, vector<16xi1>
      tpu.vector_store %arg11[%swap3A_129], %get3A_99 masked %and3A_122 {strides = array<i32>} : memref<10112xi32, #tpu.memory_space<vmem>>, vector<16xi32>, vector<16xi1>
      %swap3A_131 = arith.index_cast %add3A_90 : i32 to index
      %swap3A_132 = tpu.vector_load %arg12[%swap3A_131] masked %and3A_125 {strides = array<i32>} : memref<10112xi32, #tpu.memory_space<vmem>>, vector<16xi32>, vector<16xi1>
      tpu.vector_store %arg12[%swap3A_131], %get3A_99 masked %and3A_125 {strides = array<i32>} : memref<10112xi32, #tpu.memory_space<vmem>>, vector<16xi32>, vector<16xi1>
      %swap3A_133 = arith.index_cast %add3A_96 : i32 to index
      %swap3A_134 = tpu.vector_load %arg13[%swap3A_133] masked %and3A_126 {strides = array<i32>} : memref<10112xi32, #tpu.memory_space<vmem>>, vector<16xi32>, vector<16xi1>
      tpu.vector_store %arg13[%swap3A_133], %get3A_99 masked %and3A_126 {strides = array<i32>} : memref<10112xi32, #tpu.memory_space<vmem>>, vector<16xi32>, vector<16xi1>
      %convert_element_type3A_135 = arith.extui %and3A_121 : vector<16xi1> to vector<16xi32>
      %reduce_sum3A_136 = arith.constant true
      %reduce_sum3A_137 = vector.broadcast %reduce_sum3A_136 : i1 to vector<16xi1>
      %reduce_sum3A_138 = tpu.scan <sum>, %convert_element_type3A_135 masked %reduce_sum3A_137 : vector<16xi32>, vector<16xi1> -> vector<16xi32>
      %reduce_sum3A_139 = vector.extract %reduce_sum3A_138[15] : i32 from vector<16xi32>
      %add3A_140 = arith.addi %add3A_78, %reduce_sum3A_139 : i32
      %convert_element_type3A_141 = arith.extui %and3A_122 : vector<16xi1> to vector<16xi32>
      %reduce_sum3A_142 = arith.constant true
      %reduce_sum3A_143 = vector.broadcast %reduce_sum3A_142 : i1 to vector<16xi1>
      %reduce_sum3A_144 = tpu.scan <sum>, %convert_element_type3A_141 masked %reduce_sum3A_143 : vector<16xi32>, vector<16xi1> -> vector<16xi32>
      %reduce_sum3A_145 = vector.extract %reduce_sum3A_144[15] : i32 from vector<16xi32>
      %add3A_146 = arith.addi %add3A_84, %reduce_sum3A_145 : i32
      %convert_element_type3A_147 = arith.extui %and3A_125 : vector<16xi1> to vector<16xi32>
      %reduce_sum3A_148 = arith.constant true
      %reduce_sum3A_149 = vector.broadcast %reduce_sum3A_148 : i1 to vector<16xi1>
      %reduce_sum3A_150 = tpu.scan <sum>, %convert_element_type3A_147 masked %reduce_sum3A_149 : vector<16xi32>, vector<16xi1> -> vector<16xi32>
      %reduce_sum3A_151 = vector.extract %reduce_sum3A_150[15] : i32 from vector<16xi32>
      %add3A_152 = arith.addi %add3A_90, %reduce_sum3A_151 : i32
      %convert_element_type3A_153 = arith.extui %and3A_126 : vector<16xi1> to vector<16xi32>
      %reduce_sum3A_154 = arith.constant true
      %reduce_sum3A_155 = vector.broadcast %reduce_sum3A_154 : i1 to vector<16xi1>
      %reduce_sum3A_156 = tpu.scan <sum>, %convert_element_type3A_153 masked %reduce_sum3A_155 : vector<16xi32>, vector<16xi1> -> vector<16xi32>
      %reduce_sum3A_157 = vector.extract %reduce_sum3A_156[15] : i32 from vector<16xi32>
      %add3A_158 = arith.addi %add3A_96, %reduce_sum3A_157 : i32
      %get3A_159 = arith.index_cast %scan3A_38 : i32 to index
      %get3A_160 = arith.constant 32 : index
      %get3A_161 = tpu.vector_load %arg8[%get3A_159, %get3A_160] {strides = array<i32>} : memref<79x128xi32, #tpu.memory_space<vmem>>, vector<16xi32>,
      %shift_right_logical3A_162 = arith.constant 14 : i32
      %shift_right_logical3A_163 = vector.broadcast %shift_right_logical3A_162 : i32 to vector<16xi32>
      %shift_right_logical3A_164 = arith.shrui %get3A_161, %shift_right_logical3A_163 : vector<16xi32>
      %and3A_165 = arith.constant 16383 : i32
      %and3A_166 = vector.broadcast %and3A_165 : i32 to vector<16xi32>
      %and3A_167 = arith.andi %get3A_161, %and3A_166 : vector<16xi32>
      tpu.vector_store_idx %arg9[%shift_right_logical3A_164], %broadcast_in_dim3A_4 {add = true} : memref<10112xf32, #tpu.memory_space<vmem>>[vector<16xi32>], vector<16xf32>,
      %ge3A_168 = arith.constant 5120 : i32
      %ge3A_169 = vector.broadcast %ge3A_168 : i32 to vector<16xi32>
      %ge3A_170 = arith.cmpi sge, %shift_right_logical3A_164, %ge3A_169 : vector<16xi32>
      %ge3A_171 = arith.constant 5120 : i32
      %ge3A_172 = vector.broadcast %ge3A_171 : i32 to vector<16xi32>
      %ge3A_173 = arith.cmpi sge, %and3A_167, %ge3A_172 : vector<16xi32>
      %lt3A_174 = arith.constant 5120 : i32
      %lt3A_175 = vector.broadcast %lt3A_174 : i32 to vector<16xi32>
      %lt3A_176 = arith.cmpi slt, %shift_right_logical3A_164, %lt3A_175 : vector<16xi32>
      %lt3A_177 = arith.constant 10000 : i32
      %lt3A_178 = vector.broadcast %lt3A_177 : i32 to vector<16xi32>
      %lt3A_179 = arith.cmpi slt, %shift_right_logical3A_164, %lt3A_178 : vector<16xi32>
      %and3A_180 = arith.andi %ge3A_170, %lt3A_179 : vector<16xi1>
      %not3A_181 = arith.constant dense<true> : vector<16xi1>
      %not3A_182 = arith.xori %ge3A_173, %not3A_181 : vector<16xi1>
      %and3A_183 = arith.andi %lt3A_176, %not3A_182 : vector<16xi1>
      %and3A_184 = arith.andi %lt3A_176, %ge3A_173 : vector<16xi1>
      %not3A_185 = arith.constant dense<true> : vector<16xi1>
      %not3A_186 = arith.xori %ge3A_173, %not3A_185 : vector<16xi1>
      %and3A_187 = arith.andi %and3A_180, %not3A_186 : vector<16xi1>
      %and3A_188 = arith.andi %and3A_180, %ge3A_173 : vector<16xi1>
      %swap3A_189 = arith.index_cast %add3A_140 : i32 to index
      %swap3A_190 = tpu.vector_load %arg10[%swap3A_189] masked %and3A_183 {strides = array<i32>} : memref<10112xi32, #tpu.memory_space<vmem>>, vector<16xi32>, vector<16xi1>
      tpu.vector_store %arg10[%swap3A_189], %get3A_161 masked %and3A_183 {strides = array<i32>} : memref<10112xi32, #tpu.memory_space<vmem>>, vector<16xi32>, vector<16xi1>
      %swap3A_191 = arith.index_cast %add3A_146 : i32 to index
      %swap3A_192 = tpu.vector_load %arg11[%swap3A_191] masked %and3A_184 {strides = array<i32>} : memref<10112xi32, #tpu.memory_space<vmem>>, vector<16xi32>, vector<16xi1>
      tpu.vector_store %arg11[%swap3A_191], %get3A_161 masked %and3A_184 {strides = array<i32>} : memref<10112xi32, #tpu.memory_space<vmem>>, vector<16xi32>, vector<16xi1>
      %swap3A_193 = arith.index_cast %add3A_152 : i32 to index
      %swap3A_194 = tpu.vector_load %arg12[%swap3A_193] masked %and3A_187 {strides = array<i32>} : memref<10112xi32, #tpu.memory_space<vmem>>, vector<16xi32>, vector<16xi1>
      tpu.vector_store %arg12[%swap3A_193], %get3A_161 masked %and3A_187 {strides = array<i32>} : memref<10112xi32, #tpu.memory_space<vmem>>, vector<16xi32>, vector<16xi1>
      %swap3A_195 = arith.index_cast %add3A_158 : i32 to index
      %swap3A_196 = tpu.vector_load %arg13[%swap3A_195] masked %and3A_188 {strides = array<i32>} : memref<10112xi32, #tpu.memory_space<vmem>>, vector<16xi32>, vector<16xi1>
      tpu.vector_store %arg13[%swap3A_195], %get3A_161 masked %and3A_188 {strides = array<i32>} : memref<10112xi32, #tpu.memory_space<vmem>>, vector<16xi32>, vector<16xi1>
      %convert_element_type3A_197 = arith.extui %and3A_183 : vector<16xi1> to vector<16xi32>
      %reduce_sum3A_198 = arith.constant true
      %reduce_sum3A_199 = vector.broadcast %reduce_sum3A_198 : i1 to vector<16xi1>
      %reduce_sum3A_200 = tpu.scan <sum>, %convert_element_type3A_197 masked %reduce_sum3A_199 : vector<16xi32>, vector<16xi1> -> vector<16xi32>
      %reduce_sum3A_201 = vector.extract %reduce_sum3A_200[15] : i32 from vector<16xi32>
      %add3A_202 = arith.addi %add3A_140, %reduce_sum3A_201 : i32
      %convert_element_type3A_203 = arith.extui %and3A_184 : vector<16xi1> to vector<16xi32>
      %reduce_sum3A_204 = arith.constant true
      %reduce_sum3A_205 = vector.broadcast %reduce_sum3A_204 : i1 to vector<16xi1>
      %reduce_sum3A_206 = tpu.scan <sum>, %convert_element_type3A_203 masked %reduce_sum3A_205 : vector<16xi32>, vector<16xi1> -> vector<16xi32>
      %reduce_sum3A_207 = vector.extract %reduce_sum3A_206[15] : i32 from vector<16xi32>
      %add3A_208 = arith.addi %add3A_146, %reduce_sum3A_207 : i32
      %convert_element_type3A_209 = arith.extui %and3A_187 : vector<16xi1> to vector<16xi32>
      %reduce_sum3A_210 = arith.constant true
      %reduce_sum3A_211 = vector.broadcast %reduce_sum3A_210 : i1 to vector<16xi1>
      %reduce_sum3A_212 = tpu.scan <sum>, %convert_element_type3A_209 masked %reduce_sum3A_211 : vector<16xi32>, vector<16xi1> -> vector<16xi32>
      %reduce_sum3A_213 = vector.extract %reduce_sum3A_212[15] : i32 from vector<16xi32>
      %add3A_214 = arith.addi %add3A_152, %reduce_sum3A_213 : i32
      %convert_element_type3A_215 = arith.extui %and3A_188 : vector<16xi1> to vector<16xi32>
      %reduce_sum3A_216 = arith.constant true
      %reduce_sum3A_217 = vector.broadcast %reduce_sum3A_216 : i1 to vector<16xi1>
      %reduce_sum3A_218 = tpu.scan <sum>, %convert_element_type3A_215 masked %reduce_sum3A_217 : vector<16xi32>, vector<16xi1> -> vector<16xi32>
      %reduce_sum3A_219 = vector.extract %reduce_sum3A_218[15] : i32 from vector<16xi32>
      %add3A_220 = arith.addi %add3A_158, %reduce_sum3A_219 : i32
      %get3A_221 = arith.index_cast %scan3A_38 : i32 to index
      %get3A_222 = arith.constant 48 : index
      %get3A_223 = tpu.vector_load %arg8[%get3A_221, %get3A_222] {strides = array<i32>} : memref<79x128xi32, #tpu.memory_space<vmem>>, vector<16xi32>,
      %shift_right_logical3A_224 = arith.constant 14 : i32
      %shift_right_logical3A_225 = vector.broadcast %shift_right_logical3A_224 : i32 to vector<16xi32>
      %shift_right_logical3A_226 = arith.shrui %get3A_223, %shift_right_logical3A_225 : vector<16xi32>
      %and3A_227 = arith.constant 16383 : i32
      %and3A_228 = vector.broadcast %and3A_227 : i32 to vector<16xi32>
      %and3A_229 = arith.andi %get3A_223, %and3A_228 : vector<16xi32>
      tpu.vector_store_idx %arg9[%shift_right_logical3A_226], %broadcast_in_dim3A_4 {add = true} : memref<10112xf32, #tpu.memory_space<vmem>>[vector<16xi32>], vector<16xf32>,
      %ge3A_230 = arith.constant 5120 : i32
      %ge3A_231 = vector.broadcast %ge3A_230 : i32 to vector<16xi32>
      %ge3A_232 = arith.cmpi sge, %shift_right_logical3A_226, %ge3A_231 : vector<16xi32>
      %ge3A_233 = arith.constant 5120 : i32
      %ge3A_234 = vector.broadcast %ge3A_233 : i32 to vector<16xi32>
      %ge3A_235 = arith.cmpi sge, %and3A_229, %ge3A_234 : vector<16xi32>
      %lt3A_236 = arith.constant 5120 : i32
      %lt3A_237 = vector.broadcast %lt3A_236 : i32 to vector<16xi32>
      %lt3A_238 = arith.cmpi slt, %shift_right_logical3A_226, %lt3A_237 : vector<16xi32>
      %lt3A_239 = arith.constant 10000 : i32
      %lt3A_240 = vector.broadcast %lt3A_239 : i32 to vector<16xi32>
      %lt3A_241 = arith.cmpi slt, %shift_right_logical3A_226, %lt3A_240 : vector<16xi32>
      %and3A_242 = arith.andi %ge3A_232, %lt3A_241 : vector<16xi1>
      %not3A_243 = arith.constant dense<true> : vector<16xi1>
      %not3A_244 = arith.xori %ge3A_235, %not3A_243 : vector<16xi1>
      %and3A_245 = arith.andi %lt3A_238, %not3A_244 : vector<16xi1>
      %and3A_246 = arith.andi %lt3A_238, %ge3A_235 : vector<16xi1>
      %not3A_247 = arith.constant dense<true> : vector<16xi1>
      %not3A_248 = arith.xori %ge3A_235, %not3A_247 : vector<16xi1>
      %and3A_249 = arith.andi %and3A_242, %not3A_248 : vector<16xi1>
      %and3A_250 = arith.andi %and3A_242, %ge3A_235 : vector<16xi1>
      %swap3A_251 = arith.index_cast %add3A_202 : i32 to index
      %swap3A_252 = tpu.vector_load %arg10[%swap3A_251] masked %and3A_245 {strides = array<i32>} : memref<10112xi32, #tpu.memory_space<vmem>>, vector<16xi32>, vector<16xi1>
      tpu.vector_store %arg10[%swap3A_251], %get3A_223 masked %and3A_245 {strides = array<i32>} : memref<10112xi32, #tpu.memory_space<vmem>>, vector<16xi32>, vector<16xi1>
      %swap3A_253 = arith.index_cast %add3A_208 : i32 to index
      %swap3A_254 = tpu.vector_load %arg11[%swap3A_253] masked %and3A_246 {strides = array<i32>} : memref<10112xi32, #tpu.memory_space<vmem>>, vector<16xi32>, vector<16xi1>
      tpu.vector_store %arg11[%swap3A_253], %get3A_223 masked %and3A_246 {strides = array<i32>} : memref<10112xi32, #tpu.memory_space<vmem>>, vector<16xi32>, vector<16xi1>
      %swap3A_255 = arith.index_cast %add3A_214 : i32 to index
      %swap3A_256 = tpu.vector_load %arg12[%swap3A_255] masked %and3A_249 {strides = array<i32>} : memref<10112xi32, #tpu.memory_space<vmem>>, vector<16xi32>, vector<16xi1>
      tpu.vector_store %arg12[%swap3A_255], %get3A_223 masked %and3A_249 {strides = array<i32>} : memref<10112xi32, #tpu.memory_space<vmem>>, vector<16xi32>, vector<16xi1>
      %swap3A_257 = arith.index_cast %add3A_220 : i32 to index
      %swap3A_258 = tpu.vector_load %arg13[%swap3A_257] masked %and3A_250 {strides = array<i32>} : memref<10112xi32, #tpu.memory_space<vmem>>, vector<16xi32>, vector<16xi1>
      tpu.vector_store %arg13[%swap3A_257], %get3A_223 masked %and3A_250 {strides = array<i32>} : memref<10112xi32, #tpu.memory_space<vmem>>, vector<16xi32>, vector<16xi1>
      %convert_element_type3A_259 = arith.extui %and3A_245 : vector<16xi1> to vector<16xi32>
      %reduce_sum3A_260 = arith.constant true
      %reduce_sum3A_261 = vector.broadcast %reduce_sum3A_260 : i1 to vector<16xi1>
      %reduce_sum3A_262 = tpu.scan <sum>, %convert_element_type3A_259 masked %reduce_sum3A_261 : vector<16xi32>, vector<16xi1> -> vector<16xi32>
      %reduce_sum3A_263 = vector.extract %reduce_sum3A_262[15] : i32 from vector<16xi32>
      %add3A_264 = arith.addi %add3A_202, %reduce_sum3A_263 : i32
      %convert_element_type3A_265 = arith.extui %and3A_246 : vector<16xi1> to vector<16xi32>
      %reduce_sum3A_266 = arith.constant true
      %reduce_sum3A_267 = vector.broadcast %reduce_sum3A_266 : i1 to vector<16xi1>
      %reduce_sum3A_268 = tpu.scan <sum>, %convert_element_type3A_265 masked %reduce_sum3A_267 : vector<16xi32>, vector<16xi1> -> vector<16xi32>
      %reduce_sum3A_269 = vector.extract %reduce_sum3A_268[15] : i32 from vector<16xi32>
      %add3A_270 = arith.addi %add3A_208, %reduce_sum3A_269 : i32
      %convert_element_type3A_271 = arith.extui %and3A_249 : vector<16xi1> to vector<16xi32>
      %reduce_sum3A_272 = arith.constant true
      %reduce_sum3A_273 = vector.broadcast %reduce_sum3A_272 : i1 to vector<16xi1>
      %reduce_sum3A_274 = tpu.scan <sum>, %convert_element_type3A_271 masked %reduce_sum3A_273 : vector<16xi32>, vector<16xi1> -> vector<16xi32>
      %reduce_sum3A_275 = vector.extract %reduce_sum3A_274[15] : i32 from vector<16xi32>
      %add3A_276 = arith.addi %add3A_214, %reduce_sum3A_275 : i32
      %convert_element_type3A_277 = arith.extui %and3A_250 : vector<16xi1> to vector<16xi32>
      %reduce_sum3A_278 = arith.constant true
      %reduce_sum3A_279 = vector.broadcast %reduce_sum3A_278 : i1 to vector<16xi1>
      %reduce_sum3A_280 = tpu.scan <sum>, %convert_element_type3A_277 masked %reduce_sum3A_279 : vector<16xi32>, vector<16xi1> -> vector<16xi32>
      %reduce_sum3A_281 = vector.extract %reduce_sum3A_280[15] : i32 from vector<16xi32>
      %add3A_282 = arith.addi %add3A_220, %reduce_sum3A_281 : i32
      %get3A_283 = arith.index_cast %scan3A_38 : i32 to index
      %get3A_284 = arith.constant 64 : index
      %get3A_285 = tpu.vector_load %arg8[%get3A_283, %get3A_284] {strides = array<i32>} : memref<79x128xi32, #tpu.memory_space<vmem>>, vector<16xi32>,
      %shift_right_logical3A_286 = arith.constant 14 : i32
      %shift_right_logical3A_287 = vector.broadcast %shift_right_logical3A_286 : i32 to vector<16xi32>
      %shift_right_logical3A_288 = arith.shrui %get3A_285, %shift_right_logical3A_287 : vector<16xi32>
      %and3A_289 = arith.constant 16383 : i32
      %and3A_290 = vector.broadcast %and3A_289 : i32 to vector<16xi32>
      %and3A_291 = arith.andi %get3A_285, %and3A_290 : vector<16xi32>
      tpu.vector_store_idx %arg9[%shift_right_logical3A_288], %broadcast_in_dim3A_4 {add = true} : memref<10112xf32, #tpu.memory_space<vmem>>[vector<16xi32>], vector<16xf32>,
      %ge3A_292 = arith.constant 5120 : i32
      %ge3A_293 = vector.broadcast %ge3A_292 : i32 to vector<16xi32>
      %ge3A_294 = arith.cmpi sge, %shift_right_logical3A_288, %ge3A_293 : vector<16xi32>
      %ge3A_295 = arith.constant 5120 : i32
      %ge3A_296 = vector.broadcast %ge3A_295 : i32 to vector<16xi32>
      %ge3A_297 = arith.cmpi sge, %and3A_291, %ge3A_296 : vector<16xi32>
      %lt3A_298 = arith.constant 5120 : i32
      %lt3A_299 = vector.broadcast %lt3A_298 : i32 to vector<16xi32>
      %lt3A_300 = arith.cmpi slt, %shift_right_logical3A_288, %lt3A_299 : vector<16xi32>
      %lt3A_301 = arith.constant 10000 : i32
      %lt3A_302 = vector.broadcast %lt3A_301 : i32 to vector<16xi32>
      %lt3A_303 = arith.cmpi slt, %shift_right_logical3A_288, %lt3A_302 : vector<16xi32>
      %and3A_304 = arith.andi %ge3A_294, %lt3A_303 : vector<16xi1>
      %not3A_305 = arith.constant dense<true> : vector<16xi1>
      %not3A_306 = arith.xori %ge3A_297, %not3A_305 : vector<16xi1>
      %and3A_307 = arith.andi %lt3A_300, %not3A_306 : vector<16xi1>
      %and3A_308 = arith.andi %lt3A_300, %ge3A_297 : vector<16xi1>
      %not3A_309 = arith.constant dense<true> : vector<16xi1>
      %not3A_310 = arith.xori %ge3A_297, %not3A_309 : vector<16xi1>
      %and3A_311 = arith.andi %and3A_304, %not3A_310 : vector<16xi1>
      %and3A_312 = arith.andi %and3A_304, %ge3A_297 : vector<16xi1>
      %swap3A_313 = arith.index_cast %add3A_264 : i32 to index
      %swap3A_314 = tpu.vector_load %arg10[%swap3A_313] masked %and3A_307 {strides = array<i32>} : memref<10112xi32, #tpu.memory_space<vmem>>, vector<16xi32>, vector<16xi1>
      tpu.vector_store %arg10[%swap3A_313], %get3A_285 masked %and3A_307 {strides = array<i32>} : memref<10112xi32, #tpu.memory_space<vmem>>, vector<16xi32>, vector<16xi1>
      %swap3A_315 = arith.index_cast %add3A_270 : i32 to index
      %swap3A_316 = tpu.vector_load %arg11[%swap3A_315] masked %and3A_308 {strides = array<i32>} : memref<10112xi32, #tpu.memory_space<vmem>>, vector<16xi32>, vector<16xi1>
      tpu.vector_store %arg11[%swap3A_315], %get3A_285 masked %and3A_308 {strides = array<i32>} : memref<10112xi32, #tpu.memory_space<vmem>>, vector<16xi32>, vector<16xi1>
      %swap3A_317 = arith.index_cast %add3A_276 : i32 to index
      %swap3A_318 = tpu.vector_load %arg12[%swap3A_317] masked %and3A_311 {strides = array<i32>} : memref<10112xi32, #tpu.memory_space<vmem>>, vector<16xi32>, vector<16xi1>
      tpu.vector_store %arg12[%swap3A_317], %get3A_285 masked %and3A_311 {strides = array<i32>} : memref<10112xi32, #tpu.memory_space<vmem>>, vector<16xi32>, vector<16xi1>
      %swap3A_319 = arith.index_cast %add3A_282 : i32 to index
      %swap3A_320 = tpu.vector_load %arg13[%swap3A_319] masked %and3A_312 {strides = array<i32>} : memref<10112xi32, #tpu.memory_space<vmem>>, vector<16xi32>, vector<16xi1>
      tpu.vector_store %arg13[%swap3A_319], %get3A_285 masked %and3A_312 {strides = array<i32>} : memref<10112xi32, #tpu.memory_space<vmem>>, vector<16xi32>, vector<16xi1>
      %convert_element_type3A_321 = arith.extui %and3A_307 : vector<16xi1> to vector<16xi32>
      %reduce_sum3A_322 = arith.constant true
      %reduce_sum3A_323 = vector.broadcast %reduce_sum3A_322 : i1 to vector<16xi1>
      %reduce_sum3A_324 = tpu.scan <sum>, %convert_element_type3A_321 masked %reduce_sum3A_323 : vector<16xi32>, vector<16xi1> -> vector<16xi32>
      %reduce_sum3A_325 = vector.extract %reduce_sum3A_324[15] : i32 from vector<16xi32>
      %add3A_326 = arith.addi %add3A_264, %reduce_sum3A_325 : i32
      %convert_element_type3A_327 = arith.extui %and3A_308 : vector<16xi1> to vector<16xi32>
      %reduce_sum3A_328 = arith.constant true
      %reduce_sum3A_329 = vector.broadcast %reduce_sum3A_328 : i1 to vector<16xi1>
      %reduce_sum3A_330 = tpu.scan <sum>, %convert_element_type3A_327 masked %reduce_sum3A_329 : vector<16xi32>, vector<16xi1> -> vector<16xi32>
      %reduce_sum3A_331 = vector.extract %reduce_sum3A_330[15] : i32 from vector<16xi32>
      %add3A_332 = arith.addi %add3A_270, %reduce_sum3A_331 : i32
      %convert_element_type3A_333 = arith.extui %and3A_311 : vector<16xi1> to vector<16xi32>
      %reduce_sum3A_334 = arith.constant true
      %reduce_sum3A_335 = vector.broadcast %reduce_sum3A_334 : i1 to vector<16xi1>
      %reduce_sum3A_336 = tpu.scan <sum>, %convert_element_type3A_333 masked %reduce_sum3A_335 : vector<16xi32>, vector<16xi1> -> vector<16xi32>
      %reduce_sum3A_337 = vector.extract %reduce_sum3A_336[15] : i32 from vector<16xi32>
      %add3A_338 = arith.addi %add3A_276, %reduce_sum3A_337 : i32
      %convert_element_type3A_339 = arith.extui %and3A_312 : vector<16xi1> to vector<16xi32>
      %reduce_sum3A_340 = arith.constant true
      %reduce_sum3A_341 = vector.broadcast %reduce_sum3A_340 : i1 to vector<16xi1>
      %reduce_sum3A_342 = tpu.scan <sum>, %convert_element_type3A_339 masked %reduce_sum3A_341 : vector<16xi32>, vector<16xi1> -> vector<16xi32>
      %reduce_sum3A_343 = vector.extract %reduce_sum3A_342[15] : i32 from vector<16xi32>
      %add3A_344 = arith.addi %add3A_282, %reduce_sum3A_343 : i32
      %get3A_345 = arith.index_cast %scan3A_38 : i32 to index
      %get3A_346 = arith.constant 80 : index
      %get3A_347 = tpu.vector_load %arg8[%get3A_345, %get3A_346] {strides = array<i32>} : memref<79x128xi32, #tpu.memory_space<vmem>>, vector<16xi32>,
      %shift_right_logical3A_348 = arith.constant 14 : i32
      %shift_right_logical3A_349 = vector.broadcast %shift_right_logical3A_348 : i32 to vector<16xi32>
      %shift_right_logical3A_350 = arith.shrui %get3A_347, %shift_right_logical3A_349 : vector<16xi32>
      %and3A_351 = arith.constant 16383 : i32
      %and3A_352 = vector.broadcast %and3A_351 : i32 to vector<16xi32>
      %and3A_353 = arith.andi %get3A_347, %and3A_352 : vector<16xi32>
      tpu.vector_store_idx %arg9[%shift_right_logical3A_350], %broadcast_in_dim3A_4 {add = true} : memref<10112xf32, #tpu.memory_space<vmem>>[vector<16xi32>], vector<16xf32>,
      %ge3A_354 = arith.constant 5120 : i32
      %ge3A_355 = vector.broadcast %ge3A_354 : i32 to vector<16xi32>
      %ge3A_356 = arith.cmpi sge, %shift_right_logical3A_350, %ge3A_355 : vector<16xi32>
      %ge3A_357 = arith.constant 5120 : i32
      %ge3A_358 = vector.broadcast %ge3A_357 : i32 to vector<16xi32>
      %ge3A_359 = arith.cmpi sge, %and3A_353, %ge3A_358 : vector<16xi32>
      %lt3A_360 = arith.constant 5120 : i32
      %lt3A_361 = vector.broadcast %lt3A_360 : i32 to vector<16xi32>
      %lt3A_362 = arith.cmpi slt, %shift_right_logical3A_350, %lt3A_361 : vector<16xi32>
      %lt3A_363 = arith.constant 10000 : i32
      %lt3A_364 = vector.broadcast %lt3A_363 : i32 to vector<16xi32>
      %lt3A_365 = arith.cmpi slt, %shift_right_logical3A_350, %lt3A_364 : vector<16xi32>
      %and3A_366 = arith.andi %ge3A_356, %lt3A_365 : vector<16xi1>
      %not3A_367 = arith.constant dense<true> : vector<16xi1>
      %not3A_368 = arith.xori %ge3A_359, %not3A_367 : vector<16xi1>
      %and3A_369 = arith.andi %lt3A_362, %not3A_368 : vector<16xi1>
      %and3A_370 = arith.andi %lt3A_362, %ge3A_359 : vector<16xi1>
      %not3A_371 = arith.constant dense<true> : vector<16xi1>
      %not3A_372 = arith.xori %ge3A_359, %not3A_371 : vector<16xi1>
      %and3A_373 = arith.andi %and3A_366, %not3A_372 : vector<16xi1>
      %and3A_374 = arith.andi %and3A_366, %ge3A_359 : vector<16xi1>
      %swap3A_375 = arith.index_cast %add3A_326 : i32 to index
      %swap3A_376 = tpu.vector_load %arg10[%swap3A_375] masked %and3A_369 {strides = array<i32>} : memref<10112xi32, #tpu.memory_space<vmem>>, vector<16xi32>, vector<16xi1>
      tpu.vector_store %arg10[%swap3A_375], %get3A_347 masked %and3A_369 {strides = array<i32>} : memref<10112xi32, #tpu.memory_space<vmem>>, vector<16xi32>, vector<16xi1>
      %swap3A_377 = arith.index_cast %add3A_332 : i32 to index
      %swap3A_378 = tpu.vector_load %arg11[%swap3A_377] masked %and3A_370 {strides = array<i32>} : memref<10112xi32, #tpu.memory_space<vmem>>, vector<16xi32>, vector<16xi1>
      tpu.vector_store %arg11[%swap3A_377], %get3A_347 masked %and3A_370 {strides = array<i32>} : memref<10112xi32, #tpu.memory_space<vmem>>, vector<16xi32>, vector<16xi1>
      %swap3A_379 = arith.index_cast %add3A_338 : i32 to index
      %swap3A_380 = tpu.vector_load %arg12[%swap3A_379] masked %and3A_373 {strides = array<i32>} : memref<10112xi32, #tpu.memory_space<vmem>>, vector<16xi32>, vector<16xi1>
      tpu.vector_store %arg12[%swap3A_379], %get3A_347 masked %and3A_373 {strides = array<i32>} : memref<10112xi32, #tpu.memory_space<vmem>>, vector<16xi32>, vector<16xi1>
      %swap3A_381 = arith.index_cast %add3A_344 : i32 to index
      %swap3A_382 = tpu.vector_load %arg13[%swap3A_381] masked %and3A_374 {strides = array<i32>} : memref<10112xi32, #tpu.memory_space<vmem>>, vector<16xi32>, vector<16xi1>
      tpu.vector_store %arg13[%swap3A_381], %get3A_347 masked %and3A_374 {strides = array<i32>} : memref<10112xi32, #tpu.memory_space<vmem>>, vector<16xi32>, vector<16xi1>
      %convert_element_type3A_383 = arith.extui %and3A_369 : vector<16xi1> to vector<16xi32>
      %reduce_sum3A_384 = arith.constant true
      %reduce_sum3A_385 = vector.broadcast %reduce_sum3A_384 : i1 to vector<16xi1>
      %reduce_sum3A_386 = tpu.scan <sum>, %convert_element_type3A_383 masked %reduce_sum3A_385 : vector<16xi32>, vector<16xi1> -> vector<16xi32>
      %reduce_sum3A_387 = vector.extract %reduce_sum3A_386[15] : i32 from vector<16xi32>
      %add3A_388 = arith.addi %add3A_326, %reduce_sum3A_387 : i32
      %convert_element_type3A_389 = arith.extui %and3A_370 : vector<16xi1> to vector<16xi32>
      %reduce_sum3A_390 = arith.constant true
      %reduce_sum3A_391 = vector.broadcast %reduce_sum3A_390 : i1 to vector<16xi1>
      %reduce_sum3A_392 = tpu.scan <sum>, %convert_element_type3A_389 masked %reduce_sum3A_391 : vector<16xi32>, vector<16xi1> -> vector<16xi32>
      %reduce_sum3A_393 = vector.extract %reduce_sum3A_392[15] : i32 from vector<16xi32>
      %add3A_394 = arith.addi %add3A_332, %reduce_sum3A_393 : i32
      %convert_element_type3A_395 = arith.extui %and3A_373 : vector<16xi1> to vector<16xi32>
      %reduce_sum3A_396 = arith.constant true
      %reduce_sum3A_397 = vector.broadcast %reduce_sum3A_396 : i1 to vector<16xi1>
      %reduce_sum3A_398 = tpu.scan <sum>, %convert_element_type3A_395 masked %reduce_sum3A_397 : vector<16xi32>, vector<16xi1> -> vector<16xi32>
      %reduce_sum3A_399 = vector.extract %reduce_sum3A_398[15] : i32 from vector<16xi32>
      %add3A_400 = arith.addi %add3A_338, %reduce_sum3A_399 : i32
      %convert_element_type3A_401 = arith.extui %and3A_374 : vector<16xi1> to vector<16xi32>
      %reduce_sum3A_402 = arith.constant true
      %reduce_sum3A_403 = vector.broadcast %reduce_sum3A_402 : i1 to vector<16xi1>
      %reduce_sum3A_404 = tpu.scan <sum>, %convert_element_type3A_401 masked %reduce_sum3A_403 : vector<16xi32>, vector<16xi1> -> vector<16xi32>
      %reduce_sum3A_405 = vector.extract %reduce_sum3A_404[15] : i32 from vector<16xi32>
      %add3A_406 = arith.addi %add3A_344, %reduce_sum3A_405 : i32
      %get3A_407 = arith.index_cast %scan3A_38 : i32 to index
      %get3A_408 = arith.constant 96 : index
      %get3A_409 = tpu.vector_load %arg8[%get3A_407, %get3A_408] {strides = array<i32>} : memref<79x128xi32, #tpu.memory_space<vmem>>, vector<16xi32>,
      %shift_right_logical3A_410 = arith.constant 14 : i32
      %shift_right_logical3A_411 = vector.broadcast %shift_right_logical3A_410 : i32 to vector<16xi32>
      %shift_right_logical3A_412 = arith.shrui %get3A_409, %shift_right_logical3A_411 : vector<16xi32>
      %and3A_413 = arith.constant 16383 : i32
      %and3A_414 = vector.broadcast %and3A_413 : i32 to vector<16xi32>
      %and3A_415 = arith.andi %get3A_409, %and3A_414 : vector<16xi32>
      tpu.vector_store_idx %arg9[%shift_right_logical3A_412], %broadcast_in_dim3A_4 {add = true} : memref<10112xf32, #tpu.memory_space<vmem>>[vector<16xi32>], vector<16xf32>,
      %ge3A_416 = arith.constant 5120 : i32
      %ge3A_417 = vector.broadcast %ge3A_416 : i32 to vector<16xi32>
      %ge3A_418 = arith.cmpi sge, %shift_right_logical3A_412, %ge3A_417 : vector<16xi32>
      %ge3A_419 = arith.constant 5120 : i32
      %ge3A_420 = vector.broadcast %ge3A_419 : i32 to vector<16xi32>
      %ge3A_421 = arith.cmpi sge, %and3A_415, %ge3A_420 : vector<16xi32>
      %lt3A_422 = arith.constant 5120 : i32
      %lt3A_423 = vector.broadcast %lt3A_422 : i32 to vector<16xi32>
      %lt3A_424 = arith.cmpi slt, %shift_right_logical3A_412, %lt3A_423 : vector<16xi32>
      %lt3A_425 = arith.constant 10000 : i32
      %lt3A_426 = vector.broadcast %lt3A_425 : i32 to vector<16xi32>
      %lt3A_427 = arith.cmpi slt, %shift_right_logical3A_412, %lt3A_426 : vector<16xi32>
      %and3A_428 = arith.andi %ge3A_418, %lt3A_427 : vector<16xi1>
      %not3A_429 = arith.constant dense<true> : vector<16xi1>
      %not3A_430 = arith.xori %ge3A_421, %not3A_429 : vector<16xi1>
      %and3A_431 = arith.andi %lt3A_424, %not3A_430 : vector<16xi1>
      %and3A_432 = arith.andi %lt3A_424, %ge3A_421 : vector<16xi1>
      %not3A_433 = arith.constant dense<true> : vector<16xi1>
      %not3A_434 = arith.xori %ge3A_421, %not3A_433 : vector<16xi1>
      %and3A_435 = arith.andi %and3A_428, %not3A_434 : vector<16xi1>
      %and3A_436 = arith.andi %and3A_428, %ge3A_421 : vector<16xi1>
      %swap3A_437 = arith.index_cast %add3A_388 : i32 to index
      %swap3A_438 = tpu.vector_load %arg10[%swap3A_437] masked %and3A_431 {strides = array<i32>} : memref<10112xi32, #tpu.memory_space<vmem>>, vector<16xi32>, vector<16xi1>
      tpu.vector_store %arg10[%swap3A_437], %get3A_409 masked %and3A_431 {strides = array<i32>} : memref<10112xi32, #tpu.memory_space<vmem>>, vector<16xi32>, vector<16xi1>
      %swap3A_439 = arith.index_cast %add3A_394 : i32 to index
      %swap3A_440 = tpu.vector_load %arg11[%swap3A_439] masked %and3A_432 {strides = array<i32>} : memref<10112xi32, #tpu.memory_space<vmem>>, vector<16xi32>, vector<16xi1>
      tpu.vector_store %arg11[%swap3A_439], %get3A_409 masked %and3A_432 {strides = array<i32>} : memref<10112xi32, #tpu.memory_space<vmem>>, vector<16xi32>, vector<16xi1>
      %swap3A_441 = arith.index_cast %add3A_400 : i32 to index
      %swap3A_442 = tpu.vector_load %arg12[%swap3A_441] masked %and3A_435 {strides = array<i32>} : memref<10112xi32, #tpu.memory_space<vmem>>, vector<16xi32>, vector<16xi1>
      tpu.vector_store %arg12[%swap3A_441], %get3A_409 masked %and3A_435 {strides = array<i32>} : memref<10112xi32, #tpu.memory_space<vmem>>, vector<16xi32>, vector<16xi1>
      %swap3A_443 = arith.index_cast %add3A_406 : i32 to index
      %swap3A_444 = tpu.vector_load %arg13[%swap3A_443] masked %and3A_436 {strides = array<i32>} : memref<10112xi32, #tpu.memory_space<vmem>>, vector<16xi32>, vector<16xi1>
      tpu.vector_store %arg13[%swap3A_443], %get3A_409 masked %and3A_436 {strides = array<i32>} : memref<10112xi32, #tpu.memory_space<vmem>>, vector<16xi32>, vector<16xi1>
      %convert_element_type3A_445 = arith.extui %and3A_431 : vector<16xi1> to vector<16xi32>
      %reduce_sum3A_446 = arith.constant true
      %reduce_sum3A_447 = vector.broadcast %reduce_sum3A_446 : i1 to vector<16xi1>
      %reduce_sum3A_448 = tpu.scan <sum>, %convert_element_type3A_445 masked %reduce_sum3A_447 : vector<16xi32>, vector<16xi1> -> vector<16xi32>
      %reduce_sum3A_449 = vector.extract %reduce_sum3A_448[15] : i32 from vector<16xi32>
      %add3A_450 = arith.addi %add3A_388, %reduce_sum3A_449 : i32
      %convert_element_type3A_451 = arith.extui %and3A_432 : vector<16xi1> to vector<16xi32>
      %reduce_sum3A_452 = arith.constant true
      %reduce_sum3A_453 = vector.broadcast %reduce_sum3A_452 : i1 to vector<16xi1>
      %reduce_sum3A_454 = tpu.scan <sum>, %convert_element_type3A_451 masked %reduce_sum3A_453 : vector<16xi32>, vector<16xi1> -> vector<16xi32>
      %reduce_sum3A_455 = vector.extract %reduce_sum3A_454[15] : i32 from vector<16xi32>
      %add3A_456 = arith.addi %add3A_394, %reduce_sum3A_455 : i32
      %convert_element_type3A_457 = arith.extui %and3A_435 : vector<16xi1> to vector<16xi32>
      %reduce_sum3A_458 = arith.constant true
      %reduce_sum3A_459 = vector.broadcast %reduce_sum3A_458 : i1 to vector<16xi1>
      %reduce_sum3A_460 = tpu.scan <sum>, %convert_element_type3A_457 masked %reduce_sum3A_459 : vector<16xi32>, vector<16xi1> -> vector<16xi32>
      %reduce_sum3A_461 = vector.extract %reduce_sum3A_460[15] : i32 from vector<16xi32>
      %add3A_462 = arith.addi %add3A_400, %reduce_sum3A_461 : i32
      %convert_element_type3A_463 = arith.extui %and3A_436 : vector<16xi1> to vector<16xi32>
      %reduce_sum3A_464 = arith.constant true
      %reduce_sum3A_465 = vector.broadcast %reduce_sum3A_464 : i1 to vector<16xi1>
      %reduce_sum3A_466 = tpu.scan <sum>, %convert_element_type3A_463 masked %reduce_sum3A_465 : vector<16xi32>, vector<16xi1> -> vector<16xi32>
      %reduce_sum3A_467 = vector.extract %reduce_sum3A_466[15] : i32 from vector<16xi32>
      %add3A_468 = arith.addi %add3A_406, %reduce_sum3A_467 : i32
      %get3A_469 = arith.index_cast %scan3A_38 : i32 to index
      %get3A_470 = arith.constant 112 : index
      %get3A_471 = tpu.vector_load %arg8[%get3A_469, %get3A_470] {strides = array<i32>} : memref<79x128xi32, #tpu.memory_space<vmem>>, vector<16xi32>,
      %shift_right_logical3A_472 = arith.constant 14 : i32
      %shift_right_logical3A_473 = vector.broadcast %shift_right_logical3A_472 : i32 to vector<16xi32>
      %shift_right_logical3A_474 = arith.shrui %get3A_471, %shift_right_logical3A_473 : vector<16xi32>
      %and3A_475 = arith.constant 16383 : i32
      %and3A_476 = vector.broadcast %and3A_475 : i32 to vector<16xi32>
      %and3A_477 = arith.andi %get3A_471, %and3A_476 : vector<16xi32>
      tpu.vector_store_idx %arg9[%shift_right_logical3A_474], %broadcast_in_dim3A_4 {add = true} : memref<10112xf32, #tpu.memory_space<vmem>>[vector<16xi32>], vector<16xf32>,
      %ge3A_478 = arith.constant 5120 : i32
      %ge3A_479 = vector.broadcast %ge3A_478 : i32 to vector<16xi32>
      %ge3A_480 = arith.cmpi sge, %shift_right_logical3A_474, %ge3A_479 : vector<16xi32>
      %ge3A_481 = arith.constant 5120 : i32
      %ge3A_482 = vector.broadcast %ge3A_481 : i32 to vector<16xi32>
      %ge3A_483 = arith.cmpi sge, %and3A_477, %ge3A_482 : vector<16xi32>
      %lt3A_484 = arith.constant 5120 : i32
      %lt3A_485 = vector.broadcast %lt3A_484 : i32 to vector<16xi32>
      %lt3A_486 = arith.cmpi slt, %shift_right_logical3A_474, %lt3A_485 : vector<16xi32>
      %lt3A_487 = arith.constant 10000 : i32
      %lt3A_488 = vector.broadcast %lt3A_487 : i32 to vector<16xi32>
      %lt3A_489 = arith.cmpi slt, %shift_right_logical3A_474, %lt3A_488 : vector<16xi32>
      %and3A_490 = arith.andi %ge3A_480, %lt3A_489 : vector<16xi1>
      %not3A_491 = arith.constant dense<true> : vector<16xi1>
      %not3A_492 = arith.xori %ge3A_483, %not3A_491 : vector<16xi1>
      %and3A_493 = arith.andi %lt3A_486, %not3A_492 : vector<16xi1>
      %and3A_494 = arith.andi %lt3A_486, %ge3A_483 : vector<16xi1>
      %not3A_495 = arith.constant dense<true> : vector<16xi1>
      %not3A_496 = arith.xori %ge3A_483, %not3A_495 : vector<16xi1>
      %and3A_497 = arith.andi %and3A_490, %not3A_496 : vector<16xi1>
      %and3A_498 = arith.andi %and3A_490, %ge3A_483 : vector<16xi1>
      %swap3A_499 = arith.index_cast %add3A_450 : i32 to index
      %swap3A_500 = tpu.vector_load %arg10[%swap3A_499] masked %and3A_493 {strides = array<i32>} : memref<10112xi32, #tpu.memory_space<vmem>>, vector<16xi32>, vector<16xi1>
      tpu.vector_store %arg10[%swap3A_499], %get3A_471 masked %and3A_493 {strides = array<i32>} : memref<10112xi32, #tpu.memory_space<vmem>>, vector<16xi32>, vector<16xi1>
      %swap3A_501 = arith.index_cast %add3A_456 : i32 to index
      %swap3A_502 = tpu.vector_load %arg11[%swap3A_501] masked %and3A_494 {strides = array<i32>} : memref<10112xi32, #tpu.memory_space<vmem>>, vector<16xi32>, vector<16xi1>
      tpu.vector_store %arg11[%swap3A_501], %get3A_471 masked %and3A_494 {strides = array<i32>} : memref<10112xi32, #tpu.memory_space<vmem>>, vector<16xi32>, vector<16xi1>
      %swap3A_503 = arith.index_cast %add3A_462 : i32 to index
      %swap3A_504 = tpu.vector_load %arg12[%swap3A_503] masked %and3A_497 {strides = array<i32>} : memref<10112xi32, #tpu.memory_space<vmem>>, vector<16xi32>, vector<16xi1>
      tpu.vector_store %arg12[%swap3A_503], %get3A_471 masked %and3A_497 {strides = array<i32>} : memref<10112xi32, #tpu.memory_space<vmem>>, vector<16xi32>, vector<16xi1>
      %swap3A_505 = arith.index_cast %add3A_468 : i32 to index
      %swap3A_506 = tpu.vector_load %arg13[%swap3A_505] masked %and3A_498 {strides = array<i32>} : memref<10112xi32, #tpu.memory_space<vmem>>, vector<16xi32>, vector<16xi1>
      tpu.vector_store %arg13[%swap3A_505], %get3A_471 masked %and3A_498 {strides = array<i32>} : memref<10112xi32, #tpu.memory_space<vmem>>, vector<16xi32>, vector<16xi1>
      %convert_element_type3A_507 = arith.extui %and3A_493 : vector<16xi1> to vector<16xi32>
      %reduce_sum3A_508 = arith.constant true
      %reduce_sum3A_509 = vector.broadcast %reduce_sum3A_508 : i1 to vector<16xi1>
      %reduce_sum3A_510 = tpu.scan <sum>, %convert_element_type3A_507 masked %reduce_sum3A_509 : vector<16xi32>, vector<16xi1> -> vector<16xi32>
      %reduce_sum3A_511 = vector.extract %reduce_sum3A_510[15] : i32 from vector<16xi32>
      %add3A_512 = arith.addi %add3A_450, %reduce_sum3A_511 : i32
      %convert_element_type3A_513 = arith.extui %and3A_494 : vector<16xi1> to vector<16xi32>
      %reduce_sum3A_514 = arith.constant true
      %reduce_sum3A_515 = vector.broadcast %reduce_sum3A_514 : i1 to vector<16xi1>
      %reduce_sum3A_516 = tpu.scan <sum>, %convert_element_type3A_513 masked %reduce_sum3A_515 : vector<16xi32>, vector<16xi1> -> vector<16xi32>
      %reduce_sum3A_517 = vector.extract %reduce_sum3A_516[15] : i32 from vector<16xi32>
      %add3A_518 = arith.addi %add3A_456, %reduce_sum3A_517 : i32
      %convert_element_type3A_519 = arith.extui %and3A_497 : vector<16xi1> to vector<16xi32>
      %reduce_sum3A_520 = arith.constant true
      %reduce_sum3A_521 = vector.broadcast %reduce_sum3A_520 : i1 to vector<16xi1>
      %reduce_sum3A_522 = tpu.scan <sum>, %convert_element_type3A_519 masked %reduce_sum3A_521 : vector<16xi32>, vector<16xi1> -> vector<16xi32>
      %reduce_sum3A_523 = vector.extract %reduce_sum3A_522[15] : i32 from vector<16xi32>
      %add3A_524 = arith.addi %add3A_462, %reduce_sum3A_523 : i32
      %convert_element_type3A_525 = arith.extui %and3A_498 : vector<16xi1> to vector<16xi32>
      %reduce_sum3A_526 = arith.constant true
      %reduce_sum3A_527 = vector.broadcast %reduce_sum3A_526 : i1 to vector<16xi1>
      %reduce_sum3A_528 = tpu.scan <sum>, %convert_element_type3A_525 masked %reduce_sum3A_527 : vector<16xi32>, vector<16xi1> -> vector<16xi32>
      %reduce_sum3A_529 = vector.extract %reduce_sum3A_528[15] : i32 from vector<16xi32>
      %add3A_530 = arith.addi %add3A_468, %reduce_sum3A_529 : i32
      scf.yield %add3A_512, %add3A_518, %add3A_524, %add3A_530 : i32, i32, i32, i32
    }
    %scan3A_13 = arith.constant 79 : i32
    %run_scoped3A_14 = arith.constant 0 : i32
    "tpu.region"() ({
      %run_scoped3A_38 = tpu.sem_alloc : memref<!tpu.dma_semaphore, #tpu.memory_space<semaphore_mem>>
      %dma_start3A = arith.constant 0 : i32
      %dma_start3A_39 = tpu.memref_slice %arg6[%add3A, %run_scoped3A_14, %dma_start3A] : memref<32x4x10112xi32, #tpu.memory_space<hbm>> -> memref<1x1x10112xi32, #tpu.memory_space<hbm>>
      %dma_start3A_40 = tpu.memref_squeeze %dma_start3A_39 : memref<1x1x10112xi32, #tpu.memory_space<hbm>> -> memref<10112xi32, #tpu.memory_space<hbm>>
      %dma_start3A_41 = arith.constant 0 : i32
      %dma_start3A_42 = tpu.memref_slice %arg6[%add3A, %run_scoped3A_14, %dma_start3A_41] : memref<32x4x10112xi32, #tpu.memory_space<hbm>> -> memref<1x1x10112xi32, #tpu.memory_space<hbm>>
      %dma_start3A_43 = tpu.memref_squeeze %dma_start3A_42 : memref<1x1x10112xi32, #tpu.memory_space<hbm>> -> memref<10112xi32, #tpu.memory_space<hbm>>
      tpu.enqueue_dma source(%arg10 : memref<10112xi32, #tpu.memory_space<vmem>>) target(%dma_start3A_43 : memref<10112xi32, #tpu.memory_space<hbm>>) target_semaphore(%run_scoped3A_38 : memref<!tpu.dma_semaphore, #tpu.memory_space<semaphore_mem>>)
      %dma_wait3A = arith.constant 0 : i32
      %dma_wait3A_44 = tpu.memref_slice %arg6[%add3A, %run_scoped3A_14, %dma_wait3A] : memref<32x4x10112xi32, #tpu.memory_space<hbm>> -> memref<1x1x10112xi32, #tpu.memory_space<hbm>>
      %dma_wait3A_45 = tpu.memref_squeeze %dma_wait3A_44 : memref<1x1x10112xi32, #tpu.memory_space<hbm>> -> memref<10112xi32, #tpu.memory_space<hbm>>
      %dma_wait3A_46 = arith.constant 0 : i32
      %dma_wait3A_47 = tpu.memref_slice %arg6[%add3A, %run_scoped3A_14, %dma_wait3A_46] : memref<32x4x10112xi32, #tpu.memory_space<hbm>> -> memref<1x1x10112xi32, #tpu.memory_space<hbm>>
      %dma_wait3A_48 = tpu.memref_squeeze %dma_wait3A_47 : memref<1x1x10112xi32, #tpu.memory_space<hbm>> -> memref<10112xi32, #tpu.memory_space<hbm>>
      tpu.wait_dma2 semaphore(%run_scoped3A_38 : memref<!tpu.dma_semaphore, #tpu.memory_space<semaphore_mem>>) src(%arg10 : memref<10112xi32, #tpu.memory_space<vmem>>) dst(%dma_wait3A_48 : memref<10112xi32, #tpu.memory_space<hbm>>)
      tpu.yield
    }) : () -> ()
    %run_scoped3A_15 = arith.constant 1 : i32
    "tpu.region"() ({
      %run_scoped3A_38 = tpu.sem_alloc : memref<!tpu.dma_semaphore, #tpu.memory_space<semaphore_mem>>
      %dma_start3A = arith.constant 0 : i32
      %dma_start3A_39 = tpu.memref_slice %arg6[%add3A, %run_scoped3A_15, %dma_start3A] : memref<32x4x10112xi32, #tpu.memory_space<hbm>> -> memref<1x1x10112xi32, #tpu.memory_space<hbm>>
      %dma_start3A_40 = tpu.memref_squeeze %dma_start3A_39 : memref<1x1x10112xi32, #tpu.memory_space<hbm>> -> memref<10112xi32, #tpu.memory_space<hbm>>
      %dma_start3A_41 = arith.constant 0 : i32
      %dma_start3A_42 = tpu.memref_slice %arg6[%add3A, %run_scoped3A_15, %dma_start3A_41] : memref<32x4x10112xi32, #tpu.memory_space<hbm>> -> memref<1x1x10112xi32, #tpu.memory_space<hbm>>
      %dma_start3A_43 = tpu.memref_squeeze %dma_start3A_42 : memref<1x1x10112xi32, #tpu.memory_space<hbm>> -> memref<10112xi32, #tpu.memory_space<hbm>>
      tpu.enqueue_dma source(%arg11 : memref<10112xi32, #tpu.memory_space<vmem>>) target(%dma_start3A_43 : memref<10112xi32, #tpu.memory_space<hbm>>) target_semaphore(%run_scoped3A_38 : memref<!tpu.dma_semaphore, #tpu.memory_space<semaphore_mem>>)
      %dma_wait3A = arith.constant 0 : i32
      %dma_wait3A_44 = tpu.memref_slice %arg6[%add3A, %run_scoped3A_15, %dma_wait3A] : memref<32x4x10112xi32, #tpu.memory_space<hbm>> -> memref<1x1x10112xi32, #tpu.memory_space<hbm>>
      %dma_wait3A_45 = tpu.memref_squeeze %dma_wait3A_44 : memref<1x1x10112xi32, #tpu.memory_space<hbm>> -> memref<10112xi32, #tpu.memory_space<hbm>>
      %dma_wait3A_46 = arith.constant 0 : i32
      %dma_wait3A_47 = tpu.memref_slice %arg6[%add3A, %run_scoped3A_15, %dma_wait3A_46] : memref<32x4x10112xi32, #tpu.memory_space<hbm>> -> memref<1x1x10112xi32, #tpu.memory_space<hbm>>
      %dma_wait3A_48 = tpu.memref_squeeze %dma_wait3A_47 : memref<1x1x10112xi32, #tpu.memory_space<hbm>> -> memref<10112xi32, #tpu.memory_space<hbm>>
      tpu.wait_dma2 semaphore(%run_scoped3A_38 : memref<!tpu.dma_semaphore, #tpu.memory_space<semaphore_mem>>) src(%arg11 : memref<10112xi32, #tpu.memory_space<vmem>>) dst(%dma_wait3A_48 : memref<10112xi32, #tpu.memory_space<hbm>>)
      tpu.yield
    }) : () -> ()
    %run_scoped3A_16 = arith.constant 2 : i32
    "tpu.region"() ({
      %run_scoped3A_38 = tpu.sem_alloc : memref<!tpu.dma_semaphore, #tpu.memory_space<semaphore_mem>>
      %dma_start3A = arith.constant 0 : i32
      %dma_start3A_39 = tpu.memref_slice %arg6[%add3A, %run_scoped3A_16, %dma_start3A] : memref<32x4x10112xi32, #tpu.memory_space<hbm>> -> memref<1x1x10112xi32, #tpu.memory_space<hbm>>
      %dma_start3A_40 = tpu.memref_squeeze %dma_start3A_39 : memref<1x1x10112xi32, #tpu.memory_space<hbm>> -> memref<10112xi32, #tpu.memory_space<hbm>>
      %dma_start3A_41 = arith.constant 0 : i32
      %dma_start3A_42 = tpu.memref_slice %arg6[%add3A, %run_scoped3A_16, %dma_start3A_41] : memref<32x4x10112xi32, #tpu.memory_space<hbm>> -> memref<1x1x10112xi32, #tpu.memory_space<hbm>>
      %dma_start3A_43 = tpu.memref_squeeze %dma_start3A_42 : memref<1x1x10112xi32, #tpu.memory_space<hbm>> -> memref<10112xi32, #tpu.memory_space<hbm>>
      tpu.enqueue_dma source(%arg12 : memref<10112xi32, #tpu.memory_space<vmem>>) target(%dma_start3A_43 : memref<10112xi32, #tpu.memory_space<hbm>>) target_semaphore(%run_scoped3A_38 : memref<!tpu.dma_semaphore, #tpu.memory_space<semaphore_mem>>)
      %dma_wait3A = arith.constant 0 : i32
      %dma_wait3A_44 = tpu.memref_slice %arg6[%add3A, %run_scoped3A_16, %dma_wait3A] : memref<32x4x10112xi32, #tpu.memory_space<hbm>> -> memref<1x1x10112xi32, #tpu.memory_space<hbm>>
      %dma_wait3A_45 = tpu.memref_squeeze %dma_wait3A_44 : memref<1x1x10112xi32, #tpu.memory_space<hbm>> -> memref<10112xi32, #tpu.memory_space<hbm>>
      %dma_wait3A_46 = arith.constant 0 : i32
      %dma_wait3A_47 = tpu.memref_slice %arg6[%add3A, %run_scoped3A_16, %dma_wait3A_46] : memref<32x4x10112xi32, #tpu.memory_space<hbm>> -> memref<1x1x10112xi32, #tpu.memory_space<hbm>>
      %dma_wait3A_48 = tpu.memref_squeeze %dma_wait3A_47 : memref<1x1x10112xi32, #tpu.memory_space<hbm>> -> memref<10112xi32, #tpu.memory_space<hbm>>
      tpu.wait_dma2 semaphore(%run_scoped3A_38 : memref<!tpu.dma_semaphore, #tpu.memory_space<semaphore_mem>>) src(%arg12 : memref<10112xi32, #tpu.memory_space<vmem>>) dst(%dma_wait3A_48 : memref<10112xi32, #tpu.memory_space<hbm>>)
      tpu.yield
    }) : () -> ()
    %run_scoped3A_17 = arith.constant 3 : i32
    "tpu.region"() ({
      %run_scoped3A_38 = tpu.sem_alloc : memref<!tpu.dma_semaphore, #tpu.memory_space<semaphore_mem>>
      %dma_start3A = arith.constant 0 : i32
      %dma_start3A_39 = tpu.memref_slice %arg6[%add3A, %run_scoped3A_17, %dma_start3A] : memref<32x4x10112xi32, #tpu.memory_space<hbm>> -> memref<1x1x10112xi32, #tpu.memory_space<hbm>>
      %dma_start3A_40 = tpu.memref_squeeze %dma_start3A_39 : memref<1x1x10112xi32, #tpu.memory_space<hbm>> -> memref<10112xi32, #tpu.memory_space<hbm>>
      %dma_start3A_41 = arith.constant 0 : i32
      %dma_start3A_42 = tpu.memref_slice %arg6[%add3A, %run_scoped3A_17, %dma_start3A_41] : memref<32x4x10112xi32, #tpu.memory_space<hbm>> -> memref<1x1x10112xi32, #tpu.memory_space<hbm>>
      %dma_start3A_43 = tpu.memref_squeeze %dma_start3A_42 : memref<1x1x10112xi32, #tpu.memory_space<hbm>> -> memref<10112xi32, #tpu.memory_space<hbm>>
      tpu.enqueue_dma source(%arg13 : memref<10112xi32, #tpu.memory_space<vmem>>) target(%dma_start3A_43 : memref<10112xi32, #tpu.memory_space<hbm>>) target_semaphore(%run_scoped3A_38 : memref<!tpu.dma_semaphore, #tpu.memory_space<semaphore_mem>>)
      %dma_wait3A = arith.constant 0 : i32
      %dma_wait3A_44 = tpu.memref_slice %arg6[%add3A, %run_scoped3A_17, %dma_wait3A] : memref<32x4x10112xi32, #tpu.memory_space<hbm>> -> memref<1x1x10112xi32, #tpu.memory_space<hbm>>
      %dma_wait3A_45 = tpu.memref_squeeze %dma_wait3A_44 : memref<1x1x10112xi32, #tpu.memory_space<hbm>> -> memref<10112xi32, #tpu.memory_space<hbm>>
      %dma_wait3A_46 = arith.constant 0 : i32
      %dma_wait3A_47 = tpu.memref_slice %arg6[%add3A, %run_scoped3A_17, %dma_wait3A_46] : memref<32x4x10112xi32, #tpu.memory_space<hbm>> -> memref<1x1x10112xi32, #tpu.memory_space<hbm>>
      %dma_wait3A_48 = tpu.memref_squeeze %dma_wait3A_47 : memref<1x1x10112xi32, #tpu.memory_space<hbm>> -> memref<10112xi32, #tpu.memory_space<hbm>>
      tpu.wait_dma2 semaphore(%run_scoped3A_38 : memref<!tpu.dma_semaphore, #tpu.memory_space<semaphore_mem>>) src(%arg13 : memref<10112xi32, #tpu.memory_space<vmem>>) dst(%dma_wait3A_48 : memref<10112xi32, #tpu.memory_space<hbm>>)
      tpu.yield
    }) : () -> ()
    %iota3A = tpu.iota {dimensions = array<i32: 0>} : vector<16xi32>
    %eq3A = arith.constant 0 : i32
    %eq3A_18 = vector.broadcast %eq3A : i32 to vector<16xi32>
    %eq3A_19 = arith.cmpi eq, %iota3A, %eq3A_18 : vector<16xi32>
    %eq3A_20 = arith.constant 1 : i32
    %eq3A_21 = vector.broadcast %eq3A_20 : i32 to vector<16xi32>
    %eq3A_22 = arith.cmpi eq, %iota3A, %eq3A_21 : vector<16xi32>
    %eq3A_23 = arith.constant 2 : i32
    %eq3A_24 = vector.broadcast %eq3A_23 : i32 to vector<16xi32>
    %eq3A_25 = arith.cmpi eq, %iota3A, %eq3A_24 : vector<16xi32>
    %eq3A_26 = arith.constant 3 : i32
    %eq3A_27 = vector.broadcast %eq3A_26 : i32 to vector<16xi32>
    %eq3A_28 = arith.cmpi eq, %iota3A, %eq3A_27 : vector<16xi32>
    %jit3A = arith.constant 0 : i32
    %broadcast_in_dim3A_29 = vector.broadcast %scan3A_12#3 : i32 to vector<16xi32>
    %broadcast_in_dim3A_30 = vector.broadcast %jit3A : i32 to vector<16xi32>
    %select_n3A = arith.select %eq3A_28, %broadcast_in_dim3A_29, %broadcast_in_dim3A_30 : vector<16xi1>, vector<16xi32>
    %broadcast_in_dim3A_31 = vector.broadcast %scan3A_12#2 : i32 to vector<16xi32>
    %select_n3A_32 = arith.select %eq3A_25, %broadcast_in_dim3A_31, %select_n3A : vector<16xi1>, vector<16xi32>
    %broadcast_in_dim3A_33 = vector.broadcast %scan3A_12#1 : i32 to vector<16xi32>
    %select_n3A_34 = arith.select %eq3A_22, %broadcast_in_dim3A_33, %select_n3A_32 : vector<16xi1>, vector<16xi32>
    %broadcast_in_dim3A_35 = vector.broadcast %scan3A_12#0 : i32 to vector<16xi32>
    %select_n3A_36 = arith.select %eq3A_19, %broadcast_in_dim3A_35, %select_n3A_34 : vector<16xi1>, vector<16xi32>
    %swap3A = arith.constant 0 : index
    %swap3A_37 = tpu.vector_load %arg14[%swap3A] {strides = array<i32>} : memref<16xi32, #tpu.memory_space<vmem>>, vector<16xi32>,
    tpu.vector_store %arg14[%swap3A], %select_n3A_36 {strides = array<i32>} : memref<16xi32, #tpu.memory_space<vmem>>, vector<16xi32>,
    "tpu.region"() ({
      %run_scoped3A_38 = tpu.sem_alloc : memref<!tpu.dma_semaphore, #tpu.memory_space<semaphore_mem>>
      %dma_start3A = arith.constant 0 : i32
      %dma_start3A_39 = tpu.memref_slice %arg7[%add3A, %dma_start3A] : memref<32x16xi32, #tpu.memory_space<hbm>> -> memref<1x16xi32, #tpu.memory_space<hbm>>
      %dma_start3A_40 = tpu.memref_squeeze %dma_start3A_39 : memref<1x16xi32, #tpu.memory_space<hbm>> -> memref<16xi32, #tpu.memory_space<hbm>>
      %dma_start3A_41 = arith.constant 0 : i32
      %dma_start3A_42 = tpu.memref_slice %arg7[%add3A, %dma_start3A_41] : memref<32x16xi32, #tpu.memory_space<hbm>> -> memref<1x16xi32, #tpu.memory_space<hbm>>
      %dma_start3A_43 = tpu.memref_squeeze %dma_start3A_42 : memref<1x16xi32, #tpu.memory_space<hbm>> -> memref<16xi32, #tpu.memory_space<hbm>>
      tpu.enqueue_dma source(%arg14 : memref<16xi32, #tpu.memory_space<vmem>>) target(%dma_start3A_43 : memref<16xi32, #tpu.memory_space<hbm>>) target_semaphore(%run_scoped3A_38 : memref<!tpu.dma_semaphore, #tpu.memory_space<semaphore_mem>>)
      %dma_wait3A = arith.constant 0 : i32
      %dma_wait3A_44 = tpu.memref_slice %arg7[%add3A, %dma_wait3A] : memref<32x16xi32, #tpu.memory_space<hbm>> -> memref<1x16xi32, #tpu.memory_space<hbm>>
      %dma_wait3A_45 = tpu.memref_squeeze %dma_wait3A_44 : memref<1x16xi32, #tpu.memory_space<hbm>> -> memref<16xi32, #tpu.memory_space<hbm>>
      %dma_wait3A_46 = arith.constant 0 : i32
      %dma_wait3A_47 = tpu.memref_slice %arg7[%add3A, %dma_wait3A_46] : memref<32x16xi32, #tpu.memory_space<hbm>> -> memref<1x16xi32, #tpu.memory_space<hbm>>
      %dma_wait3A_48 = tpu.memref_squeeze %dma_wait3A_47 : memref<1x16xi32, #tpu.memory_space<hbm>> -> memref<16xi32, #tpu.memory_space<hbm>>
      tpu.wait_dma2 semaphore(%run_scoped3A_38 : memref<!tpu.dma_semaphore, #tpu.memory_space<semaphore_mem>>) src(%arg14 : memref<16xi32, #tpu.memory_space<vmem>>) dst(%dma_wait3A_48 : memref<16xi32, #tpu.memory_space<hbm>>)
      tpu.yield
    }) : () -> ()
    "tpu.region"() ({
      %run_scoped3A_38 = tpu.sem_alloc : memref<!tpu.dma_semaphore, #tpu.memory_space<semaphore_mem>>
      %dma_start3A = arith.constant 0 : i32
      %dma_start3A_39 = tpu.memref_slice %arg5[%add3A, %dma_start3A] : memref<32x10112xf32, #tpu.memory_space<hbm>> -> memref<1x10112xf32, #tpu.memory_space<hbm>>
      %dma_start3A_40 = tpu.memref_squeeze %dma_start3A_39 : memref<1x10112xf32, #tpu.memory_space<hbm>> -> memref<10112xf32, #tpu.memory_space<hbm>>
      %dma_start3A_41 = arith.constant 0 : i32
      %dma_start3A_42 = tpu.memref_slice %arg5[%add3A, %dma_start3A_41] : memref<32x10112xf32, #tpu.memory_space<hbm>> -> memref<1x10112xf32, #tpu.memory_space<hbm>>
      %dma_start3A_43 = tpu.memref_squeeze %dma_start3A_42 : memref<1x10112xf32, #tpu.memory_space<hbm>> -> memref<10112xf32, #tpu.memory_space<hbm>>
      tpu.enqueue_dma source(%arg9 : memref<10112xf32, #tpu.memory_space<vmem>>) target(%dma_start3A_43 : memref<10112xf32, #tpu.memory_space<hbm>>) target_semaphore(%run_scoped3A_38 : memref<!tpu.dma_semaphore, #tpu.memory_space<semaphore_mem>>)
      %dma_wait3A = arith.constant 0 : i32
      %dma_wait3A_44 = tpu.memref_slice %arg5[%add3A, %dma_wait3A] : memref<32x10112xf32, #tpu.memory_space<hbm>> -> memref<1x10112xf32, #tpu.memory_space<hbm>>
      %dma_wait3A_45 = tpu.memref_squeeze %dma_wait3A_44 : memref<1x10112xf32, #tpu.memory_space<hbm>> -> memref<10112xf32, #tpu.memory_space<hbm>>
      %dma_wait3A_46 = arith.constant 0 : i32
      %dma_wait3A_47 = tpu.memref_slice %arg5[%add3A, %dma_wait3A_46] : memref<32x10112xf32, #tpu.memory_space<hbm>> -> memref<1x10112xf32, #tpu.memory_space<hbm>>
      %dma_wait3A_48 = tpu.memref_squeeze %dma_wait3A_47 : memref<1x10112xf32, #tpu.memory_space<hbm>> -> memref<10112xf32, #tpu.memory_space<hbm>>
      tpu.wait_dma2 semaphore(%run_scoped3A_38 : memref<!tpu.dma_semaphore, #tpu.memory_space<semaphore_mem>>) src(%arg9 : memref<10112xf32, #tpu.memory_space<vmem>>) dst(%dma_wait3A_48 : memref<10112xf32, #tpu.memory_space<hbm>>)
      tpu.yield
    }) : () -> ()
    return
  }
}

#map = affine_map<(d0, d1) -> (0, 0, 0)>
#map1 = affine_map<(d0, d1) -> (0, 0)>
module attributes {stable_mosaic.version = 14 : i64} {
  func.func @k(%arg0: i32, %arg1: i32, %arg2: memref<32x4x10112xi32, #tpu.memory_space<hbm>>, %arg3: memref<32x16xi32, #tpu.memory_space<hbm>>, %arg4: memref<10240x128xf32, #tpu.memory_space<hbm>>, %arg5: memref<352x128xf32, #tpu.memory_space<hbm>>, %arg6: memref<2x5632x128xf32, #tpu.memory_space<hbm>>, %arg7: memref<128xi32, #tpu.memory_space<vmem>>, %arg8: memref<128xi32, #tpu.memory_space<vmem>>, %arg9: memref<128xi32, #tpu.memory_space<vmem>>, %arg10: memref<128x128xf32, #tpu.memory_space<vmem>>, %arg11: memref<16xi32, #tpu.memory_space<vmem>>, %arg12: memref<16xi32, #tpu.memory_space<vmem>>, %arg13: memref<!tpu.dma_semaphore, #tpu.memory_space<semaphore_mem>>, %arg14: memref<5120x128xf32, #tpu.memory_space<vmem_shared>>, %arg15: memref<5632x128xf32, #tpu.memory_space<vmem_shared>>) attributes {dimension_semantics = [#tpu.dimension_semantics<core_parallel>, #tpu.dimension_semantics<subcore_parallel>], iteration_bounds = array<i64: 2, 16>, scalar_prefetch = 0 : i64, scratch_operands = 9 : i64, tpu.core_type = #tpu.core_type<sc_vector_subcore>, window_params = [{transform_indices = #map}, {transform_indices = #map1}, {transform_indices = #map1}, {transform_indices = #map1}, {transform_indices = #map}]} {
    %mul3A = arith.constant 352 : i32
    %mul3A_0 = arith.muli %arg1, %mul3A : i32
    "tpu.region"() ({
      %run_scoped3A = tpu.sem_alloc : memref<!tpu.dma_semaphore, #tpu.memory_space<semaphore_mem>>
      %dma_start3A = arith.constant 0 : i32
      %dma_start3A_147 = tpu.memref_slice %arg15[%mul3A_0, %dma_start3A] : memref<5632x128xf32, #tpu.memory_space<vmem_shared>> -> memref<352x128xf32, #tpu.memory_space<vmem_shared>>
      tpu.enqueue_dma source(%arg5 : memref<352x128xf32, #tpu.memory_space<hbm>>) target(%dma_start3A_147 : memref<352x128xf32, #tpu.memory_space<vmem_shared>>) target_semaphore(%run_scoped3A : memref<!tpu.dma_semaphore, #tpu.memory_space<semaphore_mem>>)
      %dma_wait3A = arith.constant 0 : i32
      %dma_wait3A_148 = tpu.memref_slice %arg15[%mul3A_0, %dma_wait3A] : memref<5632x128xf32, #tpu.memory_space<vmem_shared>> -> memref<352x128xf32, #tpu.memory_space<vmem_shared>>
      tpu.wait_dma2 semaphore(%run_scoped3A : memref<!tpu.dma_semaphore, #tpu.memory_space<semaphore_mem>>) src(%arg5 : memref<352x128xf32, #tpu.memory_space<hbm>>) dst(%dma_wait3A_148 : memref<352x128xf32, #tpu.memory_space<vmem_shared>>)
      tpu.yield
    }) : () -> ()
    %mul3A_1 = arith.constant 2 : i32
    %mul3A_2 = arith.muli %mul3A_1, %arg1 : i32
    "tpu.region"() ({
      %run_scoped3A = tpu.sem_alloc : memref<!tpu.dma_semaphore, #tpu.memory_space<semaphore_mem>>
      %dma_start3A = arith.constant 0 : i32
      %dma_start3A_147 = tpu.memref_slice %arg3[%mul3A_2, %dma_start3A] : memref<32x16xi32, #tpu.memory_space<hbm>> -> memref<1x16xi32, #tpu.memory_space<hbm>>
      %dma_start3A_148 = tpu.memref_squeeze %dma_start3A_147 : memref<1x16xi32, #tpu.memory_space<hbm>> -> memref<16xi32, #tpu.memory_space<hbm>>
      %dma_start3A_149 = arith.constant 0 : i32
      %dma_start3A_150 = tpu.memref_slice %arg3[%mul3A_2, %dma_start3A_149] : memref<32x16xi32, #tpu.memory_space<hbm>> -> memref<1x16xi32, #tpu.memory_space<hbm>>
      %dma_start3A_151 = tpu.memref_squeeze %dma_start3A_150 : memref<1x16xi32, #tpu.memory_space<hbm>> -> memref<16xi32, #tpu.memory_space<hbm>>
      tpu.enqueue_dma source(%dma_start3A_151 : memref<16xi32, #tpu.memory_space<hbm>>) target(%arg11 : memref<16xi32, #tpu.memory_space<vmem>>) target_semaphore(%run_scoped3A : memref<!tpu.dma_semaphore, #tpu.memory_space<semaphore_mem>>)
      %dma_wait3A = arith.constant 0 : i32
      %dma_wait3A_152 = tpu.memref_slice %arg3[%mul3A_2, %dma_wait3A] : memref<32x16xi32, #tpu.memory_space<hbm>> -> memref<1x16xi32, #tpu.memory_space<hbm>>
      %dma_wait3A_153 = tpu.memref_squeeze %dma_wait3A_152 : memref<1x16xi32, #tpu.memory_space<hbm>> -> memref<16xi32, #tpu.memory_space<hbm>>
      %dma_wait3A_154 = arith.constant 0 : i32
      %dma_wait3A_155 = tpu.memref_slice %arg3[%mul3A_2, %dma_wait3A_154] : memref<32x16xi32, #tpu.memory_space<hbm>> -> memref<1x16xi32, #tpu.memory_space<hbm>>
      %dma_wait3A_156 = tpu.memref_squeeze %dma_wait3A_155 : memref<1x16xi32, #tpu.memory_space<hbm>> -> memref<16xi32, #tpu.memory_space<hbm>>
      tpu.wait_dma2 semaphore(%run_scoped3A : memref<!tpu.dma_semaphore, #tpu.memory_space<semaphore_mem>>) src(%dma_wait3A_156 : memref<16xi32, #tpu.memory_space<hbm>>) dst(%arg11 : memref<16xi32, #tpu.memory_space<vmem>>)
      tpu.yield
    }) : () -> ()
    %mul3A_3 = arith.constant 2 : i32
    %mul3A_4 = arith.muli %mul3A_3, %arg1 : i32
    %add3A = arith.constant 1 : i32
    %add3A_5 = arith.addi %mul3A_4, %add3A : i32
    "tpu.region"() ({
      %run_scoped3A = tpu.sem_alloc : memref<!tpu.dma_semaphore, #tpu.memory_space<semaphore_mem>>
      %dma_start3A = arith.constant 0 : i32
      %dma_start3A_147 = tpu.memref_slice %arg3[%add3A_5, %dma_start3A] : memref<32x16xi32, #tpu.memory_space<hbm>> -> memref<1x16xi32, #tpu.memory_space<hbm>>
      %dma_start3A_148 = tpu.memref_squeeze %dma_start3A_147 : memref<1x16xi32, #tpu.memory_space<hbm>> -> memref<16xi32, #tpu.memory_space<hbm>>
      %dma_start3A_149 = arith.constant 0 : i32
      %dma_start3A_150 = tpu.memref_slice %arg3[%add3A_5, %dma_start3A_149] : memref<32x16xi32, #tpu.memory_space<hbm>> -> memref<1x16xi32, #tpu.memory_space<hbm>>
      %dma_start3A_151 = tpu.memref_squeeze %dma_start3A_150 : memref<1x16xi32, #tpu.memory_space<hbm>> -> memref<16xi32, #tpu.memory_space<hbm>>
      tpu.enqueue_dma source(%dma_start3A_151 : memref<16xi32, #tpu.memory_space<hbm>>) target(%arg12 : memref<16xi32, #tpu.memory_space<vmem>>) target_semaphore(%run_scoped3A : memref<!tpu.dma_semaphore, #tpu.memory_space<semaphore_mem>>)
      %dma_wait3A = arith.constant 0 : i32
      %dma_wait3A_152 = tpu.memref_slice %arg3[%add3A_5, %dma_wait3A] : memref<32x16xi32, #tpu.memory_space<hbm>> -> memref<1x16xi32, #tpu.memory_space<hbm>>
      %dma_wait3A_153 = tpu.memref_squeeze %dma_wait3A_152 : memref<1x16xi32, #tpu.memory_space<hbm>> -> memref<16xi32, #tpu.memory_space<hbm>>
      %dma_wait3A_154 = arith.constant 0 : i32
      %dma_wait3A_155 = tpu.memref_slice %arg3[%add3A_5, %dma_wait3A_154] : memref<32x16xi32, #tpu.memory_space<hbm>> -> memref<1x16xi32, #tpu.memory_space<hbm>>
      %dma_wait3A_156 = tpu.memref_squeeze %dma_wait3A_155 : memref<1x16xi32, #tpu.memory_space<hbm>> -> memref<16xi32, #tpu.memory_space<hbm>>
      tpu.wait_dma2 semaphore(%run_scoped3A : memref<!tpu.dma_semaphore, #tpu.memory_space<semaphore_mem>>) src(%dma_wait3A_156 : memref<16xi32, #tpu.memory_space<hbm>>) dst(%arg12 : memref<16xi32, #tpu.memory_space<vmem>>)
      tpu.yield
    }) : () -> ()
    %iota3A = tpu.iota {dimensions = array<i32: 0>} : vector<16xi32>
    %get3A = arith.constant 0 : index
    %get3A_6 = tpu.vector_load %arg11[%get3A] {strides = array<i32>} : memref<16xi32, #tpu.memory_space<vmem>>, vector<16xi32>,
    %get3A_7 = arith.constant 0 : index
    %get3A_8 = tpu.vector_load %arg12[%get3A_7] {strides = array<i32>} : memref<16xi32, #tpu.memory_space<vmem>>, vector<16xi32>,
    %mul3A_9 = arith.constant 5120 : i32
    %mul3A_10 = arith.muli %arg0, %mul3A_9 : i32
    %mul3A_11 = arith.constant 320 : i32
    %mul3A_12 = arith.muli %arg1, %mul3A_11 : i32
    %add3A_13 = arith.addi %mul3A_10, %mul3A_12 : i32
    %mul3A_14 = arith.constant 320 : i32
    %mul3A_15 = arith.muli %arg1, %mul3A_14 : i32
    "tpu.region"() ({
      %run_scoped3A = tpu.sem_alloc : memref<!tpu.dma_semaphore, #tpu.memory_space<semaphore_mem>>
      %dma_start3A = arith.constant 0 : i32
      %dma_start3A_147 = tpu.memref_slice %arg14[%mul3A_15, %dma_start3A] : memref<5120x128xf32, #tpu.memory_space<vmem_shared>> -> memref<320x128xf32, #tpu.memory_space<vmem_shared>>
      %dma_start3A_148 = arith.constant 0 : i32
      %dma_start3A_149 = tpu.memref_slice %arg4[%add3A_13, %dma_start3A_148] : memref<10240x128xf32, #tpu.memory_space<hbm>> -> memref<320x128xf32, #tpu.memory_space<hbm>>
      tpu.enqueue_dma source(%dma_start3A_149 : memref<320x128xf32, #tpu.memory_space<hbm>>) target(%dma_start3A_147 : memref<320x128xf32, #tpu.memory_space<vmem_shared>>) target_semaphore(%run_scoped3A : memref<!tpu.dma_semaphore, #tpu.memory_space<semaphore_mem>>)
      %dma_wait3A = arith.constant 0 : i32
      %dma_wait3A_150 = tpu.memref_slice %arg14[%mul3A_15, %dma_wait3A] : memref<5120x128xf32, #tpu.memory_space<vmem_shared>> -> memref<320x128xf32, #tpu.memory_space<vmem_shared>>
      %dma_wait3A_151 = arith.constant 0 : i32
      %dma_wait3A_152 = tpu.memref_slice %arg4[%add3A_13, %dma_wait3A_151] : memref<10240x128xf32, #tpu.memory_space<hbm>> -> memref<320x128xf32, #tpu.memory_space<hbm>>
      tpu.wait_dma2 semaphore(%run_scoped3A : memref<!tpu.dma_semaphore, #tpu.memory_space<semaphore_mem>>) src(%dma_wait3A_152 : memref<320x128xf32, #tpu.memory_space<hbm>>) dst(%dma_wait3A_150 : memref<320x128xf32, #tpu.memory_space<vmem_shared>>)
      tpu.yield
    }) : () -> ()
    %barrier3A = arith.constant 0 : index
    tpu.barrier barrier_id(%barrier3A)
    %mul3A_16 = arith.constant 3 : i32
    %mul3A_17 = arith.muli %mul3A_16, %arg0 : i32
    %mul3A_18 = arith.constant 2 : i32
    %mul3A_19 = arith.muli %mul3A_18, %arg1 : i32
    %eq3A = vector.broadcast %mul3A_17 : i32 to vector<16xi32>
    %eq3A_20 = arith.cmpi eq, %iota3A, %eq3A : vector<16xi32>
    %jit3A = arith.constant 0 : i32
    %broadcast_in_dim3A = vector.broadcast %jit3A : i32 to vector<16xi32>
    %select_n3A = arith.select %eq3A_20, %get3A_6, %broadcast_in_dim3A : vector<16xi1>, vector<16xi32>
    %reduce_sum3A = arith.constant true
    %reduce_sum3A_21 = vector.broadcast %reduce_sum3A : i1 to vector<16xi1>
    %reduce_sum3A_22 = tpu.scan <sum>, %select_n3A masked %reduce_sum3A_21 : vector<16xi32>, vector<16xi1> -> vector<16xi32>
    %reduce_sum3A_23 = vector.extract %reduce_sum3A_22[15] : i32 from vector<16xi32>
    %mul3A_24 = arith.constant 5120 : i32
    %mul3A_25 = arith.muli %arg0, %mul3A_24 : i32
    %add3A_26 = arith.constant 127 : i32
    %add3A_27 = arith.addi %reduce_sum3A_23, %add3A_26 : i32
    %div3A = arith.constant 128 : i32
    %div3A_28 = arith.divsi %add3A_27, %div3A : i32
    %while3A = arith.constant 0 : i32
    %while3A_29 = arith.constant 0 : i32
    %while3A_30 = arith.subi %div3A_28, %while3A_29 : i32
    %while3A_31 = arith.addi %while3A_29, %while3A_30 : i32
    %while3A_32 = arith.constant 1 : i32
    %while3A_33 = arith.divsi %while3A_30, %while3A_32 : i32
    %while3A_34 = arith.muli %while3A_33, %while3A_32 : i32
    %while3A_35 = arith.addi %while3A_29, %while3A_34 : i32
    %while3A_36 = arith.constant 1 : i32
    scf.for %while3A_147 = %while3A_29 to %while3A_35 step %while3A_36  : i32 {
      %mul3A_148 = arith.constant 128 : i32
      %mul3A_149 = arith.muli %while3A_147, %mul3A_148 : i32
      "tpu.region"() ({
        %run_scoped3A = tpu.sem_alloc : memref<!tpu.dma_semaphore, #tpu.memory_space<semaphore_mem>>
        %dma_start3A_295 = tpu.memref_slice %arg2[%mul3A_19, %mul3A_17, %mul3A_149] : memref<32x4x10112xi32, #tpu.memory_space<hbm>> -> memref<1x1x128xi32, #tpu.memory_space<hbm>>
        %dma_start3A_296 = tpu.memref_squeeze %dma_start3A_295 : memref<1x1x128xi32, #tpu.memory_space<hbm>> -> memref<128xi32, #tpu.memory_space<hbm>>
        %dma_start3A_297 = tpu.memref_slice %arg2[%mul3A_19, %mul3A_17, %mul3A_149] : memref<32x4x10112xi32, #tpu.memory_space<hbm>> -> memref<1x1x128xi32, #tpu.memory_space<hbm>>
        %dma_start3A_298 = tpu.memref_squeeze %dma_start3A_297 : memref<1x1x128xi32, #tpu.memory_space<hbm>> -> memref<128xi32, #tpu.memory_space<hbm>>
        tpu.enqueue_dma source(%dma_start3A_298 : memref<128xi32, #tpu.memory_space<hbm>>) target(%arg7 : memref<128xi32, #tpu.memory_space<vmem>>) target_semaphore(%run_scoped3A : memref<!tpu.dma_semaphore, #tpu.memory_space<semaphore_mem>>)
        %dma_wait3A_299 = tpu.memref_slice %arg2[%mul3A_19, %mul3A_17, %mul3A_149] : memref<32x4x10112xi32, #tpu.memory_space<hbm>> -> memref<1x1x128xi32, #tpu.memory_space<hbm>>
        %dma_wait3A_300 = tpu.memref_squeeze %dma_wait3A_299 : memref<1x1x128xi32, #tpu.memory_space<hbm>> -> memref<128xi32, #tpu.memory_space<hbm>>
        %dma_wait3A_301 = tpu.memref_slice %arg2[%mul3A_19, %mul3A_17, %mul3A_149] : memref<32x4x10112xi32, #tpu.memory_space<hbm>> -> memref<1x1x128xi32, #tpu.memory_space<hbm>>
        %dma_wait3A_302 = tpu.memref_squeeze %dma_wait3A_301 : memref<1x1x128xi32, #tpu.memory_space<hbm>> -> memref<128xi32, #tpu.memory_space<hbm>>
        tpu.wait_dma2 semaphore(%run_scoped3A : memref<!tpu.dma_semaphore, #tpu.memory_space<semaphore_mem>>) src(%dma_wait3A_302 : memref<128xi32, #tpu.memory_space<hbm>>) dst(%arg7 : memref<128xi32, #tpu.memory_space<vmem>>)
        tpu.yield
      }) : () -> ()
      %get3A_150 = arith.constant 0 : index
      %get3A_151 = tpu.vector_load %arg7[%get3A_150] {strides = array<i32>} : memref<128xi32, #tpu.memory_space<vmem>>, vector<16xi32>,
      %and3A = arith.constant 16383 : i32
      %and3A_152 = vector.broadcast %and3A : i32 to vector<16xi32>
      %and3A_153 = arith.andi %get3A_151, %and3A_152 : vector<16xi32>
      %sub3A_154 = vector.broadcast %mul3A_25 : i32 to vector<16xi32>
      %sub3A_155 = arith.subi %and3A_153, %sub3A_154 : vector<16xi32>
      %swap3A = arith.constant 0 : index
      %swap3A_156 = tpu.vector_load %arg8[%swap3A] {strides = array<i32>} : memref<128xi32, #tpu.memory_space<vmem>>, vector<16xi32>,
      tpu.vector_store %arg8[%swap3A], %sub3A_155 {strides = array<i32>} : memref<128xi32, #tpu.memory_space<vmem>>, vector<16xi32>,
      %shift_right_logical3A = arith.constant 14 : i32
      %shift_right_logical3A_157 = vector.broadcast %shift_right_logical3A : i32 to vector<16xi32>
      %shift_right_logical3A_158 = arith.shrui %get3A_151, %shift_right_logical3A_157 : vector<16xi32>
      %mul3A_159 = arith.constant 5120 : i32
      %mul3A_160 = arith.muli %arg0, %mul3A_159 : i32
      %sub3A_161 = vector.broadcast %mul3A_160 : i32 to vector<16xi32>
      %sub3A_162 = arith.subi %shift_right_logical3A_158, %sub3A_161 : vector<16xi32>
      %swap3A_163 = arith.constant 0 : index
      %swap3A_164 = tpu.vector_load %arg9[%swap3A_163] {strides = array<i32>} : memref<128xi32, #tpu.memory_space<vmem>>, vector<16xi32>,
      tpu.vector_store %arg9[%swap3A_163], %sub3A_162 {strides = array<i32>} : memref<128xi32, #tpu.memory_space<vmem>>, vector<16xi32>,
      %get3A_165 = arith.constant 16 : index
      %get3A_166 = tpu.vector_load %arg7[%get3A_165] {strides = array<i32>} : memref<128xi32, #tpu.memory_space<vmem>>, vector<16xi32>,
      %and3A_167 = arith.constant 16383 : i32
      %and3A_168 = vector.broadcast %and3A_167 : i32 to vector<16xi32>
      %and3A_169 = arith.andi %get3A_166, %and3A_168 : vector<16xi32>
      %sub3A_170 = vector.broadcast %mul3A_25 : i32 to vector<16xi32>
      %sub3A_171 = arith.subi %and3A_169, %sub3A_170 : vector<16xi32>
      %swap3A_172 = arith.constant 16 : index
      %swap3A_173 = tpu.vector_load %arg8[%swap3A_172] {strides = array<i32>} : memref<128xi32, #tpu.memory_space<vmem>>, vector<16xi32>,
      tpu.vector_store %arg8[%swap3A_172], %sub3A_171 {strides = array<i32>} : memref<128xi32, #tpu.memory_space<vmem>>, vector<16xi32>,
      %shift_right_logical3A_174 = arith.constant 14 : i32
      %shift_right_logical3A_175 = vector.broadcast %shift_right_logical3A_174 : i32 to vector<16xi32>
      %shift_right_logical3A_176 = arith.shrui %get3A_166, %shift_right_logical3A_175 : vector<16xi32>
      %mul3A_177 = arith.constant 5120 : i32
      %mul3A_178 = arith.muli %arg0, %mul3A_177 : i32
      %sub3A_179 = vector.broadcast %mul3A_178 : i32 to vector<16xi32>
      %sub3A_180 = arith.subi %shift_right_logical3A_176, %sub3A_179 : vector<16xi32>
      %swap3A_181 = arith.constant 16 : index
      %swap3A_182 = tpu.vector_load %arg9[%swap3A_181] {strides = array<i32>} : memref<128xi32, #tpu.memory_space<vmem>>, vector<16xi32>,
      tpu.vector_store %arg9[%swap3A_181], %sub3A_180 {strides = array<i32>} : memref<128xi32, #tpu.memory_space<vmem>>, vector<16xi32>,
      %get3A_183 = arith.constant 32 : index
      %get3A_184 = tpu.vector_load %arg7[%get3A_183] {strides = array<i32>} : memref<128xi32, #tpu.memory_space<vmem>>, vector<16xi32>,
      %and3A_185 = arith.constant 16383 : i32
      %and3A_186 = vector.broadcast %and3A_185 : i32 to vector<16xi32>
      %and3A_187 = arith.andi %get3A_184, %and3A_186 : vector<16xi32>
      %sub3A_188 = vector.broadcast %mul3A_25 : i32 to vector<16xi32>
      %sub3A_189 = arith.subi %and3A_187, %sub3A_188 : vector<16xi32>
      %swap3A_190 = arith.constant 32 : index
      %swap3A_191 = tpu.vector_load %arg8[%swap3A_190] {strides = array<i32>} : memref<128xi32, #tpu.memory_space<vmem>>, vector<16xi32>,
      tpu.vector_store %arg8[%swap3A_190], %sub3A_189 {strides = array<i32>} : memref<128xi32, #tpu.memory_space<vmem>>, vector<16xi32>,
      %shift_right_logical3A_192 = arith.constant 14 : i32
      %shift_right_logical3A_193 = vector.broadcast %shift_right_logical3A_192 : i32 to vector<16xi32>
      %shift_right_logical3A_194 = arith.shrui %get3A_184, %shift_right_logical3A_193 : vector<16xi32>
      %mul3A_195 = arith.constant 5120 : i32
      %mul3A_196 = arith.muli %arg0, %mul3A_195 : i32
      %sub3A_197 = vector.broadcast %mul3A_196 : i32 to vector<16xi32>
      %sub3A_198 = arith.subi %shift_right_logical3A_194, %sub3A_197 : vector<16xi32>
      %swap3A_199 = arith.constant 32 : index
      %swap3A_200 = tpu.vector_load %arg9[%swap3A_199] {strides = array<i32>} : memref<128xi32, #tpu.memory_space<vmem>>, vector<16xi32>,
      tpu.vector_store %arg9[%swap3A_199], %sub3A_198 {strides = array<i32>} : memref<128xi32, #tpu.memory_space<vmem>>, vector<16xi32>,
      %get3A_201 = arith.constant 48 : index
      %get3A_202 = tpu.vector_load %arg7[%get3A_201] {strides = array<i32>} : memref<128xi32, #tpu.memory_space<vmem>>, vector<16xi32>,
      %and3A_203 = arith.constant 16383 : i32
      %and3A_204 = vector.broadcast %and3A_203 : i32 to vector<16xi32>
      %and3A_205 = arith.andi %get3A_202, %and3A_204 : vector<16xi32>
      %sub3A_206 = vector.broadcast %mul3A_25 : i32 to vector<16xi32>
      %sub3A_207 = arith.subi %and3A_205, %sub3A_206 : vector<16xi32>
      %swap3A_208 = arith.constant 48 : index
      %swap3A_209 = tpu.vector_load %arg8[%swap3A_208] {strides = array<i32>} : memref<128xi32, #tpu.memory_space<vmem>>, vector<16xi32>,
      tpu.vector_store %arg8[%swap3A_208], %sub3A_207 {strides = array<i32>} : memref<128xi32, #tpu.memory_space<vmem>>, vector<16xi32>,
      %shift_right_logical3A_210 = arith.constant 14 : i32
      %shift_right_logical3A_211 = vector.broadcast %shift_right_logical3A_210 : i32 to vector<16xi32>
      %shift_right_logical3A_212 = arith.shrui %get3A_202, %shift_right_logical3A_211 : vector<16xi32>
      %mul3A_213 = arith.constant 5120 : i32
      %mul3A_214 = arith.muli %arg0, %mul3A_213 : i32
      %sub3A_215 = vector.broadcast %mul3A_214 : i32 to vector<16xi32>
      %sub3A_216 = arith.subi %shift_right_logical3A_212, %sub3A_215 : vector<16xi32>
      %swap3A_217 = arith.constant 48 : index
      %swap3A_218 = tpu.vector_load %arg9[%swap3A_217] {strides = array<i32>} : memref<128xi32, #tpu.memory_space<vmem>>, vector<16xi32>,
      tpu.vector_store %arg9[%swap3A_217], %sub3A_216 {strides = array<i32>} : memref<128xi32, #tpu.memory_space<vmem>>, vector<16xi32>,
      %get3A_219 = arith.constant 64 : index
      %get3A_220 = tpu.vector_load %arg7[%get3A_219] {strides = array<i32>} : memref<128xi32, #tpu.memory_space<vmem>>, vector<16xi32>,
      %and3A_221 = arith.constant 16383 : i32
      %and3A_222 = vector.broadcast %and3A_221 : i32 to vector<16xi32>
      %and3A_223 = arith.andi %get3A_220, %and3A_222 : vector<16xi32>
      %sub3A_224 = vector.broadcast %mul3A_25 : i32 to vector<16xi32>
      %sub3A_225 = arith.subi %and3A_223, %sub3A_224 : vector<16xi32>
      %swap3A_226 = arith.constant 64 : index
      %swap3A_227 = tpu.vector_load %arg8[%swap3A_226] {strides = array<i32>} : memref<128xi32, #tpu.memory_space<vmem>>, vector<16xi32>,
      tpu.vector_store %arg8[%swap3A_226], %sub3A_225 {strides = array<i32>} : memref<128xi32, #tpu.memory_space<vmem>>, vector<16xi32>,
      %shift_right_logical3A_228 = arith.constant 14 : i32
      %shift_right_logical3A_229 = vector.broadcast %shift_right_logical3A_228 : i32 to vector<16xi32>
      %shift_right_logical3A_230 = arith.shrui %get3A_220, %shift_right_logical3A_229 : vector<16xi32>
      %mul3A_231 = arith.constant 5120 : i32
      %mul3A_232 = arith.muli %arg0, %mul3A_231 : i32
      %sub3A_233 = vector.broadcast %mul3A_232 : i32 to vector<16xi32>
      %sub3A_234 = arith.subi %shift_right_logical3A_230, %sub3A_233 : vector<16xi32>
      %swap3A_235 = arith.constant 64 : index
      %swap3A_236 = tpu.vector_load %arg9[%swap3A_235] {strides = array<i32>} : memref<128xi32, #tpu.memory_space<vmem>>, vector<16xi32>,
      tpu.vector_store %arg9[%swap3A_235], %sub3A_234 {strides = array<i32>} : memref<128xi32, #tpu.memory_space<vmem>>, vector<16xi32>,
      %get3A_237 = arith.constant 80 : index
      %get3A_238 = tpu.vector_load %arg7[%get3A_237] {strides = array<i32>} : memref<128xi32, #tpu.memory_space<vmem>>, vector<16xi32>,
      %and3A_239 = arith.constant 16383 : i32
      %and3A_240 = vector.broadcast %and3A_239 : i32 to vector<16xi32>
      %and3A_241 = arith.andi %get3A_238, %and3A_240 : vector<16xi32>
      %sub3A_242 = vector.broadcast %mul3A_25 : i32 to vector<16xi32>
      %sub3A_243 = arith.subi %and3A_241, %sub3A_242 : vector<16xi32>
      %swap3A_244 = arith.constant 80 : index
      %swap3A_245 = tpu.vector_load %arg8[%swap3A_244] {strides = array<i32>} : memref<128xi32, #tpu.memory_space<vmem>>, vector<16xi32>,
      tpu.vector_store %arg8[%swap3A_244], %sub3A_243 {strides = array<i32>} : memref<128xi32, #tpu.memory_space<vmem>>, vector<16xi32>,
      %shift_right_logical3A_246 = arith.constant 14 : i32
      %shift_right_logical3A_247 = vector.broadcast %shift_right_logical3A_246 : i32 to vector<16xi32>
      %shift_right_logical3A_248 = arith.shrui %get3A_238, %shift_right_logical3A_247 : vector<16xi32>
      %mul3A_249 = arith.constant 5120 : i32
      %mul3A_250 = arith.muli %arg0, %mul3A_249 : i32
      %sub3A_251 = vector.broadcast %mul3A_250 : i32 to vector<16xi32>
      %sub3A_252 = arith.subi %shift_right_logical3A_248, %sub3A_251 : vector<16xi32>
      %swap3A_253 = arith.constant 80 : index
      %swap3A_254 = tpu.vector_load %arg9[%swap3A_253] {strides = array<i32>} : memref<128xi32, #tpu.memory_space<vmem>>, vector<16xi32>,
      tpu.vector_store %arg9[%swap3A_253], %sub3A_252 {strides = array<i32>} : memref<128xi32, #tpu.memory_space<vmem>>, vector<16xi32>,
      %get3A_255 = arith.constant 96 : index
      %get3A_256 = tpu.vector_load %arg7[%get3A_255] {strides = array<i32>} : memref<128xi32, #tpu.memory_space<vmem>>, vector<16xi32>,
      %and3A_257 = arith.constant 16383 : i32
      %and3A_258 = vector.broadcast %and3A_257 : i32 to vector<16xi32>
      %and3A_259 = arith.andi %get3A_256, %and3A_258 : vector<16xi32>
      %sub3A_260 = vector.broadcast %mul3A_25 : i32 to vector<16xi32>
      %sub3A_261 = arith.subi %and3A_259, %sub3A_260 : vector<16xi32>
      %swap3A_262 = arith.constant 96 : index
      %swap3A_263 = tpu.vector_load %arg8[%swap3A_262] {strides = array<i32>} : memref<128xi32, #tpu.memory_space<vmem>>, vector<16xi32>,
      tpu.vector_store %arg8[%swap3A_262], %sub3A_261 {strides = array<i32>} : memref<128xi32, #tpu.memory_space<vmem>>, vector<16xi32>,
      %shift_right_logical3A_264 = arith.constant 14 : i32
      %shift_right_logical3A_265 = vector.broadcast %shift_right_logical3A_264 : i32 to vector<16xi32>
      %shift_right_logical3A_266 = arith.shrui %get3A_256, %shift_right_logical3A_265 : vector<16xi32>
      %mul3A_267 = arith.constant 5120 : i32
      %mul3A_268 = arith.muli %arg0, %mul3A_267 : i32
      %sub3A_269 = vector.broadcast %mul3A_268 : i32 to vector<16xi32>
      %sub3A_270 = arith.subi %shift_right_logical3A_266, %sub3A_269 : vector<16xi32>
      %swap3A_271 = arith.constant 96 : index
      %swap3A_272 = tpu.vector_load %arg9[%swap3A_271] {strides = array<i32>} : memref<128xi32, #tpu.memory_space<vmem>>, vector<16xi32>,
      tpu.vector_store %arg9[%swap3A_271], %sub3A_270 {strides = array<i32>} : memref<128xi32, #tpu.memory_space<vmem>>, vector<16xi32>,
      %get3A_273 = arith.constant 112 : index
      %get3A_274 = tpu.vector_load %arg7[%get3A_273] {strides = array<i32>} : memref<128xi32, #tpu.memory_space<vmem>>, vector<16xi32>,
      %and3A_275 = arith.constant 16383 : i32
      %and3A_276 = vector.broadcast %and3A_275 : i32 to vector<16xi32>
      %and3A_277 = arith.andi %get3A_274, %and3A_276 : vector<16xi32>
      %sub3A_278 = vector.broadcast %mul3A_25 : i32 to vector<16xi32>
      %sub3A_279 = arith.subi %and3A_277, %sub3A_278 : vector<16xi32>
      %swap3A_280 = arith.constant 112 : index
      %swap3A_281 = tpu.vector_load %arg8[%swap3A_280] {strides = array<i32>} : memref<128xi32, #tpu.memory_space<vmem>>, vector<16xi32>,
      tpu.vector_store %arg8[%swap3A_280], %sub3A_279 {strides = array<i32>} : memref<128xi32, #tpu.memory_space<vmem>>, vector<16xi32>,
      %shift_right_logical3A_282 = arith.constant 14 : i32
      %shift_right_logical3A_283 = vector.broadcast %shift_right_logical3A_282 : i32 to vector<16xi32>
      %shift_right_logical3A_284 = arith.shrui %get3A_274, %shift_right_logical3A_283 : vector<16xi32>
      %mul3A_285 = arith.constant 5120 : i32
      %mul3A_286 = arith.muli %arg0, %mul3A_285 : i32
      %sub3A_287 = vector.broadcast %mul3A_286 : i32 to vector<16xi32>
      %sub3A_288 = arith.subi %shift_right_logical3A_284, %sub3A_287 : vector<16xi32>
      %swap3A_289 = arith.constant 112 : index
      %swap3A_290 = tpu.vector_load %arg9[%swap3A_289] {strides = array<i32>} : memref<128xi32, #tpu.memory_space<vmem>>, vector<16xi32>,
      tpu.vector_store %arg9[%swap3A_289], %sub3A_288 {strides = array<i32>} : memref<128xi32, #tpu.memory_space<vmem>>, vector<16xi32>,
      %dma_start3A = arith.constant 0 : i32
      %dma_start3A_291 = arith.constant 0 : i32
      %dma_start3A_292 = tpu.memref_slice %arg14[%dma_start3A, %dma_start3A_291] : memref<5120x128xf32, #tpu.memory_space<vmem_shared>> -> memref<5120x128xf32, #tpu.memory_space<vmem_shared>>
      tpu.enqueue_indirect_dma source(%dma_start3A_292 : memref<5120x128xf32, #tpu.memory_space<vmem_shared>>) target(%arg10 : memref<128x128xf32, #tpu.memory_space<vmem>>) offsets(%arg8 : memref<128xi32, #tpu.memory_space<vmem>>) semaphore(%arg13 : memref<!tpu.dma_semaphore, #tpu.memory_space<semaphore_mem>>)
      %dma_wait3A = arith.constant 0 : i32
      %dma_wait3A_293 = arith.constant 0 : i32
      %dma_wait3A_294 = tpu.memref_slice %arg14[%dma_wait3A, %dma_wait3A_293] : memref<5120x128xf32, #tpu.memory_space<vmem_shared>> -> memref<5120x128xf32, #tpu.memory_space<vmem_shared>>
      tpu.wait_indirect_dma semaphore(%arg13 : memref<!tpu.dma_semaphore, #tpu.memory_space<semaphore_mem>>) src(%dma_wait3A_294 : memref<5120x128xf32, #tpu.memory_space<vmem_shared>>) dst(%arg10 : memref<128x128xf32, #tpu.memory_space<vmem>>)
      "tpu.region"() ({
        %run_scoped3A = tpu.sem_alloc : memref<!tpu.dma_semaphore, #tpu.memory_space<semaphore_mem>>
        %dma_start3A_295 = arith.constant 0 : i32
        %dma_start3A_296 = arith.constant 0 : i32
        %dma_start3A_297 = tpu.memref_slice %arg15[%dma_start3A_295, %dma_start3A_296] : memref<5632x128xf32, #tpu.memory_space<vmem_shared>> -> memref<5632x128xf32, #tpu.memory_space<vmem_shared>>
        tpu.enqueue_indirect_dma source(%arg10 : memref<128x128xf32, #tpu.memory_space<vmem>>) target(%dma_start3A_297 : memref<5632x128xf32, #tpu.memory_space<vmem_shared>>) offsets(%arg9 : memref<128xi32, #tpu.memory_space<vmem>>) semaphore(%run_scoped3A : memref<!tpu.dma_semaphore, #tpu.memory_space<semaphore_mem>>) {add = true}
        %dma_wait3A_298 = arith.constant 0 : i32
        %dma_wait3A_299 = arith.constant 0 : i32
        %dma_wait3A_300 = tpu.memref_slice %arg15[%dma_wait3A_298, %dma_wait3A_299] : memref<5632x128xf32, #tpu.memory_space<vmem_shared>> -> memref<5632x128xf32, #tpu.memory_space<vmem_shared>>
        tpu.wait_indirect_dma semaphore(%run_scoped3A : memref<!tpu.dma_semaphore, #tpu.memory_space<semaphore_mem>>) src(%arg10 : memref<128x128xf32, #tpu.memory_space<vmem>>) dst(%dma_wait3A_300 : memref<5632x128xf32, #tpu.memory_space<vmem_shared>>)
        tpu.yield
      }) : () -> ()
    }
    %while3A_37 = arith.constant 1 : i32
    scf.for %while3A_147 = %while3A_35 to %while3A_31 step %while3A_37  : i32 {
      %mul3A_148 = arith.constant 128 : i32
      %mul3A_149 = arith.muli %while3A_147, %mul3A_148 : i32
      "tpu.region"() ({
        %run_scoped3A = tpu.sem_alloc : memref<!tpu.dma_semaphore, #tpu.memory_space<semaphore_mem>>
        %dma_start3A_295 = tpu.memref_slice %arg2[%mul3A_19, %mul3A_17, %mul3A_149] : memref<32x4x10112xi32, #tpu.memory_space<hbm>> -> memref<1x1x128xi32, #tpu.memory_space<hbm>>
        %dma_start3A_296 = tpu.memref_squeeze %dma_start3A_295 : memref<1x1x128xi32, #tpu.memory_space<hbm>> -> memref<128xi32, #tpu.memory_space<hbm>>
        %dma_start3A_297 = tpu.memref_slice %arg2[%mul3A_19, %mul3A_17, %mul3A_149] : memref<32x4x10112xi32, #tpu.memory_space<hbm>> -> memref<1x1x128xi32, #tpu.memory_space<hbm>>
        %dma_start3A_298 = tpu.memref_squeeze %dma_start3A_297 : memref<1x1x128xi32, #tpu.memory_space<hbm>> -> memref<128xi32, #tpu.memory_space<hbm>>
        tpu.enqueue_dma source(%dma_start3A_298 : memref<128xi32, #tpu.memory_space<hbm>>) target(%arg7 : memref<128xi32, #tpu.memory_space<vmem>>) target_semaphore(%run_scoped3A : memref<!tpu.dma_semaphore, #tpu.memory_space<semaphore_mem>>)
        %dma_wait3A_299 = tpu.memref_slice %arg2[%mul3A_19, %mul3A_17, %mul3A_149] : memref<32x4x10112xi32, #tpu.memory_space<hbm>> -> memref<1x1x128xi32, #tpu.memory_space<hbm>>
        %dma_wait3A_300 = tpu.memref_squeeze %dma_wait3A_299 : memref<1x1x128xi32, #tpu.memory_space<hbm>> -> memref<128xi32, #tpu.memory_space<hbm>>
        %dma_wait3A_301 = tpu.memref_slice %arg2[%mul3A_19, %mul3A_17, %mul3A_149] : memref<32x4x10112xi32, #tpu.memory_space<hbm>> -> memref<1x1x128xi32, #tpu.memory_space<hbm>>
        %dma_wait3A_302 = tpu.memref_squeeze %dma_wait3A_301 : memref<1x1x128xi32, #tpu.memory_space<hbm>> -> memref<128xi32, #tpu.memory_space<hbm>>
        tpu.wait_dma2 semaphore(%run_scoped3A : memref<!tpu.dma_semaphore, #tpu.memory_space<semaphore_mem>>) src(%dma_wait3A_302 : memref<128xi32, #tpu.memory_space<hbm>>) dst(%arg7 : memref<128xi32, #tpu.memory_space<vmem>>)
        tpu.yield
      }) : () -> ()
      %get3A_150 = arith.constant 0 : index
      %get3A_151 = tpu.vector_load %arg7[%get3A_150] {strides = array<i32>} : memref<128xi32, #tpu.memory_space<vmem>>, vector<16xi32>,
      %and3A = arith.constant 16383 : i32
      %and3A_152 = vector.broadcast %and3A : i32 to vector<16xi32>
      %and3A_153 = arith.andi %get3A_151, %and3A_152 : vector<16xi32>
      %sub3A_154 = vector.broadcast %mul3A_25 : i32 to vector<16xi32>
      %sub3A_155 = arith.subi %and3A_153, %sub3A_154 : vector<16xi32>
      %swap3A = arith.constant 0 : index
      %swap3A_156 = tpu.vector_load %arg8[%swap3A] {strides = array<i32>} : memref<128xi32, #tpu.memory_space<vmem>>, vector<16xi32>,
      tpu.vector_store %arg8[%swap3A], %sub3A_155 {strides = array<i32>} : memref<128xi32, #tpu.memory_space<vmem>>, vector<16xi32>,
      %shift_right_logical3A = arith.constant 14 : i32
      %shift_right_logical3A_157 = vector.broadcast %shift_right_logical3A : i32 to vector<16xi32>
      %shift_right_logical3A_158 = arith.shrui %get3A_151, %shift_right_logical3A_157 : vector<16xi32>
      %mul3A_159 = arith.constant 5120 : i32
      %mul3A_160 = arith.muli %arg0, %mul3A_159 : i32
      %sub3A_161 = vector.broadcast %mul3A_160 : i32 to vector<16xi32>
      %sub3A_162 = arith.subi %shift_right_logical3A_158, %sub3A_161 : vector<16xi32>
      %swap3A_163 = arith.constant 0 : index
      %swap3A_164 = tpu.vector_load %arg9[%swap3A_163] {strides = array<i32>} : memref<128xi32, #tpu.memory_space<vmem>>, vector<16xi32>,
      tpu.vector_store %arg9[%swap3A_163], %sub3A_162 {strides = array<i32>} : memref<128xi32, #tpu.memory_space<vmem>>, vector<16xi32>,
      %get3A_165 = arith.constant 16 : index
      %get3A_166 = tpu.vector_load %arg7[%get3A_165] {strides = array<i32>} : memref<128xi32, #tpu.memory_space<vmem>>, vector<16xi32>,
      %and3A_167 = arith.constant 16383 : i32
      %and3A_168 = vector.broadcast %and3A_167 : i32 to vector<16xi32>
      %and3A_169 = arith.andi %get3A_166, %and3A_168 : vector<16xi32>
      %sub3A_170 = vector.broadcast %mul3A_25 : i32 to vector<16xi32>
      %sub3A_171 = arith.subi %and3A_169, %sub3A_170 : vector<16xi32>
      %swap3A_172 = arith.constant 16 : index
      %swap3A_173 = tpu.vector_load %arg8[%swap3A_172] {strides = array<i32>} : memref<128xi32, #tpu.memory_space<vmem>>, vector<16xi32>,
      tpu.vector_store %arg8[%swap3A_172], %sub3A_171 {strides = array<i32>} : memref<128xi32, #tpu.memory_space<vmem>>, vector<16xi32>,
      %shift_right_logical3A_174 = arith.constant 14 : i32
      %shift_right_logical3A_175 = vector.broadcast %shift_right_logical3A_174 : i32 to vector<16xi32>
      %shift_right_logical3A_176 = arith.shrui %get3A_166, %shift_right_logical3A_175 : vector<16xi32>
      %mul3A_177 = arith.constant 5120 : i32
      %mul3A_178 = arith.muli %arg0, %mul3A_177 : i32
      %sub3A_179 = vector.broadcast %mul3A_178 : i32 to vector<16xi32>
      %sub3A_180 = arith.subi %shift_right_logical3A_176, %sub3A_179 : vector<16xi32>
      %swap3A_181 = arith.constant 16 : index
      %swap3A_182 = tpu.vector_load %arg9[%swap3A_181] {strides = array<i32>} : memref<128xi32, #tpu.memory_space<vmem>>, vector<16xi32>,
      tpu.vector_store %arg9[%swap3A_181], %sub3A_180 {strides = array<i32>} : memref<128xi32, #tpu.memory_space<vmem>>, vector<16xi32>,
      %get3A_183 = arith.constant 32 : index
      %get3A_184 = tpu.vector_load %arg7[%get3A_183] {strides = array<i32>} : memref<128xi32, #tpu.memory_space<vmem>>, vector<16xi32>,
      %and3A_185 = arith.constant 16383 : i32
      %and3A_186 = vector.broadcast %and3A_185 : i32 to vector<16xi32>
      %and3A_187 = arith.andi %get3A_184, %and3A_186 : vector<16xi32>
      %sub3A_188 = vector.broadcast %mul3A_25 : i32 to vector<16xi32>
      %sub3A_189 = arith.subi %and3A_187, %sub3A_188 : vector<16xi32>
      %swap3A_190 = arith.constant 32 : index
      %swap3A_191 = tpu.vector_load %arg8[%swap3A_190] {strides = array<i32>} : memref<128xi32, #tpu.memory_space<vmem>>, vector<16xi32>,
      tpu.vector_store %arg8[%swap3A_190], %sub3A_189 {strides = array<i32>} : memref<128xi32, #tpu.memory_space<vmem>>, vector<16xi32>,
      %shift_right_logical3A_192 = arith.constant 14 : i32
      %shift_right_logical3A_193 = vector.broadcast %shift_right_logical3A_192 : i32 to vector<16xi32>
      %shift_right_logical3A_194 = arith.shrui %get3A_184, %shift_right_logical3A_193 : vector<16xi32>
      %mul3A_195 = arith.constant 5120 : i32
      %mul3A_196 = arith.muli %arg0, %mul3A_195 : i32
      %sub3A_197 = vector.broadcast %mul3A_196 : i32 to vector<16xi32>
      %sub3A_198 = arith.subi %shift_right_logical3A_194, %sub3A_197 : vector<16xi32>
      %swap3A_199 = arith.constant 32 : index
      %swap3A_200 = tpu.vector_load %arg9[%swap3A_199] {strides = array<i32>} : memref<128xi32, #tpu.memory_space<vmem>>, vector<16xi32>,
      tpu.vector_store %arg9[%swap3A_199], %sub3A_198 {strides = array<i32>} : memref<128xi32, #tpu.memory_space<vmem>>, vector<16xi32>,
      %get3A_201 = arith.constant 48 : index
      %get3A_202 = tpu.vector_load %arg7[%get3A_201] {strides = array<i32>} : memref<128xi32, #tpu.memory_space<vmem>>, vector<16xi32>,
      %and3A_203 = arith.constant 16383 : i32
      %and3A_204 = vector.broadcast %and3A_203 : i32 to vector<16xi32>
      %and3A_205 = arith.andi %get3A_202, %and3A_204 : vector<16xi32>
      %sub3A_206 = vector.broadcast %mul3A_25 : i32 to vector<16xi32>
      %sub3A_207 = arith.subi %and3A_205, %sub3A_206 : vector<16xi32>
      %swap3A_208 = arith.constant 48 : index
      %swap3A_209 = tpu.vector_load %arg8[%swap3A_208] {strides = array<i32>} : memref<128xi32, #tpu.memory_space<vmem>>, vector<16xi32>,
      tpu.vector_store %arg8[%swap3A_208], %sub3A_207 {strides = array<i32>} : memref<128xi32, #tpu.memory_space<vmem>>, vector<16xi32>,
      %shift_right_logical3A_210 = arith.constant 14 : i32
      %shift_right_logical3A_211 = vector.broadcast %shift_right_logical3A_210 : i32 to vector<16xi32>
      %shift_right_logical3A_212 = arith.shrui %get3A_202, %shift_right_logical3A_211 : vector<16xi32>
      %mul3A_213 = arith.constant 5120 : i32
      %mul3A_214 = arith.muli %arg0, %mul3A_213 : i32
      %sub3A_215 = vector.broadcast %mul3A_214 : i32 to vector<16xi32>
      %sub3A_216 = arith.subi %shift_right_logical3A_212, %sub3A_215 : vector<16xi32>
      %swap3A_217 = arith.constant 48 : index
      %swap3A_218 = tpu.vector_load %arg9[%swap3A_217] {strides = array<i32>} : memref<128xi32, #tpu.memory_space<vmem>>, vector<16xi32>,
      tpu.vector_store %arg9[%swap3A_217], %sub3A_216 {strides = array<i32>} : memref<128xi32, #tpu.memory_space<vmem>>, vector<16xi32>,
      %get3A_219 = arith.constant 64 : index
      %get3A_220 = tpu.vector_load %arg7[%get3A_219] {strides = array<i32>} : memref<128xi32, #tpu.memory_space<vmem>>, vector<16xi32>,
      %and3A_221 = arith.constant 16383 : i32
      %and3A_222 = vector.broadcast %and3A_221 : i32 to vector<16xi32>
      %and3A_223 = arith.andi %get3A_220, %and3A_222 : vector<16xi32>
      %sub3A_224 = vector.broadcast %mul3A_25 : i32 to vector<16xi32>
      %sub3A_225 = arith.subi %and3A_223, %sub3A_224 : vector<16xi32>
      %swap3A_226 = arith.constant 64 : index
      %swap3A_227 = tpu.vector_load %arg8[%swap3A_226] {strides = array<i32>} : memref<128xi32, #tpu.memory_space<vmem>>, vector<16xi32>,
      tpu.vector_store %arg8[%swap3A_226], %sub3A_225 {strides = array<i32>} : memref<128xi32, #tpu.memory_space<vmem>>, vector<16xi32>,
      %shift_right_logical3A_228 = arith.constant 14 : i32
      %shift_right_logical3A_229 = vector.broadcast %shift_right_logical3A_228 : i32 to vector<16xi32>
      %shift_right_logical3A_230 = arith.shrui %get3A_220, %shift_right_logical3A_229 : vector<16xi32>
      %mul3A_231 = arith.constant 5120 : i32
      %mul3A_232 = arith.muli %arg0, %mul3A_231 : i32
      %sub3A_233 = vector.broadcast %mul3A_232 : i32 to vector<16xi32>
      %sub3A_234 = arith.subi %shift_right_logical3A_230, %sub3A_233 : vector<16xi32>
      %swap3A_235 = arith.constant 64 : index
      %swap3A_236 = tpu.vector_load %arg9[%swap3A_235] {strides = array<i32>} : memref<128xi32, #tpu.memory_space<vmem>>, vector<16xi32>,
      tpu.vector_store %arg9[%swap3A_235], %sub3A_234 {strides = array<i32>} : memref<128xi32, #tpu.memory_space<vmem>>, vector<16xi32>,
      %get3A_237 = arith.constant 80 : index
      %get3A_238 = tpu.vector_load %arg7[%get3A_237] {strides = array<i32>} : memref<128xi32, #tpu.memory_space<vmem>>, vector<16xi32>,
      %and3A_239 = arith.constant 16383 : i32
      %and3A_240 = vector.broadcast %and3A_239 : i32 to vector<16xi32>
      %and3A_241 = arith.andi %get3A_238, %and3A_240 : vector<16xi32>
      %sub3A_242 = vector.broadcast %mul3A_25 : i32 to vector<16xi32>
      %sub3A_243 = arith.subi %and3A_241, %sub3A_242 : vector<16xi32>
      %swap3A_244 = arith.constant 80 : index
      %swap3A_245 = tpu.vector_load %arg8[%swap3A_244] {strides = array<i32>} : memref<128xi32, #tpu.memory_space<vmem>>, vector<16xi32>,
      tpu.vector_store %arg8[%swap3A_244], %sub3A_243 {strides = array<i32>} : memref<128xi32, #tpu.memory_space<vmem>>, vector<16xi32>,
      %shift_right_logical3A_246 = arith.constant 14 : i32
      %shift_right_logical3A_247 = vector.broadcast %shift_right_logical3A_246 : i32 to vector<16xi32>
      %shift_right_logical3A_248 = arith.shrui %get3A_238, %shift_right_logical3A_247 : vector<16xi32>
      %mul3A_249 = arith.constant 5120 : i32
      %mul3A_250 = arith.muli %arg0, %mul3A_249 : i32
      %sub3A_251 = vector.broadcast %mul3A_250 : i32 to vector<16xi32>
      %sub3A_252 = arith.subi %shift_right_logical3A_248, %sub3A_251 : vector<16xi32>
      %swap3A_253 = arith.constant 80 : index
      %swap3A_254 = tpu.vector_load %arg9[%swap3A_253] {strides = array<i32>} : memref<128xi32, #tpu.memory_space<vmem>>, vector<16xi32>,
      tpu.vector_store %arg9[%swap3A_253], %sub3A_252 {strides = array<i32>} : memref<128xi32, #tpu.memory_space<vmem>>, vector<16xi32>,
      %get3A_255 = arith.constant 96 : index
      %get3A_256 = tpu.vector_load %arg7[%get3A_255] {strides = array<i32>} : memref<128xi32, #tpu.memory_space<vmem>>, vector<16xi32>,
      %and3A_257 = arith.constant 16383 : i32
      %and3A_258 = vector.broadcast %and3A_257 : i32 to vector<16xi32>
      %and3A_259 = arith.andi %get3A_256, %and3A_258 : vector<16xi32>
      %sub3A_260 = vector.broadcast %mul3A_25 : i32 to vector<16xi32>
      %sub3A_261 = arith.subi %and3A_259, %sub3A_260 : vector<16xi32>
      %swap3A_262 = arith.constant 96 : index
      %swap3A_263 = tpu.vector_load %arg8[%swap3A_262] {strides = array<i32>} : memref<128xi32, #tpu.memory_space<vmem>>, vector<16xi32>,
      tpu.vector_store %arg8[%swap3A_262], %sub3A_261 {strides = array<i32>} : memref<128xi32, #tpu.memory_space<vmem>>, vector<16xi32>,
      %shift_right_logical3A_264 = arith.constant 14 : i32
      %shift_right_logical3A_265 = vector.broadcast %shift_right_logical3A_264 : i32 to vector<16xi32>
      %shift_right_logical3A_266 = arith.shrui %get3A_256, %shift_right_logical3A_265 : vector<16xi32>
      %mul3A_267 = arith.constant 5120 : i32
      %mul3A_268 = arith.muli %arg0, %mul3A_267 : i32
      %sub3A_269 = vector.broadcast %mul3A_268 : i32 to vector<16xi32>
      %sub3A_270 = arith.subi %shift_right_logical3A_266, %sub3A_269 : vector<16xi32>
      %swap3A_271 = arith.constant 96 : index
      %swap3A_272 = tpu.vector_load %arg9[%swap3A_271] {strides = array<i32>} : memref<128xi32, #tpu.memory_space<vmem>>, vector<16xi32>,
      tpu.vector_store %arg9[%swap3A_271], %sub3A_270 {strides = array<i32>} : memref<128xi32, #tpu.memory_space<vmem>>, vector<16xi32>,
      %get3A_273 = arith.constant 112 : index
      %get3A_274 = tpu.vector_load %arg7[%get3A_273] {strides = array<i32>} : memref<128xi32, #tpu.memory_space<vmem>>, vector<16xi32>,
      %and3A_275 = arith.constant 16383 : i32
      %and3A_276 = vector.broadcast %and3A_275 : i32 to vector<16xi32>
      %and3A_277 = arith.andi %get3A_274, %and3A_276 : vector<16xi32>
      %sub3A_278 = vector.broadcast %mul3A_25 : i32 to vector<16xi32>
      %sub3A_279 = arith.subi %and3A_277, %sub3A_278 : vector<16xi32>
      %swap3A_280 = arith.constant 112 : index
      %swap3A_281 = tpu.vector_load %arg8[%swap3A_280] {strides = array<i32>} : memref<128xi32, #tpu.memory_space<vmem>>, vector<16xi32>,
      tpu.vector_store %arg8[%swap3A_280], %sub3A_279 {strides = array<i32>} : memref<128xi32, #tpu.memory_space<vmem>>, vector<16xi32>,
      %shift_right_logical3A_282 = arith.constant 14 : i32
      %shift_right_logical3A_283 = vector.broadcast %shift_right_logical3A_282 : i32 to vector<16xi32>
      %shift_right_logical3A_284 = arith.shrui %get3A_274, %shift_right_logical3A_283 : vector<16xi32>
      %mul3A_285 = arith.constant 5120 : i32
      %mul3A_286 = arith.muli %arg0, %mul3A_285 : i32
      %sub3A_287 = vector.broadcast %mul3A_286 : i32 to vector<16xi32>
      %sub3A_288 = arith.subi %shift_right_logical3A_284, %sub3A_287 : vector<16xi32>
      %swap3A_289 = arith.constant 112 : index
      %swap3A_290 = tpu.vector_load %arg9[%swap3A_289] {strides = array<i32>} : memref<128xi32, #tpu.memory_space<vmem>>, vector<16xi32>,
      tpu.vector_store %arg9[%swap3A_289], %sub3A_288 {strides = array<i32>} : memref<128xi32, #tpu.memory_space<vmem>>, vector<16xi32>,
      %dma_start3A = arith.constant 0 : i32
      %dma_start3A_291 = arith.constant 0 : i32
      %dma_start3A_292 = tpu.memref_slice %arg14[%dma_start3A, %dma_start3A_291] : memref<5120x128xf32, #tpu.memory_space<vmem_shared>> -> memref<5120x128xf32, #tpu.memory_space<vmem_shared>>
      tpu.enqueue_indirect_dma source(%dma_start3A_292 : memref<5120x128xf32, #tpu.memory_space<vmem_shared>>) target(%arg10 : memref<128x128xf32, #tpu.memory_space<vmem>>) offsets(%arg8 : memref<128xi32, #tpu.memory_space<vmem>>) semaphore(%arg13 : memref<!tpu.dma_semaphore, #tpu.memory_space<semaphore_mem>>)
      %dma_wait3A = arith.constant 0 : i32
      %dma_wait3A_293 = arith.constant 0 : i32
      %dma_wait3A_294 = tpu.memref_slice %arg14[%dma_wait3A, %dma_wait3A_293] : memref<5120x128xf32, #tpu.memory_space<vmem_shared>> -> memref<5120x128xf32, #tpu.memory_space<vmem_shared>>
      tpu.wait_indirect_dma semaphore(%arg13 : memref<!tpu.dma_semaphore, #tpu.memory_space<semaphore_mem>>) src(%dma_wait3A_294 : memref<5120x128xf32, #tpu.memory_space<vmem_shared>>) dst(%arg10 : memref<128x128xf32, #tpu.memory_space<vmem>>)
      "tpu.region"() ({
        %run_scoped3A = tpu.sem_alloc : memref<!tpu.dma_semaphore, #tpu.memory_space<semaphore_mem>>
        %dma_start3A_295 = arith.constant 0 : i32
        %dma_start3A_296 = arith.constant 0 : i32
        %dma_start3A_297 = tpu.memref_slice %arg15[%dma_start3A_295, %dma_start3A_296] : memref<5632x128xf32, #tpu.memory_space<vmem_shared>> -> memref<5632x128xf32, #tpu.memory_space<vmem_shared>>
        tpu.enqueue_indirect_dma source(%arg10 : memref<128x128xf32, #tpu.memory_space<vmem>>) target(%dma_start3A_297 : memref<5632x128xf32, #tpu.memory_space<vmem_shared>>) offsets(%arg9 : memref<128xi32, #tpu.memory_space<vmem>>) semaphore(%run_scoped3A : memref<!tpu.dma_semaphore, #tpu.memory_space<semaphore_mem>>) {add = true}
        %dma_wait3A_298 = arith.constant 0 : i32
        %dma_wait3A_299 = arith.constant 0 : i32
        %dma_wait3A_300 = tpu.memref_slice %arg15[%dma_wait3A_298, %dma_wait3A_299] : memref<5632x128xf32, #tpu.memory_space<vmem_shared>> -> memref<5632x128xf32, #tpu.memory_space<vmem_shared>>
        tpu.wait_indirect_dma semaphore(%run_scoped3A : memref<!tpu.dma_semaphore, #tpu.memory_space<semaphore_mem>>) src(%arg10 : memref<128x128xf32, #tpu.memory_space<vmem>>) dst(%dma_wait3A_300 : memref<5632x128xf32, #tpu.memory_space<vmem_shared>>)
        tpu.yield
      }) : () -> ()
    }
    %mul3A_38 = arith.constant 2 : i32
    %mul3A_39 = arith.muli %mul3A_38, %arg1 : i32
    %add3A_40 = arith.constant 1 : i32
    %add3A_41 = arith.addi %mul3A_39, %add3A_40 : i32
    %eq3A_42 = vector.broadcast %mul3A_17 : i32 to vector<16xi32>
    %eq3A_43 = arith.cmpi eq, %iota3A, %eq3A_42 : vector<16xi32>
    %jit3A_44 = arith.constant 0 : i32
    %broadcast_in_dim3A_45 = vector.broadcast %jit3A_44 : i32 to vector<16xi32>
    %select_n3A_46 = arith.select %eq3A_43, %get3A_8, %broadcast_in_dim3A_45 : vector<16xi1>, vector<16xi32>
    %reduce_sum3A_47 = arith.constant true
    %reduce_sum3A_48 = vector.broadcast %reduce_sum3A_47 : i1 to vector<16xi1>
    %reduce_sum3A_49 = tpu.scan <sum>, %select_n3A_46 masked %reduce_sum3A_48 : vector<16xi32>, vector<16xi1> -> vector<16xi32>
    %reduce_sum3A_50 = vector.extract %reduce_sum3A_49[15] : i32 from vector<16xi32>
    %mul3A_51 = arith.constant 5120 : i32
    %mul3A_52 = arith.muli %arg0, %mul3A_51 : i32
    %add3A_53 = arith.constant 127 : i32
    %add3A_54 = arith.addi %reduce_sum3A_50, %add3A_53 : i32
    %div3A_55 = arith.constant 128 : i32
    %div3A_56 = arith.divsi %add3A_54, %div3A_55 : i32
    %while3A_57 = arith.constant 0 : i32
    %while3A_58 = arith.constant 0 : i32
    %while3A_59 = arith.subi %div3A_56, %while3A_58 : i32
    %while3A_60 = arith.addi %while3A_58, %while3A_59 : i32
    %while3A_61 = arith.constant 1 : i32
    %while3A_62 = arith.divsi %while3A_59, %while3A_61 : i32
    %while3A_63 = arith.muli %while3A_62, %while3A_61 : i32
    %while3A_64 = arith.addi %while3A_58, %while3A_63 : i32
    %while3A_65 = arith.constant 1 : i32
    scf.for %while3A_147 = %while3A_58 to %while3A_64 step %while3A_65  : i32 {
      %mul3A_148 = arith.constant 128 : i32
      %mul3A_149 = arith.muli %while3A_147, %mul3A_148 : i32
      "tpu.region"() ({
        %run_scoped3A = tpu.sem_alloc : memref<!tpu.dma_semaphore, #tpu.memory_space<semaphore_mem>>
        %dma_start3A_295 = tpu.memref_slice %arg2[%add3A_41, %mul3A_17, %mul3A_149] : memref<32x4x10112xi32, #tpu.memory_space<hbm>> -> memref<1x1x128xi32, #tpu.memory_space<hbm>>
        %dma_start3A_296 = tpu.memref_squeeze %dma_start3A_295 : memref<1x1x128xi32, #tpu.memory_space<hbm>> -> memref<128xi32, #tpu.memory_space<hbm>>
        %dma_start3A_297 = tpu.memref_slice %arg2[%add3A_41, %mul3A_17, %mul3A_149] : memref<32x4x10112xi32, #tpu.memory_space<hbm>> -> memref<1x1x128xi32, #tpu.memory_space<hbm>>
        %dma_start3A_298 = tpu.memref_squeeze %dma_start3A_297 : memref<1x1x128xi32, #tpu.memory_space<hbm>> -> memref<128xi32, #tpu.memory_space<hbm>>
        tpu.enqueue_dma source(%dma_start3A_298 : memref<128xi32, #tpu.memory_space<hbm>>) target(%arg7 : memref<128xi32, #tpu.memory_space<vmem>>) target_semaphore(%run_scoped3A : memref<!tpu.dma_semaphore, #tpu.memory_space<semaphore_mem>>)
        %dma_wait3A_299 = tpu.memref_slice %arg2[%add3A_41, %mul3A_17, %mul3A_149] : memref<32x4x10112xi32, #tpu.memory_space<hbm>> -> memref<1x1x128xi32, #tpu.memory_space<hbm>>
        %dma_wait3A_300 = tpu.memref_squeeze %dma_wait3A_299 : memref<1x1x128xi32, #tpu.memory_space<hbm>> -> memref<128xi32, #tpu.memory_space<hbm>>
        %dma_wait3A_301 = tpu.memref_slice %arg2[%add3A_41, %mul3A_17, %mul3A_149] : memref<32x4x10112xi32, #tpu.memory_space<hbm>> -> memref<1x1x128xi32, #tpu.memory_space<hbm>>
        %dma_wait3A_302 = tpu.memref_squeeze %dma_wait3A_301 : memref<1x1x128xi32, #tpu.memory_space<hbm>> -> memref<128xi32, #tpu.memory_space<hbm>>
        tpu.wait_dma2 semaphore(%run_scoped3A : memref<!tpu.dma_semaphore, #tpu.memory_space<semaphore_mem>>) src(%dma_wait3A_302 : memref<128xi32, #tpu.memory_space<hbm>>) dst(%arg7 : memref<128xi32, #tpu.memory_space<vmem>>)
        tpu.yield
      }) : () -> ()
      %get3A_150 = arith.constant 0 : index
      %get3A_151 = tpu.vector_load %arg7[%get3A_150] {strides = array<i32>} : memref<128xi32, #tpu.memory_space<vmem>>, vector<16xi32>,
      %and3A = arith.constant 16383 : i32
      %and3A_152 = vector.broadcast %and3A : i32 to vector<16xi32>
      %and3A_153 = arith.andi %get3A_151, %and3A_152 : vector<16xi32>
      %sub3A_154 = vector.broadcast %mul3A_52 : i32 to vector<16xi32>
      %sub3A_155 = arith.subi %and3A_153, %sub3A_154 : vector<16xi32>
      %swap3A = arith.constant 0 : index
      %swap3A_156 = tpu.vector_load %arg8[%swap3A] {strides = array<i32>} : memref<128xi32, #tpu.memory_space<vmem>>, vector<16xi32>,
      tpu.vector_store %arg8[%swap3A], %sub3A_155 {strides = array<i32>} : memref<128xi32, #tpu.memory_space<vmem>>, vector<16xi32>,
      %shift_right_logical3A = arith.constant 14 : i32
      %shift_right_logical3A_157 = vector.broadcast %shift_right_logical3A : i32 to vector<16xi32>
      %shift_right_logical3A_158 = arith.shrui %get3A_151, %shift_right_logical3A_157 : vector<16xi32>
      %mul3A_159 = arith.constant 5120 : i32
      %mul3A_160 = arith.muli %arg0, %mul3A_159 : i32
      %sub3A_161 = vector.broadcast %mul3A_160 : i32 to vector<16xi32>
      %sub3A_162 = arith.subi %shift_right_logical3A_158, %sub3A_161 : vector<16xi32>
      %swap3A_163 = arith.constant 0 : index
      %swap3A_164 = tpu.vector_load %arg9[%swap3A_163] {strides = array<i32>} : memref<128xi32, #tpu.memory_space<vmem>>, vector<16xi32>,
      tpu.vector_store %arg9[%swap3A_163], %sub3A_162 {strides = array<i32>} : memref<128xi32, #tpu.memory_space<vmem>>, vector<16xi32>,
      %get3A_165 = arith.constant 16 : index
      %get3A_166 = tpu.vector_load %arg7[%get3A_165] {strides = array<i32>} : memref<128xi32, #tpu.memory_space<vmem>>, vector<16xi32>,
      %and3A_167 = arith.constant 16383 : i32
      %and3A_168 = vector.broadcast %and3A_167 : i32 to vector<16xi32>
      %and3A_169 = arith.andi %get3A_166, %and3A_168 : vector<16xi32>
      %sub3A_170 = vector.broadcast %mul3A_52 : i32 to vector<16xi32>
      %sub3A_171 = arith.subi %and3A_169, %sub3A_170 : vector<16xi32>
      %swap3A_172 = arith.constant 16 : index
      %swap3A_173 = tpu.vector_load %arg8[%swap3A_172] {strides = array<i32>} : memref<128xi32, #tpu.memory_space<vmem>>, vector<16xi32>,
      tpu.vector_store %arg8[%swap3A_172], %sub3A_171 {strides = array<i32>} : memref<128xi32, #tpu.memory_space<vmem>>, vector<16xi32>,
      %shift_right_logical3A_174 = arith.constant 14 : i32
      %shift_right_logical3A_175 = vector.broadcast %shift_right_logical3A_174 : i32 to vector<16xi32>
      %shift_right_logical3A_176 = arith.shrui %get3A_166, %shift_right_logical3A_175 : vector<16xi32>
      %mul3A_177 = arith.constant 5120 : i32
      %mul3A_178 = arith.muli %arg0, %mul3A_177 : i32
      %sub3A_179 = vector.broadcast %mul3A_178 : i32 to vector<16xi32>
      %sub3A_180 = arith.subi %shift_right_logical3A_176, %sub3A_179 : vector<16xi32>
      %swap3A_181 = arith.constant 16 : index
      %swap3A_182 = tpu.vector_load %arg9[%swap3A_181] {strides = array<i32>} : memref<128xi32, #tpu.memory_space<vmem>>, vector<16xi32>,
      tpu.vector_store %arg9[%swap3A_181], %sub3A_180 {strides = array<i32>} : memref<128xi32, #tpu.memory_space<vmem>>, vector<16xi32>,
      %get3A_183 = arith.constant 32 : index
      %get3A_184 = tpu.vector_load %arg7[%get3A_183] {strides = array<i32>} : memref<128xi32, #tpu.memory_space<vmem>>, vector<16xi32>,
      %and3A_185 = arith.constant 16383 : i32
      %and3A_186 = vector.broadcast %and3A_185 : i32 to vector<16xi32>
      %and3A_187 = arith.andi %get3A_184, %and3A_186 : vector<16xi32>
      %sub3A_188 = vector.broadcast %mul3A_52 : i32 to vector<16xi32>
      %sub3A_189 = arith.subi %and3A_187, %sub3A_188 : vector<16xi32>
      %swap3A_190 = arith.constant 32 : index
      %swap3A_191 = tpu.vector_load %arg8[%swap3A_190] {strides = array<i32>} : memref<128xi32, #tpu.memory_space<vmem>>, vector<16xi32>,
      tpu.vector_store %arg8[%swap3A_190], %sub3A_189 {strides = array<i32>} : memref<128xi32, #tpu.memory_space<vmem>>, vector<16xi32>,
      %shift_right_logical3A_192 = arith.constant 14 : i32
      %shift_right_logical3A_193 = vector.broadcast %shift_right_logical3A_192 : i32 to vector<16xi32>
      %shift_right_logical3A_194 = arith.shrui %get3A_184, %shift_right_logical3A_193 : vector<16xi32>
      %mul3A_195 = arith.constant 5120 : i32
      %mul3A_196 = arith.muli %arg0, %mul3A_195 : i32
      %sub3A_197 = vector.broadcast %mul3A_196 : i32 to vector<16xi32>
      %sub3A_198 = arith.subi %shift_right_logical3A_194, %sub3A_197 : vector<16xi32>
      %swap3A_199 = arith.constant 32 : index
      %swap3A_200 = tpu.vector_load %arg9[%swap3A_199] {strides = array<i32>} : memref<128xi32, #tpu.memory_space<vmem>>, vector<16xi32>,
      tpu.vector_store %arg9[%swap3A_199], %sub3A_198 {strides = array<i32>} : memref<128xi32, #tpu.memory_space<vmem>>, vector<16xi32>,
      %get3A_201 = arith.constant 48 : index
      %get3A_202 = tpu.vector_load %arg7[%get3A_201] {strides = array<i32>} : memref<128xi32, #tpu.memory_space<vmem>>, vector<16xi32>,
      %and3A_203 = arith.constant 16383 : i32
      %and3A_204 = vector.broadcast %and3A_203 : i32 to vector<16xi32>
      %and3A_205 = arith.andi %get3A_202, %and3A_204 : vector<16xi32>
      %sub3A_206 = vector.broadcast %mul3A_52 : i32 to vector<16xi32>
      %sub3A_207 = arith.subi %and3A_205, %sub3A_206 : vector<16xi32>
      %swap3A_208 = arith.constant 48 : index
      %swap3A_209 = tpu.vector_load %arg8[%swap3A_208] {strides = array<i32>} : memref<128xi32, #tpu.memory_space<vmem>>, vector<16xi32>,
      tpu.vector_store %arg8[%swap3A_208], %sub3A_207 {strides = array<i32>} : memref<128xi32, #tpu.memory_space<vmem>>, vector<16xi32>,
      %shift_right_logical3A_210 = arith.constant 14 : i32
      %shift_right_logical3A_211 = vector.broadcast %shift_right_logical3A_210 : i32 to vector<16xi32>
      %shift_right_logical3A_212 = arith.shrui %get3A_202, %shift_right_logical3A_211 : vector<16xi32>
      %mul3A_213 = arith.constant 5120 : i32
      %mul3A_214 = arith.muli %arg0, %mul3A_213 : i32
      %sub3A_215 = vector.broadcast %mul3A_214 : i32 to vector<16xi32>
      %sub3A_216 = arith.subi %shift_right_logical3A_212, %sub3A_215 : vector<16xi32>
      %swap3A_217 = arith.constant 48 : index
      %swap3A_218 = tpu.vector_load %arg9[%swap3A_217] {strides = array<i32>} : memref<128xi32, #tpu.memory_space<vmem>>, vector<16xi32>,
      tpu.vector_store %arg9[%swap3A_217], %sub3A_216 {strides = array<i32>} : memref<128xi32, #tpu.memory_space<vmem>>, vector<16xi32>,
      %get3A_219 = arith.constant 64 : index
      %get3A_220 = tpu.vector_load %arg7[%get3A_219] {strides = array<i32>} : memref<128xi32, #tpu.memory_space<vmem>>, vector<16xi32>,
      %and3A_221 = arith.constant 16383 : i32
      %and3A_222 = vector.broadcast %and3A_221 : i32 to vector<16xi32>
      %and3A_223 = arith.andi %get3A_220, %and3A_222 : vector<16xi32>
      %sub3A_224 = vector.broadcast %mul3A_52 : i32 to vector<16xi32>
      %sub3A_225 = arith.subi %and3A_223, %sub3A_224 : vector<16xi32>
      %swap3A_226 = arith.constant 64 : index
      %swap3A_227 = tpu.vector_load %arg8[%swap3A_226] {strides = array<i32>} : memref<128xi32, #tpu.memory_space<vmem>>, vector<16xi32>,
      tpu.vector_store %arg8[%swap3A_226], %sub3A_225 {strides = array<i32>} : memref<128xi32, #tpu.memory_space<vmem>>, vector<16xi32>,
      %shift_right_logical3A_228 = arith.constant 14 : i32
      %shift_right_logical3A_229 = vector.broadcast %shift_right_logical3A_228 : i32 to vector<16xi32>
      %shift_right_logical3A_230 = arith.shrui %get3A_220, %shift_right_logical3A_229 : vector<16xi32>
      %mul3A_231 = arith.constant 5120 : i32
      %mul3A_232 = arith.muli %arg0, %mul3A_231 : i32
      %sub3A_233 = vector.broadcast %mul3A_232 : i32 to vector<16xi32>
      %sub3A_234 = arith.subi %shift_right_logical3A_230, %sub3A_233 : vector<16xi32>
      %swap3A_235 = arith.constant 64 : index
      %swap3A_236 = tpu.vector_load %arg9[%swap3A_235] {strides = array<i32>} : memref<128xi32, #tpu.memory_space<vmem>>, vector<16xi32>,
      tpu.vector_store %arg9[%swap3A_235], %sub3A_234 {strides = array<i32>} : memref<128xi32, #tpu.memory_space<vmem>>, vector<16xi32>,
      %get3A_237 = arith.constant 80 : index
      %get3A_238 = tpu.vector_load %arg7[%get3A_237] {strides = array<i32>} : memref<128xi32, #tpu.memory_space<vmem>>, vector<16xi32>,
      %and3A_239 = arith.constant 16383 : i32
      %and3A_240 = vector.broadcast %and3A_239 : i32 to vector<16xi32>
      %and3A_241 = arith.andi %get3A_238, %and3A_240 : vector<16xi32>
      %sub3A_242 = vector.broadcast %mul3A_52 : i32 to vector<16xi32>
      %sub3A_243 = arith.subi %and3A_241, %sub3A_242 : vector<16xi32>
      %swap3A_244 = arith.constant 80 : index
      %swap3A_245 = tpu.vector_load %arg8[%swap3A_244] {strides = array<i32>} : memref<128xi32, #tpu.memory_space<vmem>>, vector<16xi32>,
      tpu.vector_store %arg8[%swap3A_244], %sub3A_243 {strides = array<i32>} : memref<128xi32, #tpu.memory_space<vmem>>, vector<16xi32>,
      %shift_right_logical3A_246 = arith.constant 14 : i32
      %shift_right_logical3A_247 = vector.broadcast %shift_right_logical3A_246 : i32 to vector<16xi32>
      %shift_right_logical3A_248 = arith.shrui %get3A_238, %shift_right_logical3A_247 : vector<16xi32>
      %mul3A_249 = arith.constant 5120 : i32
      %mul3A_250 = arith.muli %arg0, %mul3A_249 : i32
      %sub3A_251 = vector.broadcast %mul3A_250 : i32 to vector<16xi32>
      %sub3A_252 = arith.subi %shift_right_logical3A_248, %sub3A_251 : vector<16xi32>
      %swap3A_253 = arith.constant 80 : index
      %swap3A_254 = tpu.vector_load %arg9[%swap3A_253] {strides = array<i32>} : memref<128xi32, #tpu.memory_space<vmem>>, vector<16xi32>,
      tpu.vector_store %arg9[%swap3A_253], %sub3A_252 {strides = array<i32>} : memref<128xi32, #tpu.memory_space<vmem>>, vector<16xi32>,
      %get3A_255 = arith.constant 96 : index
      %get3A_256 = tpu.vector_load %arg7[%get3A_255] {strides = array<i32>} : memref<128xi32, #tpu.memory_space<vmem>>, vector<16xi32>,
      %and3A_257 = arith.constant 16383 : i32
      %and3A_258 = vector.broadcast %and3A_257 : i32 to vector<16xi32>
      %and3A_259 = arith.andi %get3A_256, %and3A_258 : vector<16xi32>
      %sub3A_260 = vector.broadcast %mul3A_52 : i32 to vector<16xi32>
      %sub3A_261 = arith.subi %and3A_259, %sub3A_260 : vector<16xi32>
      %swap3A_262 = arith.constant 96 : index
      %swap3A_263 = tpu.vector_load %arg8[%swap3A_262] {strides = array<i32>} : memref<128xi32, #tpu.memory_space<vmem>>, vector<16xi32>,
      tpu.vector_store %arg8[%swap3A_262], %sub3A_261 {strides = array<i32>} : memref<128xi32, #tpu.memory_space<vmem>>, vector<16xi32>,
      %shift_right_logical3A_264 = arith.constant 14 : i32
      %shift_right_logical3A_265 = vector.broadcast %shift_right_logical3A_264 : i32 to vector<16xi32>
      %shift_right_logical3A_266 = arith.shrui %get3A_256, %shift_right_logical3A_265 : vector<16xi32>
      %mul3A_267 = arith.constant 5120 : i32
      %mul3A_268 = arith.muli %arg0, %mul3A_267 : i32
      %sub3A_269 = vector.broadcast %mul3A_268 : i32 to vector<16xi32>
      %sub3A_270 = arith.subi %shift_right_logical3A_266, %sub3A_269 : vector<16xi32>
      %swap3A_271 = arith.constant 96 : index
      %swap3A_272 = tpu.vector_load %arg9[%swap3A_271] {strides = array<i32>} : memref<128xi32, #tpu.memory_space<vmem>>, vector<16xi32>,
      tpu.vector_store %arg9[%swap3A_271], %sub3A_270 {strides = array<i32>} : memref<128xi32, #tpu.memory_space<vmem>>, vector<16xi32>,
      %get3A_273 = arith.constant 112 : index
      %get3A_274 = tpu.vector_load %arg7[%get3A_273] {strides = array<i32>} : memref<128xi32, #tpu.memory_space<vmem>>, vector<16xi32>,
      %and3A_275 = arith.constant 16383 : i32
      %and3A_276 = vector.broadcast %and3A_275 : i32 to vector<16xi32>
      %and3A_277 = arith.andi %get3A_274, %and3A_276 : vector<16xi32>
      %sub3A_278 = vector.broadcast %mul3A_52 : i32 to vector<16xi32>
      %sub3A_279 = arith.subi %and3A_277, %sub3A_278 : vector<16xi32>
      %swap3A_280 = arith.constant 112 : index
      %swap3A_281 = tpu.vector_load %arg8[%swap3A_280] {strides = array<i32>} : memref<128xi32, #tpu.memory_space<vmem>>, vector<16xi32>,
      tpu.vector_store %arg8[%swap3A_280], %sub3A_279 {strides = array<i32>} : memref<128xi32, #tpu.memory_space<vmem>>, vector<16xi32>,
      %shift_right_logical3A_282 = arith.constant 14 : i32
      %shift_right_logical3A_283 = vector.broadcast %shift_right_logical3A_282 : i32 to vector<16xi32>
      %shift_right_logical3A_284 = arith.shrui %get3A_274, %shift_right_logical3A_283 : vector<16xi32>
      %mul3A_285 = arith.constant 5120 : i32
      %mul3A_286 = arith.muli %arg0, %mul3A_285 : i32
      %sub3A_287 = vector.broadcast %mul3A_286 : i32 to vector<16xi32>
      %sub3A_288 = arith.subi %shift_right_logical3A_284, %sub3A_287 : vector<16xi32>
      %swap3A_289 = arith.constant 112 : index
      %swap3A_290 = tpu.vector_load %arg9[%swap3A_289] {strides = array<i32>} : memref<128xi32, #tpu.memory_space<vmem>>, vector<16xi32>,
      tpu.vector_store %arg9[%swap3A_289], %sub3A_288 {strides = array<i32>} : memref<128xi32, #tpu.memory_space<vmem>>, vector<16xi32>,
      %dma_start3A = arith.constant 0 : i32
      %dma_start3A_291 = arith.constant 0 : i32
      %dma_start3A_292 = tpu.memref_slice %arg14[%dma_start3A, %dma_start3A_291] : memref<5120x128xf32, #tpu.memory_space<vmem_shared>> -> memref<5120x128xf32, #tpu.memory_space<vmem_shared>>
      tpu.enqueue_indirect_dma source(%dma_start3A_292 : memref<5120x128xf32, #tpu.memory_space<vmem_shared>>) target(%arg10 : memref<128x128xf32, #tpu.memory_space<vmem>>) offsets(%arg8 : memref<128xi32, #tpu.memory_space<vmem>>) semaphore(%arg13 : memref<!tpu.dma_semaphore, #tpu.memory_space<semaphore_mem>>)
      %dma_wait3A = arith.constant 0 : i32
      %dma_wait3A_293 = arith.constant 0 : i32
      %dma_wait3A_294 = tpu.memref_slice %arg14[%dma_wait3A, %dma_wait3A_293] : memref<5120x128xf32, #tpu.memory_space<vmem_shared>> -> memref<5120x128xf32, #tpu.memory_space<vmem_shared>>
      tpu.wait_indirect_dma semaphore(%arg13 : memref<!tpu.dma_semaphore, #tpu.memory_space<semaphore_mem>>) src(%dma_wait3A_294 : memref<5120x128xf32, #tpu.memory_space<vmem_shared>>) dst(%arg10 : memref<128x128xf32, #tpu.memory_space<vmem>>)
      "tpu.region"() ({
        %run_scoped3A = tpu.sem_alloc : memref<!tpu.dma_semaphore, #tpu.memory_space<semaphore_mem>>
        %dma_start3A_295 = arith.constant 0 : i32
        %dma_start3A_296 = arith.constant 0 : i32
        %dma_start3A_297 = tpu.memref_slice %arg15[%dma_start3A_295, %dma_start3A_296] : memref<5632x128xf32, #tpu.memory_space<vmem_shared>> -> memref<5632x128xf32, #tpu.memory_space<vmem_shared>>
        tpu.enqueue_indirect_dma source(%arg10 : memref<128x128xf32, #tpu.memory_space<vmem>>) target(%dma_start3A_297 : memref<5632x128xf32, #tpu.memory_space<vmem_shared>>) offsets(%arg9 : memref<128xi32, #tpu.memory_space<vmem>>) semaphore(%run_scoped3A : memref<!tpu.dma_semaphore, #tpu.memory_space<semaphore_mem>>) {add = true}
        %dma_wait3A_298 = arith.constant 0 : i32
        %dma_wait3A_299 = arith.constant 0 : i32
        %dma_wait3A_300 = tpu.memref_slice %arg15[%dma_wait3A_298, %dma_wait3A_299] : memref<5632x128xf32, #tpu.memory_space<vmem_shared>> -> memref<5632x128xf32, #tpu.memory_space<vmem_shared>>
        tpu.wait_indirect_dma semaphore(%run_scoped3A : memref<!tpu.dma_semaphore, #tpu.memory_space<semaphore_mem>>) src(%arg10 : memref<128x128xf32, #tpu.memory_space<vmem>>) dst(%dma_wait3A_300 : memref<5632x128xf32, #tpu.memory_space<vmem_shared>>)
        tpu.yield
      }) : () -> ()
    }
    %while3A_66 = arith.constant 1 : i32
    scf.for %while3A_147 = %while3A_64 to %while3A_60 step %while3A_66  : i32 {
      %mul3A_148 = arith.constant 128 : i32
      %mul3A_149 = arith.muli %while3A_147, %mul3A_148 : i32
      "tpu.region"() ({
        %run_scoped3A = tpu.sem_alloc : memref<!tpu.dma_semaphore, #tpu.memory_space<semaphore_mem>>
        %dma_start3A_295 = tpu.memref_slice %arg2[%add3A_41, %mul3A_17, %mul3A_149] : memref<32x4x10112xi32, #tpu.memory_space<hbm>> -> memref<1x1x128xi32, #tpu.memory_space<hbm>>
        %dma_start3A_296 = tpu.memref_squeeze %dma_start3A_295 : memref<1x1x128xi32, #tpu.memory_space<hbm>> -> memref<128xi32, #tpu.memory_space<hbm>>
        %dma_start3A_297 = tpu.memref_slice %arg2[%add3A_41, %mul3A_17, %mul3A_149] : memref<32x4x10112xi32, #tpu.memory_space<hbm>> -> memref<1x1x128xi32, #tpu.memory_space<hbm>>
        %dma_start3A_298 = tpu.memref_squeeze %dma_start3A_297 : memref<1x1x128xi32, #tpu.memory_space<hbm>> -> memref<128xi32, #tpu.memory_space<hbm>>
        tpu.enqueue_dma source(%dma_start3A_298 : memref<128xi32, #tpu.memory_space<hbm>>) target(%arg7 : memref<128xi32, #tpu.memory_space<vmem>>) target_semaphore(%run_scoped3A : memref<!tpu.dma_semaphore, #tpu.memory_space<semaphore_mem>>)
        %dma_wait3A_299 = tpu.memref_slice %arg2[%add3A_41, %mul3A_17, %mul3A_149] : memref<32x4x10112xi32, #tpu.memory_space<hbm>> -> memref<1x1x128xi32, #tpu.memory_space<hbm>>
        %dma_wait3A_300 = tpu.memref_squeeze %dma_wait3A_299 : memref<1x1x128xi32, #tpu.memory_space<hbm>> -> memref<128xi32, #tpu.memory_space<hbm>>
        %dma_wait3A_301 = tpu.memref_slice %arg2[%add3A_41, %mul3A_17, %mul3A_149] : memref<32x4x10112xi32, #tpu.memory_space<hbm>> -> memref<1x1x128xi32, #tpu.memory_space<hbm>>
        %dma_wait3A_302 = tpu.memref_squeeze %dma_wait3A_301 : memref<1x1x128xi32, #tpu.memory_space<hbm>> -> memref<128xi32, #tpu.memory_space<hbm>>
        tpu.wait_dma2 semaphore(%run_scoped3A : memref<!tpu.dma_semaphore, #tpu.memory_space<semaphore_mem>>) src(%dma_wait3A_302 : memref<128xi32, #tpu.memory_space<hbm>>) dst(%arg7 : memref<128xi32, #tpu.memory_space<vmem>>)
        tpu.yield
      }) : () -> ()
      %get3A_150 = arith.constant 0 : index
      %get3A_151 = tpu.vector_load %arg7[%get3A_150] {strides = array<i32>} : memref<128xi32, #tpu.memory_space<vmem>>, vector<16xi32>,
      %and3A = arith.constant 16383 : i32
      %and3A_152 = vector.broadcast %and3A : i32 to vector<16xi32>
      %and3A_153 = arith.andi %get3A_151, %and3A_152 : vector<16xi32>
      %sub3A_154 = vector.broadcast %mul3A_52 : i32 to vector<16xi32>
      %sub3A_155 = arith.subi %and3A_153, %sub3A_154 : vector<16xi32>
      %swap3A = arith.constant 0 : index
      %swap3A_156 = tpu.vector_load %arg8[%swap3A] {strides = array<i32>} : memref<128xi32, #tpu.memory_space<vmem>>, vector<16xi32>,
      tpu.vector_store %arg8[%swap3A], %sub3A_155 {strides = array<i32>} : memref<128xi32, #tpu.memory_space<vmem>>, vector<16xi32>,
      %shift_right_logical3A = arith.constant 14 : i32
      %shift_right_logical3A_157 = vector.broadcast %shift_right_logical3A : i32 to vector<16xi32>
      %shift_right_logical3A_158 = arith.shrui %get3A_151, %shift_right_logical3A_157 : vector<16xi32>
      %mul3A_159 = arith.constant 5120 : i32
      %mul3A_160 = arith.muli %arg0, %mul3A_159 : i32
      %sub3A_161 = vector.broadcast %mul3A_160 : i32 to vector<16xi32>
      %sub3A_162 = arith.subi %shift_right_logical3A_158, %sub3A_161 : vector<16xi32>
      %swap3A_163 = arith.constant 0 : index
      %swap3A_164 = tpu.vector_load %arg9[%swap3A_163] {strides = array<i32>} : memref<128xi32, #tpu.memory_space<vmem>>, vector<16xi32>,
      tpu.vector_store %arg9[%swap3A_163], %sub3A_162 {strides = array<i32>} : memref<128xi32, #tpu.memory_space<vmem>>, vector<16xi32>,
      %get3A_165 = arith.constant 16 : index
      %get3A_166 = tpu.vector_load %arg7[%get3A_165] {strides = array<i32>} : memref<128xi32, #tpu.memory_space<vmem>>, vector<16xi32>,
      %and3A_167 = arith.constant 16383 : i32
      %and3A_168 = vector.broadcast %and3A_167 : i32 to vector<16xi32>
      %and3A_169 = arith.andi %get3A_166, %and3A_168 : vector<16xi32>
      %sub3A_170 = vector.broadcast %mul3A_52 : i32 to vector<16xi32>
      %sub3A_171 = arith.subi %and3A_169, %sub3A_170 : vector<16xi32>
      %swap3A_172 = arith.constant 16 : index
      %swap3A_173 = tpu.vector_load %arg8[%swap3A_172] {strides = array<i32>} : memref<128xi32, #tpu.memory_space<vmem>>, vector<16xi32>,
      tpu.vector_store %arg8[%swap3A_172], %sub3A_171 {strides = array<i32>} : memref<128xi32, #tpu.memory_space<vmem>>, vector<16xi32>,
      %shift_right_logical3A_174 = arith.constant 14 : i32
      %shift_right_logical3A_175 = vector.broadcast %shift_right_logical3A_174 : i32 to vector<16xi32>
      %shift_right_logical3A_176 = arith.shrui %get3A_166, %shift_right_logical3A_175 : vector<16xi32>
      %mul3A_177 = arith.constant 5120 : i32
      %mul3A_178 = arith.muli %arg0, %mul3A_177 : i32
      %sub3A_179 = vector.broadcast %mul3A_178 : i32 to vector<16xi32>
      %sub3A_180 = arith.subi %shift_right_logical3A_176, %sub3A_179 : vector<16xi32>
      %swap3A_181 = arith.constant 16 : index
      %swap3A_182 = tpu.vector_load %arg9[%swap3A_181] {strides = array<i32>} : memref<128xi32, #tpu.memory_space<vmem>>, vector<16xi32>,
      tpu.vector_store %arg9[%swap3A_181], %sub3A_180 {strides = array<i32>} : memref<128xi32, #tpu.memory_space<vmem>>, vector<16xi32>,
      %get3A_183 = arith.constant 32 : index
      %get3A_184 = tpu.vector_load %arg7[%get3A_183] {strides = array<i32>} : memref<128xi32, #tpu.memory_space<vmem>>, vector<16xi32>,
      %and3A_185 = arith.constant 16383 : i32
      %and3A_186 = vector.broadcast %and3A_185 : i32 to vector<16xi32>
      %and3A_187 = arith.andi %get3A_184, %and3A_186 : vector<16xi32>
      %sub3A_188 = vector.broadcast %mul3A_52 : i32 to vector<16xi32>
      %sub3A_189 = arith.subi %and3A_187, %sub3A_188 : vector<16xi32>
      %swap3A_190 = arith.constant 32 : index
      %swap3A_191 = tpu.vector_load %arg8[%swap3A_190] {strides = array<i32>} : memref<128xi32, #tpu.memory_space<vmem>>, vector<16xi32>,
      tpu.vector_store %arg8[%swap3A_190], %sub3A_189 {strides = array<i32>} : memref<128xi32, #tpu.memory_space<vmem>>, vector<16xi32>,
      %shift_right_logical3A_192 = arith.constant 14 : i32
      %shift_right_logical3A_193 = vector.broadcast %shift_right_logical3A_192 : i32 to vector<16xi32>
      %shift_right_logical3A_194 = arith.shrui %get3A_184, %shift_right_logical3A_193 : vector<16xi32>
      %mul3A_195 = arith.constant 5120 : i32
      %mul3A_196 = arith.muli %arg0, %mul3A_195 : i32
      %sub3A_197 = vector.broadcast %mul3A_196 : i32 to vector<16xi32>
      %sub3A_198 = arith.subi %shift_right_logical3A_194, %sub3A_197 : vector<16xi32>
      %swap3A_199 = arith.constant 32 : index
      %swap3A_200 = tpu.vector_load %arg9[%swap3A_199] {strides = array<i32>} : memref<128xi32, #tpu.memory_space<vmem>>, vector<16xi32>,
      tpu.vector_store %arg9[%swap3A_199], %sub3A_198 {strides = array<i32>} : memref<128xi32, #tpu.memory_space<vmem>>, vector<16xi32>,
      %get3A_201 = arith.constant 48 : index
      %get3A_202 = tpu.vector_load %arg7[%get3A_201] {strides = array<i32>} : memref<128xi32, #tpu.memory_space<vmem>>, vector<16xi32>,
      %and3A_203 = arith.constant 16383 : i32
      %and3A_204 = vector.broadcast %and3A_203 : i32 to vector<16xi32>
      %and3A_205 = arith.andi %get3A_202, %and3A_204 : vector<16xi32>
      %sub3A_206 = vector.broadcast %mul3A_52 : i32 to vector<16xi32>
      %sub3A_207 = arith.subi %and3A_205, %sub3A_206 : vector<16xi32>
      %swap3A_208 = arith.constant 48 : index
      %swap3A_209 = tpu.vector_load %arg8[%swap3A_208] {strides = array<i32>} : memref<128xi32, #tpu.memory_space<vmem>>, vector<16xi32>,
      tpu.vector_store %arg8[%swap3A_208], %sub3A_207 {strides = array<i32>} : memref<128xi32, #tpu.memory_space<vmem>>, vector<16xi32>,
      %shift_right_logical3A_210 = arith.constant 14 : i32
      %shift_right_logical3A_211 = vector.broadcast %shift_right_logical3A_210 : i32 to vector<16xi32>
      %shift_right_logical3A_212 = arith.shrui %get3A_202, %shift_right_logical3A_211 : vector<16xi32>
      %mul3A_213 = arith.constant 5120 : i32
      %mul3A_214 = arith.muli %arg0, %mul3A_213 : i32
      %sub3A_215 = vector.broadcast %mul3A_214 : i32 to vector<16xi32>
      %sub3A_216 = arith.subi %shift_right_logical3A_212, %sub3A_215 : vector<16xi32>
      %swap3A_217 = arith.constant 48 : index
      %swap3A_218 = tpu.vector_load %arg9[%swap3A_217] {strides = array<i32>} : memref<128xi32, #tpu.memory_space<vmem>>, vector<16xi32>,
      tpu.vector_store %arg9[%swap3A_217], %sub3A_216 {strides = array<i32>} : memref<128xi32, #tpu.memory_space<vmem>>, vector<16xi32>,
      %get3A_219 = arith.constant 64 : index
      %get3A_220 = tpu.vector_load %arg7[%get3A_219] {strides = array<i32>} : memref<128xi32, #tpu.memory_space<vmem>>, vector<16xi32>,
      %and3A_221 = arith.constant 16383 : i32
      %and3A_222 = vector.broadcast %and3A_221 : i32 to vector<16xi32>
      %and3A_223 = arith.andi %get3A_220, %and3A_222 : vector<16xi32>
      %sub3A_224 = vector.broadcast %mul3A_52 : i32 to vector<16xi32>
      %sub3A_225 = arith.subi %and3A_223, %sub3A_224 : vector<16xi32>
      %swap3A_226 = arith.constant 64 : index
      %swap3A_227 = tpu.vector_load %arg8[%swap3A_226] {strides = array<i32>} : memref<128xi32, #tpu.memory_space<vmem>>, vector<16xi32>,
      tpu.vector_store %arg8[%swap3A_226], %sub3A_225 {strides = array<i32>} : memref<128xi32, #tpu.memory_space<vmem>>, vector<16xi32>,
      %shift_right_logical3A_228 = arith.constant 14 : i32
      %shift_right_logical3A_229 = vector.broadcast %shift_right_logical3A_228 : i32 to vector<16xi32>
      %shift_right_logical3A_230 = arith.shrui %get3A_220, %shift_right_logical3A_229 : vector<16xi32>
      %mul3A_231 = arith.constant 5120 : i32
      %mul3A_232 = arith.muli %arg0, %mul3A_231 : i32
      %sub3A_233 = vector.broadcast %mul3A_232 : i32 to vector<16xi32>
      %sub3A_234 = arith.subi %shift_right_logical3A_230, %sub3A_233 : vector<16xi32>
      %swap3A_235 = arith.constant 64 : index
      %swap3A_236 = tpu.vector_load %arg9[%swap3A_235] {strides = array<i32>} : memref<128xi32, #tpu.memory_space<vmem>>, vector<16xi32>,
      tpu.vector_store %arg9[%swap3A_235], %sub3A_234 {strides = array<i32>} : memref<128xi32, #tpu.memory_space<vmem>>, vector<16xi32>,
      %get3A_237 = arith.constant 80 : index
      %get3A_238 = tpu.vector_load %arg7[%get3A_237] {strides = array<i32>} : memref<128xi32, #tpu.memory_space<vmem>>, vector<16xi32>,
      %and3A_239 = arith.constant 16383 : i32
      %and3A_240 = vector.broadcast %and3A_239 : i32 to vector<16xi32>
      %and3A_241 = arith.andi %get3A_238, %and3A_240 : vector<16xi32>
      %sub3A_242 = vector.broadcast %mul3A_52 : i32 to vector<16xi32>
      %sub3A_243 = arith.subi %and3A_241, %sub3A_242 : vector<16xi32>
      %swap3A_244 = arith.constant 80 : index
      %swap3A_245 = tpu.vector_load %arg8[%swap3A_244] {strides = array<i32>} : memref<128xi32, #tpu.memory_space<vmem>>, vector<16xi32>,
      tpu.vector_store %arg8[%swap3A_244], %sub3A_243 {strides = array<i32>} : memref<128xi32, #tpu.memory_space<vmem>>, vector<16xi32>,
      %shift_right_logical3A_246 = arith.constant 14 : i32
      %shift_right_logical3A_247 = vector.broadcast %shift_right_logical3A_246 : i32 to vector<16xi32>
      %shift_right_logical3A_248 = arith.shrui %get3A_238, %shift_right_logical3A_247 : vector<16xi32>
      %mul3A_249 = arith.constant 5120 : i32
      %mul3A_250 = arith.muli %arg0, %mul3A_249 : i32
      %sub3A_251 = vector.broadcast %mul3A_250 : i32 to vector<16xi32>
      %sub3A_252 = arith.subi %shift_right_logical3A_248, %sub3A_251 : vector<16xi32>
      %swap3A_253 = arith.constant 80 : index
      %swap3A_254 = tpu.vector_load %arg9[%swap3A_253] {strides = array<i32>} : memref<128xi32, #tpu.memory_space<vmem>>, vector<16xi32>,
      tpu.vector_store %arg9[%swap3A_253], %sub3A_252 {strides = array<i32>} : memref<128xi32, #tpu.memory_space<vmem>>, vector<16xi32>,
      %get3A_255 = arith.constant 96 : index
      %get3A_256 = tpu.vector_load %arg7[%get3A_255] {strides = array<i32>} : memref<128xi32, #tpu.memory_space<vmem>>, vector<16xi32>,
      %and3A_257 = arith.constant 16383 : i32
      %and3A_258 = vector.broadcast %and3A_257 : i32 to vector<16xi32>
      %and3A_259 = arith.andi %get3A_256, %and3A_258 : vector<16xi32>
      %sub3A_260 = vector.broadcast %mul3A_52 : i32 to vector<16xi32>
      %sub3A_261 = arith.subi %and3A_259, %sub3A_260 : vector<16xi32>
      %swap3A_262 = arith.constant 96 : index
      %swap3A_263 = tpu.vector_load %arg8[%swap3A_262] {strides = array<i32>} : memref<128xi32, #tpu.memory_space<vmem>>, vector<16xi32>,
      tpu.vector_store %arg8[%swap3A_262], %sub3A_261 {strides = array<i32>} : memref<128xi32, #tpu.memory_space<vmem>>, vector<16xi32>,
      %shift_right_logical3A_264 = arith.constant 14 : i32
      %shift_right_logical3A_265 = vector.broadcast %shift_right_logical3A_264 : i32 to vector<16xi32>
      %shift_right_logical3A_266 = arith.shrui %get3A_256, %shift_right_logical3A_265 : vector<16xi32>
      %mul3A_267 = arith.constant 5120 : i32
      %mul3A_268 = arith.muli %arg0, %mul3A_267 : i32
      %sub3A_269 = vector.broadcast %mul3A_268 : i32 to vector<16xi32>
      %sub3A_270 = arith.subi %shift_right_logical3A_266, %sub3A_269 : vector<16xi32>
      %swap3A_271 = arith.constant 96 : index
      %swap3A_272 = tpu.vector_load %arg9[%swap3A_271] {strides = array<i32>} : memref<128xi32, #tpu.memory_space<vmem>>, vector<16xi32>,
      tpu.vector_store %arg9[%swap3A_271], %sub3A_270 {strides = array<i32>} : memref<128xi32, #tpu.memory_space<vmem>>, vector<16xi32>,
      %get3A_273 = arith.constant 112 : index
      %get3A_274 = tpu.vector_load %arg7[%get3A_273] {strides = array<i32>} : memref<128xi32, #tpu.memory_space<vmem>>, vector<16xi32>,
      %and3A_275 = arith.constant 16383 : i32
      %and3A_276 = vector.broadcast %and3A_275 : i32 to vector<16xi32>
      %and3A_277 = arith.andi %get3A_274, %and3A_276 : vector<16xi32>
      %sub3A_278 = vector.broadcast %mul3A_52 : i32 to vector<16xi32>
      %sub3A_279 = arith.subi %and3A_277, %sub3A_278 : vector<16xi32>
      %swap3A_280 = arith.constant 112 : index
      %swap3A_281 = tpu.vector_load %arg8[%swap3A_280] {strides = array<i32>} : memref<128xi32, #tpu.memory_space<vmem>>, vector<16xi32>,
      tpu.vector_store %arg8[%swap3A_280], %sub3A_279 {strides = array<i32>} : memref<128xi32, #tpu.memory_space<vmem>>, vector<16xi32>,
      %shift_right_logical3A_282 = arith.constant 14 : i32
      %shift_right_logical3A_283 = vector.broadcast %shift_right_logical3A_282 : i32 to vector<16xi32>
      %shift_right_logical3A_284 = arith.shrui %get3A_274, %shift_right_logical3A_283 : vector<16xi32>
      %mul3A_285 = arith.constant 5120 : i32
      %mul3A_286 = arith.muli %arg0, %mul3A_285 : i32
      %sub3A_287 = vector.broadcast %mul3A_286 : i32 to vector<16xi32>
      %sub3A_288 = arith.subi %shift_right_logical3A_284, %sub3A_287 : vector<16xi32>
      %swap3A_289 = arith.constant 112 : index
      %swap3A_290 = tpu.vector_load %arg9[%swap3A_289] {strides = array<i32>} : memref<128xi32, #tpu.memory_space<vmem>>, vector<16xi32>,
      tpu.vector_store %arg9[%swap3A_289], %sub3A_288 {strides = array<i32>} : memref<128xi32, #tpu.memory_space<vmem>>, vector<16xi32>,
      %dma_start3A = arith.constant 0 : i32
      %dma_start3A_291 = arith.constant 0 : i32
      %dma_start3A_292 = tpu.memref_slice %arg14[%dma_start3A, %dma_start3A_291] : memref<5120x128xf32, #tpu.memory_space<vmem_shared>> -> memref<5120x128xf32, #tpu.memory_space<vmem_shared>>
      tpu.enqueue_indirect_dma source(%dma_start3A_292 : memref<5120x128xf32, #tpu.memory_space<vmem_shared>>) target(%arg10 : memref<128x128xf32, #tpu.memory_space<vmem>>) offsets(%arg8 : memref<128xi32, #tpu.memory_space<vmem>>) semaphore(%arg13 : memref<!tpu.dma_semaphore, #tpu.memory_space<semaphore_mem>>)
      %dma_wait3A = arith.constant 0 : i32
      %dma_wait3A_293 = arith.constant 0 : i32
      %dma_wait3A_294 = tpu.memref_slice %arg14[%dma_wait3A, %dma_wait3A_293] : memref<5120x128xf32, #tpu.memory_space<vmem_shared>> -> memref<5120x128xf32, #tpu.memory_space<vmem_shared>>
      tpu.wait_indirect_dma semaphore(%arg13 : memref<!tpu.dma_semaphore, #tpu.memory_space<semaphore_mem>>) src(%dma_wait3A_294 : memref<5120x128xf32, #tpu.memory_space<vmem_shared>>) dst(%arg10 : memref<128x128xf32, #tpu.memory_space<vmem>>)
      "tpu.region"() ({
        %run_scoped3A = tpu.sem_alloc : memref<!tpu.dma_semaphore, #tpu.memory_space<semaphore_mem>>
        %dma_start3A_295 = arith.constant 0 : i32
        %dma_start3A_296 = arith.constant 0 : i32
        %dma_start3A_297 = tpu.memref_slice %arg15[%dma_start3A_295, %dma_start3A_296] : memref<5632x128xf32, #tpu.memory_space<vmem_shared>> -> memref<5632x128xf32, #tpu.memory_space<vmem_shared>>
        tpu.enqueue_indirect_dma source(%arg10 : memref<128x128xf32, #tpu.memory_space<vmem>>) target(%dma_start3A_297 : memref<5632x128xf32, #tpu.memory_space<vmem_shared>>) offsets(%arg9 : memref<128xi32, #tpu.memory_space<vmem>>) semaphore(%run_scoped3A : memref<!tpu.dma_semaphore, #tpu.memory_space<semaphore_mem>>) {add = true}
        %dma_wait3A_298 = arith.constant 0 : i32
        %dma_wait3A_299 = arith.constant 0 : i32
        %dma_wait3A_300 = tpu.memref_slice %arg15[%dma_wait3A_298, %dma_wait3A_299] : memref<5632x128xf32, #tpu.memory_space<vmem_shared>> -> memref<5632x128xf32, #tpu.memory_space<vmem_shared>>
        tpu.wait_indirect_dma semaphore(%run_scoped3A : memref<!tpu.dma_semaphore, #tpu.memory_space<semaphore_mem>>) src(%arg10 : memref<128x128xf32, #tpu.memory_space<vmem>>) dst(%dma_wait3A_300 : memref<5632x128xf32, #tpu.memory_space<vmem_shared>>)
        tpu.yield
      }) : () -> ()
    }
    %barrier3A_67 = arith.constant 0 : index
    tpu.barrier barrier_id(%barrier3A_67)
    %sub3A = arith.constant 1 : i32
    %sub3A_68 = arith.subi %sub3A, %arg0 : i32
    %mul3A_69 = arith.constant 5120 : i32
    %mul3A_70 = arith.muli %sub3A_68, %mul3A_69 : i32
    %mul3A_71 = arith.constant 320 : i32
    %mul3A_72 = arith.muli %arg1, %mul3A_71 : i32
    %add3A_73 = arith.addi %mul3A_70, %mul3A_72 : i32
    %mul3A_74 = arith.constant 320 : i32
    %mul3A_75 = arith.muli %arg1, %mul3A_74 : i32
    "tpu.region"() ({
      %run_scoped3A = tpu.sem_alloc : memref<!tpu.dma_semaphore, #tpu.memory_space<semaphore_mem>>
      %dma_start3A = arith.constant 0 : i32
      %dma_start3A_147 = tpu.memref_slice %arg14[%mul3A_75, %dma_start3A] : memref<5120x128xf32, #tpu.memory_space<vmem_shared>> -> memref<320x128xf32, #tpu.memory_space<vmem_shared>>
      %dma_start3A_148 = arith.constant 0 : i32
      %dma_start3A_149 = tpu.memref_slice %arg4[%add3A_73, %dma_start3A_148] : memref<10240x128xf32, #tpu.memory_space<hbm>> -> memref<320x128xf32, #tpu.memory_space<hbm>>
      tpu.enqueue_dma source(%dma_start3A_149 : memref<320x128xf32, #tpu.memory_space<hbm>>) target(%dma_start3A_147 : memref<320x128xf32, #tpu.memory_space<vmem_shared>>) target_semaphore(%run_scoped3A : memref<!tpu.dma_semaphore, #tpu.memory_space<semaphore_mem>>)
      %dma_wait3A = arith.constant 0 : i32
      %dma_wait3A_150 = tpu.memref_slice %arg14[%mul3A_75, %dma_wait3A] : memref<5120x128xf32, #tpu.memory_space<vmem_shared>> -> memref<320x128xf32, #tpu.memory_space<vmem_shared>>
      %dma_wait3A_151 = arith.constant 0 : i32
      %dma_wait3A_152 = tpu.memref_slice %arg4[%add3A_73, %dma_wait3A_151] : memref<10240x128xf32, #tpu.memory_space<hbm>> -> memref<320x128xf32, #tpu.memory_space<hbm>>
      tpu.wait_dma2 semaphore(%run_scoped3A : memref<!tpu.dma_semaphore, #tpu.memory_space<semaphore_mem>>) src(%dma_wait3A_152 : memref<320x128xf32, #tpu.memory_space<hbm>>) dst(%dma_wait3A_150 : memref<320x128xf32, #tpu.memory_space<vmem_shared>>)
      tpu.yield
    }) : () -> ()
    %barrier3A_76 = arith.constant 0 : index
    tpu.barrier barrier_id(%barrier3A_76)
    %mul3A_77 = arith.constant 2 : i32
    %mul3A_78 = arith.muli %mul3A_77, %arg0 : i32
    %sub3A_79 = arith.constant 1 : i32
    %sub3A_80 = arith.subi %sub3A_79, %arg0 : i32
    %add3A_81 = arith.addi %mul3A_78, %sub3A_80 : i32
    %mul3A_82 = arith.constant 2 : i32
    %mul3A_83 = arith.muli %mul3A_82, %arg1 : i32
    %eq3A_84 = vector.broadcast %add3A_81 : i32 to vector<16xi32>
    %eq3A_85 = arith.cmpi eq, %iota3A, %eq3A_84 : vector<16xi32>
    %jit3A_86 = arith.constant 0 : i32
    %broadcast_in_dim3A_87 = vector.broadcast %jit3A_86 : i32 to vector<16xi32>
    %select_n3A_88 = arith.select %eq3A_85, %get3A_6, %broadcast_in_dim3A_87 : vector<16xi1>, vector<16xi32>
    %reduce_sum3A_89 = arith.constant true
    %reduce_sum3A_90 = vector.broadcast %reduce_sum3A_89 : i1 to vector<16xi1>
    %reduce_sum3A_91 = tpu.scan <sum>, %select_n3A_88 masked %reduce_sum3A_90 : vector<16xi32>, vector<16xi1> -> vector<16xi32>
    %reduce_sum3A_92 = vector.extract %reduce_sum3A_91[15] : i32 from vector<16xi32>
    %sub3A_93 = arith.constant 1 : i32
    %sub3A_94 = arith.subi %sub3A_93, %arg0 : i32
    %mul3A_95 = arith.constant 5120 : i32
    %mul3A_96 = arith.muli %sub3A_94, %mul3A_95 : i32
    %add3A_97 = arith.constant 127 : i32
    %add3A_98 = arith.addi %reduce_sum3A_92, %add3A_97 : i32
    %div3A_99 = arith.constant 128 : i32
    %div3A_100 = arith.divsi %add3A_98, %div3A_99 : i32
    %while3A_101 = arith.constant 0 : i32
    %while3A_102 = arith.constant 0 : i32
    %while3A_103 = arith.subi %div3A_100, %while3A_102 : i32
    %while3A_104 = arith.addi %while3A_102, %while3A_103 : i32
    %while3A_105 = arith.constant 1 : i32
    %while3A_106 = arith.divsi %while3A_103, %while3A_105 : i32
    %while3A_107 = arith.muli %while3A_106, %while3A_105 : i32
    %while3A_108 = arith.addi %while3A_102, %while3A_107 : i32
    %while3A_109 = arith.constant 1 : i32
    scf.for %while3A_147 = %while3A_102 to %while3A_108 step %while3A_109  : i32 {
      %mul3A_148 = arith.constant 128 : i32
      %mul3A_149 = arith.muli %while3A_147, %mul3A_148 : i32
      "tpu.region"() ({
        %run_scoped3A = tpu.sem_alloc : memref<!tpu.dma_semaphore, #tpu.memory_space<semaphore_mem>>
        %dma_start3A_295 = tpu.memref_slice %arg2[%mul3A_83, %add3A_81, %mul3A_149] : memref<32x4x10112xi32, #tpu.memory_space<hbm>> -> memref<1x1x128xi32, #tpu.memory_space<hbm>>
        %dma_start3A_296 = tpu.memref_squeeze %dma_start3A_295 : memref<1x1x128xi32, #tpu.memory_space<hbm>> -> memref<128xi32, #tpu.memory_space<hbm>>
        %dma_start3A_297 = tpu.memref_slice %arg2[%mul3A_83, %add3A_81, %mul3A_149] : memref<32x4x10112xi32, #tpu.memory_space<hbm>> -> memref<1x1x128xi32, #tpu.memory_space<hbm>>
        %dma_start3A_298 = tpu.memref_squeeze %dma_start3A_297 : memref<1x1x128xi32, #tpu.memory_space<hbm>> -> memref<128xi32, #tpu.memory_space<hbm>>
        tpu.enqueue_dma source(%dma_start3A_298 : memref<128xi32, #tpu.memory_space<hbm>>) target(%arg7 : memref<128xi32, #tpu.memory_space<vmem>>) target_semaphore(%run_scoped3A : memref<!tpu.dma_semaphore, #tpu.memory_space<semaphore_mem>>)
        %dma_wait3A_299 = tpu.memref_slice %arg2[%mul3A_83, %add3A_81, %mul3A_149] : memref<32x4x10112xi32, #tpu.memory_space<hbm>> -> memref<1x1x128xi32, #tpu.memory_space<hbm>>
        %dma_wait3A_300 = tpu.memref_squeeze %dma_wait3A_299 : memref<1x1x128xi32, #tpu.memory_space<hbm>> -> memref<128xi32, #tpu.memory_space<hbm>>
        %dma_wait3A_301 = tpu.memref_slice %arg2[%mul3A_83, %add3A_81, %mul3A_149] : memref<32x4x10112xi32, #tpu.memory_space<hbm>> -> memref<1x1x128xi32, #tpu.memory_space<hbm>>
        %dma_wait3A_302 = tpu.memref_squeeze %dma_wait3A_301 : memref<1x1x128xi32, #tpu.memory_space<hbm>> -> memref<128xi32, #tpu.memory_space<hbm>>
        tpu.wait_dma2 semaphore(%run_scoped3A : memref<!tpu.dma_semaphore, #tpu.memory_space<semaphore_mem>>) src(%dma_wait3A_302 : memref<128xi32, #tpu.memory_space<hbm>>) dst(%arg7 : memref<128xi32, #tpu.memory_space<vmem>>)
        tpu.yield
      }) : () -> ()
      %get3A_150 = arith.constant 0 : index
      %get3A_151 = tpu.vector_load %arg7[%get3A_150] {strides = array<i32>} : memref<128xi32, #tpu.memory_space<vmem>>, vector<16xi32>,
      %and3A = arith.constant 16383 : i32
      %and3A_152 = vector.broadcast %and3A : i32 to vector<16xi32>
      %and3A_153 = arith.andi %get3A_151, %and3A_152 : vector<16xi32>
      %sub3A_154 = vector.broadcast %mul3A_96 : i32 to vector<16xi32>
      %sub3A_155 = arith.subi %and3A_153, %sub3A_154 : vector<16xi32>
      %swap3A = arith.constant 0 : index
      %swap3A_156 = tpu.vector_load %arg8[%swap3A] {strides = array<i32>} : memref<128xi32, #tpu.memory_space<vmem>>, vector<16xi32>,
      tpu.vector_store %arg8[%swap3A], %sub3A_155 {strides = array<i32>} : memref<128xi32, #tpu.memory_space<vmem>>, vector<16xi32>,
      %shift_right_logical3A = arith.constant 14 : i32
      %shift_right_logical3A_157 = vector.broadcast %shift_right_logical3A : i32 to vector<16xi32>
      %shift_right_logical3A_158 = arith.shrui %get3A_151, %shift_right_logical3A_157 : vector<16xi32>
      %mul3A_159 = arith.constant 5120 : i32
      %mul3A_160 = arith.muli %arg0, %mul3A_159 : i32
      %sub3A_161 = vector.broadcast %mul3A_160 : i32 to vector<16xi32>
      %sub3A_162 = arith.subi %shift_right_logical3A_158, %sub3A_161 : vector<16xi32>
      %swap3A_163 = arith.constant 0 : index
      %swap3A_164 = tpu.vector_load %arg9[%swap3A_163] {strides = array<i32>} : memref<128xi32, #tpu.memory_space<vmem>>, vector<16xi32>,
      tpu.vector_store %arg9[%swap3A_163], %sub3A_162 {strides = array<i32>} : memref<128xi32, #tpu.memory_space<vmem>>, vector<16xi32>,
      %get3A_165 = arith.constant 16 : index
      %get3A_166 = tpu.vector_load %arg7[%get3A_165] {strides = array<i32>} : memref<128xi32, #tpu.memory_space<vmem>>, vector<16xi32>,
      %and3A_167 = arith.constant 16383 : i32
      %and3A_168 = vector.broadcast %and3A_167 : i32 to vector<16xi32>
      %and3A_169 = arith.andi %get3A_166, %and3A_168 : vector<16xi32>
      %sub3A_170 = vector.broadcast %mul3A_96 : i32 to vector<16xi32>
      %sub3A_171 = arith.subi %and3A_169, %sub3A_170 : vector<16xi32>
      %swap3A_172 = arith.constant 16 : index
      %swap3A_173 = tpu.vector_load %arg8[%swap3A_172] {strides = array<i32>} : memref<128xi32, #tpu.memory_space<vmem>>, vector<16xi32>,
      tpu.vector_store %arg8[%swap3A_172], %sub3A_171 {strides = array<i32>} : memref<128xi32, #tpu.memory_space<vmem>>, vector<16xi32>,
      %shift_right_logical3A_174 = arith.constant 14 : i32
      %shift_right_logical3A_175 = vector.broadcast %shift_right_logical3A_174 : i32 to vector<16xi32>
      %shift_right_logical3A_176 = arith.shrui %get3A_166, %shift_right_logical3A_175 : vector<16xi32>
      %mul3A_177 = arith.constant 5120 : i32
      %mul3A_178 = arith.muli %arg0, %mul3A_177 : i32
      %sub3A_179 = vector.broadcast %mul3A_178 : i32 to vector<16xi32>
      %sub3A_180 = arith.subi %shift_right_logical3A_176, %sub3A_179 : vector<16xi32>
      %swap3A_181 = arith.constant 16 : index
      %swap3A_182 = tpu.vector_load %arg9[%swap3A_181] {strides = array<i32>} : memref<128xi32, #tpu.memory_space<vmem>>, vector<16xi32>,
      tpu.vector_store %arg9[%swap3A_181], %sub3A_180 {strides = array<i32>} : memref<128xi32, #tpu.memory_space<vmem>>, vector<16xi32>,
      %get3A_183 = arith.constant 32 : index
      %get3A_184 = tpu.vector_load %arg7[%get3A_183] {strides = array<i32>} : memref<128xi32, #tpu.memory_space<vmem>>, vector<16xi32>,
      %and3A_185 = arith.constant 16383 : i32
      %and3A_186 = vector.broadcast %and3A_185 : i32 to vector<16xi32>
      %and3A_187 = arith.andi %get3A_184, %and3A_186 : vector<16xi32>
      %sub3A_188 = vector.broadcast %mul3A_96 : i32 to vector<16xi32>
      %sub3A_189 = arith.subi %and3A_187, %sub3A_188 : vector<16xi32>
      %swap3A_190 = arith.constant 32 : index
      %swap3A_191 = tpu.vector_load %arg8[%swap3A_190] {strides = array<i32>} : memref<128xi32, #tpu.memory_space<vmem>>, vector<16xi32>,
      tpu.vector_store %arg8[%swap3A_190], %sub3A_189 {strides = array<i32>} : memref<128xi32, #tpu.memory_space<vmem>>, vector<16xi32>,
      %shift_right_logical3A_192 = arith.constant 14 : i32
      %shift_right_logical3A_193 = vector.broadcast %shift_right_logical3A_192 : i32 to vector<16xi32>
      %shift_right_logical3A_194 = arith.shrui %get3A_184, %shift_right_logical3A_193 : vector<16xi32>
      %mul3A_195 = arith.constant 5120 : i32
      %mul3A_196 = arith.muli %arg0, %mul3A_195 : i32
      %sub3A_197 = vector.broadcast %mul3A_196 : i32 to vector<16xi32>
      %sub3A_198 = arith.subi %shift_right_logical3A_194, %sub3A_197 : vector<16xi32>
      %swap3A_199 = arith.constant 32 : index
      %swap3A_200 = tpu.vector_load %arg9[%swap3A_199] {strides = array<i32>} : memref<128xi32, #tpu.memory_space<vmem>>, vector<16xi32>,
      tpu.vector_store %arg9[%swap3A_199], %sub3A_198 {strides = array<i32>} : memref<128xi32, #tpu.memory_space<vmem>>, vector<16xi32>,
      %get3A_201 = arith.constant 48 : index
      %get3A_202 = tpu.vector_load %arg7[%get3A_201] {strides = array<i32>} : memref<128xi32, #tpu.memory_space<vmem>>, vector<16xi32>,
      %and3A_203 = arith.constant 16383 : i32
      %and3A_204 = vector.broadcast %and3A_203 : i32 to vector<16xi32>
      %and3A_205 = arith.andi %get3A_202, %and3A_204 : vector<16xi32>
      %sub3A_206 = vector.broadcast %mul3A_96 : i32 to vector<16xi32>
      %sub3A_207 = arith.subi %and3A_205, %sub3A_206 : vector<16xi32>
      %swap3A_208 = arith.constant 48 : index
      %swap3A_209 = tpu.vector_load %arg8[%swap3A_208] {strides = array<i32>} : memref<128xi32, #tpu.memory_space<vmem>>, vector<16xi32>,
      tpu.vector_store %arg8[%swap3A_208], %sub3A_207 {strides = array<i32>} : memref<128xi32, #tpu.memory_space<vmem>>, vector<16xi32>,
      %shift_right_logical3A_210 = arith.constant 14 : i32
      %shift_right_logical3A_211 = vector.broadcast %shift_right_logical3A_210 : i32 to vector<16xi32>
      %shift_right_logical3A_212 = arith.shrui %get3A_202, %shift_right_logical3A_211 : vector<16xi32>
      %mul3A_213 = arith.constant 5120 : i32
      %mul3A_214 = arith.muli %arg0, %mul3A_213 : i32
      %sub3A_215 = vector.broadcast %mul3A_214 : i32 to vector<16xi32>
      %sub3A_216 = arith.subi %shift_right_logical3A_212, %sub3A_215 : vector<16xi32>
      %swap3A_217 = arith.constant 48 : index
      %swap3A_218 = tpu.vector_load %arg9[%swap3A_217] {strides = array<i32>} : memref<128xi32, #tpu.memory_space<vmem>>, vector<16xi32>,
      tpu.vector_store %arg9[%swap3A_217], %sub3A_216 {strides = array<i32>} : memref<128xi32, #tpu.memory_space<vmem>>, vector<16xi32>,
      %get3A_219 = arith.constant 64 : index
      %get3A_220 = tpu.vector_load %arg7[%get3A_219] {strides = array<i32>} : memref<128xi32, #tpu.memory_space<vmem>>, vector<16xi32>,
      %and3A_221 = arith.constant 16383 : i32
      %and3A_222 = vector.broadcast %and3A_221 : i32 to vector<16xi32>
      %and3A_223 = arith.andi %get3A_220, %and3A_222 : vector<16xi32>
      %sub3A_224 = vector.broadcast %mul3A_96 : i32 to vector<16xi32>
      %sub3A_225 = arith.subi %and3A_223, %sub3A_224 : vector<16xi32>
      %swap3A_226 = arith.constant 64 : index
      %swap3A_227 = tpu.vector_load %arg8[%swap3A_226] {strides = array<i32>} : memref<128xi32, #tpu.memory_space<vmem>>, vector<16xi32>,
      tpu.vector_store %arg8[%swap3A_226], %sub3A_225 {strides = array<i32>} : memref<128xi32, #tpu.memory_space<vmem>>, vector<16xi32>,
      %shift_right_logical3A_228 = arith.constant 14 : i32
      %shift_right_logical3A_229 = vector.broadcast %shift_right_logical3A_228 : i32 to vector<16xi32>
      %shift_right_logical3A_230 = arith.shrui %get3A_220, %shift_right_logical3A_229 : vector<16xi32>
      %mul3A_231 = arith.constant 5120 : i32
      %mul3A_232 = arith.muli %arg0, %mul3A_231 : i32
      %sub3A_233 = vector.broadcast %mul3A_232 : i32 to vector<16xi32>
      %sub3A_234 = arith.subi %shift_right_logical3A_230, %sub3A_233 : vector<16xi32>
      %swap3A_235 = arith.constant 64 : index
      %swap3A_236 = tpu.vector_load %arg9[%swap3A_235] {strides = array<i32>} : memref<128xi32, #tpu.memory_space<vmem>>, vector<16xi32>,
      tpu.vector_store %arg9[%swap3A_235], %sub3A_234 {strides = array<i32>} : memref<128xi32, #tpu.memory_space<vmem>>, vector<16xi32>,
      %get3A_237 = arith.constant 80 : index
      %get3A_238 = tpu.vector_load %arg7[%get3A_237] {strides = array<i32>} : memref<128xi32, #tpu.memory_space<vmem>>, vector<16xi32>,
      %and3A_239 = arith.constant 16383 : i32
      %and3A_240 = vector.broadcast %and3A_239 : i32 to vector<16xi32>
      %and3A_241 = arith.andi %get3A_238, %and3A_240 : vector<16xi32>
      %sub3A_242 = vector.broadcast %mul3A_96 : i32 to vector<16xi32>
      %sub3A_243 = arith.subi %and3A_241, %sub3A_242 : vector<16xi32>
      %swap3A_244 = arith.constant 80 : index
      %swap3A_245 = tpu.vector_load %arg8[%swap3A_244] {strides = array<i32>} : memref<128xi32, #tpu.memory_space<vmem>>, vector<16xi32>,
      tpu.vector_store %arg8[%swap3A_244], %sub3A_243 {strides = array<i32>} : memref<128xi32, #tpu.memory_space<vmem>>, vector<16xi32>,
      %shift_right_logical3A_246 = arith.constant 14 : i32
      %shift_right_logical3A_247 = vector.broadcast %shift_right_logical3A_246 : i32 to vector<16xi32>
      %shift_right_logical3A_248 = arith.shrui %get3A_238, %shift_right_logical3A_247 : vector<16xi32>
      %mul3A_249 = arith.constant 5120 : i32
      %mul3A_250 = arith.muli %arg0, %mul3A_249 : i32
      %sub3A_251 = vector.broadcast %mul3A_250 : i32 to vector<16xi32>
      %sub3A_252 = arith.subi %shift_right_logical3A_248, %sub3A_251 : vector<16xi32>
      %swap3A_253 = arith.constant 80 : index
      %swap3A_254 = tpu.vector_load %arg9[%swap3A_253] {strides = array<i32>} : memref<128xi32, #tpu.memory_space<vmem>>, vector<16xi32>,
      tpu.vector_store %arg9[%swap3A_253], %sub3A_252 {strides = array<i32>} : memref<128xi32, #tpu.memory_space<vmem>>, vector<16xi32>,
      %get3A_255 = arith.constant 96 : index
      %get3A_256 = tpu.vector_load %arg7[%get3A_255] {strides = array<i32>} : memref<128xi32, #tpu.memory_space<vmem>>, vector<16xi32>,
      %and3A_257 = arith.constant 16383 : i32
      %and3A_258 = vector.broadcast %and3A_257 : i32 to vector<16xi32>
      %and3A_259 = arith.andi %get3A_256, %and3A_258 : vector<16xi32>
      %sub3A_260 = vector.broadcast %mul3A_96 : i32 to vector<16xi32>
      %sub3A_261 = arith.subi %and3A_259, %sub3A_260 : vector<16xi32>
      %swap3A_262 = arith.constant 96 : index
      %swap3A_263 = tpu.vector_load %arg8[%swap3A_262] {strides = array<i32>} : memref<128xi32, #tpu.memory_space<vmem>>, vector<16xi32>,
      tpu.vector_store %arg8[%swap3A_262], %sub3A_261 {strides = array<i32>} : memref<128xi32, #tpu.memory_space<vmem>>, vector<16xi32>,
      %shift_right_logical3A_264 = arith.constant 14 : i32
      %shift_right_logical3A_265 = vector.broadcast %shift_right_logical3A_264 : i32 to vector<16xi32>
      %shift_right_logical3A_266 = arith.shrui %get3A_256, %shift_right_logical3A_265 : vector<16xi32>
      %mul3A_267 = arith.constant 5120 : i32
      %mul3A_268 = arith.muli %arg0, %mul3A_267 : i32
      %sub3A_269 = vector.broadcast %mul3A_268 : i32 to vector<16xi32>
      %sub3A_270 = arith.subi %shift_right_logical3A_266, %sub3A_269 : vector<16xi32>
      %swap3A_271 = arith.constant 96 : index
      %swap3A_272 = tpu.vector_load %arg9[%swap3A_271] {strides = array<i32>} : memref<128xi32, #tpu.memory_space<vmem>>, vector<16xi32>,
      tpu.vector_store %arg9[%swap3A_271], %sub3A_270 {strides = array<i32>} : memref<128xi32, #tpu.memory_space<vmem>>, vector<16xi32>,
      %get3A_273 = arith.constant 112 : index
      %get3A_274 = tpu.vector_load %arg7[%get3A_273] {strides = array<i32>} : memref<128xi32, #tpu.memory_space<vmem>>, vector<16xi32>,
      %and3A_275 = arith.constant 16383 : i32
      %and3A_276 = vector.broadcast %and3A_275 : i32 to vector<16xi32>
      %and3A_277 = arith.andi %get3A_274, %and3A_276 : vector<16xi32>
      %sub3A_278 = vector.broadcast %mul3A_96 : i32 to vector<16xi32>
      %sub3A_279 = arith.subi %and3A_277, %sub3A_278 : vector<16xi32>
      %swap3A_280 = arith.constant 112 : index
      %swap3A_281 = tpu.vector_load %arg8[%swap3A_280] {strides = array<i32>} : memref<128xi32, #tpu.memory_space<vmem>>, vector<16xi32>,
      tpu.vector_store %arg8[%swap3A_280], %sub3A_279 {strides = array<i32>} : memref<128xi32, #tpu.memory_space<vmem>>, vector<16xi32>,
      %shift_right_logical3A_282 = arith.constant 14 : i32
      %shift_right_logical3A_283 = vector.broadcast %shift_right_logical3A_282 : i32 to vector<16xi32>
      %shift_right_logical3A_284 = arith.shrui %get3A_274, %shift_right_logical3A_283 : vector<16xi32>
      %mul3A_285 = arith.constant 5120 : i32
      %mul3A_286 = arith.muli %arg0, %mul3A_285 : i32
      %sub3A_287 = vector.broadcast %mul3A_286 : i32 to vector<16xi32>
      %sub3A_288 = arith.subi %shift_right_logical3A_284, %sub3A_287 : vector<16xi32>
      %swap3A_289 = arith.constant 112 : index
      %swap3A_290 = tpu.vector_load %arg9[%swap3A_289] {strides = array<i32>} : memref<128xi32, #tpu.memory_space<vmem>>, vector<16xi32>,
      tpu.vector_store %arg9[%swap3A_289], %sub3A_288 {strides = array<i32>} : memref<128xi32, #tpu.memory_space<vmem>>, vector<16xi32>,
      %dma_start3A = arith.constant 0 : i32
      %dma_start3A_291 = arith.constant 0 : i32
      %dma_start3A_292 = tpu.memref_slice %arg14[%dma_start3A, %dma_start3A_291] : memref<5120x128xf32, #tpu.memory_space<vmem_shared>> -> memref<5120x128xf32, #tpu.memory_space<vmem_shared>>
      tpu.enqueue_indirect_dma source(%dma_start3A_292 : memref<5120x128xf32, #tpu.memory_space<vmem_shared>>) target(%arg10 : memref<128x128xf32, #tpu.memory_space<vmem>>) offsets(%arg8 : memref<128xi32, #tpu.memory_space<vmem>>) semaphore(%arg13 : memref<!tpu.dma_semaphore, #tpu.memory_space<semaphore_mem>>)
      %dma_wait3A = arith.constant 0 : i32
      %dma_wait3A_293 = arith.constant 0 : i32
      %dma_wait3A_294 = tpu.memref_slice %arg14[%dma_wait3A, %dma_wait3A_293] : memref<5120x128xf32, #tpu.memory_space<vmem_shared>> -> memref<5120x128xf32, #tpu.memory_space<vmem_shared>>
      tpu.wait_indirect_dma semaphore(%arg13 : memref<!tpu.dma_semaphore, #tpu.memory_space<semaphore_mem>>) src(%dma_wait3A_294 : memref<5120x128xf32, #tpu.memory_space<vmem_shared>>) dst(%arg10 : memref<128x128xf32, #tpu.memory_space<vmem>>)
      "tpu.region"() ({
        %run_scoped3A = tpu.sem_alloc : memref<!tpu.dma_semaphore, #tpu.memory_space<semaphore_mem>>
        %dma_start3A_295 = arith.constant 0 : i32
        %dma_start3A_296 = arith.constant 0 : i32
        %dma_start3A_297 = tpu.memref_slice %arg15[%dma_start3A_295, %dma_start3A_296] : memref<5632x128xf32, #tpu.memory_space<vmem_shared>> -> memref<5632x128xf32, #tpu.memory_space<vmem_shared>>
        tpu.enqueue_indirect_dma source(%arg10 : memref<128x128xf32, #tpu.memory_space<vmem>>) target(%dma_start3A_297 : memref<5632x128xf32, #tpu.memory_space<vmem_shared>>) offsets(%arg9 : memref<128xi32, #tpu.memory_space<vmem>>) semaphore(%run_scoped3A : memref<!tpu.dma_semaphore, #tpu.memory_space<semaphore_mem>>) {add = true}
        %dma_wait3A_298 = arith.constant 0 : i32
        %dma_wait3A_299 = arith.constant 0 : i32
        %dma_wait3A_300 = tpu.memref_slice %arg15[%dma_wait3A_298, %dma_wait3A_299] : memref<5632x128xf32, #tpu.memory_space<vmem_shared>> -> memref<5632x128xf32, #tpu.memory_space<vmem_shared>>
        tpu.wait_indirect_dma semaphore(%run_scoped3A : memref<!tpu.dma_semaphore, #tpu.memory_space<semaphore_mem>>) src(%arg10 : memref<128x128xf32, #tpu.memory_space<vmem>>) dst(%dma_wait3A_300 : memref<5632x128xf32, #tpu.memory_space<vmem_shared>>)
        tpu.yield
      }) : () -> ()
    }
    %while3A_110 = arith.constant 1 : i32
    scf.for %while3A_147 = %while3A_108 to %while3A_104 step %while3A_110  : i32 {
      %mul3A_148 = arith.constant 128 : i32
      %mul3A_149 = arith.muli %while3A_147, %mul3A_148 : i32
      "tpu.region"() ({
        %run_scoped3A = tpu.sem_alloc : memref<!tpu.dma_semaphore, #tpu.memory_space<semaphore_mem>>
        %dma_start3A_295 = tpu.memref_slice %arg2[%mul3A_83, %add3A_81, %mul3A_149] : memref<32x4x10112xi32, #tpu.memory_space<hbm>> -> memref<1x1x128xi32, #tpu.memory_space<hbm>>
        %dma_start3A_296 = tpu.memref_squeeze %dma_start3A_295 : memref<1x1x128xi32, #tpu.memory_space<hbm>> -> memref<128xi32, #tpu.memory_space<hbm>>
        %dma_start3A_297 = tpu.memref_slice %arg2[%mul3A_83, %add3A_81, %mul3A_149] : memref<32x4x10112xi32, #tpu.memory_space<hbm>> -> memref<1x1x128xi32, #tpu.memory_space<hbm>>
        %dma_start3A_298 = tpu.memref_squeeze %dma_start3A_297 : memref<1x1x128xi32, #tpu.memory_space<hbm>> -> memref<128xi32, #tpu.memory_space<hbm>>
        tpu.enqueue_dma source(%dma_start3A_298 : memref<128xi32, #tpu.memory_space<hbm>>) target(%arg7 : memref<128xi32, #tpu.memory_space<vmem>>) target_semaphore(%run_scoped3A : memref<!tpu.dma_semaphore, #tpu.memory_space<semaphore_mem>>)
        %dma_wait3A_299 = tpu.memref_slice %arg2[%mul3A_83, %add3A_81, %mul3A_149] : memref<32x4x10112xi32, #tpu.memory_space<hbm>> -> memref<1x1x128xi32, #tpu.memory_space<hbm>>
        %dma_wait3A_300 = tpu.memref_squeeze %dma_wait3A_299 : memref<1x1x128xi32, #tpu.memory_space<hbm>> -> memref<128xi32, #tpu.memory_space<hbm>>
        %dma_wait3A_301 = tpu.memref_slice %arg2[%mul3A_83, %add3A_81, %mul3A_149] : memref<32x4x10112xi32, #tpu.memory_space<hbm>> -> memref<1x1x128xi32, #tpu.memory_space<hbm>>
        %dma_wait3A_302 = tpu.memref_squeeze %dma_wait3A_301 : memref<1x1x128xi32, #tpu.memory_space<hbm>> -> memref<128xi32, #tpu.memory_space<hbm>>
        tpu.wait_dma2 semaphore(%run_scoped3A : memref<!tpu.dma_semaphore, #tpu.memory_space<semaphore_mem>>) src(%dma_wait3A_302 : memref<128xi32, #tpu.memory_space<hbm>>) dst(%arg7 : memref<128xi32, #tpu.memory_space<vmem>>)
        tpu.yield
      }) : () -> ()
      %get3A_150 = arith.constant 0 : index
      %get3A_151 = tpu.vector_load %arg7[%get3A_150] {strides = array<i32>} : memref<128xi32, #tpu.memory_space<vmem>>, vector<16xi32>,
      %and3A = arith.constant 16383 : i32
      %and3A_152 = vector.broadcast %and3A : i32 to vector<16xi32>
      %and3A_153 = arith.andi %get3A_151, %and3A_152 : vector<16xi32>
      %sub3A_154 = vector.broadcast %mul3A_96 : i32 to vector<16xi32>
      %sub3A_155 = arith.subi %and3A_153, %sub3A_154 : vector<16xi32>
      %swap3A = arith.constant 0 : index
      %swap3A_156 = tpu.vector_load %arg8[%swap3A] {strides = array<i32>} : memref<128xi32, #tpu.memory_space<vmem>>, vector<16xi32>,
      tpu.vector_store %arg8[%swap3A], %sub3A_155 {strides = array<i32>} : memref<128xi32, #tpu.memory_space<vmem>>, vector<16xi32>,
      %shift_right_logical3A = arith.constant 14 : i32
      %shift_right_logical3A_157 = vector.broadcast %shift_right_logical3A : i32 to vector<16xi32>
      %shift_right_logical3A_158 = arith.shrui %get3A_151, %shift_right_logical3A_157 : vector<16xi32>
      %mul3A_159 = arith.constant 5120 : i32
      %mul3A_160 = arith.muli %arg0, %mul3A_159 : i32
      %sub3A_161 = vector.broadcast %mul3A_160 : i32 to vector<16xi32>
      %sub3A_162 = arith.subi %shift_right_logical3A_158, %sub3A_161 : vector<16xi32>
      %swap3A_163 = arith.constant 0 : index
      %swap3A_164 = tpu.vector_load %arg9[%swap3A_163] {strides = array<i32>} : memref<128xi32, #tpu.memory_space<vmem>>, vector<16xi32>,
      tpu.vector_store %arg9[%swap3A_163], %sub3A_162 {strides = array<i32>} : memref<128xi32, #tpu.memory_space<vmem>>, vector<16xi32>,
      %get3A_165 = arith.constant 16 : index
      %get3A_166 = tpu.vector_load %arg7[%get3A_165] {strides = array<i32>} : memref<128xi32, #tpu.memory_space<vmem>>, vector<16xi32>,
      %and3A_167 = arith.constant 16383 : i32
      %and3A_168 = vector.broadcast %and3A_167 : i32 to vector<16xi32>
      %and3A_169 = arith.andi %get3A_166, %and3A_168 : vector<16xi32>
      %sub3A_170 = vector.broadcast %mul3A_96 : i32 to vector<16xi32>
      %sub3A_171 = arith.subi %and3A_169, %sub3A_170 : vector<16xi32>
      %swap3A_172 = arith.constant 16 : index
      %swap3A_173 = tpu.vector_load %arg8[%swap3A_172] {strides = array<i32>} : memref<128xi32, #tpu.memory_space<vmem>>, vector<16xi32>,
      tpu.vector_store %arg8[%swap3A_172], %sub3A_171 {strides = array<i32>} : memref<128xi32, #tpu.memory_space<vmem>>, vector<16xi32>,
      %shift_right_logical3A_174 = arith.constant 14 : i32
      %shift_right_logical3A_175 = vector.broadcast %shift_right_logical3A_174 : i32 to vector<16xi32>
      %shift_right_logical3A_176 = arith.shrui %get3A_166, %shift_right_logical3A_175 : vector<16xi32>
      %mul3A_177 = arith.constant 5120 : i32
      %mul3A_178 = arith.muli %arg0, %mul3A_177 : i32
      %sub3A_179 = vector.broadcast %mul3A_178 : i32 to vector<16xi32>
      %sub3A_180 = arith.subi %shift_right_logical3A_176, %sub3A_179 : vector<16xi32>
      %swap3A_181 = arith.constant 16 : index
      %swap3A_182 = tpu.vector_load %arg9[%swap3A_181] {strides = array<i32>} : memref<128xi32, #tpu.memory_space<vmem>>, vector<16xi32>,
      tpu.vector_store %arg9[%swap3A_181], %sub3A_180 {strides = array<i32>} : memref<128xi32, #tpu.memory_space<vmem>>, vector<16xi32>,
      %get3A_183 = arith.constant 32 : index
      %get3A_184 = tpu.vector_load %arg7[%get3A_183] {strides = array<i32>} : memref<128xi32, #tpu.memory_space<vmem>>, vector<16xi32>,
      %and3A_185 = arith.constant 16383 : i32
      %and3A_186 = vector.broadcast %and3A_185 : i32 to vector<16xi32>
      %and3A_187 = arith.andi %get3A_184, %and3A_186 : vector<16xi32>
      %sub3A_188 = vector.broadcast %mul3A_96 : i32 to vector<16xi32>
      %sub3A_189 = arith.subi %and3A_187, %sub3A_188 : vector<16xi32>
      %swap3A_190 = arith.constant 32 : index
      %swap3A_191 = tpu.vector_load %arg8[%swap3A_190] {strides = array<i32>} : memref<128xi32, #tpu.memory_space<vmem>>, vector<16xi32>,
      tpu.vector_store %arg8[%swap3A_190], %sub3A_189 {strides = array<i32>} : memref<128xi32, #tpu.memory_space<vmem>>, vector<16xi32>,
      %shift_right_logical3A_192 = arith.constant 14 : i32
      %shift_right_logical3A_193 = vector.broadcast %shift_right_logical3A_192 : i32 to vector<16xi32>
      %shift_right_logical3A_194 = arith.shrui %get3A_184, %shift_right_logical3A_193 : vector<16xi32>
      %mul3A_195 = arith.constant 5120 : i32
      %mul3A_196 = arith.muli %arg0, %mul3A_195 : i32
      %sub3A_197 = vector.broadcast %mul3A_196 : i32 to vector<16xi32>
      %sub3A_198 = arith.subi %shift_right_logical3A_194, %sub3A_197 : vector<16xi32>
      %swap3A_199 = arith.constant 32 : index
      %swap3A_200 = tpu.vector_load %arg9[%swap3A_199] {strides = array<i32>} : memref<128xi32, #tpu.memory_space<vmem>>, vector<16xi32>,
      tpu.vector_store %arg9[%swap3A_199], %sub3A_198 {strides = array<i32>} : memref<128xi32, #tpu.memory_space<vmem>>, vector<16xi32>,
      %get3A_201 = arith.constant 48 : index
      %get3A_202 = tpu.vector_load %arg7[%get3A_201] {strides = array<i32>} : memref<128xi32, #tpu.memory_space<vmem>>, vector<16xi32>,
      %and3A_203 = arith.constant 16383 : i32
      %and3A_204 = vector.broadcast %and3A_203 : i32 to vector<16xi32>
      %and3A_205 = arith.andi %get3A_202, %and3A_204 : vector<16xi32>
      %sub3A_206 = vector.broadcast %mul3A_96 : i32 to vector<16xi32>
      %sub3A_207 = arith.subi %and3A_205, %sub3A_206 : vector<16xi32>
      %swap3A_208 = arith.constant 48 : index
      %swap3A_209 = tpu.vector_load %arg8[%swap3A_208] {strides = array<i32>} : memref<128xi32, #tpu.memory_space<vmem>>, vector<16xi32>,
      tpu.vector_store %arg8[%swap3A_208], %sub3A_207 {strides = array<i32>} : memref<128xi32, #tpu.memory_space<vmem>>, vector<16xi32>,
      %shift_right_logical3A_210 = arith.constant 14 : i32
      %shift_right_logical3A_211 = vector.broadcast %shift_right_logical3A_210 : i32 to vector<16xi32>
      %shift_right_logical3A_212 = arith.shrui %get3A_202, %shift_right_logical3A_211 : vector<16xi32>
      %mul3A_213 = arith.constant 5120 : i32
      %mul3A_214 = arith.muli %arg0, %mul3A_213 : i32
      %sub3A_215 = vector.broadcast %mul3A_214 : i32 to vector<16xi32>
      %sub3A_216 = arith.subi %shift_right_logical3A_212, %sub3A_215 : vector<16xi32>
      %swap3A_217 = arith.constant 48 : index
      %swap3A_218 = tpu.vector_load %arg9[%swap3A_217] {strides = array<i32>} : memref<128xi32, #tpu.memory_space<vmem>>, vector<16xi32>,
      tpu.vector_store %arg9[%swap3A_217], %sub3A_216 {strides = array<i32>} : memref<128xi32, #tpu.memory_space<vmem>>, vector<16xi32>,
      %get3A_219 = arith.constant 64 : index
      %get3A_220 = tpu.vector_load %arg7[%get3A_219] {strides = array<i32>} : memref<128xi32, #tpu.memory_space<vmem>>, vector<16xi32>,
      %and3A_221 = arith.constant 16383 : i32
      %and3A_222 = vector.broadcast %and3A_221 : i32 to vector<16xi32>
      %and3A_223 = arith.andi %get3A_220, %and3A_222 : vector<16xi32>
      %sub3A_224 = vector.broadcast %mul3A_96 : i32 to vector<16xi32>
      %sub3A_225 = arith.subi %and3A_223, %sub3A_224 : vector<16xi32>
      %swap3A_226 = arith.constant 64 : index
      %swap3A_227 = tpu.vector_load %arg8[%swap3A_226] {strides = array<i32>} : memref<128xi32, #tpu.memory_space<vmem>>, vector<16xi32>,
      tpu.vector_store %arg8[%swap3A_226], %sub3A_225 {strides = array<i32>} : memref<128xi32, #tpu.memory_space<vmem>>, vector<16xi32>,
      %shift_right_logical3A_228 = arith.constant 14 : i32
      %shift_right_logical3A_229 = vector.broadcast %shift_right_logical3A_228 : i32 to vector<16xi32>
      %shift_right_logical3A_230 = arith.shrui %get3A_220, %shift_right_logical3A_229 : vector<16xi32>
      %mul3A_231 = arith.constant 5120 : i32
      %mul3A_232 = arith.muli %arg0, %mul3A_231 : i32
      %sub3A_233 = vector.broadcast %mul3A_232 : i32 to vector<16xi32>
      %sub3A_234 = arith.subi %shift_right_logical3A_230, %sub3A_233 : vector<16xi32>
      %swap3A_235 = arith.constant 64 : index
      %swap3A_236 = tpu.vector_load %arg9[%swap3A_235] {strides = array<i32>} : memref<128xi32, #tpu.memory_space<vmem>>, vector<16xi32>,
      tpu.vector_store %arg9[%swap3A_235], %sub3A_234 {strides = array<i32>} : memref<128xi32, #tpu.memory_space<vmem>>, vector<16xi32>,
      %get3A_237 = arith.constant 80 : index
      %get3A_238 = tpu.vector_load %arg7[%get3A_237] {strides = array<i32>} : memref<128xi32, #tpu.memory_space<vmem>>, vector<16xi32>,
      %and3A_239 = arith.constant 16383 : i32
      %and3A_240 = vector.broadcast %and3A_239 : i32 to vector<16xi32>
      %and3A_241 = arith.andi %get3A_238, %and3A_240 : vector<16xi32>
      %sub3A_242 = vector.broadcast %mul3A_96 : i32 to vector<16xi32>
      %sub3A_243 = arith.subi %and3A_241, %sub3A_242 : vector<16xi32>
      %swap3A_244 = arith.constant 80 : index
      %swap3A_245 = tpu.vector_load %arg8[%swap3A_244] {strides = array<i32>} : memref<128xi32, #tpu.memory_space<vmem>>, vector<16xi32>,
      tpu.vector_store %arg8[%swap3A_244], %sub3A_243 {strides = array<i32>} : memref<128xi32, #tpu.memory_space<vmem>>, vector<16xi32>,
      %shift_right_logical3A_246 = arith.constant 14 : i32
      %shift_right_logical3A_247 = vector.broadcast %shift_right_logical3A_246 : i32 to vector<16xi32>
      %shift_right_logical3A_248 = arith.shrui %get3A_238, %shift_right_logical3A_247 : vector<16xi32>
      %mul3A_249 = arith.constant 5120 : i32
      %mul3A_250 = arith.muli %arg0, %mul3A_249 : i32
      %sub3A_251 = vector.broadcast %mul3A_250 : i32 to vector<16xi32>
      %sub3A_252 = arith.subi %shift_right_logical3A_248, %sub3A_251 : vector<16xi32>
      %swap3A_253 = arith.constant 80 : index
      %swap3A_254 = tpu.vector_load %arg9[%swap3A_253] {strides = array<i32>} : memref<128xi32, #tpu.memory_space<vmem>>, vector<16xi32>,
      tpu.vector_store %arg9[%swap3A_253], %sub3A_252 {strides = array<i32>} : memref<128xi32, #tpu.memory_space<vmem>>, vector<16xi32>,
      %get3A_255 = arith.constant 96 : index
      %get3A_256 = tpu.vector_load %arg7[%get3A_255] {strides = array<i32>} : memref<128xi32, #tpu.memory_space<vmem>>, vector<16xi32>,
      %and3A_257 = arith.constant 16383 : i32
      %and3A_258 = vector.broadcast %and3A_257 : i32 to vector<16xi32>
      %and3A_259 = arith.andi %get3A_256, %and3A_258 : vector<16xi32>
      %sub3A_260 = vector.broadcast %mul3A_96 : i32 to vector<16xi32>
      %sub3A_261 = arith.subi %and3A_259, %sub3A_260 : vector<16xi32>
      %swap3A_262 = arith.constant 96 : index
      %swap3A_263 = tpu.vector_load %arg8[%swap3A_262] {strides = array<i32>} : memref<128xi32, #tpu.memory_space<vmem>>, vector<16xi32>,
      tpu.vector_store %arg8[%swap3A_262], %sub3A_261 {strides = array<i32>} : memref<128xi32, #tpu.memory_space<vmem>>, vector<16xi32>,
      %shift_right_logical3A_264 = arith.constant 14 : i32
      %shift_right_logical3A_265 = vector.broadcast %shift_right_logical3A_264 : i32 to vector<16xi32>
      %shift_right_logical3A_266 = arith.shrui %get3A_256, %shift_right_logical3A_265 : vector<16xi32>
      %mul3A_267 = arith.constant 5120 : i32
      %mul3A_268 = arith.muli %arg0, %mul3A_267 : i32
      %sub3A_269 = vector.broadcast %mul3A_268 : i32 to vector<16xi32>
      %sub3A_270 = arith.subi %shift_right_logical3A_266, %sub3A_269 : vector<16xi32>
      %swap3A_271 = arith.constant 96 : index
      %swap3A_272 = tpu.vector_load %arg9[%swap3A_271] {strides = array<i32>} : memref<128xi32, #tpu.memory_space<vmem>>, vector<16xi32>,
      tpu.vector_store %arg9[%swap3A_271], %sub3A_270 {strides = array<i32>} : memref<128xi32, #tpu.memory_space<vmem>>, vector<16xi32>,
      %get3A_273 = arith.constant 112 : index
      %get3A_274 = tpu.vector_load %arg7[%get3A_273] {strides = array<i32>} : memref<128xi32, #tpu.memory_space<vmem>>, vector<16xi32>,
      %and3A_275 = arith.constant 16383 : i32
      %and3A_276 = vector.broadcast %and3A_275 : i32 to vector<16xi32>
      %and3A_277 = arith.andi %get3A_274, %and3A_276 : vector<16xi32>
      %sub3A_278 = vector.broadcast %mul3A_96 : i32 to vector<16xi32>
      %sub3A_279 = arith.subi %and3A_277, %sub3A_278 : vector<16xi32>
      %swap3A_280 = arith.constant 112 : index
      %swap3A_281 = tpu.vector_load %arg8[%swap3A_280] {strides = array<i32>} : memref<128xi32, #tpu.memory_space<vmem>>, vector<16xi32>,
      tpu.vector_store %arg8[%swap3A_280], %sub3A_279 {strides = array<i32>} : memref<128xi32, #tpu.memory_space<vmem>>, vector<16xi32>,
      %shift_right_logical3A_282 = arith.constant 14 : i32
      %shift_right_logical3A_283 = vector.broadcast %shift_right_logical3A_282 : i32 to vector<16xi32>
      %shift_right_logical3A_284 = arith.shrui %get3A_274, %shift_right_logical3A_283 : vector<16xi32>
      %mul3A_285 = arith.constant 5120 : i32
      %mul3A_286 = arith.muli %arg0, %mul3A_285 : i32
      %sub3A_287 = vector.broadcast %mul3A_286 : i32 to vector<16xi32>
      %sub3A_288 = arith.subi %shift_right_logical3A_284, %sub3A_287 : vector<16xi32>
      %swap3A_289 = arith.constant 112 : index
      %swap3A_290 = tpu.vector_load %arg9[%swap3A_289] {strides = array<i32>} : memref<128xi32, #tpu.memory_space<vmem>>, vector<16xi32>,
      tpu.vector_store %arg9[%swap3A_289], %sub3A_288 {strides = array<i32>} : memref<128xi32, #tpu.memory_space<vmem>>, vector<16xi32>,
      %dma_start3A = arith.constant 0 : i32
      %dma_start3A_291 = arith.constant 0 : i32
      %dma_start3A_292 = tpu.memref_slice %arg14[%dma_start3A, %dma_start3A_291] : memref<5120x128xf32, #tpu.memory_space<vmem_shared>> -> memref<5120x128xf32, #tpu.memory_space<vmem_shared>>
      tpu.enqueue_indirect_dma source(%dma_start3A_292 : memref<5120x128xf32, #tpu.memory_space<vmem_shared>>) target(%arg10 : memref<128x128xf32, #tpu.memory_space<vmem>>) offsets(%arg8 : memref<128xi32, #tpu.memory_space<vmem>>) semaphore(%arg13 : memref<!tpu.dma_semaphore, #tpu.memory_space<semaphore_mem>>)
      %dma_wait3A = arith.constant 0 : i32
      %dma_wait3A_293 = arith.constant 0 : i32
      %dma_wait3A_294 = tpu.memref_slice %arg14[%dma_wait3A, %dma_wait3A_293] : memref<5120x128xf32, #tpu.memory_space<vmem_shared>> -> memref<5120x128xf32, #tpu.memory_space<vmem_shared>>
      tpu.wait_indirect_dma semaphore(%arg13 : memref<!tpu.dma_semaphore, #tpu.memory_space<semaphore_mem>>) src(%dma_wait3A_294 : memref<5120x128xf32, #tpu.memory_space<vmem_shared>>) dst(%arg10 : memref<128x128xf32, #tpu.memory_space<vmem>>)
      "tpu.region"() ({
        %run_scoped3A = tpu.sem_alloc : memref<!tpu.dma_semaphore, #tpu.memory_space<semaphore_mem>>
        %dma_start3A_295 = arith.constant 0 : i32
        %dma_start3A_296 = arith.constant 0 : i32
        %dma_start3A_297 = tpu.memref_slice %arg15[%dma_start3A_295, %dma_start3A_296] : memref<5632x128xf32, #tpu.memory_space<vmem_shared>> -> memref<5632x128xf32, #tpu.memory_space<vmem_shared>>
        tpu.enqueue_indirect_dma source(%arg10 : memref<128x128xf32, #tpu.memory_space<vmem>>) target(%dma_start3A_297 : memref<5632x128xf32, #tpu.memory_space<vmem_shared>>) offsets(%arg9 : memref<128xi32, #tpu.memory_space<vmem>>) semaphore(%run_scoped3A : memref<!tpu.dma_semaphore, #tpu.memory_space<semaphore_mem>>) {add = true}
        %dma_wait3A_298 = arith.constant 0 : i32
        %dma_wait3A_299 = arith.constant 0 : i32
        %dma_wait3A_300 = tpu.memref_slice %arg15[%dma_wait3A_298, %dma_wait3A_299] : memref<5632x128xf32, #tpu.memory_space<vmem_shared>> -> memref<5632x128xf32, #tpu.memory_space<vmem_shared>>
        tpu.wait_indirect_dma semaphore(%run_scoped3A : memref<!tpu.dma_semaphore, #tpu.memory_space<semaphore_mem>>) src(%arg10 : memref<128x128xf32, #tpu.memory_space<vmem>>) dst(%dma_wait3A_300 : memref<5632x128xf32, #tpu.memory_space<vmem_shared>>)
        tpu.yield
      }) : () -> ()
    }
    %mul3A_111 = arith.constant 2 : i32
    %mul3A_112 = arith.muli %mul3A_111, %arg1 : i32
    %add3A_113 = arith.constant 1 : i32
    %add3A_114 = arith.addi %mul3A_112, %add3A_113 : i32
    %eq3A_115 = vector.broadcast %add3A_81 : i32 to vector<16xi32>
    %eq3A_116 = arith.cmpi eq, %iota3A, %eq3A_115 : vector<16xi32>
    %jit3A_117 = arith.constant 0 : i32
    %broadcast_in_dim3A_118 = vector.broadcast %jit3A_117 : i32 to vector<16xi32>
    %select_n3A_119 = arith.select %eq3A_116, %get3A_8, %broadcast_in_dim3A_118 : vector<16xi1>, vector<16xi32>
    %reduce_sum3A_120 = arith.constant true
    %reduce_sum3A_121 = vector.broadcast %reduce_sum3A_120 : i1 to vector<16xi1>
    %reduce_sum3A_122 = tpu.scan <sum>, %select_n3A_119 masked %reduce_sum3A_121 : vector<16xi32>, vector<16xi1> -> vector<16xi32>
    %reduce_sum3A_123 = vector.extract %reduce_sum3A_122[15] : i32 from vector<16xi32>
    %sub3A_124 = arith.constant 1 : i32
    %sub3A_125 = arith.subi %sub3A_124, %arg0 : i32
    %mul3A_126 = arith.constant 5120 : i32
    %mul3A_127 = arith.muli %sub3A_125, %mul3A_126 : i32
    %add3A_128 = arith.constant 127 : i32
    %add3A_129 = arith.addi %reduce_sum3A_123, %add3A_128 : i32
    %div3A_130 = arith.constant 128 : i32
    %div3A_131 = arith.divsi %add3A_129, %div3A_130 : i32
    %while3A_132 = arith.constant 0 : i32
    %while3A_133 = arith.constant 0 : i32
    %while3A_134 = arith.subi %div3A_131, %while3A_133 : i32
    %while3A_135 = arith.addi %while3A_133, %while3A_134 : i32
    %while3A_136 = arith.constant 1 : i32
    %while3A_137 = arith.divsi %while3A_134, %while3A_136 : i32
    %while3A_138 = arith.muli %while3A_137, %while3A_136 : i32
    %while3A_139 = arith.addi %while3A_133, %while3A_138 : i32
    %while3A_140 = arith.constant 1 : i32
    scf.for %while3A_147 = %while3A_133 to %while3A_139 step %while3A_140  : i32 {
      %mul3A_148 = arith.constant 128 : i32
      %mul3A_149 = arith.muli %while3A_147, %mul3A_148 : i32
      "tpu.region"() ({
        %run_scoped3A = tpu.sem_alloc : memref<!tpu.dma_semaphore, #tpu.memory_space<semaphore_mem>>
        %dma_start3A_295 = tpu.memref_slice %arg2[%add3A_114, %add3A_81, %mul3A_149] : memref<32x4x10112xi32, #tpu.memory_space<hbm>> -> memref<1x1x128xi32, #tpu.memory_space<hbm>>
        %dma_start3A_296 = tpu.memref_squeeze %dma_start3A_295 : memref<1x1x128xi32, #tpu.memory_space<hbm>> -> memref<128xi32, #tpu.memory_space<hbm>>
        %dma_start3A_297 = tpu.memref_slice %arg2[%add3A_114, %add3A_81, %mul3A_149] : memref<32x4x10112xi32, #tpu.memory_space<hbm>> -> memref<1x1x128xi32, #tpu.memory_space<hbm>>
        %dma_start3A_298 = tpu.memref_squeeze %dma_start3A_297 : memref<1x1x128xi32, #tpu.memory_space<hbm>> -> memref<128xi32, #tpu.memory_space<hbm>>
        tpu.enqueue_dma source(%dma_start3A_298 : memref<128xi32, #tpu.memory_space<hbm>>) target(%arg7 : memref<128xi32, #tpu.memory_space<vmem>>) target_semaphore(%run_scoped3A : memref<!tpu.dma_semaphore, #tpu.memory_space<semaphore_mem>>)
        %dma_wait3A_299 = tpu.memref_slice %arg2[%add3A_114, %add3A_81, %mul3A_149] : memref<32x4x10112xi32, #tpu.memory_space<hbm>> -> memref<1x1x128xi32, #tpu.memory_space<hbm>>
        %dma_wait3A_300 = tpu.memref_squeeze %dma_wait3A_299 : memref<1x1x128xi32, #tpu.memory_space<hbm>> -> memref<128xi32, #tpu.memory_space<hbm>>
        %dma_wait3A_301 = tpu.memref_slice %arg2[%add3A_114, %add3A_81, %mul3A_149] : memref<32x4x10112xi32, #tpu.memory_space<hbm>> -> memref<1x1x128xi32, #tpu.memory_space<hbm>>
        %dma_wait3A_302 = tpu.memref_squeeze %dma_wait3A_301 : memref<1x1x128xi32, #tpu.memory_space<hbm>> -> memref<128xi32, #tpu.memory_space<hbm>>
        tpu.wait_dma2 semaphore(%run_scoped3A : memref<!tpu.dma_semaphore, #tpu.memory_space<semaphore_mem>>) src(%dma_wait3A_302 : memref<128xi32, #tpu.memory_space<hbm>>) dst(%arg7 : memref<128xi32, #tpu.memory_space<vmem>>)
        tpu.yield
      }) : () -> ()
      %get3A_150 = arith.constant 0 : index
      %get3A_151 = tpu.vector_load %arg7[%get3A_150] {strides = array<i32>} : memref<128xi32, #tpu.memory_space<vmem>>, vector<16xi32>,
      %and3A = arith.constant 16383 : i32
      %and3A_152 = vector.broadcast %and3A : i32 to vector<16xi32>
      %and3A_153 = arith.andi %get3A_151, %and3A_152 : vector<16xi32>
      %sub3A_154 = vector.broadcast %mul3A_127 : i32 to vector<16xi32>
      %sub3A_155 = arith.subi %and3A_153, %sub3A_154 : vector<16xi32>
      %swap3A = arith.constant 0 : index
      %swap3A_156 = tpu.vector_load %arg8[%swap3A] {strides = array<i32>} : memref<128xi32, #tpu.memory_space<vmem>>, vector<16xi32>,
      tpu.vector_store %arg8[%swap3A], %sub3A_155 {strides = array<i32>} : memref<128xi32, #tpu.memory_space<vmem>>, vector<16xi32>,
      %shift_right_logical3A = arith.constant 14 : i32
      %shift_right_logical3A_157 = vector.broadcast %shift_right_logical3A : i32 to vector<16xi32>
      %shift_right_logical3A_158 = arith.shrui %get3A_151, %shift_right_logical3A_157 : vector<16xi32>
      %mul3A_159 = arith.constant 5120 : i32
      %mul3A_160 = arith.muli %arg0, %mul3A_159 : i32
      %sub3A_161 = vector.broadcast %mul3A_160 : i32 to vector<16xi32>
      %sub3A_162 = arith.subi %shift_right_logical3A_158, %sub3A_161 : vector<16xi32>
      %swap3A_163 = arith.constant 0 : index
      %swap3A_164 = tpu.vector_load %arg9[%swap3A_163] {strides = array<i32>} : memref<128xi32, #tpu.memory_space<vmem>>, vector<16xi32>,
      tpu.vector_store %arg9[%swap3A_163], %sub3A_162 {strides = array<i32>} : memref<128xi32, #tpu.memory_space<vmem>>, vector<16xi32>,
      %get3A_165 = arith.constant 16 : index
      %get3A_166 = tpu.vector_load %arg7[%get3A_165] {strides = array<i32>} : memref<128xi32, #tpu.memory_space<vmem>>, vector<16xi32>,
      %and3A_167 = arith.constant 16383 : i32
      %and3A_168 = vector.broadcast %and3A_167 : i32 to vector<16xi32>
      %and3A_169 = arith.andi %get3A_166, %and3A_168 : vector<16xi32>
      %sub3A_170 = vector.broadcast %mul3A_127 : i32 to vector<16xi32>
      %sub3A_171 = arith.subi %and3A_169, %sub3A_170 : vector<16xi32>
      %swap3A_172 = arith.constant 16 : index
      %swap3A_173 = tpu.vector_load %arg8[%swap3A_172] {strides = array<i32>} : memref<128xi32, #tpu.memory_space<vmem>>, vector<16xi32>,
      tpu.vector_store %arg8[%swap3A_172], %sub3A_171 {strides = array<i32>} : memref<128xi32, #tpu.memory_space<vmem>>, vector<16xi32>,
      %shift_right_logical3A_174 = arith.constant 14 : i32
      %shift_right_logical3A_175 = vector.broadcast %shift_right_logical3A_174 : i32 to vector<16xi32>
      %shift_right_logical3A_176 = arith.shrui %get3A_166, %shift_right_logical3A_175 : vector<16xi32>
      %mul3A_177 = arith.constant 5120 : i32
      %mul3A_178 = arith.muli %arg0, %mul3A_177 : i32
      %sub3A_179 = vector.broadcast %mul3A_178 : i32 to vector<16xi32>
      %sub3A_180 = arith.subi %shift_right_logical3A_176, %sub3A_179 : vector<16xi32>
      %swap3A_181 = arith.constant 16 : index
      %swap3A_182 = tpu.vector_load %arg9[%swap3A_181] {strides = array<i32>} : memref<128xi32, #tpu.memory_space<vmem>>, vector<16xi32>,
      tpu.vector_store %arg9[%swap3A_181], %sub3A_180 {strides = array<i32>} : memref<128xi32, #tpu.memory_space<vmem>>, vector<16xi32>,
      %get3A_183 = arith.constant 32 : index
      %get3A_184 = tpu.vector_load %arg7[%get3A_183] {strides = array<i32>} : memref<128xi32, #tpu.memory_space<vmem>>, vector<16xi32>,
      %and3A_185 = arith.constant 16383 : i32
      %and3A_186 = vector.broadcast %and3A_185 : i32 to vector<16xi32>
      %and3A_187 = arith.andi %get3A_184, %and3A_186 : vector<16xi32>
      %sub3A_188 = vector.broadcast %mul3A_127 : i32 to vector<16xi32>
      %sub3A_189 = arith.subi %and3A_187, %sub3A_188 : vector<16xi32>
      %swap3A_190 = arith.constant 32 : index
      %swap3A_191 = tpu.vector_load %arg8[%swap3A_190] {strides = array<i32>} : memref<128xi32, #tpu.memory_space<vmem>>, vector<16xi32>,
      tpu.vector_store %arg8[%swap3A_190], %sub3A_189 {strides = array<i32>} : memref<128xi32, #tpu.memory_space<vmem>>, vector<16xi32>,
      %shift_right_logical3A_192 = arith.constant 14 : i32
      %shift_right_logical3A_193 = vector.broadcast %shift_right_logical3A_192 : i32 to vector<16xi32>
      %shift_right_logical3A_194 = arith.shrui %get3A_184, %shift_right_logical3A_193 : vector<16xi32>
      %mul3A_195 = arith.constant 5120 : i32
      %mul3A_196 = arith.muli %arg0, %mul3A_195 : i32
      %sub3A_197 = vector.broadcast %mul3A_196 : i32 to vector<16xi32>
      %sub3A_198 = arith.subi %shift_right_logical3A_194, %sub3A_197 : vector<16xi32>
      %swap3A_199 = arith.constant 32 : index
      %swap3A_200 = tpu.vector_load %arg9[%swap3A_199] {strides = array<i32>} : memref<128xi32, #tpu.memory_space<vmem>>, vector<16xi32>,
      tpu.vector_store %arg9[%swap3A_199], %sub3A_198 {strides = array<i32>} : memref<128xi32, #tpu.memory_space<vmem>>, vector<16xi32>,
      %get3A_201 = arith.constant 48 : index
      %get3A_202 = tpu.vector_load %arg7[%get3A_201] {strides = array<i32>} : memref<128xi32, #tpu.memory_space<vmem>>, vector<16xi32>,
      %and3A_203 = arith.constant 16383 : i32
      %and3A_204 = vector.broadcast %and3A_203 : i32 to vector<16xi32>
      %and3A_205 = arith.andi %get3A_202, %and3A_204 : vector<16xi32>
      %sub3A_206 = vector.broadcast %mul3A_127 : i32 to vector<16xi32>
      %sub3A_207 = arith.subi %and3A_205, %sub3A_206 : vector<16xi32>
      %swap3A_208 = arith.constant 48 : index
      %swap3A_209 = tpu.vector_load %arg8[%swap3A_208] {strides = array<i32>} : memref<128xi32, #tpu.memory_space<vmem>>, vector<16xi32>,
      tpu.vector_store %arg8[%swap3A_208], %sub3A_207 {strides = array<i32>} : memref<128xi32, #tpu.memory_space<vmem>>, vector<16xi32>,
      %shift_right_logical3A_210 = arith.constant 14 : i32
      %shift_right_logical3A_211 = vector.broadcast %shift_right_logical3A_210 : i32 to vector<16xi32>
      %shift_right_logical3A_212 = arith.shrui %get3A_202, %shift_right_logical3A_211 : vector<16xi32>
      %mul3A_213 = arith.constant 5120 : i32
      %mul3A_214 = arith.muli %arg0, %mul3A_213 : i32
      %sub3A_215 = vector.broadcast %mul3A_214 : i32 to vector<16xi32>
      %sub3A_216 = arith.subi %shift_right_logical3A_212, %sub3A_215 : vector<16xi32>
      %swap3A_217 = arith.constant 48 : index
      %swap3A_218 = tpu.vector_load %arg9[%swap3A_217] {strides = array<i32>} : memref<128xi32, #tpu.memory_space<vmem>>, vector<16xi32>,
      tpu.vector_store %arg9[%swap3A_217], %sub3A_216 {strides = array<i32>} : memref<128xi32, #tpu.memory_space<vmem>>, vector<16xi32>,
      %get3A_219 = arith.constant 64 : index
      %get3A_220 = tpu.vector_load %arg7[%get3A_219] {strides = array<i32>} : memref<128xi32, #tpu.memory_space<vmem>>, vector<16xi32>,
      %and3A_221 = arith.constant 16383 : i32
      %and3A_222 = vector.broadcast %and3A_221 : i32 to vector<16xi32>
      %and3A_223 = arith.andi %get3A_220, %and3A_222 : vector<16xi32>
      %sub3A_224 = vector.broadcast %mul3A_127 : i32 to vector<16xi32>
      %sub3A_225 = arith.subi %and3A_223, %sub3A_224 : vector<16xi32>
      %swap3A_226 = arith.constant 64 : index
      %swap3A_227 = tpu.vector_load %arg8[%swap3A_226] {strides = array<i32>} : memref<128xi32, #tpu.memory_space<vmem>>, vector<16xi32>,
      tpu.vector_store %arg8[%swap3A_226], %sub3A_225 {strides = array<i32>} : memref<128xi32, #tpu.memory_space<vmem>>, vector<16xi32>,
      %shift_right_logical3A_228 = arith.constant 14 : i32
      %shift_right_logical3A_229 = vector.broadcast %shift_right_logical3A_228 : i32 to vector<16xi32>
      %shift_right_logical3A_230 = arith.shrui %get3A_220, %shift_right_logical3A_229 : vector<16xi32>
      %mul3A_231 = arith.constant 5120 : i32
      %mul3A_232 = arith.muli %arg0, %mul3A_231 : i32
      %sub3A_233 = vector.broadcast %mul3A_232 : i32 to vector<16xi32>
      %sub3A_234 = arith.subi %shift_right_logical3A_230, %sub3A_233 : vector<16xi32>
      %swap3A_235 = arith.constant 64 : index
      %swap3A_236 = tpu.vector_load %arg9[%swap3A_235] {strides = array<i32>} : memref<128xi32, #tpu.memory_space<vmem>>, vector<16xi32>,
      tpu.vector_store %arg9[%swap3A_235], %sub3A_234 {strides = array<i32>} : memref<128xi32, #tpu.memory_space<vmem>>, vector<16xi32>,
      %get3A_237 = arith.constant 80 : index
      %get3A_238 = tpu.vector_load %arg7[%get3A_237] {strides = array<i32>} : memref<128xi32, #tpu.memory_space<vmem>>, vector<16xi32>,
      %and3A_239 = arith.constant 16383 : i32
      %and3A_240 = vector.broadcast %and3A_239 : i32 to vector<16xi32>
      %and3A_241 = arith.andi %get3A_238, %and3A_240 : vector<16xi32>
      %sub3A_242 = vector.broadcast %mul3A_127 : i32 to vector<16xi32>
      %sub3A_243 = arith.subi %and3A_241, %sub3A_242 : vector<16xi32>
      %swap3A_244 = arith.constant 80 : index
      %swap3A_245 = tpu.vector_load %arg8[%swap3A_244] {strides = array<i32>} : memref<128xi32, #tpu.memory_space<vmem>>, vector<16xi32>,
      tpu.vector_store %arg8[%swap3A_244], %sub3A_243 {strides = array<i32>} : memref<128xi32, #tpu.memory_space<vmem>>, vector<16xi32>,
      %shift_right_logical3A_246 = arith.constant 14 : i32
      %shift_right_logical3A_247 = vector.broadcast %shift_right_logical3A_246 : i32 to vector<16xi32>
      %shift_right_logical3A_248 = arith.shrui %get3A_238, %shift_right_logical3A_247 : vector<16xi32>
      %mul3A_249 = arith.constant 5120 : i32
      %mul3A_250 = arith.muli %arg0, %mul3A_249 : i32
      %sub3A_251 = vector.broadcast %mul3A_250 : i32 to vector<16xi32>
      %sub3A_252 = arith.subi %shift_right_logical3A_248, %sub3A_251 : vector<16xi32>
      %swap3A_253 = arith.constant 80 : index
      %swap3A_254 = tpu.vector_load %arg9[%swap3A_253] {strides = array<i32>} : memref<128xi32, #tpu.memory_space<vmem>>, vector<16xi32>,
      tpu.vector_store %arg9[%swap3A_253], %sub3A_252 {strides = array<i32>} : memref<128xi32, #tpu.memory_space<vmem>>, vector<16xi32>,
      %get3A_255 = arith.constant 96 : index
      %get3A_256 = tpu.vector_load %arg7[%get3A_255] {strides = array<i32>} : memref<128xi32, #tpu.memory_space<vmem>>, vector<16xi32>,
      %and3A_257 = arith.constant 16383 : i32
      %and3A_258 = vector.broadcast %and3A_257 : i32 to vector<16xi32>
      %and3A_259 = arith.andi %get3A_256, %and3A_258 : vector<16xi32>
      %sub3A_260 = vector.broadcast %mul3A_127 : i32 to vector<16xi32>
      %sub3A_261 = arith.subi %and3A_259, %sub3A_260 : vector<16xi32>
      %swap3A_262 = arith.constant 96 : index
      %swap3A_263 = tpu.vector_load %arg8[%swap3A_262] {strides = array<i32>} : memref<128xi32, #tpu.memory_space<vmem>>, vector<16xi32>,
      tpu.vector_store %arg8[%swap3A_262], %sub3A_261 {strides = array<i32>} : memref<128xi32, #tpu.memory_space<vmem>>, vector<16xi32>,
      %shift_right_logical3A_264 = arith.constant 14 : i32
      %shift_right_logical3A_265 = vector.broadcast %shift_right_logical3A_264 : i32 to vector<16xi32>
      %shift_right_logical3A_266 = arith.shrui %get3A_256, %shift_right_logical3A_265 : vector<16xi32>
      %mul3A_267 = arith.constant 5120 : i32
      %mul3A_268 = arith.muli %arg0, %mul3A_267 : i32
      %sub3A_269 = vector.broadcast %mul3A_268 : i32 to vector<16xi32>
      %sub3A_270 = arith.subi %shift_right_logical3A_266, %sub3A_269 : vector<16xi32>
      %swap3A_271 = arith.constant 96 : index
      %swap3A_272 = tpu.vector_load %arg9[%swap3A_271] {strides = array<i32>} : memref<128xi32, #tpu.memory_space<vmem>>, vector<16xi32>,
      tpu.vector_store %arg9[%swap3A_271], %sub3A_270 {strides = array<i32>} : memref<128xi32, #tpu.memory_space<vmem>>, vector<16xi32>,
      %get3A_273 = arith.constant 112 : index
      %get3A_274 = tpu.vector_load %arg7[%get3A_273] {strides = array<i32>} : memref<128xi32, #tpu.memory_space<vmem>>, vector<16xi32>,
      %and3A_275 = arith.constant 16383 : i32
      %and3A_276 = vector.broadcast %and3A_275 : i32 to vector<16xi32>
      %and3A_277 = arith.andi %get3A_274, %and3A_276 : vector<16xi32>
      %sub3A_278 = vector.broadcast %mul3A_127 : i32 to vector<16xi32>
      %sub3A_279 = arith.subi %and3A_277, %sub3A_278 : vector<16xi32>
      %swap3A_280 = arith.constant 112 : index
      %swap3A_281 = tpu.vector_load %arg8[%swap3A_280] {strides = array<i32>} : memref<128xi32, #tpu.memory_space<vmem>>, vector<16xi32>,
      tpu.vector_store %arg8[%swap3A_280], %sub3A_279 {strides = array<i32>} : memref<128xi32, #tpu.memory_space<vmem>>, vector<16xi32>,
      %shift_right_logical3A_282 = arith.constant 14 : i32
      %shift_right_logical3A_283 = vector.broadcast %shift_right_logical3A_282 : i32 to vector<16xi32>
      %shift_right_logical3A_284 = arith.shrui %get3A_274, %shift_right_logical3A_283 : vector<16xi32>
      %mul3A_285 = arith.constant 5120 : i32
      %mul3A_286 = arith.muli %arg0, %mul3A_285 : i32
      %sub3A_287 = vector.broadcast %mul3A_286 : i32 to vector<16xi32>
      %sub3A_288 = arith.subi %shift_right_logical3A_284, %sub3A_287 : vector<16xi32>
      %swap3A_289 = arith.constant 112 : index
      %swap3A_290 = tpu.vector_load %arg9[%swap3A_289] {strides = array<i32>} : memref<128xi32, #tpu.memory_space<vmem>>, vector<16xi32>,
      tpu.vector_store %arg9[%swap3A_289], %sub3A_288 {strides = array<i32>} : memref<128xi32, #tpu.memory_space<vmem>>, vector<16xi32>,
      %dma_start3A = arith.constant 0 : i32
      %dma_start3A_291 = arith.constant 0 : i32
      %dma_start3A_292 = tpu.memref_slice %arg14[%dma_start3A, %dma_start3A_291] : memref<5120x128xf32, #tpu.memory_space<vmem_shared>> -> memref<5120x128xf32, #tpu.memory_space<vmem_shared>>
      tpu.enqueue_indirect_dma source(%dma_start3A_292 : memref<5120x128xf32, #tpu.memory_space<vmem_shared>>) target(%arg10 : memref<128x128xf32, #tpu.memory_space<vmem>>) offsets(%arg8 : memref<128xi32, #tpu.memory_space<vmem>>) semaphore(%arg13 : memref<!tpu.dma_semaphore, #tpu.memory_space<semaphore_mem>>)
      %dma_wait3A = arith.constant 0 : i32
      %dma_wait3A_293 = arith.constant 0 : i32
      %dma_wait3A_294 = tpu.memref_slice %arg14[%dma_wait3A, %dma_wait3A_293] : memref<5120x128xf32, #tpu.memory_space<vmem_shared>> -> memref<5120x128xf32, #tpu.memory_space<vmem_shared>>
      tpu.wait_indirect_dma semaphore(%arg13 : memref<!tpu.dma_semaphore, #tpu.memory_space<semaphore_mem>>) src(%dma_wait3A_294 : memref<5120x128xf32, #tpu.memory_space<vmem_shared>>) dst(%arg10 : memref<128x128xf32, #tpu.memory_space<vmem>>)
      "tpu.region"() ({
        %run_scoped3A = tpu.sem_alloc : memref<!tpu.dma_semaphore, #tpu.memory_space<semaphore_mem>>
        %dma_start3A_295 = arith.constant 0 : i32
        %dma_start3A_296 = arith.constant 0 : i32
        %dma_start3A_297 = tpu.memref_slice %arg15[%dma_start3A_295, %dma_start3A_296] : memref<5632x128xf32, #tpu.memory_space<vmem_shared>> -> memref<5632x128xf32, #tpu.memory_space<vmem_shared>>
        tpu.enqueue_indirect_dma source(%arg10 : memref<128x128xf32, #tpu.memory_space<vmem>>) target(%dma_start3A_297 : memref<5632x128xf32, #tpu.memory_space<vmem_shared>>) offsets(%arg9 : memref<128xi32, #tpu.memory_space<vmem>>) semaphore(%run_scoped3A : memref<!tpu.dma_semaphore, #tpu.memory_space<semaphore_mem>>) {add = true}
        %dma_wait3A_298 = arith.constant 0 : i32
        %dma_wait3A_299 = arith.constant 0 : i32
        %dma_wait3A_300 = tpu.memref_slice %arg15[%dma_wait3A_298, %dma_wait3A_299] : memref<5632x128xf32, #tpu.memory_space<vmem_shared>> -> memref<5632x128xf32, #tpu.memory_space<vmem_shared>>
        tpu.wait_indirect_dma semaphore(%run_scoped3A : memref<!tpu.dma_semaphore, #tpu.memory_space<semaphore_mem>>) src(%arg10 : memref<128x128xf32, #tpu.memory_space<vmem>>) dst(%dma_wait3A_300 : memref<5632x128xf32, #tpu.memory_space<vmem_shared>>)
        tpu.yield
      }) : () -> ()
    }
    %while3A_141 = arith.constant 1 : i32
    scf.for %while3A_147 = %while3A_139 to %while3A_135 step %while3A_141  : i32 {
      %mul3A_148 = arith.constant 128 : i32
      %mul3A_149 = arith.muli %while3A_147, %mul3A_148 : i32
      "tpu.region"() ({
        %run_scoped3A = tpu.sem_alloc : memref<!tpu.dma_semaphore, #tpu.memory_space<semaphore_mem>>
        %dma_start3A_295 = tpu.memref_slice %arg2[%add3A_114, %add3A_81, %mul3A_149] : memref<32x4x10112xi32, #tpu.memory_space<hbm>> -> memref<1x1x128xi32, #tpu.memory_space<hbm>>
        %dma_start3A_296 = tpu.memref_squeeze %dma_start3A_295 : memref<1x1x128xi32, #tpu.memory_space<hbm>> -> memref<128xi32, #tpu.memory_space<hbm>>
        %dma_start3A_297 = tpu.memref_slice %arg2[%add3A_114, %add3A_81, %mul3A_149] : memref<32x4x10112xi32, #tpu.memory_space<hbm>> -> memref<1x1x128xi32, #tpu.memory_space<hbm>>
        %dma_start3A_298 = tpu.memref_squeeze %dma_start3A_297 : memref<1x1x128xi32, #tpu.memory_space<hbm>> -> memref<128xi32, #tpu.memory_space<hbm>>
        tpu.enqueue_dma source(%dma_start3A_298 : memref<128xi32, #tpu.memory_space<hbm>>) target(%arg7 : memref<128xi32, #tpu.memory_space<vmem>>) target_semaphore(%run_scoped3A : memref<!tpu.dma_semaphore, #tpu.memory_space<semaphore_mem>>)
        %dma_wait3A_299 = tpu.memref_slice %arg2[%add3A_114, %add3A_81, %mul3A_149] : memref<32x4x10112xi32, #tpu.memory_space<hbm>> -> memref<1x1x128xi32, #tpu.memory_space<hbm>>
        %dma_wait3A_300 = tpu.memref_squeeze %dma_wait3A_299 : memref<1x1x128xi32, #tpu.memory_space<hbm>> -> memref<128xi32, #tpu.memory_space<hbm>>
        %dma_wait3A_301 = tpu.memref_slice %arg2[%add3A_114, %add3A_81, %mul3A_149] : memref<32x4x10112xi32, #tpu.memory_space<hbm>> -> memref<1x1x128xi32, #tpu.memory_space<hbm>>
        %dma_wait3A_302 = tpu.memref_squeeze %dma_wait3A_301 : memref<1x1x128xi32, #tpu.memory_space<hbm>> -> memref<128xi32, #tpu.memory_space<hbm>>
        tpu.wait_dma2 semaphore(%run_scoped3A : memref<!tpu.dma_semaphore, #tpu.memory_space<semaphore_mem>>) src(%dma_wait3A_302 : memref<128xi32, #tpu.memory_space<hbm>>) dst(%arg7 : memref<128xi32, #tpu.memory_space<vmem>>)
        tpu.yield
      }) : () -> ()
      %get3A_150 = arith.constant 0 : index
      %get3A_151 = tpu.vector_load %arg7[%get3A_150] {strides = array<i32>} : memref<128xi32, #tpu.memory_space<vmem>>, vector<16xi32>,
      %and3A = arith.constant 16383 : i32
      %and3A_152 = vector.broadcast %and3A : i32 to vector<16xi32>
      %and3A_153 = arith.andi %get3A_151, %and3A_152 : vector<16xi32>
      %sub3A_154 = vector.broadcast %mul3A_127 : i32 to vector<16xi32>
      %sub3A_155 = arith.subi %and3A_153, %sub3A_154 : vector<16xi32>
      %swap3A = arith.constant 0 : index
      %swap3A_156 = tpu.vector_load %arg8[%swap3A] {strides = array<i32>} : memref<128xi32, #tpu.memory_space<vmem>>, vector<16xi32>,
      tpu.vector_store %arg8[%swap3A], %sub3A_155 {strides = array<i32>} : memref<128xi32, #tpu.memory_space<vmem>>, vector<16xi32>,
      %shift_right_logical3A = arith.constant 14 : i32
      %shift_right_logical3A_157 = vector.broadcast %shift_right_logical3A : i32 to vector<16xi32>
      %shift_right_logical3A_158 = arith.shrui %get3A_151, %shift_right_logical3A_157 : vector<16xi32>
      %mul3A_159 = arith.constant 5120 : i32
      %mul3A_160 = arith.muli %arg0, %mul3A_159 : i32
      %sub3A_161 = vector.broadcast %mul3A_160 : i32 to vector<16xi32>
      %sub3A_162 = arith.subi %shift_right_logical3A_158, %sub3A_161 : vector<16xi32>
      %swap3A_163 = arith.constant 0 : index
      %swap3A_164 = tpu.vector_load %arg9[%swap3A_163] {strides = array<i32>} : memref<128xi32, #tpu.memory_space<vmem>>, vector<16xi32>,
      tpu.vector_store %arg9[%swap3A_163], %sub3A_162 {strides = array<i32>} : memref<128xi32, #tpu.memory_space<vmem>>, vector<16xi32>,
      %get3A_165 = arith.constant 16 : index
      %get3A_166 = tpu.vector_load %arg7[%get3A_165] {strides = array<i32>} : memref<128xi32, #tpu.memory_space<vmem>>, vector<16xi32>,
      %and3A_167 = arith.constant 16383 : i32
      %and3A_168 = vector.broadcast %and3A_167 : i32 to vector<16xi32>
      %and3A_169 = arith.andi %get3A_166, %and3A_168 : vector<16xi32>
      %sub3A_170 = vector.broadcast %mul3A_127 : i32 to vector<16xi32>
      %sub3A_171 = arith.subi %and3A_169, %sub3A_170 : vector<16xi32>
      %swap3A_172 = arith.constant 16 : index
      %swap3A_173 = tpu.vector_load %arg8[%swap3A_172] {strides = array<i32>} : memref<128xi32, #tpu.memory_space<vmem>>, vector<16xi32>,
      tpu.vector_store %arg8[%swap3A_172], %sub3A_171 {strides = array<i32>} : memref<128xi32, #tpu.memory_space<vmem>>, vector<16xi32>,
      %shift_right_logical3A_174 = arith.constant 14 : i32
      %shift_right_logical3A_175 = vector.broadcast %shift_right_logical3A_174 : i32 to vector<16xi32>
      %shift_right_logical3A_176 = arith.shrui %get3A_166, %shift_right_logical3A_175 : vector<16xi32>
      %mul3A_177 = arith.constant 5120 : i32
      %mul3A_178 = arith.muli %arg0, %mul3A_177 : i32
      %sub3A_179 = vector.broadcast %mul3A_178 : i32 to vector<16xi32>
      %sub3A_180 = arith.subi %shift_right_logical3A_176, %sub3A_179 : vector<16xi32>
      %swap3A_181 = arith.constant 16 : index
      %swap3A_182 = tpu.vector_load %arg9[%swap3A_181] {strides = array<i32>} : memref<128xi32, #tpu.memory_space<vmem>>, vector<16xi32>,
      tpu.vector_store %arg9[%swap3A_181], %sub3A_180 {strides = array<i32>} : memref<128xi32, #tpu.memory_space<vmem>>, vector<16xi32>,
      %get3A_183 = arith.constant 32 : index
      %get3A_184 = tpu.vector_load %arg7[%get3A_183] {strides = array<i32>} : memref<128xi32, #tpu.memory_space<vmem>>, vector<16xi32>,
      %and3A_185 = arith.constant 16383 : i32
      %and3A_186 = vector.broadcast %and3A_185 : i32 to vector<16xi32>
      %and3A_187 = arith.andi %get3A_184, %and3A_186 : vector<16xi32>
      %sub3A_188 = vector.broadcast %mul3A_127 : i32 to vector<16xi32>
      %sub3A_189 = arith.subi %and3A_187, %sub3A_188 : vector<16xi32>
      %swap3A_190 = arith.constant 32 : index
      %swap3A_191 = tpu.vector_load %arg8[%swap3A_190] {strides = array<i32>} : memref<128xi32, #tpu.memory_space<vmem>>, vector<16xi32>,
      tpu.vector_store %arg8[%swap3A_190], %sub3A_189 {strides = array<i32>} : memref<128xi32, #tpu.memory_space<vmem>>, vector<16xi32>,
      %shift_right_logical3A_192 = arith.constant 14 : i32
      %shift_right_logical3A_193 = vector.broadcast %shift_right_logical3A_192 : i32 to vector<16xi32>
      %shift_right_logical3A_194 = arith.shrui %get3A_184, %shift_right_logical3A_193 : vector<16xi32>
      %mul3A_195 = arith.constant 5120 : i32
      %mul3A_196 = arith.muli %arg0, %mul3A_195 : i32
      %sub3A_197 = vector.broadcast %mul3A_196 : i32 to vector<16xi32>
      %sub3A_198 = arith.subi %shift_right_logical3A_194, %sub3A_197 : vector<16xi32>
      %swap3A_199 = arith.constant 32 : index
      %swap3A_200 = tpu.vector_load %arg9[%swap3A_199] {strides = array<i32>} : memref<128xi32, #tpu.memory_space<vmem>>, vector<16xi32>,
      tpu.vector_store %arg9[%swap3A_199], %sub3A_198 {strides = array<i32>} : memref<128xi32, #tpu.memory_space<vmem>>, vector<16xi32>,
      %get3A_201 = arith.constant 48 : index
      %get3A_202 = tpu.vector_load %arg7[%get3A_201] {strides = array<i32>} : memref<128xi32, #tpu.memory_space<vmem>>, vector<16xi32>,
      %and3A_203 = arith.constant 16383 : i32
      %and3A_204 = vector.broadcast %and3A_203 : i32 to vector<16xi32>
      %and3A_205 = arith.andi %get3A_202, %and3A_204 : vector<16xi32>
      %sub3A_206 = vector.broadcast %mul3A_127 : i32 to vector<16xi32>
      %sub3A_207 = arith.subi %and3A_205, %sub3A_206 : vector<16xi32>
      %swap3A_208 = arith.constant 48 : index
      %swap3A_209 = tpu.vector_load %arg8[%swap3A_208] {strides = array<i32>} : memref<128xi32, #tpu.memory_space<vmem>>, vector<16xi32>,
      tpu.vector_store %arg8[%swap3A_208], %sub3A_207 {strides = array<i32>} : memref<128xi32, #tpu.memory_space<vmem>>, vector<16xi32>,
      %shift_right_logical3A_210 = arith.constant 14 : i32
      %shift_right_logical3A_211 = vector.broadcast %shift_right_logical3A_210 : i32 to vector<16xi32>
      %shift_right_logical3A_212 = arith.shrui %get3A_202, %shift_right_logical3A_211 : vector<16xi32>
      %mul3A_213 = arith.constant 5120 : i32
      %mul3A_214 = arith.muli %arg0, %mul3A_213 : i32
      %sub3A_215 = vector.broadcast %mul3A_214 : i32 to vector<16xi32>
      %sub3A_216 = arith.subi %shift_right_logical3A_212, %sub3A_215 : vector<16xi32>
      %swap3A_217 = arith.constant 48 : index
      %swap3A_218 = tpu.vector_load %arg9[%swap3A_217] {strides = array<i32>} : memref<128xi32, #tpu.memory_space<vmem>>, vector<16xi32>,
      tpu.vector_store %arg9[%swap3A_217], %sub3A_216 {strides = array<i32>} : memref<128xi32, #tpu.memory_space<vmem>>, vector<16xi32>,
      %get3A_219 = arith.constant 64 : index
      %get3A_220 = tpu.vector_load %arg7[%get3A_219] {strides = array<i32>} : memref<128xi32, #tpu.memory_space<vmem>>, vector<16xi32>,
      %and3A_221 = arith.constant 16383 : i32
      %and3A_222 = vector.broadcast %and3A_221 : i32 to vector<16xi32>
      %and3A_223 = arith.andi %get3A_220, %and3A_222 : vector<16xi32>
      %sub3A_224 = vector.broadcast %mul3A_127 : i32 to vector<16xi32>
      %sub3A_225 = arith.subi %and3A_223, %sub3A_224 : vector<16xi32>
      %swap3A_226 = arith.constant 64 : index
      %swap3A_227 = tpu.vector_load %arg8[%swap3A_226] {strides = array<i32>} : memref<128xi32, #tpu.memory_space<vmem>>, vector<16xi32>,
      tpu.vector_store %arg8[%swap3A_226], %sub3A_225 {strides = array<i32>} : memref<128xi32, #tpu.memory_space<vmem>>, vector<16xi32>,
      %shift_right_logical3A_228 = arith.constant 14 : i32
      %shift_right_logical3A_229 = vector.broadcast %shift_right_logical3A_228 : i32 to vector<16xi32>
      %shift_right_logical3A_230 = arith.shrui %get3A_220, %shift_right_logical3A_229 : vector<16xi32>
      %mul3A_231 = arith.constant 5120 : i32
      %mul3A_232 = arith.muli %arg0, %mul3A_231 : i32
      %sub3A_233 = vector.broadcast %mul3A_232 : i32 to vector<16xi32>
      %sub3A_234 = arith.subi %shift_right_logical3A_230, %sub3A_233 : vector<16xi32>
      %swap3A_235 = arith.constant 64 : index
      %swap3A_236 = tpu.vector_load %arg9[%swap3A_235] {strides = array<i32>} : memref<128xi32, #tpu.memory_space<vmem>>, vector<16xi32>,
      tpu.vector_store %arg9[%swap3A_235], %sub3A_234 {strides = array<i32>} : memref<128xi32, #tpu.memory_space<vmem>>, vector<16xi32>,
      %get3A_237 = arith.constant 80 : index
      %get3A_238 = tpu.vector_load %arg7[%get3A_237] {strides = array<i32>} : memref<128xi32, #tpu.memory_space<vmem>>, vector<16xi32>,
      %and3A_239 = arith.constant 16383 : i32
      %and3A_240 = vector.broadcast %and3A_239 : i32 to vector<16xi32>
      %and3A_241 = arith.andi %get3A_238, %and3A_240 : vector<16xi32>
      %sub3A_242 = vector.broadcast %mul3A_127 : i32 to vector<16xi32>
      %sub3A_243 = arith.subi %and3A_241, %sub3A_242 : vector<16xi32>
      %swap3A_244 = arith.constant 80 : index
      %swap3A_245 = tpu.vector_load %arg8[%swap3A_244] {strides = array<i32>} : memref<128xi32, #tpu.memory_space<vmem>>, vector<16xi32>,
      tpu.vector_store %arg8[%swap3A_244], %sub3A_243 {strides = array<i32>} : memref<128xi32, #tpu.memory_space<vmem>>, vector<16xi32>,
      %shift_right_logical3A_246 = arith.constant 14 : i32
      %shift_right_logical3A_247 = vector.broadcast %shift_right_logical3A_246 : i32 to vector<16xi32>
      %shift_right_logical3A_248 = arith.shrui %get3A_238, %shift_right_logical3A_247 : vector<16xi32>
      %mul3A_249 = arith.constant 5120 : i32
      %mul3A_250 = arith.muli %arg0, %mul3A_249 : i32
      %sub3A_251 = vector.broadcast %mul3A_250 : i32 to vector<16xi32>
      %sub3A_252 = arith.subi %shift_right_logical3A_248, %sub3A_251 : vector<16xi32>
      %swap3A_253 = arith.constant 80 : index
      %swap3A_254 = tpu.vector_load %arg9[%swap3A_253] {strides = array<i32>} : memref<128xi32, #tpu.memory_space<vmem>>, vector<16xi32>,
      tpu.vector_store %arg9[%swap3A_253], %sub3A_252 {strides = array<i32>} : memref<128xi32, #tpu.memory_space<vmem>>, vector<16xi32>,
      %get3A_255 = arith.constant 96 : index
      %get3A_256 = tpu.vector_load %arg7[%get3A_255] {strides = array<i32>} : memref<128xi32, #tpu.memory_space<vmem>>, vector<16xi32>,
      %and3A_257 = arith.constant 16383 : i32
      %and3A_258 = vector.broadcast %and3A_257 : i32 to vector<16xi32>
      %and3A_259 = arith.andi %get3A_256, %and3A_258 : vector<16xi32>
      %sub3A_260 = vector.broadcast %mul3A_127 : i32 to vector<16xi32>
      %sub3A_261 = arith.subi %and3A_259, %sub3A_260 : vector<16xi32>
      %swap3A_262 = arith.constant 96 : index
      %swap3A_263 = tpu.vector_load %arg8[%swap3A_262] {strides = array<i32>} : memref<128xi32, #tpu.memory_space<vmem>>, vector<16xi32>,
      tpu.vector_store %arg8[%swap3A_262], %sub3A_261 {strides = array<i32>} : memref<128xi32, #tpu.memory_space<vmem>>, vector<16xi32>,
      %shift_right_logical3A_264 = arith.constant 14 : i32
      %shift_right_logical3A_265 = vector.broadcast %shift_right_logical3A_264 : i32 to vector<16xi32>
      %shift_right_logical3A_266 = arith.shrui %get3A_256, %shift_right_logical3A_265 : vector<16xi32>
      %mul3A_267 = arith.constant 5120 : i32
      %mul3A_268 = arith.muli %arg0, %mul3A_267 : i32
      %sub3A_269 = vector.broadcast %mul3A_268 : i32 to vector<16xi32>
      %sub3A_270 = arith.subi %shift_right_logical3A_266, %sub3A_269 : vector<16xi32>
      %swap3A_271 = arith.constant 96 : index
      %swap3A_272 = tpu.vector_load %arg9[%swap3A_271] {strides = array<i32>} : memref<128xi32, #tpu.memory_space<vmem>>, vector<16xi32>,
      tpu.vector_store %arg9[%swap3A_271], %sub3A_270 {strides = array<i32>} : memref<128xi32, #tpu.memory_space<vmem>>, vector<16xi32>,
      %get3A_273 = arith.constant 112 : index
      %get3A_274 = tpu.vector_load %arg7[%get3A_273] {strides = array<i32>} : memref<128xi32, #tpu.memory_space<vmem>>, vector<16xi32>,
      %and3A_275 = arith.constant 16383 : i32
      %and3A_276 = vector.broadcast %and3A_275 : i32 to vector<16xi32>
      %and3A_277 = arith.andi %get3A_274, %and3A_276 : vector<16xi32>
      %sub3A_278 = vector.broadcast %mul3A_127 : i32 to vector<16xi32>
      %sub3A_279 = arith.subi %and3A_277, %sub3A_278 : vector<16xi32>
      %swap3A_280 = arith.constant 112 : index
      %swap3A_281 = tpu.vector_load %arg8[%swap3A_280] {strides = array<i32>} : memref<128xi32, #tpu.memory_space<vmem>>, vector<16xi32>,
      tpu.vector_store %arg8[%swap3A_280], %sub3A_279 {strides = array<i32>} : memref<128xi32, #tpu.memory_space<vmem>>, vector<16xi32>,
      %shift_right_logical3A_282 = arith.constant 14 : i32
      %shift_right_logical3A_283 = vector.broadcast %shift_right_logical3A_282 : i32 to vector<16xi32>
      %shift_right_logical3A_284 = arith.shrui %get3A_274, %shift_right_logical3A_283 : vector<16xi32>
      %mul3A_285 = arith.constant 5120 : i32
      %mul3A_286 = arith.muli %arg0, %mul3A_285 : i32
      %sub3A_287 = vector.broadcast %mul3A_286 : i32 to vector<16xi32>
      %sub3A_288 = arith.subi %shift_right_logical3A_284, %sub3A_287 : vector<16xi32>
      %swap3A_289 = arith.constant 112 : index
      %swap3A_290 = tpu.vector_load %arg9[%swap3A_289] {strides = array<i32>} : memref<128xi32, #tpu.memory_space<vmem>>, vector<16xi32>,
      tpu.vector_store %arg9[%swap3A_289], %sub3A_288 {strides = array<i32>} : memref<128xi32, #tpu.memory_space<vmem>>, vector<16xi32>,
      %dma_start3A = arith.constant 0 : i32
      %dma_start3A_291 = arith.constant 0 : i32
      %dma_start3A_292 = tpu.memref_slice %arg14[%dma_start3A, %dma_start3A_291] : memref<5120x128xf32, #tpu.memory_space<vmem_shared>> -> memref<5120x128xf32, #tpu.memory_space<vmem_shared>>
      tpu.enqueue_indirect_dma source(%dma_start3A_292 : memref<5120x128xf32, #tpu.memory_space<vmem_shared>>) target(%arg10 : memref<128x128xf32, #tpu.memory_space<vmem>>) offsets(%arg8 : memref<128xi32, #tpu.memory_space<vmem>>) semaphore(%arg13 : memref<!tpu.dma_semaphore, #tpu.memory_space<semaphore_mem>>)
      %dma_wait3A = arith.constant 0 : i32
      %dma_wait3A_293 = arith.constant 0 : i32
      %dma_wait3A_294 = tpu.memref_slice %arg14[%dma_wait3A, %dma_wait3A_293] : memref<5120x128xf32, #tpu.memory_space<vmem_shared>> -> memref<5120x128xf32, #tpu.memory_space<vmem_shared>>
      tpu.wait_indirect_dma semaphore(%arg13 : memref<!tpu.dma_semaphore, #tpu.memory_space<semaphore_mem>>) src(%dma_wait3A_294 : memref<5120x128xf32, #tpu.memory_space<vmem_shared>>) dst(%arg10 : memref<128x128xf32, #tpu.memory_space<vmem>>)
      "tpu.region"() ({
        %run_scoped3A = tpu.sem_alloc : memref<!tpu.dma_semaphore, #tpu.memory_space<semaphore_mem>>
        %dma_start3A_295 = arith.constant 0 : i32
        %dma_start3A_296 = arith.constant 0 : i32
        %dma_start3A_297 = tpu.memref_slice %arg15[%dma_start3A_295, %dma_start3A_296] : memref<5632x128xf32, #tpu.memory_space<vmem_shared>> -> memref<5632x128xf32, #tpu.memory_space<vmem_shared>>
        tpu.enqueue_indirect_dma source(%arg10 : memref<128x128xf32, #tpu.memory_space<vmem>>) target(%dma_start3A_297 : memref<5632x128xf32, #tpu.memory_space<vmem_shared>>) offsets(%arg9 : memref<128xi32, #tpu.memory_space<vmem>>) semaphore(%run_scoped3A : memref<!tpu.dma_semaphore, #tpu.memory_space<semaphore_mem>>) {add = true}
        %dma_wait3A_298 = arith.constant 0 : i32
        %dma_wait3A_299 = arith.constant 0 : i32
        %dma_wait3A_300 = tpu.memref_slice %arg15[%dma_wait3A_298, %dma_wait3A_299] : memref<5632x128xf32, #tpu.memory_space<vmem_shared>> -> memref<5632x128xf32, #tpu.memory_space<vmem_shared>>
        tpu.wait_indirect_dma semaphore(%run_scoped3A : memref<!tpu.dma_semaphore, #tpu.memory_space<semaphore_mem>>) src(%arg10 : memref<128x128xf32, #tpu.memory_space<vmem>>) dst(%dma_wait3A_300 : memref<5632x128xf32, #tpu.memory_space<vmem_shared>>)
        tpu.yield
      }) : () -> ()
    }
    %barrier3A_142 = arith.constant 0 : index
    tpu.barrier barrier_id(%barrier3A_142)
    %mul3A_143 = arith.constant 352 : i32
    %mul3A_144 = arith.muli %arg1, %mul3A_143 : i32
    %mul3A_145 = arith.constant 352 : i32
    %mul3A_146 = arith.muli %arg1, %mul3A_145 : i32
    "tpu.region"() ({
      %run_scoped3A = tpu.sem_alloc : memref<!tpu.dma_semaphore, #tpu.memory_space<semaphore_mem>>
      %dma_start3A = arith.constant 0 : i32
      %dma_start3A_147 = tpu.memref_slice %arg6[%arg0, %mul3A_146, %dma_start3A] : memref<2x5632x128xf32, #tpu.memory_space<hbm>> -> memref<1x352x128xf32, #tpu.memory_space<hbm>>
      %dma_start3A_148 = tpu.memref_squeeze %dma_start3A_147 : memref<1x352x128xf32, #tpu.memory_space<hbm>> -> memref<352x128xf32, #tpu.memory_space<hbm>>
      %dma_start3A_149 = arith.constant 0 : i32
      %dma_start3A_150 = tpu.memref_slice %arg15[%mul3A_144, %dma_start3A_149] : memref<5632x128xf32, #tpu.memory_space<vmem_shared>> -> memref<352x128xf32, #tpu.memory_space<vmem_shared>>
      tpu.enqueue_dma source(%dma_start3A_150 : memref<352x128xf32, #tpu.memory_space<vmem_shared>>) target(%dma_start3A_148 : memref<352x128xf32, #tpu.memory_space<hbm>>) target_semaphore(%run_scoped3A : memref<!tpu.dma_semaphore, #tpu.memory_space<semaphore_mem>>)
      %dma_wait3A = arith.constant 0 : i32
      %dma_wait3A_151 = tpu.memref_slice %arg6[%arg0, %mul3A_146, %dma_wait3A] : memref<2x5632x128xf32, #tpu.memory_space<hbm>> -> memref<1x352x128xf32, #tpu.memory_space<hbm>>
      %dma_wait3A_152 = tpu.memref_squeeze %dma_wait3A_151 : memref<1x352x128xf32, #tpu.memory_space<hbm>> -> memref<352x128xf32, #tpu.memory_space<hbm>>
      %dma_wait3A_153 = arith.constant 0 : i32
      %dma_wait3A_154 = tpu.memref_slice %arg15[%mul3A_144, %dma_wait3A_153] : memref<5632x128xf32, #tpu.memory_space<vmem_shared>> -> memref<352x128xf32, #tpu.memory_space<vmem_shared>>
      tpu.wait_dma2 semaphore(%run_scoped3A : memref<!tpu.dma_semaphore, #tpu.memory_space<semaphore_mem>>) src(%dma_wait3A_154 : memref<352x128xf32, #tpu.memory_space<vmem_shared>>) dst(%dma_wait3A_152 : memref<352x128xf32, #tpu.memory_space<hbm>>)
      tpu.yield
    }) : () -> ()
    return
  }
}

module attributes {stable_mosaic.version = 14 : i64} {
  func.func @_linear_kernel(%arg0: i32, %arg1: memref<512x128xf32, #tpu.memory_space<vmem>>, %arg2: memref<128x128xf32, #tpu.memory_space<vmem>>, %arg3: memref<1x128xf32, #tpu.memory_space<vmem>>, %arg4: memref<32x512xf32, #tpu.memory_space<vmem>>, %arg5: memref<512x128xf32, #tpu.memory_space<vmem>>) attributes {dimension_semantics = [#tpu.dimension_semantics<arbitrary>], iteration_bounds = array<i64: 20>, scalar_prefetch = 0 : i64, scratch_operands = 0 : i64, tpu.core_type = #tpu.core_type<tc>, window_params = [{transform_indices = @transform_0, window_bounds = array<i64: 512, 128>}, {pipeline_mode = #tpu.pipeline_mode<synchronous>, transform_indices = @transform_1, window_bounds = array<i64: 128, 128>}, {pipeline_mode = #tpu.pipeline_mode<synchronous>, transform_indices = @transform_2, window_bounds = array<i64: 1, 128>}, {transform_indices = @transform_3, window_bounds = array<i64: 32, 512>}, {transform_indices = @transform_4, window_bounds = array<i64: 512, 128>}]} {
    %get3A = arith.constant 0 : index
    %get3A_0 = arith.constant 0 : index
    %get3A_1 = vector.load %arg4[%get3A, %get3A_0] : memref<32x512xf32, #tpu.memory_space<vmem>>, vector<32x512xf32>
    %reduce_sum3A = arith.constant dense<0.000000e+00> : vector<512xf32>
    %reduce_sum3A_2 = vector.multi_reduction <add>, %get3A_1, %reduce_sum3A [0] : vector<32x512xf32> to vector<512xf32>
    %add3A = arith.constant 1.000000e+00 : f32
    %add3A_3 = vector.broadcast %add3A : f32 to vector<512xf32>
    %add3A_4 = arith.addf %reduce_sum3A_2, %add3A_3 : vector<512xf32>
    %rsqrt3A = math.rsqrt %add3A_4 : vector<512xf32>
    %broadcast_in_dim3A = vector.shape_cast %rsqrt3A : vector<512xf32> to vector<512x1xf32>
    %get3A_5 = arith.constant 0 : index
    %get3A_6 = arith.constant 0 : index
    %get3A_7 = vector.load %arg1[%get3A_5, %get3A_6] : memref<512x128xf32, #tpu.memory_space<vmem>>, vector<512x128xf32>
    %get3A_8 = arith.constant 0 : index
    %get3A_9 = arith.constant 0 : index
    %get3A_10 = vector.load %arg2[%get3A_8, %get3A_9] : memref<128x128xf32, #tpu.memory_space<vmem>>, vector<128x128xf32>
    %dot_general3A = arith.constant dense<0.000000e+00> : vector<512x128xf32>
    %dot_general3A_11 = tpu.matmul %get3A_7, %get3A_10, %dot_general3A {dimension_numbers = #tpu.dot_dimension_numbers<[1], [1], [0], [0], [0, 0, 1, 0], [], []>, transpose_lhs_hint = false} : vector<512x128xf32>, vector<128x128xf32>, vector<512x128xf32> -> vector<512x128xf32>
    %get3A_12 = arith.constant 0 : index
    %get3A_13 = arith.constant 0 : index
    %get3A_14 = vector.load %arg3[%get3A_12, %get3A_13] : memref<1x128xf32, #tpu.memory_space<vmem>>, vector<1x128xf32>
    %add3A_15 = vector.broadcast %get3A_14 : vector<1x128xf32> to vector<512x128xf32>
    %add3A_16 = arith.addf %dot_general3A_11, %add3A_15 : vector<512x128xf32>
    %mul3A = vector.broadcast %broadcast_in_dim3A : vector<512x1xf32> to vector<512x128xf32>
    %mul3A_17 = arith.mulf %add3A_16, %mul3A : vector<512x128xf32>
    %swap3A = arith.constant 0 : index
    %swap3A_18 = arith.constant 0 : index
    %swap3A_19 = vector.load %arg5[%swap3A, %swap3A_18] : memref<512x128xf32, #tpu.memory_space<vmem>>, vector<512x128xf32>
    tpu.vector_store %arg5[%swap3A, %swap3A_18], %mul3A_17 {strides = array<i32>} : memref<512x128xf32, #tpu.memory_space<vmem>>, vector<512x128xf32>,
    return
  }
  func.func @transform_0(%arg0: i32) -> (i32, i32) {
    %c0_i32 = arith.constant 0 : i32
    %c0_i32_0 = arith.constant 0 : i32
    return %arg0, %c0_i32 : i32, i32
  }
  func.func @transform_1(%arg0: i32) -> (i32, i32) {
    %c0_i32 = arith.constant 0 : i32
    %c0_i32_0 = arith.constant 0 : i32
    %c0_i32_1 = arith.constant 0 : i32
    return %c0_i32, %c0_i32_0 : i32, i32
  }
  func.func @transform_2(%arg0: i32) -> (i32, i32) {
    %c0_i32 = arith.constant 0 : i32
    %c0_i32_0 = arith.constant 0 : i32
    %c0_i32_1 = arith.constant 0 : i32
    return %c0_i32, %c0_i32_0 : i32, i32
  }
  func.func @transform_3(%arg0: i32) -> (i32, i32) {
    %c0_i32 = arith.constant 0 : i32
    %c0_i32_0 = arith.constant 0 : i32
    return %c0_i32, %arg0 : i32, i32
  }
  func.func @transform_4(%arg0: i32) -> (i32, i32) {
    %c0_i32 = arith.constant 0 : i32
    %c0_i32_0 = arith.constant 0 : i32
    return %arg0, %c0_i32 : i32, i32
  }
}

module attributes {stable_mosaic.version = 14 : i64} {
  func.func @_final_kernel(%arg0: i32, %arg1: memref<512x128xf32, #tpu.memory_space<vmem>>, %arg2: memref<1x512x128xf32, #tpu.memory_space<vmem>>, %arg3: memref<32x512xf32, #tpu.memory_space<vmem>>, %arg4: memref<512x128xf32, #tpu.memory_space<vmem>>) attributes {dimension_semantics = [#tpu.dimension_semantics<arbitrary>], iteration_bounds = array<i64: 20>, scalar_prefetch = 0 : i64, scratch_operands = 0 : i64, tpu.core_type = #tpu.core_type<tc>, window_params = [{transform_indices = @transform_0, window_bounds = array<i64: 512, 128>}, {transform_indices = @transform_1, window_bounds = array<i64: 1, 512, 128>}, {transform_indices = @transform_2, window_bounds = array<i64: 32, 512>}, {transform_indices = @transform_3, window_bounds = array<i64: 512, 128>}]} {
    %get3A = arith.constant 0 : index
    %get3A_0 = arith.constant 0 : index
    %get3A_1 = vector.load %arg3[%get3A, %get3A_0] : memref<32x512xf32, #tpu.memory_space<vmem>>, vector<32x512xf32>
    %reduce_sum3A = arith.constant dense<0.000000e+00> : vector<512xf32>
    %reduce_sum3A_2 = vector.multi_reduction <add>, %get3A_1, %reduce_sum3A [0] : vector<32x512xf32> to vector<512xf32>
    %add3A = arith.constant 1.000000e+00 : f32
    %add3A_3 = vector.broadcast %add3A : f32 to vector<512xf32>
    %add3A_4 = arith.addf %reduce_sum3A_2, %add3A_3 : vector<512xf32>
    %rsqrt3A = math.rsqrt %add3A_4 : vector<512xf32>
    %broadcast_in_dim3A = vector.shape_cast %rsqrt3A : vector<512xf32> to vector<512x1xf32>
    %get3A_5 = arith.constant 0 : index
    %get3A_6 = arith.constant 0 : index
    %get3A_7 = vector.load %arg1[%get3A_5, %get3A_6] : memref<512x128xf32, #tpu.memory_space<vmem>>, vector<512x128xf32>
    %get3A_8 = arith.constant 0 : index
    %get3A_9 = arith.constant 0 : index
    %get3A_10 = arith.constant 0 : index
    %get3A_11 = vector.load %arg2[%get3A_8, %get3A_9, %get3A_10] : memref<1x512x128xf32, #tpu.memory_space<vmem>>, vector<1x512x128xf32>
    %get3A_12 = vector.shape_cast %get3A_11 : vector<1x512x128xf32> to vector<512x128xf32>
    %add3A_13 = arith.addf %get3A_7, %get3A_12 : vector<512x128xf32>
    %mul3A = vector.broadcast %broadcast_in_dim3A : vector<512x1xf32> to vector<512x128xf32>
    %mul3A_14 = arith.mulf %mul3A, %add3A_13 : vector<512x128xf32>
    %swap3A = arith.constant 0 : index
    %swap3A_15 = arith.constant 0 : index
    %swap3A_16 = vector.load %arg4[%swap3A, %swap3A_15] : memref<512x128xf32, #tpu.memory_space<vmem>>, vector<512x128xf32>
    tpu.vector_store %arg4[%swap3A, %swap3A_15], %mul3A_14 {strides = array<i32>} : memref<512x128xf32, #tpu.memory_space<vmem>>, vector<512x128xf32>,
    return
  }
  func.func @transform_0(%arg0: i32) -> (i32, i32) {
    %c0_i32 = arith.constant 0 : i32
    %c0_i32_0 = arith.constant 0 : i32
    return %arg0, %c0_i32 : i32, i32
  }
  func.func @transform_1(%arg0: i32) -> (i32, i32, i32) {
    %jit3A = arith.constant 10 : i32
    %div3A = arith.divsi %arg0, %jit3A : i32
    %sign3A = arith.constant 0 : i32
    %sign3A_0 = arith.cmpi sgt, %arg0, %sign3A : i32
    %sign3A_1 = arith.extui %sign3A_0 : i1 to i32
    %sign3A_2 = arith.constant 0 : i32
    %sign3A_3 = arith.cmpi slt, %arg0, %sign3A_2 : i32
    %sign3A_4 = arith.extui %sign3A_3 : i1 to i32
    %sign3A_5 = arith.subi %sign3A_1, %sign3A_4 : i32
    %sign3A_6 = arith.constant 0 : i32
    %sign3A_7 = arith.cmpi sgt, %jit3A, %sign3A_6 : i32
    %sign3A_8 = arith.extui %sign3A_7 : i1 to i32
    %sign3A_9 = arith.constant 0 : i32
    %sign3A_10 = arith.cmpi slt, %jit3A, %sign3A_9 : i32
    %sign3A_11 = arith.extui %sign3A_10 : i1 to i32
    %sign3A_12 = arith.subi %sign3A_8, %sign3A_11 : i32
    %ne3A = arith.cmpi ne, %sign3A_5, %sign3A_12 : i32
    %rem3A = arith.remsi %arg0, %jit3A : i32
    %ne3A_13 = arith.constant 0 : i32
    %ne3A_14 = arith.cmpi ne, %rem3A, %ne3A_13 : i32
    %and3A = arith.andi %ne3A, %ne3A_14 : i1
    %sub3A = arith.constant 1 : i32
    %sub3A_15 = arith.subi %div3A, %sub3A : i32
    %select_n3A = arith.select %and3A, %sub3A_15, %div3A : i32
    %jit3A_16 = arith.constant 10 : i32
    %eq3A = arith.constant 0 : i32
    %eq3A_17 = arith.cmpi eq, %jit3A_16, %eq3A : i32
    %jit3A_18 = arith.constant 1 : i32
    %select_n3A_19 = arith.select %eq3A_17, %jit3A_18, %jit3A_16 : i32
    %rem3A_20 = arith.remsi %arg0, %select_n3A_19 : i32
    %ne3A_21 = arith.constant 0 : i32
    %ne3A_22 = arith.cmpi ne, %rem3A_20, %ne3A_21 : i32
    %lt3A = arith.constant 0 : i32
    %lt3A_23 = arith.cmpi slt, %rem3A_20, %lt3A : i32
    %lt3A_24 = arith.constant 0 : i32
    %lt3A_25 = arith.cmpi slt, %select_n3A_19, %lt3A_24 : i32
    %ne3A_26 = arith.xori %lt3A_23, %lt3A_25 : i1
    %and3A_27 = arith.andi %ne3A_26, %ne3A_22 : i1
    %add3A = arith.addi %rem3A_20, %select_n3A_19 : i32
    %select_n3A_28 = arith.select %and3A_27, %add3A, %rem3A_20 : i32
    %c0_i32 = arith.constant 0 : i32
    %c0_i32_29 = arith.constant 0 : i32
    return %select_n3A, %select_n3A_28, %c0_i32 : i32, i32, i32
  }
  func.func @transform_2(%arg0: i32) -> (i32, i32) {
    %c0_i32 = arith.constant 0 : i32
    %c0_i32_0 = arith.constant 0 : i32
    return %c0_i32, %arg0 : i32, i32
  }
  func.func @transform_3(%arg0: i32) -> (i32, i32) {
    %c0_i32 = arith.constant 0 : i32
    %c0_i32_0 = arith.constant 0 : i32
    return %arg0, %c0_i32 : i32, i32
  }
}

</mosaic_0001>

<sc_bundles>
// kernel: kernel.6.cloned.1.call-start
scs
__scs_entry_jumppad:
0x0: {  	(pc) =	sbr.rel $0x88, $3  }
0x1: {  	(tag) =	ssettag $0x0;
	lr =	simm.s32 $0x1  }
0x2: {  	[smem:$0x3F9D] =	sst lr;
	_ =	strace $0xD0000000  }
0x3: {  	_ = 	snop  }
0x4: {  	_ = 	snop  }
0x5: {  	_ = 	snop  }
0x6: {  	_ = 	snop  }
0x7: {  	_ = 	snop  }
__scs_overlays_trampoline_lowered:
0x8: {  	[smem:$0x3FAC] =	sst s0  }
0x9: {  	[smem:$0x3FAD] =	sst s1  }
0xa: {  	[smem:$0x3FAE] =	sst s2  }
0xb: {  	[smem:$0x3FAF] =	sst s3  }
0xc: {  	[smem:$0x3FB0] =	sst s4  }
0xd: {  	[smem:$0x3FB1] =	sst s5  }
0xe: {  	[smem:$0x3FB2] =	sst s6  }
0xf: {  	[smem:$0x3FB3] =	sst s7  }
0x10: {  	[smem:$0x3FB4] =	sst s8  }
0x11: {  	[smem:$0x3FB5] =	sst s9;
	s0 =	simm.s32 @!p0 $0x0  }
0x12: {  	s1 =	sld [smem:$0x3F9B];
	s0 =	simm.s32 @p0 $0x1  }
0x13: {  	[smem:$0x3FB6] =	sst s0;
	s0 =	simm.s32 @!p1 $0x0  }
0x14: {  	s2 =	sld [smem:$0x3F9A];
	s0 =	simm.s32 @p1 $0x1  }
0x15: {  	[smem:$0x3FB7] =	sst s0;
	s0 =	simm.s32 @!p2 $0x0  }
0x16: {  	s3 =	sld [smem:$0x3FDB];
	s0 =	simm.s32 @p2 $0x1  }
0x17: {  	s4 =	simm.s32 $0x1BF5;
	[smem:$0x3FB9] =	sst s0  }
0x18: {  	s0 =	sld [smem:$0x3F9C];
	_ =	swait.ge [sflag:s4], $0x0  }
0x19: {  	s7 =	sld [smem:$0x3F9D]  }
0x1a: {  	s8 =	sadd.s32 $0xFFFFE003, lr  }
0x1b: {  	s9 =	sadd.s32 $0xFFFFFEF7, lr;
	s5 =	simm.s32 $0xFFFFFFFF;
	p2 =	slt.u32 s8, $0xFFFFF086  }
0x1c: {  	p1 =	slt.u32 s9, $0xF7A;
	s5 =	simm.s32 @!p2 $0x0  }
0x1d: {  	s5 =	simm.s32 @p1 $0x1;
	p0 =	seq.s32 s7, s2  }
0x1e: {  	s7 =	smul.u32 @!p0 $0xF7A, s2;
	p2 =	seq.s32 @!p0 s5, $0x0  }
0x1f: {  	s9 =	smul.u32 $0xF7A, s1;
	s8 =	simm.s32 @!p0 $0x1BF5;
	p2 =	por !p2, p0  }
0x20: {  	[sflag:s8] =	ssyncset.s32 @!p0 $0xFFFFF086;
	s6 =	sadd.s32 @!p0 s3, s7;
	s7 =	simm.s32 @!p0 $0x108  }
0x21: {  	s3 =	sadd.s32 s3, s9;
	s6 =	sadd.s32 @!p0 $0x88, s6;
	s7 =	simm.s32 @p2 $0x1082  }
0x22: {  	[simem:s7], [sflag:s8] =	dma.local @!p0 [hbm:s6], $0xF7A  }
0x23: {  	s9 =	sor.u32 $0xD0000000, s2;
	s6 =	simm.s32 $0x108;
	_ =	swait.ge @!p0 [sflag:s8], $0x0  }
0x24: {  	s3 =	sadd.s32 $0x88, s3;
	s6 =	simm.s32 @!p1 $0x1082;
	[sflag:s4] =	ssyncset.s32 $0xFFFFF086  }
0x25: {  	[simem:s6], [sflag:s4] =	dma.local [hbm:s3], $0xF7A  }
0x26: {  	[smem:$0x3F9D] =	sst s1;
	(tag) =	ssettag s2;
	_ =	strace s9  }
0x27: {  	s1 =	sld [smem:$0x3FAD]  }
0x28: {  	s2 =	sld [smem:$0x3FAE]  }
0x29: {  	s4 =	sld [smem:$0x3FB0]  }
0x2a: {  	p0 =	seq.s32 s5, $0x0;
	s5 =	sld [smem:$0x3FB1]  }
0x2b: {  	s6 =	sld [smem:$0x3FB2]  }
0x2c: {  	s7 =	sld [smem:$0x3FB3]  }
0x2d: {  	s3 =	simm.s32 $0x108;
	s8 =	sld [smem:$0x3FB4]  }
0x2e: {  	s3 =	simm.s32 @!p0 $0x1082;
	s9 =	sld [smem:$0x3FB5]  }
0x2f: {  	lr =	sadd.s32 s0, s3;
	s0 =	sld [smem:$0x3FAC]  }
0x30: {  	s3 =	sld [smem:$0x3FAF]  }
0x31: {  	[smem:$0x3FB8] =	sst s10  }
0x32: {  	s10 =	sld [smem:$0x3FB6];
	_ =	sdelay $0x3  }
0x33: {  	p0 =	seq.s32 s10, $0x1;
	s10 =	sld [smem:$0x3FB8];
	_ =	sdelay $0x3  }
0x34: {  	[smem:$0x3FB8] =	sst s10  }
0x35: {  	s10 =	sld [smem:$0x3FB7];
	_ =	sdelay $0x3  }
0x36: {  	p1 =	seq.s32 s10, $0x1;
	s10 =	sld [smem:$0x3FB8];
	_ =	sdelay $0x3  }
0x37: {  	[smem:$0x3FB8] =	sst s10  }
0x38: {  	s10 =	sld [smem:$0x3FB9]  }
0x39: {  	_ = 	snop;
	(pc) =	sbr.ind lr, $3  }
0x3a: {  	_ = 	snop  }
0x3b: {  	_ = 	snop  }
0x3c: {  	p2 =	seq.s32 s10, $0x1;
	s10 =	sld [smem:$0x3FB8]  }
0x3d: {  	_ =	shalt  }
0x3e: {  	_ =	shalt  }
0x3f: {  	_ =	shalt  }
0x40: {  	_ =	shalt  }
0x41: {  	_ =	shalt  }
0x42: {  	_ =	shalt  }
0x43: {  	_ =	shalt  }
0x44: {  	_ =	shalt  }
0x45: {  	_ =	shalt  }
0x46: {  	_ =	shalt  }
0x47: {  	_ =	shalt  }
0x48: {  	_ =	shalt  }
0x49: {  	_ =	shalt  }
0x4a: {  	_ =	shalt  }
0x4b: {  	_ =	shalt  }
0x4c: {  	_ =	shalt  }
0x4d: {  	_ =	shalt  }
0x4e: {  	_ =	shalt  }
0x4f: {  	_ =	shalt  }
0x50: {  	_ =	shalt  }
0x51: {  	_ =	shalt  }
0x52: {  	_ =	shalt  }
0x53: {  	_ =	shalt  }
0x54: {  	_ =	shalt  }
0x55: {  	_ =	shalt  }
0x56: {  	_ =	shalt  }
0x57: {  	_ =	shalt  }
0x58: {  	_ =	shalt  }
0x59: {  	_ =	shalt  }
0x5a: {  	_ =	shalt  }
0x5b: {  	_ =	shalt  }
0x5c: {  	_ =	shalt  }
0x5d: {  	_ =	shalt  }
0x5e: {  	_ =	shalt  }
0x5f: {  	_ =	shalt  }
0x60: {  	_ =	shalt  }
0x61: {  	_ =	shalt  }
0x62: {  	_ =	shalt  }
0x63: {  	_ =	shalt  }
0x64: {  	_ =	shalt  }
0x65: {  	_ =	shalt  }
0x66: {  	_ =	shalt  }
0x67: {  	_ =	shalt  }
0x68: {  	_ =	shalt  }
0x69: {  	_ =	shalt  }
0x6a: {  	_ =	shalt  }
0x6b: {  	_ =	shalt  }
0x6c: {  	_ =	shalt  }
0x6d: {  	_ =	shalt  }
0x6e: {  	_ =	shalt  }
0x6f: {  	_ =	shalt  }
0x70: {  	_ =	shalt  }
0x71: {  	_ =	shalt  }
0x72: {  	_ =	shalt  }
0x73: {  	_ =	shalt  }
0x74: {  	_ =	shalt  }
0x75: {  	_ =	shalt  }
0x76: {  	_ =	shalt  }
0x77: {  	_ =	shalt  }
0x78: {  	_ =	shalt  }
0x79: {  	_ =	shalt  }
0x7a: {  	_ =	shalt  }
0x7b: {  	_ =	shalt  }
0x7c: {  	_ =	shalt  }
0x7d: {  	_ =	shalt  }
0x7e: {  	_ =	shalt  }
0x7f: {  	_ =	shalt  }
0x80: {  	_ =	shalt  }
0x81: {  	_ =	shalt  }
0x82: {  	_ =	shalt  }
0x83: {  	_ =	shalt  }
0x84: {  	_ =	shalt  }
0x85: {  	_ =	shalt  }
0x86: {  	_ =	shalt  }
0x87: {  	_ =	shalt  }
.Lfunc_end0:
.L_simem_size_0:
called_computation_lowered:
.L_overlay_start_0:
0x88: {  	s2 =	sld [smem:$0x3FD9]  }
0x89: {  	s3 =	sld [smem:$0x3FFE];
	_ =	sdelay $0x1  }
0x8a: {  	s1 =	srdreg.scid  }
0x8b: {  	s0 =	sand.u32 $0x1, s1  }
0x8c: {  	s17 =	sshll.u32 s0, $0xA;
	s2 =	sadd.s32 s3, s2  }
0x8d: {  	s2 =	sadd.s32 s2, s17  }
0x8e: {  	[smem:$0x3FC4] =	sst s2  }
0x8f: {  	_ = 	snop  }
0x90: {  	s2 =	sld [smem:$0x3FD0];
	(tm) =	ssettm $0x1  }
0x91: {  	s18 =	sld [smem:$0x3FFB];
	_ =	sdelay $0x3  }
0x92: {  	_ =	strace s18  }
0x93: {  	s3 =	sld [smem:$0x3FFC];
	_ =	sdelay $0x3  }
0x94: {  	_ =	strace s3  }
0x95: {  	s3 =	sld [smem:$0x3FFD];
	_ =	sdelay $0x3  }
0x96: {  	_ =	strace s3  }
0x97: {  	_ =	strace $0x8FFFFFFF  }
0x98: {  	s19 =	sld [smem:$0x3FDB];
	_ =	sdelay $0x1  }
0x99: {  	s4 =	simm.s32 $_scs_section_size  }
0x9a: {  	s5 =	simm.s32 $_size__tile_overlayer_lowered;
	s6 =	simm.s32 $_tile_overlayer_lowered  }
0x9b: {  	s22 =	simm.s32 $0x1BFF;
	s21 =	sshll.u32 s6, $0x1;
	s3 =	sadd.s32 s4, s19  }
0x9c: {  	s7 =	simm.s32 $0x0;
	s20 =	sshll.u32 s5, $0x1;
	s5 =	sadd.s32 s21, s3  }
0x9d: {  	[timem:s7], [sflag:s22] =	dma.local [hbm:s5], s20  }
0x9e: {  	_ =	swait.ge [sflag:s22], s20  }
0x9f: {  	s4 =	ssub.s32 $0x0, s20;
	[sflag:s22] =	ssyncset.done $0x0  }
0xa0: {  	[sflag:s22] =	ssyncadd.s32 s4;
	_ =	sdelay $0x1  }
0xa1: {  	s23 =	simm.s32 $0x1B8B  }
0xa2: {  	_ =	swait.ge [sflag:s23], $0x1  }
0xa3: {  	[sflag:s23] =	ssyncset.done $0x0  }
0xa4: {  	s25 =	simm.s32 $0x1B8E;
	s24 =	sld [smem:$0x3FFE];
	[sflag:s23] =	ssyncadd.s32 $0xFFFFFFFF  }
0xa5: {  	s26 =	simm.s32 $execute0_lowered;
	[smem:$0x3FD2] =	sst s25  }
0xa6: {  	s5 =	sshll.u32 s26, $0x1;
	_ =	strace $0x80000046;
	[dreg:$0x1] =	wrdreg $0xFFFFFFFF  }
0xa7: {  	s28 =	simm.s32 $_size_execute0_lowered;
	s3 =	sadd.s32 s3, s5;
	[dreg:$0x0] =	wrdreg $0x0  }
0xa8: {  	s5 =	sshll.u32 s28, $0x1;
	[dreg:$0x2] =	wrdreg s3  }
0xa9: {  	[dreg:$0x3] =	wrdreg s5  }
0xaa: {  	[dreg:$0x4] =	wrdreg $0xC0  }
0xab: {  	_ =	task [dreg:s7], $0x5FFFF  }
0xac: {  	[dreg:$0x1] =	wrdreg $0xFFFFFFFF  }
0xad: {  	[dreg:$0x0] =	wrdreg $0x60  }
0xae: {  	[dreg:$0x2] =	wrdreg s2  }
0xaf: {  	[dreg:$0x3] =	wrdreg s24  }
0xb0: {  	[dreg:$0x4] =	wrdreg $0x9  }
0xb1: {  	_ =	task.clear_ibuf [dreg:s7], $0x5FFFF;
	_ =	strace $0x90000046  }
0xb2: {  	s29 =	simm.s32 $0x9;
	_ =	strace $0x80000048  }
0xb3: {  	_ =	swait.ge [sflag:s29], $0x1  }
0xb4: {  	[sflag:s29] =	ssyncadd.s32 $0xFFFFFFFF  }
0xb5: {  	_ =	strace $0x90000048  }
0xb6: {  	_ =	sfence  }
0xb7: {  	s30 =	sld [smem:$0x0];
	_ =	sdelay $0x2  }
0xb8: {  	s31 =	sshll.u32 s1, $0xD;
	s1 =	sshrl.u32 s1, $0x2  }
0xb9: {  	s3 =	sand.u32 $0x4000, s31;
	s1 =	sadd.s32 s1, s30  }
0xba: {  	s0 =	sor.u32 s3, s0;
	s1 =	sshll.u32 s1, $0x11  }
0xbb: {  	s0 =	sor.u32 s1, s0  }
0xbc: {  	s0 =	sadd.s32 $0x8F2B, s0  }
0xbd: {  	[sflag:s0] =	ssyncadd.remote.s32 $0x1  }
0xbe: {  	_ =	sfence.sel $0xFFFF  }
0xbf: {  	[dreg:$0x0] =	wrdreg $0xFFFFFFFF;
	(pc) =	sbr.abs _section_cstart, $3  }
0xc0: {  	[dreg:$0x1] =	wrdreg $0xFFFFFFFF  }
0xc1: {  	_ =	task.clear_ibuf [dreg:s7], $0x2FFFF;
	_ =	strace $0x9FFFFFFF  }
0xc2: {  	(tm) =	ssettm $0x7FFFFFFF  }
0xc3: {  	_ =	shalt  }
tec
execute0_lowered:
.L_overlay_start_1:
0x0: {  	(tag) =	ssettag $0x1  }
0x1: {  	s0 =	rddreg [dreg:$0x0];
	s1 =	srdreg.scid  }
0x2: {  	s3 =	stileid.u32;
	s8 =	rddreg [dreg:$0x1];
	s16 =	simm.s32 $0x2800  }
0x3: {  	s17 =	simm.s32 $0x1;
	s18 =	simm.s32 $0x80;
	s19 =	simm.s32 $0x200  }
0x4: {  	s20 =	simm.s32 $0x4F80;
	s21 =	simm.s32 $0x7700;
	s22 =	simm.s32 $0x9E80  }
0x5: {  	s23 =	simm.s32 $0xC600;
	s26 =	simm.s32 $0x0;
	s1 =	sand.u32 $0x1, s1  }
0x6: {  	s2 =	sshll.u32 s3, $0x1;
	s6 =	sshrl.u32 s3, $0x2;
	s29 =	sadd.s32 $0x1A00, s8  }
0x7: {  	s5 =	sor.u32 s1, s2;
	s2 =	simm.s32 $0x0;
	s4 =	smul.u32 $0x13C00, s6  }
0x8: {  	s6 =	sshll.u32 s6, $0xA;
	s1 =	ssub.s32 $0x2, s1;
	s30 =	smul.u32 $0x13C0, s5  }
0x9: {  	s28 =	sshll.u32 s5, $0x7;
	[smem:$0x7FF] =	sst s2;
	s5 =	smul.u32 $0x500, s5  }
0xa: {  	s31 =	sshrl.u32 s1, $0x1;
	s7 =	sand.u32 $0x380, s28;
	_ =	strace $0x80000047  }
0xb: {  	[dreg:$0x3] =	wrdreg s29;
	s1 =	ssub.s32 s1, s31;
	s9 =	sor.u32 s4, s7  }
0xc: {  	s4 =	sadd.s32 $0x2000, s8;
	s6 =	sor.u32 s6, s7;
	s12 =	sadd.s32 s30, s8  }
0xd: {  	s5 =	sadd.s32 s0, s5;
	s7 =	sadd.s32 $0x2020, s8;
	s15 =	smax.u32 s1, $0x1  }
0xe: {  	s9 =	sshrl.u32 s9, $0x3;
	s6 =	sshrl.u32 s6, $0x3;
	s10 =	sadd.s32 $0xD210, s12  }
0xf: {  	s11 =	sadd.s32 $0xD220, s12;
	s14 =	sadd.s32 s9, s8;
	s13 =	sadd.s32 s6, s8  }
0x10: {  	v0 =	vimm.f32 $1.000000000e+00;
	v1 =	vimm.s32 $0x0;
	vm0 =	vcmask $0x300;
	s6 =	sadd.s32 $0x2010, s8;
	s8 =	sadd.s32 $0x2030, s8;
	s9 =	sadd.s32 $0xD200, s12  }
0x11: {  	vm1 =	vcmask $0x704;
	vm2 =	vcmask $0xB08;
	vm3 =	vcmask $0xF0C;
	s12 =	sadd.s32 $0xD230, s12;
	s13 =	sadd.s32 $0x34A00, s13;
	s14 =	sadd.s32 $0x3400, s14  }
.LBB2_1:
0x12: {  	s0 =	rddreg [dreg:$0x3]  }
0x13: {  	[tilespmem:s16], [sflag:$0x1] =	stream.linear.gather [hbm4b:s0+s2], $0x2780, $0x38;
	[tilespmem:$0xEE00] =	vst v63  }
0x14: {  	_ =	swait.ge [sflag:s17], $0x2780  }
0x15: {  	[sflag:s17] =	ssyncset.done $0x0  }
0x16: {  	[sflag:s17] =	ssyncadd.s32 $0xFFFFD880  }
0x17: {  	[tilespmem:s2], [sflag:$0x1] =	stream.linear.gather [hbm4b:s5+s2], $0x2780, $0x38;
	[tilespmem:$0xEE00] =	vst v63  }
0x18: {  	_ =	swait.ge [sflag:s17], $0x2780  }
0x19: {  	[sflag:s17] =	ssyncset.done $0x0  }
0x1a: {  	[sflag:s17] =	ssyncadd.s32 $0xFFFFD880  }
0x1b: {  	[tilespmem:s20], [sflag:$0x1] =	stream.strided.gather [hbm4b:s4+s18], $0x2780, s19, s18, $0x38;
	[tilespmem:$0xEE00] =	vst v63  }
0x1c: {  	_ =	swait.ge [sflag:s17], $0x2780  }
0x1d: {  	[sflag:s17] =	ssyncset.done $0x0  }
0x1e: {  	[sflag:s17] =	ssyncadd.s32 $0xFFFFD880  }
0x1f: {  	[tilespmem:s21], [sflag:$0x1] =	stream.strided.gather [hbm4b:s6+s18], $0x2780, s19, s18, $0x38;
	[tilespmem:$0xEE00] =	vst v63  }
0x20: {  	_ =	swait.ge [sflag:s17], $0x2780  }
0x21: {  	[sflag:s17] =	ssyncset.done $0x0  }
0x22: {  	[sflag:s17] =	ssyncadd.s32 $0xFFFFD880  }
0x23: {  	[tilespmem:s22], [sflag:$0x1] =	stream.strided.gather [hbm4b:s7+s18], $0x2780, s19, s18, $0x38;
	[tilespmem:$0xEE00] =	vst v63  }
0x24: {  	_ =	swait.ge [sflag:s17], $0x2780  }
0x25: {  	[sflag:s17] =	ssyncset.done $0x0  }
0x26: {  	[sflag:s17] =	ssyncadd.s32 $0xFFFFD880  }
0x27: {  	[tilespmem:s23], [sflag:$0x1] =	stream.strided.gather [hbm4b:s8+s18], $0x2780, s19, s18, $0x38;
	[tilespmem:$0xEE00] =	vst v63  }
0x28: {  	_ =	swait.ge [sflag:s17], $0x2780  }
0x29: {  	[sflag:s17] =	ssyncset.done $0x0  }
0x2a: {  	s28 =	simm.s32 $0x0;
	[sflag:s17] =	ssyncadd.s32 $0xFFFFD880  }
0x2b: {  	v2 =	vld [tilespmem:s28+$0x0];
	_ =	sdelay $0x4  }
0x2c: {  	v3 =	vshrl.u32 v2, $0xE;
	v4 =	vand.u32 $0x3C00, v2  }
0x2d: {  	vm5 =	vlt.u32 v2, $0x5000000;
	vm4 =	vle.u32 v4, $0x13FF  }
0x2e: {  	v5 =	vadd.s32 $0xFB000000, v2;
	vm6 =	vgt.u32 v4, $0x13FF;
	vm7 =	vmand vm5, vm4  }
0x2f: {  	vm8 =	vlt.u32 v5, $0x4C40000;
	vm5 =	vmand vm5, vm6;
	v4 =	vsel vm7, $0x1, v1  }
0x30: {  	vm4 =	vmand vm8, vm4;
	v5 =	vsel vm5, $0x1, v1;
	(xrf0) =	vadd.scan.msk.s32 $0xffff, v4  }
0x31: {  	vm6 =	vmand vm8, vm6;
	v4 =	vsel vm4, $0x1, v1;
	[tilespmem:v3+s16+$0x0] =	vst.idx.add.f32.msk $0xffff, v0;
	(xrf0) =	vadd.scan.msk.s32 $0xffff, v5  }
0x32: {  	v3 =	vsel vm6, $0x1, v1;
	[tilespmem:s2+$0x4F80] =	vst.msk vm7, v2;
	(xrf0) =	vadd.scan.msk.s32 $0xffff, v4  }
0x33: {  	[tilespmem:s2+$0x7700] =	vst.msk vm5, v2;
	(xrf0) =	vadd.scan.msk.s32 $0xffff, v3  }
0x34: {  	[tilespmem:s2+$0x9E80] =	vst.msk vm4, v2  }
0x35: {  	[tilespmem:s2+$0xC600] =	vst.msk vm6, v2  }
0x36: {  	v2 =	vld [tilespmem:s28+$0x10];
	v3, _, _ =	vpop (xrf0)  }
0x37: {  	(v2sf) =	vpush v3, $0xF;
	v3, _, _ =	vpop (xrf0)  }
0x38: {  	(v2sf) =	vpush v3, $0xF;
	v3, _, _ =	vpop (xrf0)  }
0x39: {  	(v2sf) =	vpush v3, $0xF;
	v3, _, _ =	vpop (xrf0)  }
0x3a: {  	(v2sf) =	vpush v3, $0xF  }
0x3b: {  	v3 =	vand.u32 $0x3C00, v2  }
0x3c: {  	vm5 =	vlt.u32 v2, $0x5000000;
	vm4 =	vle.u32 v3, $0x13FF  }
0x3d: {  	v4 =	vadd.s32 $0xFB000000, v2;
	vm6 =	vgt.u32 v3, $0x13FF;
	vm7 =	vmand vm5, vm4  }
0x3e: {  	vm8 =	vlt.u32 v4, $0x4C40000;
	vm5 =	vmand vm5, vm6;
	v3 =	vsel vm7, $0x1, v1  }
0x3f: {  	vm4 =	vmand vm8, vm4;
	v4 =	vsel vm5, $0x1, v1;
	(xrf0) =	vadd.scan.msk.s32 $0xffff, v3  }
0x40: {  	vm6 =	vmand vm8, vm6;
	v3 =	vsel vm4, $0x1, v1;
	(xrf0) =	vadd.scan.msk.s32 $0xffff, v4  }
0x41: {  	v4 =	vsel vm6, $0x1, v1;
	(xrf0) =	vadd.scan.msk.s32 $0xffff, v3  }
0x42: {  	v3 =	vshrl.u32 v2, $0xE;
	(xrf0) =	vadd.scan.msk.s32 $0xffff, v4;
	_ =	sdelay $0x2  }
0x43: {  	v4, _, _ =	vpop (xrf0)  }
0x44: {  	s1 =	spop (v2sf);
	(v2sf) =	vpush v4, $0xF;
	v4, _, _ =	vpop (xrf0)  }
0x45: {  	[tilespmem:v3+s16+$0x0] =	vst.idx.add.f32.msk $0xffff, v0;
	s0 =	sadd.s32 $0x0, s1;
	s1 =	spop (v2sf);
	(v2sf) =	vpush v4, $0xF;
	v3, _, _ =	vpop (xrf0)  }
0x46: {  	s1 =	sadd.s32 $0x0, s1;
	[tilespmem:s0+$0x4F80] =	vst.msk vm7, v2;
	s24 =	spop (v2sf);
	(v2sf) =	vpush v3, $0xF;
	v3, _, _ =	vpop (xrf0)  }
0x47: {  	s24 =	sadd.s32 $0x0, s24;
	[tilespmem:s1+$0x7700] =	vst.msk vm5, v2;
	s25 =	spop (v2sf);
	(v2sf) =	vpush v3, $0xF  }
0x48: {  	s25 =	sadd.s32 $0x0, s25;
	[tilespmem:s24+$0x9E80] =	vst.msk vm4, v2  }
0x49: {  	[tilespmem:s25+$0xC600] =	vst.msk vm6, v2  }
0x4a: {  	v2 =	vld [tilespmem:s28+$0x20];
	_ =	sdelay $0x4  }
0x4b: {  	v3 =	vshrl.u32 v2, $0xE;
	v4 =	vand.u32 $0x3C00, v2  }
0x4c: {  	vm5 =	vlt.u32 v2, $0x5000000;
	vm4 =	vle.u32 v4, $0x13FF  }
0x4d: {  	v5 =	vadd.s32 $0xFB000000, v2;
	vm6 =	vgt.u32 v4, $0x13FF;
	vm7 =	vmand vm5, vm4  }
0x4e: {  	vm8 =	vlt.u32 v5, $0x4C40000;
	vm5 =	vmand vm5, vm6;
	v4 =	vsel vm7, $0x1, v1  }
0x4f: {  	vm4 =	vmand vm8, vm4;
	v5 =	vsel vm5, $0x1, v1;
	s29 =	spop (v2sf);
	(xrf0) =	vadd.scan.msk.s32 $0xffff, v4  }
0x50: {  	vm6 =	vmand vm8, vm6;
	v4 =	vsel vm4, $0x1, v1;
	s0 =	sadd.s32 s0, s29;
	[tilespmem:v3+s16+$0x0] =	vst.idx.add.f32.msk $0xffff, v0;
	s3 =	spop (v2sf);
	(xrf0) =	vadd.scan.msk.s32 $0xffff, v5  }
0x51: {  	v3 =	vsel vm6, $0x1, v1;
	s1 =	sadd.s32 s1, s3;
	[tilespmem:s0+$0x4F80] =	vst.msk vm7, v2;
	s3 =	spop (v2sf);
	(xrf0) =	vadd.scan.msk.s32 $0xffff, v4  }
0x52: {  	s24 =	sadd.s32 s24, s3;
	[tilespmem:s1+$0x7700] =	vst.msk vm5, v2;
	s3 =	spop (v2sf);
	(xrf0) =	vadd.scan.msk.s32 $0xffff, v3  }
0x53: {  	s25 =	sadd.s32 s25, s3;
	[tilespmem:s24+$0x9E80] =	vst.msk vm4, v2  }
0x54: {  	[tilespmem:s25+$0xC600] =	vst.msk vm6, v2  }
0x55: {  	v2 =	vld [tilespmem:s28+$0x30];
	v3, _, _ =	vpop (xrf0)  }
0x56: {  	(v2sf) =	vpush v3, $0xF;
	v3, _, _ =	vpop (xrf0)  }
0x57: {  	(v2sf) =	vpush v3, $0xF;
	v3, _, _ =	vpop (xrf0)  }
0x58: {  	(v2sf) =	vpush v3, $0xF;
	v3, _, _ =	vpop (xrf0)  }
0x59: {  	(v2sf) =	vpush v3, $0xF  }
0x5a: {  	v3 =	vand.u32 $0x3C00, v2  }
0x5b: {  	vm5 =	vlt.u32 v2, $0x5000000;
	vm4 =	vle.u32 v3, $0x13FF  }
0x5c: {  	v4 =	vadd.s32 $0xFB000000, v2;
	vm6 =	vgt.u32 v3, $0x13FF;
	vm7 =	vmand vm5, vm4  }
0x5d: {  	vm8 =	vlt.u32 v4, $0x4C40000;
	vm5 =	vmand vm5, vm6;
	v3 =	vsel vm7, $0x1, v1  }
0x5e: {  	vm4 =	vmand vm8, vm4;
	v4 =	vsel vm5, $0x1, v1;
	(xrf0) =	vadd.scan.msk.s32 $0xffff, v3  }
0x5f: {  	vm6 =	vmand vm8, vm6;
	v3 =	vsel vm4, $0x1, v1;
	(xrf0) =	vadd.scan.msk.s32 $0xffff, v4  }
0x60: {  	v4 =	vsel vm6, $0x1, v1;
	(xrf0) =	vadd.scan.msk.s32 $0xffff, v3  }
0x61: {  	v3 =	vshrl.u32 v2, $0xE;
	(xrf0) =	vadd.scan.msk.s32 $0xffff, v4;
	_ =	sdelay $0x2  }
0x62: {  	v4, _, _ =	vpop (xrf0)  }
0x63: {  	s3 =	spop (v2sf);
	(v2sf) =	vpush v4, $0xF;
	v4, _, _ =	vpop (xrf0)  }
0x64: {  	[tilespmem:v3+s16+$0x0] =	vst.idx.add.f32.msk $0xffff, v0;
	s0 =	sadd.s32 s0, s3;
	s3 =	spop (v2sf);
	(v2sf) =	vpush v4, $0xF;
	v3, _, _ =	vpop (xrf0)  }
0x65: {  	s1 =	sadd.s32 s1, s3;
	[tilespmem:s0+$0x4F80] =	vst.msk vm7, v2;
	s3 =	spop (v2sf);
	(v2sf) =	vpush v3, $0xF;
	v3, _, _ =	vpop (xrf0)  }
0x66: {  	s24 =	sadd.s32 s24, s3;
	[tilespmem:s1+$0x7700] =	vst.msk vm5, v2;
	s3 =	spop (v2sf);
	(v2sf) =	vpush v3, $0xF  }
0x67: {  	s25 =	sadd.s32 s25, s3;
	[tilespmem:s24+$0x9E80] =	vst.msk vm4, v2  }
0x68: {  	[tilespmem:s25+$0xC600] =	vst.msk vm6, v2  }
0x69: {  	v2 =	vld [tilespmem:s28+$0x40];
	_ =	sdelay $0x4  }
0x6a: {  	v3 =	vshrl.u32 v2, $0xE;
	v4 =	vand.u32 $0x3C00, v2  }
0x6b: {  	vm5 =	vlt.u32 v2, $0x5000000;
	vm4 =	vle.u32 v4, $0x13FF  }
0x6c: {  	v5 =	vadd.s32 $0xFB000000, v2;
	vm6 =	vgt.u32 v4, $0x13FF;
	vm7 =	vmand vm5, vm4  }
0x6d: {  	vm8 =	vlt.u32 v5, $0x4C40000;
	vm5 =	vmand vm5, vm6;
	v4 =	vsel vm7, $0x1, v1  }
0x6e: {  	vm4 =	vmand vm8, vm4;
	v5 =	vsel vm5, $0x1, v1;
	s3 =	spop (v2sf);
	(xrf0) =	vadd.scan.msk.s32 $0xffff, v4  }
0x6f: {  	vm6 =	vmand vm8, vm6;
	v4 =	vsel vm4, $0x1, v1;
	s0 =	sadd.s32 s0, s3;
	[tilespmem:v3+s16+$0x0] =	vst.idx.add.f32.msk $0xffff, v0;
	s3 =	spop (v2sf);
	(xrf0) =	vadd.scan.msk.s32 $0xffff, v5  }
0x70: {  	v3 =	vsel vm6, $0x1, v1;
	s1 =	sadd.s32 s1, s3;
	[tilespmem:s0+$0x4F80] =	vst.msk vm7, v2;
	s3 =	spop (v2sf);
	(xrf0) =	vadd.scan.msk.s32 $0xffff, v4  }
0x71: {  	s24 =	sadd.s32 s24, s3;
	[tilespmem:s1+$0x7700] =	vst.msk vm5, v2;
	s3 =	spop (v2sf);
	(xrf0) =	vadd.scan.msk.s32 $0xffff, v3  }
0x72: {  	s25 =	sadd.s32 s25, s3;
	[tilespmem:s24+$0x9E80] =	vst.msk vm4, v2  }
0x73: {  	[tilespmem:s25+$0xC600] =	vst.msk vm6, v2  }
0x74: {  	v2 =	vld [tilespmem:s28+$0x50];
	v3, _, _ =	vpop (xrf0)  }
0x75: {  	(v2sf) =	vpush v3, $0xF;
	v3, _, _ =	vpop (xrf0)  }
0x76: {  	(v2sf) =	vpush v3, $0xF;
	v3, _, _ =	vpop (xrf0)  }
0x77: {  	(v2sf) =	vpush v3, $0xF;
	v3, _, _ =	vpop (xrf0)  }
0x78: {  	(v2sf) =	vpush v3, $0xF  }
0x79: {  	v3 =	vand.u32 $0x3C00, v2  }
0x7a: {  	vm5 =	vlt.u32 v2, $0x5000000;
	vm4 =	vle.u32 v3, $0x13FF  }
0x7b: {  	v4 =	vadd.s32 $0xFB000000, v2;
	vm6 =	vgt.u32 v3, $0x13FF;
	vm7 =	vmand vm5, vm4  }
0x7c: {  	vm8 =	vlt.u32 v4, $0x4C40000;
	vm5 =	vmand vm5, vm6;
	v3 =	vsel vm7, $0x1, v1  }
0x7d: {  	vm4 =	vmand vm8, vm4;
	v4 =	vsel vm5, $0x1, v1;
	(xrf0) =	vadd.scan.msk.s32 $0xffff, v3  }
0x7e: {  	vm6 =	vmand vm8, vm6;
	v3 =	vsel vm4, $0x1, v1;
	(xrf0) =	vadd.scan.msk.s32 $0xffff, v4  }
0x7f: {  	v4 =	vsel vm6, $0x1, v1;
	(xrf0) =	vadd.scan.msk.s32 $0xffff, v3  }
0x80: {  	v3 =	vshrl.u32 v2, $0xE;
	(xrf0) =	vadd.scan.msk.s32 $0xffff, v4;
	_ =	sdelay $0x2  }
0x81: {  	v4, _, _ =	vpop (xrf0)  }
0x82: {  	s3 =	spop (v2sf);
	(v2sf) =	vpush v4, $0xF;
	v4, _, _ =	vpop (xrf0)  }
0x83: {  	[tilespmem:v3+s16+$0x0] =	vst.idx.add.f32.msk $0xffff, v0;
	s0 =	sadd.s32 s0, s3;
	s3 =	spop (v2sf);
	(v2sf) =	vpush v4, $0xF;
	v3, _, _ =	vpop (xrf0)  }
0x84: {  	s1 =	sadd.s32 s1, s3;
	[tilespmem:s0+$0x4F80] =	vst.msk vm7, v2;
	s3 =	spop (v2sf);
	(v2sf) =	vpush v3, $0xF;
	v3, _, _ =	vpop (xrf0)  }
0x85: {  	s24 =	sadd.s32 s24, s3;
	[tilespmem:s1+$0x7700] =	vst.msk vm5, v2;
	s3 =	spop (v2sf);
	(v2sf) =	vpush v3, $0xF  }
0x86: {  	s25 =	sadd.s32 s25, s3;
	[tilespmem:s24+$0x9E80] =	vst.msk vm4, v2  }
0x87: {  	[tilespmem:s25+$0xC600] =	vst.msk vm6, v2  }
0x88: {  	v2 =	vld [tilespmem:s28+$0x60];
	_ =	sdelay $0x4  }
0x89: {  	v3 =	vshrl.u32 v2, $0xE;
	v4 =	vand.u32 $0x3C00, v2  }
0x8a: {  	vm5 =	vlt.u32 v2, $0x5000000;
	vm4 =	vle.u32 v4, $0x13FF  }
0x8b: {  	vm7 =	vmand vm5, vm4  }
0x8c: {  	v5 =	vadd.s32 $0xFB000000, v2;
	vm6 =	vgt.u32 v4, $0x13FF;
	v4 =	vsel vm7, $0x1, v1  }
0x8d: {  	vm8 =	vlt.u32 v5, $0x4C40000;
	vm5 =	vmand vm5, vm6;
	s3 =	spop (v2sf);
	(xrf0) =	vadd.scan.msk.s32 $0xffff, v4  }
0x8e: {  	vm4 =	vmand vm8, vm4;
	v5 =	vsel vm5, $0x1, v1;
	s0 =	sadd.s32 s0, s3;
	[tilespmem:v3+s16+$0x0] =	vst.idx.add.f32.msk $0xffff, v0;
	s3 =	spop (v2sf)  }
0x8f: {  	vm6 =	vmand vm8, vm6;
	v4 =	vsel vm4, $0x1, v1;
	(xrf0) =	vadd.scan.msk.s32 $0xffff, v5;
	s1 =	sadd.s32 s1, s3;
	[tilespmem:s0+$0x4F80] =	vst.msk vm7, v2;
	s3 =	spop (v2sf)  }
0x90: {  	v3 =	vsel vm6, $0x1, v1;
	(xrf0) =	vadd.scan.msk.s32 $0xffff, v4;
	s24 =	sadd.s32 s24, s3;
	[tilespmem:s1+$0x7700] =	vst.msk vm5, v2;
	s3 =	spop (v2sf)  }
0x91: {  	(xrf0) =	vadd.scan.msk.s32 $0xffff, v3;
	s25 =	sadd.s32 s25, s3;
	[tilespmem:s24+$0x9E80] =	vst.msk vm4, v2  }
0x92: {  	[tilespmem:s25+$0xC600] =	vst.msk vm6, v2  }
0x93: {  	v2 =	vld [tilespmem:s28+$0x70];
	v3, _, _ =	vpop (xrf0)  }
0x94: {  	(v2sf) =	vpush v3, $0xF  }
0x95: {  	v3, _, _ =	vpop (xrf0)  }
0x96: {  	(v2sf) =	vpush v3, $0xF;
	v3, _, _ =	vpop (xrf0)  }
0x97: {  	(v2sf) =	vpush v3, $0xF;
	v3, _, _ =	vpop (xrf0)  }
0x98: {  	(v2sf) =	vpush v3, $0xF;
	v3 =	vand.u32 $0x3C00, v2  }
0x99: {  	vm5 =	vlt.u32 v2, $0x5000000;
	vm4 =	vle.u32 v3, $0x13FF  }
0x9a: {  	vm6 =	vmand vm5, vm4  }
0x9b: {  	v4 =	vsel vm6, $0x1, v1  }
0x9c: {  	(xrf0) =	vadd.scan.msk.s32 $0xffff, v4;
	_ =	sdelay $0x2  }
0x9d: {  	v4 =	vshrl.u32 v2, $0xE;
	_ =	sdelay $0x1  }
0x9e: {  	v5 =	vadd.s32 $0xFB000000, v2;
	vm7 =	vgt.u32 v3, $0x13FF  }
0x9f: {  	vm8 =	vlt.u32 v5, $0x4C40000;
	vm5 =	vmand vm5, vm7;
	v3, _, _ =	vpop (xrf0)  }
0xa0: {  	vm4 =	vmand vm8, vm4;
	s28 =	spop (v2sf);
	(v2sf) =	vpush v3, $0xF;
	v3 =	vsel vm5, $0x1, v1  }
0xa1: {  	vm7 =	vmand vm8, vm7;
	[tilespmem:v4+s16+$0x0] =	vst.idx.add.f32.msk $0xffff, v0;
	v4 =	vsel vm4, $0x1, v1;
	(xrf0) =	vadd.scan.msk.s32 $0xffff, v3  }
0xa2: {  	v3 =	vsel vm7, $0x1, v1;
	(xrf0) =	vadd.scan.msk.s32 $0xffff, v4  }
0xa3: {  	(xrf0) =	vadd.scan.msk.s32 $0xffff, v3;
	_ =	sdelay $0x3  }
0xa4: {  	s0 =	sadd.s32 s0, s28;
	s28 =	spop (v2sf);
	v3, _, _ =	vpop (xrf0)  }
0xa5: {  	s31 =	sadd.s32 s1, s28;
	[tilespmem:s0+$0x4F80] =	vst.msk vm6, v2;
	s3 =	spop (v2sf);
	(v2sf) =	vpush v3, $0xF;
	v3, _, _ =	vpop (xrf0)  }
0xa6: {  	s1 =	sadd.s32 s24, s3;
	[tilespmem:s31+$0x7700] =	vst.msk vm5, v2;
	s29 =	spop (v2sf);
	(v2sf) =	vpush v3, $0xF;
	v3, _, _ =	vpop (xrf0)  }
0xa7: {  	s24 =	sadd.s32 s25, s29;
	[tilespmem:s1+$0x9E80] =	vst.msk vm4, v2;
	(v2sf) =	vpush v3, $0xF  }
0xa8: {  	s28 =	simm.s32 $0x80;
	[tilespmem:s24+$0xC600] =	vst.msk vm7, v2  }
0xa9: {  	v2 =	vld [tilespmem:s28+$0x0];
	_ =	sdelay $0x4  }
0xaa: {  	v3 =	vshrl.u32 v2, $0xE;
	v4 =	vand.u32 $0x3C00, v2  }
0xab: {  	v5 =	vadd.s32 $0xFB000000, v2;
	vm5 =	vlt.u32 v2, $0x5000000;
	vm4 =	vle.u32 v4, $0x13FF  }
0xac: {  	vm8 =	vgt.u32 v4, $0x13FF;
	vm9 =	vlt.u32 v5, $0x4C40000;
	vm7 =	vmand vm5, vm4  }
0xad: {  	vm6 =	vmand vm5, vm8;
	vm4 =	vmand vm9, vm4;
	v6 =	vsel vm7, $0x1, v1  }
0xae: {  	s25 =	simm.s32 $0x400;
	vm5 =	vmand vm9, vm8;
	v5 =	vsel vm6, $0x1, v1;
	v4 =	vsel vm4, $0x1, v1;
	(xrf0) =	vadd.scan.msk.s32 $0xffff, v6;
	s30 =	spop (v2sf)  }
.LBB2_2:
0xaf: {  	s0 =	sadd.s32 s0, s30  }
0xb0: {  	[tilespmem:v3+s16+$0x0] =	vst.idx.add.f32.msk $0xffff, v0;
	(xrf0) =	vadd.scan.msk.s32 $0xffff, v5;
	s3 =	spop (v2sf);
	s30 =	smov.u32 s25;
	s29 =	sadd.s32 $0x200, s25  }
0xb1: {  	p0 =	sne.s32 s25, $0x9C00;
	v3 =	vsel vm5, $0x1, v1;
	[tilespmem:s0+$0x4F80] =	vst.msk vm7, v2;
	(xrf0) =	vadd.scan.msk.s32 $0xffff, v4;
	s31 =	sadd.s32 s31, s3;
	s3 =	spop (v2sf)  }
0xb2: {  	[tilespmem:s31+$0x7700] =	vst.msk vm6, v2;
	(xrf0) =	vadd.scan.msk.s32 $0xffff, v3;
	s25 =	sadd.s32 s1, s3;
	s1 =	spop (v2sf)  }
0xb3: {  	[tilespmem:s25+$0x9E80] =	vst.msk vm4, v2;
	s1 =	sadd.s32 s24, s1  }
0xb4: {  	[tilespmem:s1+$0xC600] =	vst.msk vm5, v2  }
0xb5: {  	v2 =	vld [tilespmem:s28+$0x10];
	v3, _, _ =	vpop (xrf0)  }
0xb6: {  	(v2sf) =	vpush v3, $0xF;
	v3, _, _ =	vpop (xrf0)  }
0xb7: {  	(v2sf) =	vpush v3, $0xF;
	v3, _, _ =	vpop (xrf0)  }
0xb8: {  	(v2sf) =	vpush v3, $0xF;
	v3, _, _ =	vpop (xrf0)  }
0xb9: {  	(v2sf) =	vpush v3, $0xF  }
0xba: {  	v3 =	vshrl.u32 v2, $0xE;
	v4 =	vand.u32 $0x3C00, v2;
	v5 =	vadd.s32 $0xFB000000, v2  }
0xbb: {  	vm6 =	vlt.u32 v2, $0x5000000;
	vm5 =	vgt.u32 v4, $0x13FF;
	vm4 =	vle.u32 v4, $0x13FF  }
0xbc: {  	vm8 =	vlt.u32 v5, $0x4C40000;
	vm7 =	vmand vm6, vm4;
	vm6 =	vmand vm6, vm5  }
0xbd: {  	vm4 =	vmand vm8, vm4;
	v4 =	vsel vm7, $0x1, v1;
	v5 =	vsel vm6, $0x1, v1  }
0xbe: {  	vm5 =	vmand vm8, vm5;
	v6 =	vsel vm4, $0x1, v1;
	(xrf0) =	vadd.scan.msk.s32 $0xffff, v4  }
0xbf: {  	v4 =	vsel vm5, $0x1, v1;
	(xrf0) =	vadd.scan.msk.s32 $0xffff, v5  }
0xc0: {  	(xrf0) =	vadd.scan.msk.s32 $0xffff, v6  }
0xc1: {  	(xrf0) =	vadd.scan.msk.s32 $0xffff, v4;
	_ =	sdelay $0x2  }
0xc2: {  	v4, _, _ =	vpop (xrf0)  }
0xc3: {  	s3 =	spop (v2sf);
	(v2sf) =	vpush v4, $0xF;
	v4, _, _ =	vpop (xrf0)  }
0xc4: {  	s0 =	sadd.s32 s0, s3;
	[tilespmem:v3+s16+$0x0] =	vst.idx.add.f32.msk $0xffff, v0;
	s3 =	spop (v2sf);
	(v2sf) =	vpush v4, $0xF;
	v3, _, _ =	vpop (xrf0)  }
0xc5: {  	s3 =	sadd.s32 s31, s3;
	[tilespmem:s0+$0x4F80] =	vst.msk vm7, v2;
	s24 =	spop (v2sf);
	(v2sf) =	vpush v3, $0xF;
	v3, _, _ =	vpop (xrf0)  }
0xc6: {  	s24 =	sadd.s32 s25, s24;
	[tilespmem:s3+$0x7700] =	vst.msk vm6, v2;
	s25 =	spop (v2sf);
	(v2sf) =	vpush v3, $0xF  }
0xc7: {  	s31 =	sadd.s32 s1, s25;
	[tilespmem:s24+$0x9E80] =	vst.msk vm4, v2  }
0xc8: {  	[tilespmem:s31+$0xC600] =	vst.msk vm5, v2  }
0xc9: {  	v2 =	vld [tilespmem:s28+$0x20];
	_ =	sdelay $0x4  }
0xca: {  	v3 =	vshrl.u32 v2, $0xE;
	v4 =	vand.u32 $0x3C00, v2;
	v5 =	vadd.s32 $0xFB000000, v2  }
0xcb: {  	vm6 =	vlt.u32 v2, $0x5000000;
	vm4 =	vgt.u32 v4, $0x13FF;
	vm5 =	vle.u32 v4, $0x13FF  }
0xcc: {  	vm7 =	vlt.u32 v5, $0x4C40000;
	vm8 =	vmand vm6, vm5;
	vm6 =	vmand vm6, vm4  }
0xcd: {  	vm5 =	vmand vm7, vm5;
	v4 =	vsel vm8, $0x1, v1;
	v5 =	vsel vm6, $0x1, v1  }
0xce: {  	vm4 =	vmand vm7, vm4;
	v6 =	vsel vm5, $0x1, v1;
	s1 =	spop (v2sf);
	(xrf0) =	vadd.scan.msk.s32 $0xffff, v4  }
0xcf: {  	s25 =	sadd.s32 s0, s1;
	[tilespmem:v3+s16+$0x0] =	vst.idx.add.f32.msk $0xffff, v0;
	s0 =	spop (v2sf);
	(xrf0) =	vadd.scan.msk.s32 $0xffff, v5  }
0xd0: {  	v3 =	vsel vm4, $0x1, v1;
	s0 =	sadd.s32 s3, s0;
	[tilespmem:s25+$0x4F80] =	vst.msk vm8, v2;
	s1 =	spop (v2sf);
	(xrf0) =	vadd.scan.msk.s32 $0xffff, v6  }
0xd1: {  	s1 =	sadd.s32 s24, s1;
	[tilespmem:s0+$0x7700] =	vst.msk vm6, v2;
	s3 =	spop (v2sf);
	(xrf0) =	vadd.scan.msk.s32 $0xffff, v3  }
0xd2: {  	s24 =	sadd.s32 s31, s3;
	[tilespmem:s1+$0x9E80] =	vst.msk vm5, v2  }
0xd3: {  	[tilespmem:s24+$0xC600] =	vst.msk vm4, v2  }
0xd4: {  	v2 =	vld [tilespmem:s28+$0x30];
	v3, _, _ =	vpop (xrf0)  }
0xd5: {  	(v2sf) =	vpush v3, $0xF;
	v3, _, _ =	vpop (xrf0)  }
0xd6: {  	(v2sf) =	vpush v3, $0xF;
	v3, _, _ =	vpop (xrf0)  }
0xd7: {  	(v2sf) =	vpush v3, $0xF;
	v3, _, _ =	vpop (xrf0)  }
0xd8: {  	(v2sf) =	vpush v3, $0xF  }
0xd9: {  	v3 =	vshrl.u32 v2, $0xE;
	v4 =	vand.u32 $0x3C00, v2;
	v5 =	vadd.s32 $0xFB000000, v2  }
0xda: {  	vm6 =	vlt.u32 v2, $0x5000000;
	vm5 =	vgt.u32 v4, $0x13FF;
	vm4 =	vle.u32 v4, $0x13FF  }
0xdb: {  	vm8 =	vlt.u32 v5, $0x4C40000;
	vm7 =	vmand vm6, vm4;
	vm6 =	vmand vm6, vm5  }
0xdc: {  	vm4 =	vmand vm8, vm4;
	v4 =	vsel vm7, $0x1, v1;
	v5 =	vsel vm6, $0x1, v1  }
0xdd: {  	vm5 =	vmand vm8, vm5;
	v6 =	vsel vm4, $0x1, v1;
	(xrf0) =	vadd.scan.msk.s32 $0xffff, v4  }
0xde: {  	(xrf0) =	vadd.scan.msk.s32 $0xffff, v5  }
0xdf: {  	v4 =	vsel vm5, $0x1, v1;
	(xrf0) =	vadd.scan.msk.s32 $0xffff, v6  }
0xe0: {  	(xrf0) =	vadd.scan.msk.s32 $0xffff, v4;
	_ =	sdelay $0x2  }
0xe1: {  	v4, _, _ =	vpop (xrf0)  }
0xe2: {  	s3 =	spop (v2sf);
	(v2sf) =	vpush v4, $0xF;
	v4, _, _ =	vpop (xrf0)  }
0xe3: {  	s3 =	sadd.s32 s25, s3;
	[tilespmem:v3+s16+$0x0] =	vst.idx.add.f32.msk $0xffff, v0;
	s25 =	spop (v2sf);
	(v2sf) =	vpush v4, $0xF;
	v3, _, _ =	vpop (xrf0)  }
0xe4: {  	s25 =	sadd.s32 s0, s25;
	[tilespmem:s3+$0x4F80] =	vst.msk vm7, v2;
	s0 =	spop (v2sf);
	(v2sf) =	vpush v3, $0xF;
	v3, _, _ =	vpop (xrf0)  }
0xe5: {  	s1 =	sadd.s32 s1, s0;
	[tilespmem:s25+$0x7700] =	vst.msk vm6, v2;
	s0 =	spop (v2sf);
	(v2sf) =	vpush v3, $0xF  }
0xe6: {  	s24 =	sadd.s32 s24, s0;
	[tilespmem:s1+$0x9E80] =	vst.msk vm4, v2  }
0xe7: {  	[tilespmem:s24+$0xC600] =	vst.msk vm5, v2  }
0xe8: {  	v2 =	vld [tilespmem:s28+$0x40];
	_ =	sdelay $0x4  }
0xe9: {  	v3 =	vshrl.u32 v2, $0xE;
	v4 =	vand.u32 $0x3C00, v2;
	v5 =	vadd.s32 $0xFB000000, v2  }
0xea: {  	vm6 =	vlt.u32 v2, $0x5000000;
	vm4 =	vgt.u32 v4, $0x13FF;
	vm5 =	vle.u32 v4, $0x13FF  }
0xeb: {  	vm7 =	vlt.u32 v5, $0x4C40000;
	vm8 =	vmand vm6, vm5;
	vm6 =	vmand vm6, vm4  }
0xec: {  	vm5 =	vmand vm7, vm5;
	v4 =	vsel vm8, $0x1, v1;
	v5 =	vsel vm6, $0x1, v1  }
0xed: {  	vm4 =	vmand vm7, vm4;
	v6 =	vsel vm5, $0x1, v1;
	s0 =	spop (v2sf);
	(xrf0) =	vadd.scan.msk.s32 $0xffff, v4  }
0xee: {  	s0 =	sadd.s32 s3, s0;
	[tilespmem:v3+s16+$0x0] =	vst.idx.add.f32.msk $0xffff, v0;
	v3 =	vsel vm4, $0x1, v1;
	s3 =	spop (v2sf);
	(xrf0) =	vadd.scan.msk.s32 $0xffff, v5  }
0xef: {  	s25 =	sadd.s32 s25, s3;
	[tilespmem:s0+$0x4F80] =	vst.msk vm8, v2;
	s3 =	spop (v2sf);
	(xrf0) =	vadd.scan.msk.s32 $0xffff, v6  }
0xf0: {  	s1 =	sadd.s32 s1, s3;
	[tilespmem:s25+$0x7700] =	vst.msk vm6, v2;
	s3 =	spop (v2sf);
	(xrf0) =	vadd.scan.msk.s32 $0xffff, v3  }
0xf1: {  	s24 =	sadd.s32 s24, s3;
	[tilespmem:s1+$0x9E80] =	vst.msk vm5, v2  }
0xf2: {  	[tilespmem:s24+$0xC600] =	vst.msk vm4, v2  }
0xf3: {  	v2 =	vld [tilespmem:s28+$0x50];
	v3, _, _ =	vpop (xrf0)  }
0xf4: {  	(v2sf) =	vpush v3, $0xF;
	v3, _, _ =	vpop (xrf0)  }
0xf5: {  	(v2sf) =	vpush v3, $0xF;
	v3, _, _ =	vpop (xrf0)  }
0xf6: {  	(v2sf) =	vpush v3, $0xF;
	v3, _, _ =	vpop (xrf0)  }
0xf7: {  	(v2sf) =	vpush v3, $0xF  }
0xf8: {  	v3 =	vshrl.u32 v2, $0xE;
	v4 =	vand.u32 $0x3C00, v2;
	v5 =	vadd.s32 $0xFB000000, v2  }
0xf9: {  	vm6 =	vlt.u32 v2, $0x5000000;
	vm5 =	vgt.u32 v4, $0x13FF;
	vm4 =	vle.u32 v4, $0x13FF  }
0xfa: {  	vm8 =	vlt.u32 v5, $0x4C40000;
	vm7 =	vmand vm6, vm4;
	vm6 =	vmand vm6, vm5  }
0xfb: {  	vm4 =	vmand vm8, vm4;
	v4 =	vsel vm7, $0x1, v1;
	v5 =	vsel vm6, $0x1, v1  }
0xfc: {  	vm5 =	vmand vm8, vm5;
	v6 =	vsel vm4, $0x1, v1;
	(xrf0) =	vadd.scan.msk.s32 $0xffff, v4  }
0xfd: {  	[tilespmem:v3+s16+$0x0] =	vst.idx.add.f32.msk $0xffff, v0;
	v3 =	vsel vm5, $0x1, v1;
	(xrf0) =	vadd.scan.msk.s32 $0xffff, v5  }
0xfe: {  	(xrf0) =	vadd.scan.msk.s32 $0xffff, v6  }
0xff: {  	(xrf0) =	vadd.scan.msk.s32 $0xffff, v3;
	_ =	sdelay $0x2  }
0x100: {  	v3, _, _ =	vpop (xrf0)  }
0x101: {  	s3 =	spop (v2sf);
	(v2sf) =	vpush v3, $0xF;
	v3, _, _ =	vpop (xrf0)  }
0x102: {  	s0 =	sadd.s32 s0, s3;
	s3 =	spop (v2sf);
	(v2sf) =	vpush v3, $0xF;
	v3, _, _ =	vpop (xrf0)  }
0x103: {  	s3 =	sadd.s32 s25, s3;
	[tilespmem:s0+$0x4F80] =	vst.msk vm7, v2;
	s25 =	spop (v2sf);
	(v2sf) =	vpush v3, $0xF;
	v3, _, _ =	vpop (xrf0)  }
0x104: {  	s25 =	sadd.s32 s1, s25;
	[tilespmem:s3+$0x7700] =	vst.msk vm6, v2;
	s1 =	spop (v2sf);
	(v2sf) =	vpush v3, $0xF  }
0x105: {  	s31 =	sadd.s32 s24, s1;
	[tilespmem:s25+$0x9E80] =	vst.msk vm4, v2  }
0x106: {  	[tilespmem:s31+$0xC600] =	vst.msk vm5, v2  }
0x107: {  	v2 =	vld [tilespmem:s28+$0x60];
	_ =	sdelay $0x4  }
0x108: {  	v3 =	vshrl.u32 v2, $0xE;
	v4 =	vand.u32 $0x3C00, v2;
	v5 =	vadd.s32 $0xFB000000, v2  }
0x109: {  	vm6 =	vlt.u32 v2, $0x5000000;
	vm4 =	vgt.u32 v4, $0x13FF;
	vm5 =	vle.u32 v4, $0x13FF  }
0x10a: {  	vm7 =	vlt.u32 v5, $0x4C40000;
	vm8 =	vmand vm6, vm5;
	vm6 =	vmand vm6, vm4  }
0x10b: {  	vm5 =	vmand vm7, vm5;
	v4 =	vsel vm8, $0x1, v1;
	v5 =	vsel vm6, $0x1, v1  }
0x10c: {  	vm4 =	vmand vm7, vm4;
	v6 =	vsel vm5, $0x1, v1;
	s1 =	spop (v2sf);
	(xrf0) =	vadd.scan.msk.s32 $0xffff, v4  }
0x10d: {  	s0 =	sadd.s32 s0, s1;
	[tilespmem:v3+s16+$0x0] =	vst.idx.add.f32.msk $0xffff, v0;
	s1 =	spop (v2sf);
	(xrf0) =	vadd.scan.msk.s32 $0xffff, v5  }
0x10e: {  	v3 =	vsel vm4, $0x1, v1;
	s1 =	sadd.s32 s3, s1;
	[tilespmem:s0+$0x4F80] =	vst.msk vm8, v2;
	s3 =	spop (v2sf);
	(xrf0) =	vadd.scan.msk.s32 $0xffff, v6  }
0x10f: {  	s24 =	sadd.s32 s25, s3;
	[tilespmem:s1+$0x7700] =	vst.msk vm6, v2;
	s3 =	spop (v2sf);
	(xrf0) =	vadd.scan.msk.s32 $0xffff, v3  }
0x110: {  	s25 =	sadd.s32 s31, s3;
	[tilespmem:s24+$0x9E80] =	vst.msk vm5, v2  }
0x111: {  	[tilespmem:s25+$0xC600] =	vst.msk vm4, v2  }
0x112: {  	v2 =	vld [tilespmem:s28+$0x70];
	v3, _, _ =	vpop (xrf0)  }
0x113: {  	(v2sf) =	vpush v3, $0xF;
	v3, _, _ =	vpop (xrf0)  }
0x114: {  	(v2sf) =	vpush v3, $0xF;
	v3, _, _ =	vpop (xrf0)  }
0x115: {  	(v2sf) =	vpush v3, $0xF;
	v3, _, _ =	vpop (xrf0)  }
0x116: {  	(v2sf) =	vpush v3, $0xF  }
0x117: {  	v3 =	vshrl.u32 v2, $0xE;
	v4 =	vand.u32 $0x3C00, v2;
	v5 =	vadd.s32 $0xFB000000, v2  }
0x118: {  	vm6 =	vlt.u32 v2, $0x5000000;
	vm5 =	vgt.u32 v4, $0x13FF;
	vm4 =	vle.u32 v4, $0x13FF  }
0x119: {  	vm8 =	vlt.u32 v5, $0x4C40000;
	vm7 =	vmand vm6, vm4;
	vm6 =	vmand vm6, vm5  }
0x11a: {  	vm4 =	vmand vm8, vm4;
	v4 =	vsel vm7, $0x1, v1;
	v5 =	vsel vm6, $0x1, v1  }
0x11b: {  	vm5 =	vmand vm8, vm5;
	v6 =	vsel vm4, $0x1, v1;
	(xrf0) =	vadd.scan.msk.s32 $0xffff, v4  }
0x11c: {  	[tilespmem:v3+s16+$0x0] =	vst.idx.add.f32.msk $0xffff, v0;
	v3 =	vsel vm5, $0x1, v1;
	(xrf0) =	vadd.scan.msk.s32 $0xffff, v5  }
0x11d: {  	(xrf0) =	vadd.scan.msk.s32 $0xffff, v6  }
0x11e: {  	(xrf0) =	vadd.scan.msk.s32 $0xffff, v3;
	_ =	sdelay $0x2  }
0x11f: {  	v3, _, _ =	vpop (xrf0)  }
0x120: {  	s3 =	spop (v2sf);
	(v2sf) =	vpush v3, $0xF;
	v3, _, _ =	vpop (xrf0)  }
0x121: {  	s0 =	sadd.s32 s0, s3;
	s3 =	spop (v2sf);
	(v2sf) =	vpush v3, $0xF;
	v3, _, _ =	vpop (xrf0)  }
0x122: {  	s31 =	sadd.s32 s1, s3;
	[tilespmem:s0+$0x4F80] =	vst.msk vm7, v2;
	s1 =	spop (v2sf);
	(v2sf) =	vpush v3, $0xF;
	v3, _, _ =	vpop (xrf0)  }
0x123: {  	s1 =	sadd.s32 s24, s1;
	[tilespmem:s31+$0x7700] =	vst.msk vm6, v2;
	s3 =	spop (v2sf);
	(v2sf) =	vpush v3, $0xF  }
0x124: {  	s24 =	sadd.s32 s25, s3;
	[tilespmem:s1+$0x9E80] =	vst.msk vm4, v2  }
0x125: {  	s28 =	sshra.s32 s30, $0x2;
	[tilespmem:s24+$0xC600] =	vst.msk vm5, v2  }
0x126: {  	v2 =	vld [tilespmem:s28+$0x0];
	_ =	sdelay $0x4  }
.Ltmp0:
0x127: {  	v3 =	vshrl.u32 v2, $0xE;
	v4 =	vand.u32 $0x3C00, v2;
	v5 =	vadd.s32 $0xFB000000, v2;
	(pc) =	sbr.rel @p0 .LBB2_2-.Ltmp0, $4  }
0x128: {  	vm6 =	vlt.u32 v2, $0x5000000;
	vm5 =	vgt.u32 v4, $0x13FF;
	vm4 =	vle.u32 v4, $0x13FF  }
0x129: {  	vm8 =	vlt.u32 v5, $0x4C40000;
	vm7 =	vmand vm6, vm4;
	vm6 =	vmand vm6, vm5  }
0x12a: {  	vm4 =	vmand vm8, vm4;
	v6 =	vsel vm7, $0x1, v1;
	v5 =	vsel vm6, $0x1, v1  }
0x12b: {  	s25 =	smov.u32 s29;
	vm5 =	vmand vm8, vm5;
	v4 =	vsel vm4, $0x1, v1;
	(xrf0) =	vadd.scan.msk.s32 $0xffff, v6;
	s30 =	spop (v2sf)  }
0x12c: {  	_ =	sdelay $0x3  }
0x12d: {  	[tilespmem:v3+s16+$0x0] =	vst.idx.add.f32.msk $0xffff, v0;
	(xrf0) =	vadd.scan.msk.s32 $0xffff, v5;
	s0 =	sadd.s32 s0, s30;
	s3 =	spop (v2sf)  }
0x12e: {  	v3 =	vsel vm5, $0x1, v1;
	[tilespmem:s0+$0x4F80] =	vst.msk vm7, v2;
	(xrf0) =	vadd.scan.msk.s32 $0xffff, v4;
	s3 =	sadd.s32 s31, s3;
	s25 =	spop (v2sf)  }
0x12f: {  	[tilespmem:s3+$0x7700] =	vst.msk vm6, v2;
	(xrf0) =	vadd.scan.msk.s32 $0xffff, v3;
	s1 =	sadd.s32 s1, s25;
	s30 =	spop (v2sf)  }
0x130: {  	[tilespmem:s1+$0x9E80] =	vst.msk vm4, v2;
	s24 =	sadd.s32 s24, s30  }
0x131: {  	[tilespmem:s24+$0xC600] =	vst.msk vm5, v2  }
0x132: {  	v2 =	vld [tilespmem:s28+$0x10];
	v3, _, _ =	vpop (xrf0)  }
0x133: {  	(v2sf) =	vpush v3, $0xF;
	v3, _, _ =	vpop (xrf0)  }
0x134: {  	(v2sf) =	vpush v3, $0xF;
	v3, _, _ =	vpop (xrf0)  }
0x135: {  	(v2sf) =	vpush v3, $0xF;
	v3, _, _ =	vpop (xrf0)  }
0x136: {  	(v2sf) =	vpush v3, $0xF  }
0x137: {  	v3 =	vand.u32 $0x3C00, v2  }
0x138: {  	vm5 =	vlt.u32 v2, $0x5000000;
	vm4 =	vle.u32 v3, $0x13FF  }
0x139: {  	v29 =	vadd.s32 $0xFB000000, v2;
	vm12 =	vgt.u32 v3, $0x13FF;
	vm13 =	vmand vm5, vm4  }
0x13a: {  	vm8 =	vlt.u32 v29, $0x4C40000;
	vm5 =	vmand vm5, vm12;
	v3 =	vsel vm13, $0x1, v1  }
0x13b: {  	vm4 =	vmand vm8, vm4;
	v30 =	vsel vm5, $0x1, v1;
	(xrf0) =	vadd.scan.msk.s32 $0xffff, v3  }
0x13c: {  	vm6 =	vmand vm8, vm12;
	v3 =	vsel vm4, $0x1, v1;
	(xrf0) =	vadd.scan.msk.s32 $0xffff, v30  }
0x13d: {  	v31 =	vsel vm6, $0x1, v1;
	(xrf0) =	vadd.scan.msk.s32 $0xffff, v3  }
0x13e: {  	v3 =	vshrl.u32 v2, $0xE;
	(xrf0) =	vadd.scan.msk.s32 $0xffff, v31;
	_ =	sdelay $0x2  }
0x13f: {  	v32, _, _ =	vpop (xrf0)  }
0x140: {  	s31 =	spop (v2sf);
	(v2sf) =	vpush v32, $0xF;
	v33, _, _ =	vpop (xrf0)  }
0x141: {  	[tilespmem:v3+s16+$0x0] =	vst.idx.add.f32.msk $0xffff, v0;
	s0 =	sadd.s32 s0, s31;
	s29 =	spop (v2sf);
	(v2sf) =	vpush v33, $0xF;
	v3, _, _ =	vpop (xrf0)  }
0x142: {  	s3 =	sadd.s32 s3, s29;
	[tilespmem:s0+$0x4F80] =	vst.msk vm13, v2;
	s30 =	spop (v2sf);
	(v2sf) =	vpush v3, $0xF;
	v3, _, _ =	vpop (xrf0)  }
0x143: {  	s1 =	sadd.s32 s1, s30;
	[tilespmem:s3+$0x7700] =	vst.msk vm5, v2;
	s31 =	spop (v2sf);
	(v2sf) =	vpush v3, $0xF  }
0x144: {  	s24 =	sadd.s32 s24, s31;
	[tilespmem:s1+$0x9E80] =	vst.msk vm4, v2  }
0x145: {  	[tilespmem:s24+$0xC600] =	vst.msk vm6, v2  }
0x146: {  	v2 =	vld [tilespmem:s28+$0x20];
	_ =	sdelay $0x4  }
0x147: {  	v3 =	vshrl.u32 v2, $0xE;
	v34 =	vand.u32 $0x3C00, v2  }
0x148: {  	vm5 =	vlt.u32 v2, $0x5000000;
	vm4 =	vle.u32 v34, $0x13FF  }
0x149: {  	v35 =	vadd.s32 $0xFB000000, v2;
	vm14 =	vgt.u32 v34, $0x13FF;
	vm15 =	vmand vm5, vm4  }
0x14a: {  	vm12 =	vlt.u32 v35, $0x4C40000;
	vm5 =	vmand vm5, vm14;
	v36 =	vsel vm15, $0x1, v1  }
0x14b: {  	vm4 =	vmand vm12, vm4;
	v37 =	vsel vm5, $0x1, v1;
	s29 =	spop (v2sf);
	(xrf0) =	vadd.scan.msk.s32 $0xffff, v36  }
0x14c: {  	vm6 =	vmand vm12, vm14;
	v38 =	vsel vm4, $0x1, v1;
	s0 =	sadd.s32 s0, s29;
	[tilespmem:v3+s16+$0x0] =	vst.idx.add.f32.msk $0xffff, v0;
	s30 =	spop (v2sf);
	(xrf0) =	vadd.scan.msk.s32 $0xffff, v37  }
0x14d: {  	v3 =	vsel vm6, $0x1, v1;
	s3 =	sadd.s32 s3, s30;
	[tilespmem:s0+$0x4F80] =	vst.msk vm15, v2;
	s31 =	spop (v2sf);
	(xrf0) =	vadd.scan.msk.s32 $0xffff, v38  }
0x14e: {  	s1 =	sadd.s32 s1, s31;
	[tilespmem:s3+$0x7700] =	vst.msk vm5, v2;
	s29 =	spop (v2sf);
	(xrf0) =	vadd.scan.msk.s32 $0xffff, v3  }
0x14f: {  	s24 =	sadd.s32 s24, s29;
	[tilespmem:s1+$0x9E80] =	vst.msk vm4, v2  }
0x150: {  	[tilespmem:s24+$0xC600] =	vst.msk vm6, v2  }
0x151: {  	v2 =	vld [tilespmem:s28+$0x30];
	v3, _, _ =	vpop (xrf0)  }
0x152: {  	(v2sf) =	vpush v3, $0xF;
	v3, _, _ =	vpop (xrf0)  }
0x153: {  	(v2sf) =	vpush v3, $0xF;
	v3, _, _ =	vpop (xrf0)  }
0x154: {  	(v2sf) =	vpush v3, $0xF;
	v3, _, _ =	vpop (xrf0)  }
0x155: {  	(v2sf) =	vpush v3, $0xF  }
0x156: {  	v3 =	vand.u32 $0x3C00, v2  }
0x157: {  	vm5 =	vlt.u32 v2, $0x5000000;
	vm4 =	vle.u32 v3, $0x13FF  }
0x158: {  	v39 =	vadd.s32 $0xFB000000, v2;
	vm13 =	vgt.u32 v3, $0x13FF;
	vm14 =	vmand vm5, vm4  }
0x159: {  	vm15 =	vlt.u32 v39, $0x4C40000;
	vm5 =	vmand vm5, vm13;
	v3 =	vsel vm14, $0x1, v1  }
0x15a: {  	vm4 =	vmand vm15, vm4;
	v40 =	vsel vm5, $0x1, v1;
	(xrf0) =	vadd.scan.msk.s32 $0xffff, v3  }
0x15b: {  	vm6 =	vmand vm15, vm13;
	v3 =	vsel vm4, $0x1, v1;
	(xrf0) =	vadd.scan.msk.s32 $0xffff, v40  }
0x15c: {  	v41 =	vsel vm6, $0x1, v1;
	(xrf0) =	vadd.scan.msk.s32 $0xffff, v3  }
0x15d: {  	v3 =	vshrl.u32 v2, $0xE;
	(xrf0) =	vadd.scan.msk.s32 $0xffff, v41;
	_ =	sdelay $0x2  }
0x15e: {  	v42, _, _ =	vpop (xrf0)  }
0x15f: {  	s30 =	spop (v2sf);
	(v2sf) =	vpush v42, $0xF;
	v43, _, _ =	vpop (xrf0)  }
0x160: {  	[tilespmem:v3+s16+$0x0] =	vst.idx.add.f32.msk $0xffff, v0;
	s0 =	sadd.s32 s0, s30;
	s31 =	spop (v2sf);
	(v2sf) =	vpush v43, $0xF;
	v3, _, _ =	vpop (xrf0)  }
0x161: {  	s3 =	sadd.s32 s3, s31;
	[tilespmem:s0+$0x4F80] =	vst.msk vm14, v2;
	s29 =	spop (v2sf);
	(v2sf) =	vpush v3, $0xF;
	v3, _, _ =	vpop (xrf0)  }
0x162: {  	s1 =	sadd.s32 s1, s29;
	[tilespmem:s3+$0x7700] =	vst.msk vm5, v2;
	s30 =	spop (v2sf);
	(v2sf) =	vpush v3, $0xF  }
0x163: {  	s24 =	sadd.s32 s24, s30;
	[tilespmem:s1+$0x9E80] =	vst.msk vm4, v2  }
0x164: {  	[tilespmem:s24+$0xC600] =	vst.msk vm6, v2  }
0x165: {  	v2 =	vld [tilespmem:s28+$0x40];
	_ =	sdelay $0x4  }
0x166: {  	v3 =	vshrl.u32 v2, $0xE;
	v44 =	vand.u32 $0x3C00, v2  }
0x167: {  	vm5 =	vlt.u32 v2, $0x5000000;
	vm4 =	vle.u32 v44, $0x13FF  }
0x168: {  	v45 =	vadd.s32 $0xFB000000, v2;
	vm12 =	vgt.u32 v44, $0x13FF;
	vm13 =	vmand vm5, vm4  }
0x169: {  	vm14 =	vlt.u32 v45, $0x4C40000;
	vm5 =	vmand vm5, vm12;
	v46 =	vsel vm13, $0x1, v1  }
0x16a: {  	vm4 =	vmand vm14, vm4;
	v47 =	vsel vm5, $0x1, v1;
	s31 =	spop (v2sf);
	(xrf0) =	vadd.scan.msk.s32 $0xffff, v46  }
0x16b: {  	vm6 =	vmand vm14, vm12;
	v48 =	vsel vm4, $0x1, v1;
	s0 =	sadd.s32 s0, s31;
	[tilespmem:v3+s16+$0x0] =	vst.idx.add.f32.msk $0xffff, v0;
	s29 =	spop (v2sf);
	(xrf0) =	vadd.scan.msk.s32 $0xffff, v47  }
0x16c: {  	v3 =	vsel vm6, $0x1, v1;
	s3 =	sadd.s32 s3, s29;
	[tilespmem:s0+$0x4F80] =	vst.msk vm13, v2;
	s30 =	spop (v2sf);
	(xrf0) =	vadd.scan.msk.s32 $0xffff, v48  }
0x16d: {  	s1 =	sadd.s32 s1, s30;
	[tilespmem:s3+$0x7700] =	vst.msk vm5, v2;
	s31 =	spop (v2sf);
	(xrf0) =	vadd.scan.msk.s32 $0xffff, v3  }
0x16e: {  	s24 =	sadd.s32 s24, s31;
	[tilespmem:s1+$0x9E80] =	vst.msk vm4, v2  }
0x16f: {  	[tilespmem:s24+$0xC600] =	vst.msk vm6, v2  }
0x170: {  	v2 =	vld [tilespmem:s28+$0x50];
	v3, _, _ =	vpop (xrf0)  }
0x171: {  	(v2sf) =	vpush v3, $0xF;
	v3, _, _ =	vpop (xrf0)  }
0x172: {  	(v2sf) =	vpush v3, $0xF;
	v3, _, _ =	vpop (xrf0)  }
0x173: {  	(v2sf) =	vpush v3, $0xF;
	v3, _, _ =	vpop (xrf0)  }
0x174: {  	(v2sf) =	vpush v3, $0xF  }
0x175: {  	v3 =	vand.u32 $0x3C00, v2  }
0x176: {  	vm5 =	vlt.u32 v2, $0x5000000;
	vm4 =	vle.u32 v3, $0x13FF  }
0x177: {  	v49 =	vadd.s32 $0xFB000000, v2;
	vm15 =	vgt.u32 v3, $0x13FF;
	vm12 =	vmand vm5, vm4  }
0x178: {  	vm13 =	vlt.u32 v49, $0x4C40000;
	vm5 =	vmand vm5, vm15;
	v3 =	vsel vm12, $0x1, v1  }
0x179: {  	vm4 =	vmand vm13, vm4;
	v50 =	vsel vm5, $0x1, v1;
	(xrf0) =	vadd.scan.msk.s32 $0xffff, v3  }
0x17a: {  	vm6 =	vmand vm13, vm15;
	v3 =	vsel vm4, $0x1, v1;
	(xrf0) =	vadd.scan.msk.s32 $0xffff, v50  }
0x17b: {  	v51 =	vsel vm6, $0x1, v1;
	(xrf0) =	vadd.scan.msk.s32 $0xffff, v3  }
0x17c: {  	v3 =	vshrl.u32 v2, $0xE;
	(xrf0) =	vadd.scan.msk.s32 $0xffff, v51;
	_ =	sdelay $0x2  }
0x17d: {  	v52, _, _ =	vpop (xrf0)  }
0x17e: {  	s29 =	spop (v2sf);
	(v2sf) =	vpush v52, $0xF;
	v53, _, _ =	vpop (xrf0)  }
0x17f: {  	[tilespmem:v3+s16+$0x0] =	vst.idx.add.f32.msk $0xffff, v0;
	s0 =	sadd.s32 s0, s29;
	s30 =	spop (v2sf);
	(v2sf) =	vpush v53, $0xF;
	v3, _, _ =	vpop (xrf0)  }
0x180: {  	s3 =	sadd.s32 s3, s30;
	[tilespmem:s0+$0x4F80] =	vst.msk vm12, v2;
	s31 =	spop (v2sf);
	(v2sf) =	vpush v3, $0xF;
	v3, _, _ =	vpop (xrf0)  }
0x181: {  	s1 =	sadd.s32 s1, s31;
	[tilespmem:s3+$0x7700] =	vst.msk vm5, v2;
	s29 =	spop (v2sf);
	(v2sf) =	vpush v3, $0xF  }
0x182: {  	s24 =	sadd.s32 s24, s29;
	[tilespmem:s1+$0x9E80] =	vst.msk vm4, v2  }
0x183: {  	[tilespmem:s24+$0xC600] =	vst.msk vm6, v2  }
0x184: {  	v2 =	vld [tilespmem:s28+$0x60];
	_ =	sdelay $0x4  }
0x185: {  	v3 =	vshrl.u32 v2, $0xE;
	_ =	sdelay $0x2  }
0x186: {  	v54 =	vand.u32 $0x3C00, v2  }
0x187: {  	vm5 =	vlt.u32 v2, $0x5000000;
	vm4 =	vle.u32 v54, $0x13FF;
	s30 =	spop (v2sf)  }
0x188: {  	v55 =	vadd.s32 $0xFB000000, v2;
	vm14 =	vgt.u32 v54, $0x13FF;
	vm15 =	vmand vm5, vm4;
	s0 =	sadd.s32 s0, s30;
	[tilespmem:v3+s16+$0x0] =	vst.idx.add.f32.msk $0xffff, v0;
	s31 =	spop (v2sf)  }
0x189: {  	vm12 =	vlt.u32 v55, $0x4C40000;
	vm5 =	vmand vm5, vm14;
	s3 =	sadd.s32 s3, s31;
	[tilespmem:s0+$0x4F80] =	vst.msk vm15, v2;
	s29 =	spop (v2sf)  }
0x18a: {  	vm4 =	vmand vm12, vm4;
	s1 =	sadd.s32 s1, s29;
	[tilespmem:s3+$0x7700] =	vst.msk vm5, v2;
	s30 =	spop (v2sf)  }
0x18b: {  	vm6 =	vmand vm12, vm14;
	s24 =	sadd.s32 s24, s30;
	[tilespmem:s1+$0x9E80] =	vst.msk vm4, v2  }
0x18c: {  	[tilespmem:s24+$0xC600] =	vst.msk vm6, v2  }
0x18d: {  	v2 =	vld [tilespmem:s28+$0x70];
	_ =	sdelay $0x3  }
0x18e: {  	v56 =	vsel vm5, $0x1, v1;
	v3 =	vsel vm15, $0x1, v1  }
0x18f: {  	v57 =	vsel vm4, $0x1, v1;
	v58 =	vsel vm6, $0x1, v1;
	(xrf0) =	vadd.scan.msk.s32 $0xffff, v3;
	v3 =	vand.u32 $0x3C00, v2  }
0x190: {  	(xrf0) =	vadd.scan.msk.s32 $0xffff, v56;
	vm13 =	vlt.u32 v2, $0x5000000;
	v59 =	vadd.s32 $0xFB000000, v2;
	vm4 =	vle.u32 v3, $0x13FF  }
0x191: {  	(xrf0) =	vadd.scan.msk.s32 $0xffff, v57;
	vm14 =	vgt.u32 v3, $0x13FF;
	vm15 =	vlt.u32 v59, $0x4C40000;
	vm5 =	vmand vm13, vm4  }
0x192: {  	(xrf0) =	vadd.scan.msk.s32 $0xffff, v58;
	vm6 =	vmand vm13, vm14;
	vm4 =	vmand vm15, vm4;
	v3 =	vsel vm5, $0x1, v1  }
0x193: {  	v60 =	vsel vm6, $0x1, v1;
	(xrf0) =	vadd.scan.msk.s32 $0xffff, v3;
	v3 =	vsel vm4, $0x1, v1  }
0x194: {  	(xrf0) =	vadd.scan.msk.s32 $0xffff, v60  }
0x195: {  	v61, _, _ =	vpop (xrf0);
	vm7 =	vmand vm15, vm14;
	(xrf0) =	vadd.scan.msk.s32 $0xffff, v3  }
0x196: {  	(v2sf) =	vpush v61, $0xF;
	v62 =	vsel vm7, $0x1, v1;
	v3, _, _ =	vpop (xrf0)  }
0x197: {  	(xrf0) =	vadd.scan.msk.s32 $0xffff, v62;
	v63, _, _ =	vpop (xrf0);
	(v2sf) =	vpush v3, $0xF  }
0x198: {  	v3, _, _ =	vpop (xrf0);
	(v2sf) =	vpush v63, $0xF  }
0x199: {  	(v2sf) =	vpush v3, $0xF;
	v3, _, _ =	vpop (xrf0)  }
0x19a: {  	(v2sf) =	vpush v3, $0xF;
	v3, _, _ =	vpop (xrf0)  }
0x19b: {  	(v2sf) =	vpush v3, $0xF;
	v3, _, _ =	vpop (xrf0)  }
0x19c: {  	(v2sf) =	vpush v3, $0xF  }
0x19d: {  	v3, _, _ =	vpop (xrf0)  }
0x19e: {  	(v2sf) =	vpush v3, $0xF;
	_ =	sdelay $0x3  }
0x19f: {  	v3 =	vshrl.u32 v2, $0xE;
	_ =	sdelay $0x2  }
0x1a0: {  	s25 =	spop (v2sf)  }
0x1a1: {  	s28 =	spop (v2sf)  }
0x1a2: {  	s0 =	sadd.s32 s0, s25;
	[tilespmem:v3+s16+$0x0] =	vst.idx.add.f32.msk $0xffff, v0;
	s29 =	spop (v2sf)  }
0x1a3: {  	[tilespmem:s0+$0x4F80] =	vst.msk vm5, v2;
	s3 =	sadd.s32 s3, s28;
	s31 =	spop (v2sf)  }
0x1a4: {  	s1 =	sadd.s32 s1, s29;
	[tilespmem:s3+$0x7700] =	vst.msk vm6, v2;
	s25 =	spop (v2sf)  }
0x1a5: {  	s24 =	sadd.s32 s24, s31;
	[tilespmem:s1+$0x9E80] =	vst.msk vm4, v2;
	s28 =	spop (v2sf)  }
0x1a6: {  	[tilespmem:s24+$0xC600] =	vst.msk vm7, v2;
	s29 =	spop (v2sf)  }
0x1a7: {  	[hbm4b:s9+s18] =	stream.strided.scatter [tilespmem:s20], [sflag:$0x1], $0x2780, s19, s18, $0x38;
	[tilespmem:$0xEE00] =	vst v63  }
0x1a8: {  	s31 =	spop (v2sf)  }
0x1a9: {  	_ =	swait.ge [sflag:s17], $0x2780  }
0x1aa: {  	[sflag:s17] =	ssyncset.done $0x0  }
0x1ab: {  	[sflag:s17] =	ssyncadd.s32 $0xFFFFD880  }
0x1ac: {  	[hbm4b:s10+s18] =	stream.strided.scatter [tilespmem:s21], [sflag:$0x1], $0x2780, s19, s18, $0x38;
	[tilespmem:$0xEE00] =	vst v63  }
0x1ad: {  	_ =	swait.ge [sflag:s17], $0x2780  }
0x1ae: {  	[sflag:s17] =	ssyncset.done $0x0  }
0x1af: {  	[sflag:s17] =	ssyncadd.s32 $0xFFFFD880  }
0x1b0: {  	[hbm4b:s11+s18] =	stream.strided.scatter [tilespmem:s22], [sflag:$0x1], $0x2780, s19, s18, $0x38;
	[tilespmem:$0xEE00] =	vst v63  }
0x1b1: {  	_ =	swait.ge [sflag:s17], $0x2780  }
0x1b2: {  	s0 =	sadd.s32 s0, s25;
	[sflag:s17] =	ssyncset.done $0x0  }
0x1b3: {  	s3 =	sadd.s32 s3, s28;
	v2 =	vmov s0;
	[sflag:s17] =	ssyncadd.s32 $0xFFFFD880  }
0x1b4: {  	v2 =	vnsel vm0, $0x0, v2;
	[hbm4b:s12+s18] =	stream.strided.scatter [tilespmem:s23], [sflag:$0x1], $0x2780, s19, s18, $0x38;
	[tilespmem:$0xEE00] =	vst v63  }
0x1b5: {  	s28 =	sadd.s32 s1, s29;
	v2 =	vsel vm1, s3, v2;
	_ =	swait.ge [sflag:s17], $0x2780  }
0x1b6: {  	s29 =	sadd.s32 s24, s31;
	v2 =	vsel vm2, s28, v2;
	[sflag:s17] =	ssyncset.done $0x0  }
0x1b7: {  	v2 =	vsel vm3, s29, v2;
	[sflag:s17] =	ssyncadd.s32 $0xFFFFD880  }
0x1b8: {  	s30 =	simm.s32 $0xED80;
	[tilespmem:$0xED80] =	vst v2  }
0x1b9: {  	[hbm4b:s13+s2] =	stream.linear.scatter [tilespmem:s30], [sflag:$0x1], $0x80, $0x38;
	[tilespmem:$0xEE00] =	vst v63  }
0x1ba: {  	s26 =	sadd.s32 $0x1, s26;
	_ =	swait.ge [sflag:s17], $0x80  }
0x1bb: {  	p0 =	sne.s32 s26, s15;
	[sflag:s17] =	ssyncset.done $0x0  }
.Ltmp1:
0x1bc: {  	s31 =	simm.s32 $0x400;
	[sflag:s17] =	ssyncadd.s32 $0xFFFFFF80;
	(pc) =	sbr.rel @p0 .LBB2_1-.Ltmp1, $4  }
0x1bd: {  	[hbm4b:s14+s18] =	stream.strided.scatter [tilespmem:s16], [sflag:$0x1], $0x2780, s31, s18, $0x38;
	[tilespmem:$0xEE00] =	vst v63  }
0x1be: {  	_ =	swait.ge [sflag:s17], $0x2780  }
0x1bf: {  	[sflag:s17] =	ssyncset.done $0x0  }
0x1c0: {  	[sflag:s17] =	ssyncadd.s32 $0xFFFFD880  }
0x1c1: {  	_ =	sfence.sel $0x180000  }
0x1c2: {  	[bflag:$0x0] =	sbarrier.arrive $0xFFFF  }
0x1c3: {  	_ =	strace $0x90000047  }
0x1c4: {  	s0 =	stileid.u32;
	[bflag:$0x2] =	sbarrier.arrive $0xFFFF  }
0x1c5: {  	p0 =	sne.s32 s0, $0x0;
	s0 =	rddreg [dreg:$0x2]  }
0x1c6: {  	s0 =	sadd.s32 @!p0 $0x100000, s0  }
0x1c7: {  	[sflag:s0] =	ssyncadd.tile.s32 @!p0 $0x1;
	_ =	shalt  }
.Lfunc_end2:
_tile_overlayer_lowered:
.L_overlay_start_2:
0x1c8: {  	(tag) =	ssettag $0x2  }
0x1c9: {  	s0 =	rddreg [dreg:$0x0];
	s2 =	stileid.u32  }
0x1ca: {  	s1 =	rddreg [dreg:$0x1];
	p0 =	sne.s32 s2, $0x0  }
0x1cb: {  	s3 =	rddreg [dreg:$0x2];
	[bflag:$0x3] =	sbarrier.arrive $0xFFFF;
	s2 =	simm.s32 @!p0 $0x1C01  }
0x1cc: {  	[timem:s3], [sflag:s2] =	dma.local @!p0 [hbm:s0], s1  }
0x1cd: {  	s0 =	simm.s32 @!p0 $0x1  }
0x1ce: {  	_ =	swait.ge @!p0 [sflag:s0], s1  }
0x1cf: {  	s1 =	ssub.s32 @!p0 $0x0, s1;
	[sflag:s0] =	ssyncset.done @!p0 $0x0  }
0x1d0: {  	[sflag:s0] =	ssyncadd.s32 @!p0 s1  }
0x1d1: {  	[bflag:$0x3] =	sbarrier.arrive $0xFFFF  }
0x1d2: {  	_ =	shalt  }

// kernel: kernel.9.cloned.1.call-start
scs
__scs_entry_jumppad:
0x0: {  	(pc) =	sbr.rel $0x88, $3  }
0x1: {  	(tag) =	ssettag $0x0;
	lr =	simm.s32 $0x1  }
0x2: {  	[smem:$0x3F9D] =	sst lr;
	_ =	strace $0xD0000000  }
0x3: {  	_ = 	snop  }
0x4: {  	_ = 	snop  }
0x5: {  	_ = 	snop  }
0x6: {  	_ = 	snop  }
0x7: {  	_ = 	snop  }
__scs_overlays_trampoline_lowered:
0x8: {  	[smem:$0x3FAC] =	sst s0  }
0x9: {  	[smem:$0x3FAD] =	sst s1  }
0xa: {  	[smem:$0x3FAE] =	sst s2  }
0xb: {  	[smem:$0x3FAF] =	sst s3  }
0xc: {  	[smem:$0x3FB0] =	sst s4  }
0xd: {  	[smem:$0x3FB1] =	sst s5  }
0xe: {  	[smem:$0x3FB2] =	sst s6  }
0xf: {  	[smem:$0x3FB3] =	sst s7  }
0x10: {  	[smem:$0x3FB4] =	sst s8  }
0x11: {  	[smem:$0x3FB5] =	sst s9;
	s0 =	simm.s32 @!p0 $0x0  }
0x12: {  	s1 =	sld [smem:$0x3F9B];
	s0 =	simm.s32 @p0 $0x1  }
0x13: {  	[smem:$0x3FB6] =	sst s0;
	s0 =	simm.s32 @!p1 $0x0  }
0x14: {  	s2 =	sld [smem:$0x3F9A];
	s0 =	simm.s32 @p1 $0x1  }
0x15: {  	[smem:$0x3FB7] =	sst s0;
	s0 =	simm.s32 @!p2 $0x0  }
0x16: {  	s3 =	sld [smem:$0x3FDB];
	s0 =	simm.s32 @p2 $0x1  }
0x17: {  	s4 =	simm.s32 $0x1BF5;
	[smem:$0x3FB9] =	sst s0  }
0x18: {  	s0 =	sld [smem:$0x3F9C];
	_ =	swait.ge [sflag:s4], $0x0  }
0x19: {  	s7 =	sld [smem:$0x3F9D]  }
0x1a: {  	s8 =	sadd.s32 $0xFFFFE003, lr  }
0x1b: {  	s9 =	sadd.s32 $0xFFFFFEF7, lr;
	s5 =	simm.s32 $0xFFFFFFFF;
	p2 =	slt.u32 s8, $0xFFFFF086  }
0x1c: {  	p1 =	slt.u32 s9, $0xF7A;
	s5 =	simm.s32 @!p2 $0x0  }
0x1d: {  	s5 =	simm.s32 @p1 $0x1;
	p0 =	seq.s32 s7, s2  }
0x1e: {  	s7 =	smul.u32 @!p0 $0xF7A, s2;
	p2 =	seq.s32 @!p0 s5, $0x0  }
0x1f: {  	s9 =	smul.u32 $0xF7A, s1;
	s8 =	simm.s32 @!p0 $0x1BF5;
	p2 =	por !p2, p0  }
0x20: {  	[sflag:s8] =	ssyncset.s32 @!p0 $0xFFFFF086;
	s6 =	sadd.s32 @!p0 s3, s7;
	s7 =	simm.s32 @!p0 $0x108  }
0x21: {  	s3 =	sadd.s32 s3, s9;
	s6 =	sadd.s32 @!p0 $0x88, s6;
	s7 =	simm.s32 @p2 $0x1082  }
0x22: {  	[simem:s7], [sflag:s8] =	dma.local @!p0 [hbm:s6], $0xF7A  }
0x23: {  	s9 =	sor.u32 $0xD0000000, s2;
	s6 =	simm.s32 $0x108;
	_ =	swait.ge @!p0 [sflag:s8], $0x0  }
0x24: {  	s3 =	sadd.s32 $0x88, s3;
	s6 =	simm.s32 @!p1 $0x1082;
	[sflag:s4] =	ssyncset.s32 $0xFFFFF086  }
0x25: {  	[simem:s6], [sflag:s4] =	dma.local [hbm:s3], $0xF7A  }
0x26: {  	[smem:$0x3F9D] =	sst s1;
	(tag) =	ssettag s2;
	_ =	strace s9  }
0x27: {  	s1 =	sld [smem:$0x3FAD]  }
0x28: {  	s2 =	sld [smem:$0x3FAE]  }
0x29: {  	s4 =	sld [smem:$0x3FB0]  }
0x2a: {  	p0 =	seq.s32 s5, $0x0;
	s5 =	sld [smem:$0x3FB1]  }
0x2b: {  	s6 =	sld [smem:$0x3FB2]  }
0x2c: {  	s7 =	sld [smem:$0x3FB3]  }
0x2d: {  	s3 =	simm.s32 $0x108;
	s8 =	sld [smem:$0x3FB4]  }
0x2e: {  	s3 =	simm.s32 @!p0 $0x1082;
	s9 =	sld [smem:$0x3FB5]  }
0x2f: {  	lr =	sadd.s32 s0, s3;
	s0 =	sld [smem:$0x3FAC]  }
0x30: {  	s3 =	sld [smem:$0x3FAF]  }
0x31: {  	[smem:$0x3FB8] =	sst s10  }
0x32: {  	s10 =	sld [smem:$0x3FB6];
	_ =	sdelay $0x3  }
0x33: {  	p0 =	seq.s32 s10, $0x1;
	s10 =	sld [smem:$0x3FB8];
	_ =	sdelay $0x3  }
0x34: {  	[smem:$0x3FB8] =	sst s10  }
0x35: {  	s10 =	sld [smem:$0x3FB7];
	_ =	sdelay $0x3  }
0x36: {  	p1 =	seq.s32 s10, $0x1;
	s10 =	sld [smem:$0x3FB8];
	_ =	sdelay $0x3  }
0x37: {  	[smem:$0x3FB8] =	sst s10  }
0x38: {  	s10 =	sld [smem:$0x3FB9]  }
0x39: {  	_ = 	snop;
	(pc) =	sbr.ind lr, $3  }
0x3a: {  	_ = 	snop  }
0x3b: {  	_ = 	snop  }
0x3c: {  	p2 =	seq.s32 s10, $0x1;
	s10 =	sld [smem:$0x3FB8]  }
0x3d: {  	_ =	shalt  }
0x3e: {  	_ =	shalt  }
0x3f: {  	_ =	shalt  }
0x40: {  	_ =	shalt  }
0x41: {  	_ =	shalt  }
0x42: {  	_ =	shalt  }
0x43: {  	_ =	shalt  }
0x44: {  	_ =	shalt  }
0x45: {  	_ =	shalt  }
0x46: {  	_ =	shalt  }
0x47: {  	_ =	shalt  }
0x48: {  	_ =	shalt  }
0x49: {  	_ =	shalt  }
0x4a: {  	_ =	shalt  }
0x4b: {  	_ =	shalt  }
0x4c: {  	_ =	shalt  }
0x4d: {  	_ =	shalt  }
0x4e: {  	_ =	shalt  }
0x4f: {  	_ =	shalt  }
0x50: {  	_ =	shalt  }
0x51: {  	_ =	shalt  }
0x52: {  	_ =	shalt  }
0x53: {  	_ =	shalt  }
0x54: {  	_ =	shalt  }
0x55: {  	_ =	shalt  }
0x56: {  	_ =	shalt  }
0x57: {  	_ =	shalt  }
0x58: {  	_ =	shalt  }
0x59: {  	_ =	shalt  }
0x5a: {  	_ =	shalt  }
0x5b: {  	_ =	shalt  }
0x5c: {  	_ =	shalt  }
0x5d: {  	_ =	shalt  }
0x5e: {  	_ =	shalt  }
0x5f: {  	_ =	shalt  }
0x60: {  	_ =	shalt  }
0x61: {  	_ =	shalt  }
0x62: {  	_ =	shalt  }
0x63: {  	_ =	shalt  }
0x64: {  	_ =	shalt  }
0x65: {  	_ =	shalt  }
0x66: {  	_ =	shalt  }
0x67: {  	_ =	shalt  }
0x68: {  	_ =	shalt  }
0x69: {  	_ =	shalt  }
0x6a: {  	_ =	shalt  }
0x6b: {  	_ =	shalt  }
0x6c: {  	_ =	shalt  }
0x6d: {  	_ =	shalt  }
0x6e: {  	_ =	shalt  }
0x6f: {  	_ =	shalt  }
0x70: {  	_ =	shalt  }
0x71: {  	_ =	shalt  }
0x72: {  	_ =	shalt  }
0x73: {  	_ =	shalt  }
0x74: {  	_ =	shalt  }
0x75: {  	_ =	shalt  }
0x76: {  	_ =	shalt  }
0x77: {  	_ =	shalt  }
0x78: {  	_ =	shalt  }
0x79: {  	_ =	shalt  }
0x7a: {  	_ =	shalt  }
0x7b: {  	_ =	shalt  }
0x7c: {  	_ =	shalt  }
0x7d: {  	_ =	shalt  }
0x7e: {  	_ =	shalt  }
0x7f: {  	_ =	shalt  }
0x80: {  	_ =	shalt  }
0x81: {  	_ =	shalt  }
0x82: {  	_ =	shalt  }
0x83: {  	_ =	shalt  }
0x84: {  	_ =	shalt  }
0x85: {  	_ =	shalt  }
0x86: {  	_ =	shalt  }
0x87: {  	_ =	shalt  }
.Lfunc_end0:
.L_simem_size_0:
called_computation.1_lowered:
.L_overlay_start_0:
0x88: {  	s2 =	sld [smem:$0x3FD9]  }
0x89: {  	s3 =	sld [smem:$0x3FFE];
	_ =	sdelay $0x1  }
0x8a: {  	s1 =	srdreg.scid  }
0x8b: {  	s0 =	sand.u32 $0x1, s1  }
0x8c: {  	s17 =	sshll.u32 s0, $0xA;
	s2 =	sadd.s32 s3, s2  }
0x8d: {  	s2 =	sadd.s32 s2, s17  }
0x8e: {  	[smem:$0x3FC4] =	sst s2  }
0x8f: {  	_ = 	snop  }
0x90: {  	s2 =	sld [smem:$0x3FD0];
	(tm) =	ssettm $0x1  }
0x91: {  	s18 =	sld [smem:$0x3FFB];
	_ =	sdelay $0x3  }
0x92: {  	_ =	strace s18  }
0x93: {  	s3 =	sld [smem:$0x3FFC];
	_ =	sdelay $0x3  }
0x94: {  	_ =	strace s3  }
0x95: {  	s3 =	sld [smem:$0x3FFD];
	_ =	sdelay $0x3  }
0x96: {  	_ =	strace s3  }
0x97: {  	_ =	strace $0x8FFFFFFF  }
0x98: {  	s19 =	sld [smem:$0x3FDB];
	_ =	sdelay $0x1  }
0x99: {  	s4 =	simm.s32 $_scs_section_size  }
0x9a: {  	s5 =	simm.s32 $_size__tile_overlayer_lowered;
	s6 =	simm.s32 $_tile_overlayer_lowered  }
0x9b: {  	s22 =	simm.s32 $0x1BFF;
	s21 =	sshll.u32 s6, $0x1;
	s3 =	sadd.s32 s4, s19  }
0x9c: {  	s7 =	simm.s32 $0x0;
	s20 =	sshll.u32 s5, $0x1;
	s5 =	sadd.s32 s21, s3  }
0x9d: {  	[timem:s7], [sflag:s22] =	dma.local [hbm:s5], s20  }
0x9e: {  	_ =	swait.ge [sflag:s22], s20  }
0x9f: {  	s4 =	ssub.s32 $0x0, s20;
	[sflag:s22] =	ssyncset.done $0x0  }
0xa0: {  	[sflag:s22] =	ssyncadd.s32 s4;
	_ =	sdelay $0x1  }
0xa1: {  	s23 =	simm.s32 $0x1B8B  }
0xa2: {  	_ =	swait.ge [sflag:s23], $0x1  }
0xa3: {  	[sflag:s23] =	ssyncset.done $0x0  }
0xa4: {  	s25 =	simm.s32 $0x1B8E;
	s24 =	sld [smem:$0x3FFE];
	[sflag:s23] =	ssyncadd.s32 $0xFFFFFFFF  }
0xa5: {  	s26 =	simm.s32 $execute0_lowered;
	[smem:$0x3FD2] =	sst s25  }
0xa6: {  	s5 =	sshll.u32 s26, $0x1;
	_ =	strace $0x80000049;
	[dreg:$0x1] =	wrdreg $0xFFFFFFFF  }
0xa7: {  	s28 =	simm.s32 $_size_execute0_lowered;
	s3 =	sadd.s32 s3, s5;
	[dreg:$0x0] =	wrdreg $0x0  }
0xa8: {  	s5 =	sshll.u32 s28, $0x1;
	[dreg:$0x2] =	wrdreg s3  }
0xa9: {  	[dreg:$0x3] =	wrdreg s5  }
0xaa: {  	[dreg:$0x4] =	wrdreg $0xC0  }
0xab: {  	_ =	task [dreg:s7], $0x5FFFF  }
0xac: {  	[dreg:$0x1] =	wrdreg $0xFFFFFFFF  }
0xad: {  	[dreg:$0x0] =	wrdreg $0x60  }
0xae: {  	[dreg:$0x2] =	wrdreg s24  }
0xaf: {  	[dreg:$0x3] =	wrdreg s2  }
0xb0: {  	[dreg:$0x4] =	wrdreg $0x42800  }
0xb1: {  	[dreg:$0x5] =	wrdreg $0xE2800  }
0xb2: {  	[dreg:$0x6] =	wrdreg $0x9  }
0xb3: {  	_ =	task.clear_ibuf [dreg:s7], $0x7FFFF;
	_ =	strace $0x90000049  }
0xb4: {  	s29 =	simm.s32 $0x9;
	_ =	strace $0x8000004B  }
0xb5: {  	_ =	swait.ge [sflag:s29], $0x1  }
0xb6: {  	[sflag:s29] =	ssyncadd.s32 $0xFFFFFFFF  }
0xb7: {  	_ =	strace $0x9000004B  }
0xb8: {  	_ =	sfence  }
0xb9: {  	s30 =	sld [smem:$0x0];
	_ =	sdelay $0x2  }
0xba: {  	s31 =	sshll.u32 s1, $0xD;
	s1 =	sshrl.u32 s1, $0x2  }
0xbb: {  	s3 =	sand.u32 $0x4000, s31;
	s1 =	sadd.s32 s1, s30  }
0xbc: {  	s0 =	sor.u32 s3, s0;
	s1 =	sshll.u32 s1, $0x11  }
0xbd: {  	s0 =	sor.u32 s1, s0  }
0xbe: {  	s0 =	sadd.s32 $0x8F2B, s0  }
0xbf: {  	[sflag:s0] =	ssyncadd.remote.s32 $0x1  }
0xc0: {  	_ =	sfence.sel $0xFFFF  }
0xc1: {  	[dreg:$0x0] =	wrdreg $0xFFFFFFFF;
	(pc) =	sbr.abs _section_cstart, $3  }
0xc2: {  	[dreg:$0x1] =	wrdreg $0xFFFFFFFF  }
0xc3: {  	_ =	task.clear_ibuf [dreg:s7], $0x2FFFF;
	_ =	strace $0x9FFFFFFF  }
0xc4: {  	(tm) =	ssettm $0x7FFFFFFF  }
0xc5: {  	_ =	shalt  }
tec
execute0_lowered:
.L_overlay_start_1:
0x0: {  	(tag) =	ssettag $0x1  }
0x1: {  	s0 =	rddreg [dreg:$0x0]  }
0x2: {  	s1 =	rddreg [dreg:$0x1]  }
0x3: {  	s2 =	rddreg [dreg:$0x2];
	s31 =	stileid.u32  }
0x4: {  	s3 =	rddreg [dreg:$0x3];
	s8 =	smul.u32 $0xB000, s31  }
0x5: {  	s4 =	srdreg.scid;
	s5 =	simm.s32 $0x0;
	s9 =	smul.u32 $0x2C000, s31  }
0x6: {  	s28 =	simm.s32 $0x0;
	s15 =	sand.u32 $0x1, s4;
	s14 =	smul.u32 $0x28000, s31  }
0x7: {  	[smem:$0x7FF] =	sst s5;
	s6 =	sadd.s32 $0xD200, s0;
	s17 =	smul.u32 $0x140, s31  }
0x8: {  	s10 =	sadd.s32 $0x34A00, s0;
	s13 =	sadd.s32 $0x34C00, s0;
	s30 =	smul.u32 $0x13C00, s31  }
0x9: {  	s22 =	sshll.u32 s31, $0x6;
	s23 =	sshll.u32 s31, $0x5;
	s7 =	smul.u32 $0xB0000, s15  }
0xa: {  	_ =	strace $0x8000004A;
	s20 =	ssub.s32 $0x2, s15;
	s12 =	sand.u32 $0x180, s23  }
0xb: {  	s18 =	sxor.u32 $0x1, s15;
	s19 =	smul.u32 $0x3, s15;
	s31 =	sshll.u32 s15, $0x1  }
0xc: {  	s11 =	sshrl.u32 s20, $0x1;
	s21 =	sshrl.u32 s9, $0x2;
	s9 =	sadd.s32 s10, s23  }
0xd: {  	s10 =	sadd.s32 s10, s12;
	s24 =	sshrl.u32 s14, $0x2;
	s25 =	smul.u32 $0x1400, s18  }
0xe: {  	s7 =	sadd.s32 s8, s7;
	s8 =	sor.u32 $0x1C02, s22;
	s22 =	smul.u32 $0x1400, s15  }
0xf: {  	s16 =	ssub.s32 s20, s11;
	s11 =	sor.u32 $0x10, s23;
	s20 =	smul.u32 $0x180, s15  }
0x10: {  	s23 =	sor.u32 s18, s31;
	s15 =	sshll.u32 s15, $0x8;
	s18 =	sshll.u32 s18, $0x7  }
0x11: {  	s7 =	sshrl.u32 s7, $0x3;
	s11 =	sand.u32 $0x70, s11;
	s29 =	sadd.s32 s17, s25  }
0x12: {  	s15 =	sor.u32 s15, s30;
	s16 =	smax.u32 s16, $0x1;
	v3 =	vmov s23;
	s23 =	simm.s32 $0x80  }
0x13: {  	v1 =	vmov s25;
	s25 =	simm.s32 $0x1;
	s0 =	sadd.s32 s7, s0;
	s7 =	sadd.s32 s21, s3  }
0x14: {  	s10 =	sadd.s32 s11, s10;
	s11 =	sadd.s32 s24, s2;
	s26 =	sadd.s32 s17, s22  }
.Ltmp0:
0x15: {  	s14 =	sshll.u32 s29, $0x4;
	s18 =	sor.u32 s18, s15;
	(pc) =	sbr.rel .LBB2_1-.Ltmp0, $4  }
0x16: {  	s21 =	simm.s32 $0x4180;
	v0 =	vmov s22;
	s22 =	simm.s32 $0x4200;
	s12 =	sshll.u32 s26, $0x4  }
0x17: {  	v2 =	vmov s19;
	s24 =	simm.s32 $0x180;
	s19 =	sadd.s32 $0x9E00, s18;
	s12 =	sadd.s32 s13, s12  }
0x18: {  	v4 =	vlaneseq.u32;
	s13 =	sadd.s32 s13, s14;
	s14 =	sadd.s32 $0x5CC00, s0;
	s0 =	sor.u32 s20, s30  }
0x19: {  	vm0 =	veq.s32 v2, v4;
	vm1 =	veq.s32 v3, v4;
	s26 =	simm.s32 $0x100;
	s20 =	simm.s32 $0x2;
	s17 =	sadd.s32 $0x9E00, s0  }
.LBB2_16:
0x1a: {  	[tilespmem:$0x120] =	vst v8  }
0x1b: {  	[tilespmem:$0xD0] =	vst v6  }
0x1c: {  	[tilespmem:$0x150] =	vst v7  }
0x1d: {  	[tilespmem:$0x100] =	vst v3  }
0x1e: {  	v63 =	vshrl.u32 v2, $0xE;
	[tilespmem:$0x110] =	vst v5  }
0x1f: {  	v2 =	vand.u32 $0x3FFF, v2;
	[tilespmem:$0x130] =	vst v4;
	v8 =	vsub.s32 v63, v0  }
0x20: {  	v2 =	vsub.s32 v2, v1;
	[tilespmem:$0x140] =	vst v8  }
0x21: {  	[tilespmem:$0xC0] =	vst v2  }
0x22: {  	[tilespmem:s24], [sflag:$0x1] =	stream.indirect.gather [spmem:s2], $0x80, s23, s23, $0xb8;
	[tilespmem:$0x19280] =	vst v63  }
0x23: {  	_ =	swait.ge [sflag:s25], $0x4000  }
0x24: {  	[sflag:s25] =	ssyncset.done $0x0  }
0x25: {  	[sflag:s25] =	ssyncadd.s32 $0xFFFFC000  }
0x26: {  	[spmem:s3] =	stream.indirect.scatter.add.f32 [tilespmem:s24], [sflag:$0x2], $0x80, s26, s23, $0xb8;
	[tilespmem:$0x19280] =	vst v63  }
0x27: {  	_ =	swait.ge [sflag:s20], $0x4000  }
0x28: {  	[sflag:s20] =	ssyncset.done $0x0  }
0x29: {  	[sflag:s20] =	ssyncadd.s32 $0xFFFFC000  }
.LBB2_17:
0x2a: {  	s28 =	sadd.s32 $0x1, s28  }
0x2b: {  	p0 =	sne.s32 s28, s16  }
.Ltmp1:
0x2c: {  	[bflag:$0x0] =	sbarrier.arrive $0xFFFF;
	(pc) =	sbr.rel @!p0 .LBB2_18-.Ltmp1, $4  }
0x2d: {  	[hbm:s14], [sflag:s8] =	dma.local [spmem:s29], $0x1600  }
0x2e: {  	_ =	swait.ge [sflag:s20], $0x1600  }
0x2f: {  	[sflag:s20] =	ssyncset.done $0x0  }
0x30: {  	[sflag:s20] =	ssyncadd.s32 $0xFFFFEA00  }
.LBB2_1:
0x31: {  	s29 =	sshrl.u32 s7, $0x3  }
0x32: {  	[spmem:s29], [sflag:s8] =	dma.local [hbm:s1], $0x1600  }
0x33: {  	_ =	swait.ge [sflag:s20], $0x1600  }
0x34: {  	[sflag:s20] =	ssyncset.done $0x0  }
0x35: {  	[sflag:s20] =	ssyncadd.s32 $0xFFFFEA00  }
0x36: {  	[tilespmem:s21], [sflag:$0x2] =	stream.linear.gather [hbm4b:s9+s5], $0x80, $0x38;
	[tilespmem:$0x19280] =	vst v63  }
0x37: {  	_ =	swait.ge [sflag:s20], $0x80  }
0x38: {  	[sflag:s20] =	ssyncset.done $0x0  }
0x39: {  	[sflag:s20] =	ssyncadd.s32 $0xFFFFFF80  }
0x3a: {  	[tilespmem:s22], [sflag:$0x2] =	stream.linear.gather [hbm4b:s10+s5], $0x80, $0x38;
	[tilespmem:$0x19280] =	vst v63  }
0x3b: {  	_ =	swait.ge [sflag:s20], $0x80  }
0x3c: {  	[sflag:s20] =	ssyncset.done $0x0  }
0x3d: {  	[sflag:s20] =	ssyncadd.s32 $0xFFFFFF80  }
0x3e: {  	s30 =	sshrl.u32 s11, $0x3;
	v3 =	vld [tilespmem:$0x4180]  }
0x3f: {  	v2 =	vld [tilespmem:$0x4200];
	[spmem:s30], [sflag:s8] =	dma.local [hbm:s12], $0x1400  }
0x40: {  	_ =	swait.ge [sflag:s20], $0x1400  }
0x41: {  	[sflag:s20] =	ssyncset.done $0x0  }
0x42: {  	[sflag:s20] =	ssyncadd.s32 $0xFFFFEC00  }
0x43: {  	[bflag:$0x0] =	sbarrier.arrive $0xFFFF;
	v4 =	vnsel vm0, $0x0, v3  }
0x44: {  	(xrf0) =	vadd.scan.msk.s32 $0xffff, v4;
	_ =	sdelay $0x5  }
0x45: {  	v4, _, _ =	vpop (xrf0)  }
0x46: {  	(v2sf) =	vpush v4, $0xF;
	_ =	sdelay $0xe  }
0x47: {  	s15 =	spop (v2sf)  }
0x48: {  	s15 =	sadd.s32 $0x7F, s15  }
0x49: {  	p0 =	slt.s32 s15, $0x80  }
.Ltmp2:
0x4a: {  	_ = 	snop;
	(pc) =	sbr.rel @p0 .LBB2_5-.Ltmp2, $1  }
0x4b: {  	_ =	sdelay $0x3  }
0x4c: {  	s31 =	sshrl.u32 s0, $0x3  }
0x4d: {  	s31 =	sadd.s32 s6, s31  }
0x4e: {  	[tilespmem:s5], [sflag:$0x2] =	stream.linear.gather [hbm4b:s31+s5], $0x80, $0x38;
	[tilespmem:$0x19280] =	vst v63  }
0x4f: {  	_ =	swait.ge [sflag:s20], $0x80  }
0x50: {  	[sflag:s20] =	ssyncset.done $0x0  }
0x51: {  	[sflag:s20] =	ssyncadd.s32 $0xFFFFFF80  }
0x52: {  	v4 =	vld [tilespmem:$0x70]  }
0x53: {  	v5 =	vld [tilespmem:$0x60]  }
0x54: {  	v7 =	vld [tilespmem:$0x20]  }
0x55: {  	v8 =	vld [tilespmem:$0x10];
	_ =	sdelay $0x1  }
0x56: {  	v6 =	vld [tilespmem:$0x30]  }
0x57: {  	s31 =	sshra.s32 s15, $0x1F;
	v9 =	vld [tilespmem:$0x0];
	v10 =	vshrl.u32 v4, $0xE;
	v12 =	vand.u32 $0x3FFF, v5  }
0x58: {  	s31 =	sshrl.u32 s31, $0x19;
	v5 =	vshrl.u32 v5, $0xE;
	v4 =	vand.u32 $0x3FFF, v4;
	v10 =	vsub.s32 v10, v0  }
0x59: {  	s4 =	sadd.s32 s31, s15;
	v11 =	vld [tilespmem:$0x50];
	v13 =	vshrl.u32 v7, $0xE;
	v63 =	vshrl.u32 v8, $0xE;
	v5 =	vsub.s32 v5, v0;
	[tilespmem:$0x170] =	vst v10  }
0x5a: {  	s15 =	sshra.s32 s4, $0x7;
	v12 =	vsub.s32 v12, v0;
	v4 =	vsub.s32 v4, v0;
	v10 =	vand.u32 $0x3FFF, v7;
	[tilespmem:$0x160] =	vst v5  }
0x5b: {  	p0 =	sne.s32 s15, $0x1;
	v7 =	vand.u32 $0x3FFF, v8;
	[tilespmem:$0xF0] =	vst v4;
	v4 =	vshrl.u32 v6, $0xE;
	v8 =	vsub.s32 v10, v0  }
.Ltmp3:
0x5c: {  	v5 =	vand.u32 $0x3FFF, v9;
	[tilespmem:$0xA0] =	vst v8;
	v8 =	vand.u32 $0x3FFF, v6;
	v6 =	vsub.s32 v4, v0;
	v4 =	vld [tilespmem:$0x40];
	(pc) =	sbr.rel @!p0 .LBB2_4-.Ltmp3, $4  }
0x5d: {  	[tilespmem:$0xE0] =	vst v12;
	v9 =	vshrl.u32 v9, $0xE;
	v10 =	vsub.s32 v5, v0  }
0x5e: {  	v14 =	vand.u32 $0x3FFF, v11;
	v5 =	vsub.s32 v9, v0;
	v7 =	vsub.s32 v7, v0;
	[tilespmem:$0x80] =	vst v10  }
0x5f: {  	v9 =	vshrl.u32 v11, $0xE;
	[tilespmem:$0x90] =	vst v7;
	v7 =	vsub.s32 v63, v0;
	v8 =	vsub.s32 v8, v0  }
0x60: {  	s31 =	sadd.s32 $0xFFFFFFFF, s15;
	s15 =	smov.u32 s0;
	v10 =	vsub.s32 v13, v0;
	v9 =	vsub.s32 v9, v0;
	[tilespmem:$0xB0] =	vst v8;
	v8 =	vsub.s32 v14, v0  }
.LBB2_3:
0x61: {  	p0 =	sne.s32 s31, $0x1;
	s31 =	sadd.s32 $0xFFFFFFFF, s31;
	[tilespmem:$0x120] =	vst v10;
	v10 =	vand.u32 $0x3FFF, v4;
	v4 =	vshrl.u32 v4, $0xE;
	s15 =	sadd.s32 $0x200, s15  }
0x62: {  	v10 =	vsub.s32 v10, v0;
	v4 =	vsub.s32 v4, v0;
	[tilespmem:$0xD0] =	vst v8  }
0x63: {  	[tilespmem:$0x140] =	vst v4  }
0x64: {  	[tilespmem:$0x150] =	vst v9  }
0x65: {  	[tilespmem:$0x100] =	vst v5  }
0x66: {  	[tilespmem:$0xC0] =	vst v10  }
0x67: {  	[tilespmem:$0x110] =	vst v7  }
0x68: {  	[tilespmem:$0x130] =	vst v6  }
0x69: {  	[tilespmem:s24], [sflag:$0x1] =	stream.indirect.gather [spmem:s2], $0x80, s23, s23, $0xb8;
	[tilespmem:$0x19280] =	vst v63  }
0x6a: {  	_ =	swait.ge [sflag:s25], $0x4000  }
0x6b: {  	[sflag:s25] =	ssyncset.done $0x0  }
0x6c: {  	[sflag:s25] =	ssyncadd.s32 $0xFFFFC000  }
0x6d: {  	[spmem:s3] =	stream.indirect.scatter.add.f32 [tilespmem:s24], [sflag:$0x2], $0x80, s26, s23, $0xb8;
	[tilespmem:$0x19280] =	vst v63  }
0x6e: {  	_ =	swait.ge [sflag:s20], $0x4000  }
0x6f: {  	s4 =	sshrl.u32 s15, $0x3;
	[sflag:s20] =	ssyncset.done $0x0  }
0x70: {  	s4 =	sadd.s32 s6, s4;
	[sflag:s20] =	ssyncadd.s32 $0xFFFFC000  }
0x71: {  	[tilespmem:s5], [sflag:$0x2] =	stream.linear.gather [hbm4b:s4+s5], $0x80, $0x38;
	[tilespmem:$0x19280] =	vst v63  }
0x72: {  	_ =	swait.ge [sflag:s20], $0x80  }
0x73: {  	[sflag:s20] =	ssyncset.done $0x0  }
0x74: {  	[sflag:s20] =	ssyncadd.s32 $0xFFFFFF80  }
0x75: {  	v4 =	vld [tilespmem:$0x70]  }
0x76: {  	v5 =	vld [tilespmem:$0x60]  }
0x77: {  	v6 =	vld [tilespmem:$0x30]  }
0x78: {  	v7 =	vld [tilespmem:$0x20]  }
0x79: {  	v8 =	vld [tilespmem:$0x10]  }
0x7a: {  	v9 =	vld [tilespmem:$0x0];
	v10 =	vand.u32 $0x3FFF, v4;
	v4 =	vshrl.u32 v4, $0xE  }
0x7b: {  	v11 =	vld [tilespmem:$0x50];
	v12 =	vand.u32 $0x3FFF, v5;
	v5 =	vshrl.u32 v5, $0xE;
	v13 =	vsub.s32 v4, v0  }
0x7c: {  	v10 =	vsub.s32 v10, v0;
	v4 =	vld [tilespmem:$0x40];
	v12 =	vsub.s32 v12, v0;
	v5 =	vsub.s32 v5, v0;
	[tilespmem:$0x170] =	vst v13  }
0x7d: {  	v13 =	vand.u32 $0x3FFF, v7;
	v14 =	vshrl.u32 v7, $0xE;
	[tilespmem:$0xE0] =	vst v12  }
0x7e: {  	v7 =	vand.u32 $0x3FFF, v8;
	v12 =	vshrl.u32 v8, $0xE;
	v8 =	vsub.s32 v13, v0;
	[tilespmem:$0x160] =	vst v5  }
.Ltmp4:
0x7f: {  	v5 =	vand.u32 $0x3FFF, v9;
	v9 =	vshrl.u32 v9, $0xE;
	[tilespmem:$0xA0] =	vst v8;
	v8 =	vand.u32 $0x3FFF, v6;
	(pc) =	sbr.rel @p0 .LBB2_3-.Ltmp4, $4  }
0x80: {  	v13 =	vsub.s32 v5, v0;
	v8 =	vsub.s32 v8, v0;
	v15 =	vand.u32 $0x3FFF, v11;
	[tilespmem:$0xF0] =	vst v10  }
0x81: {  	v7 =	vsub.s32 v7, v0;
	v6 =	vshrl.u32 v6, $0xE;
	v5 =	vsub.s32 v9, v0;
	[tilespmem:$0xB0] =	vst v8  }
0x82: {  	v6 =	vsub.s32 v6, v0;
	v9 =	vshrl.u32 v11, $0xE;
	v8 =	vsub.s32 v15, v0;
	[tilespmem:$0x80] =	vst v13  }
0x83: {  	v10 =	vsub.s32 v14, v0;
	v9 =	vsub.s32 v9, v0;
	[tilespmem:$0x90] =	vst v7;
	v7 =	vsub.s32 v12, v0  }
.LBB2_4:
0x84: {  	[tilespmem:$0x120] =	vst v10  }
0x85: {  	[tilespmem:$0xD0] =	vst v8  }
0x86: {  	[tilespmem:$0x150] =	vst v9  }
0x87: {  	[tilespmem:$0x100] =	vst v5  }
0x88: {  	v63 =	vshrl.u32 v4, $0xE;
	[tilespmem:$0x110] =	vst v7  }
0x89: {  	v4 =	vand.u32 $0x3FFF, v4;
	[tilespmem:$0x130] =	vst v6;
	v10 =	vsub.s32 v63, v0  }
0x8a: {  	v4 =	vsub.s32 v4, v0;
	[tilespmem:$0x140] =	vst v10  }
0x8b: {  	[tilespmem:$0xC0] =	vst v4  }
0x8c: {  	[tilespmem:s24], [sflag:$0x1] =	stream.indirect.gather [spmem:s2], $0x80, s23, s23, $0xb8;
	[tilespmem:$0x19280] =	vst v63  }
0x8d: {  	_ =	swait.ge [sflag:s25], $0x4000  }
0x8e: {  	[sflag:s25] =	ssyncset.done $0x0  }
0x8f: {  	[sflag:s25] =	ssyncadd.s32 $0xFFFFC000  }
0x90: {  	[spmem:s3] =	stream.indirect.scatter.add.f32 [tilespmem:s24], [sflag:$0x2], $0x80, s26, s23, $0xb8;
	[tilespmem:$0x19280] =	vst v63  }
0x91: {  	_ =	swait.ge [sflag:s20], $0x4000  }
0x92: {  	[sflag:s20] =	ssyncset.done $0x0  }
0x93: {  	[sflag:s20] =	ssyncadd.s32 $0xFFFFC000  }
.LBB2_5:
0x94: {  	v4 =	vnsel vm0, $0x0, v2  }
0x95: {  	(xrf0) =	vadd.scan.msk.s32 $0xffff, v4;
	_ =	sdelay $0x5  }
0x96: {  	v4, _, _ =	vpop (xrf0)  }
0x97: {  	(v2sf) =	vpush v4, $0xF;
	_ =	sdelay $0xe  }
0x98: {  	s4 =	spop (v2sf)  }
0x99: {  	s15 =	sadd.s32 $0x7F, s4  }
0x9a: {  	p0 =	slt.s32 s15, $0x80  }
.Ltmp5:
0x9b: {  	_ = 	snop;
	(pc) =	sbr.rel @p0 .LBB2_9-.Ltmp5, $1  }
0x9c: {  	_ =	sdelay $0x3  }
0x9d: {  	s4 =	sshrl.u32 s17, $0x3  }
0x9e: {  	s4 =	sadd.s32 s6, s4  }
0x9f: {  	[tilespmem:s5], [sflag:$0x2] =	stream.linear.gather [hbm4b:s4+s5], $0x80, $0x38;
	[tilespmem:$0x19280] =	vst v63  }
0xa0: {  	_ =	swait.ge [sflag:s20], $0x80  }
0xa1: {  	[sflag:s20] =	ssyncset.done $0x0  }
0xa2: {  	[sflag:s20] =	ssyncadd.s32 $0xFFFFFF80  }
0xa3: {  	v4 =	vld [tilespmem:$0x70]  }
0xa4: {  	v5 =	vld [tilespmem:$0x60]  }
0xa5: {  	v7 =	vld [tilespmem:$0x20]  }
0xa6: {  	v8 =	vld [tilespmem:$0x10];
	_ =	sdelay $0x1  }
0xa7: {  	v6 =	vld [tilespmem:$0x30]  }
0xa8: {  	s4 =	sshra.s32 s15, $0x1F;
	v9 =	vld [tilespmem:$0x0];
	v10 =	vshrl.u32 v4, $0xE;
	v12 =	vand.u32 $0x3FFF, v5  }
0xa9: {  	s4 =	sshrl.u32 s4, $0x19;
	v5 =	vshrl.u32 v5, $0xE;
	v4 =	vand.u32 $0x3FFF, v4;
	v10 =	vsub.s32 v10, v0  }
0xaa: {  	s4 =	sadd.s32 s4, s15;
	v11 =	vld [tilespmem:$0x50];
	v13 =	vshrl.u32 v7, $0xE;
	v63 =	vshrl.u32 v8, $0xE;
	v5 =	vsub.s32 v5, v0;
	[tilespmem:$0x170] =	vst v10  }
0xab: {  	s4 =	sshra.s32 s4, $0x7;
	v12 =	vsub.s32 v12, v0;
	v4 =	vsub.s32 v4, v0;
	v10 =	vand.u32 $0x3FFF, v7;
	[tilespmem:$0x160] =	vst v5  }
0xac: {  	p0 =	sne.s32 s4, $0x1;
	v7 =	vand.u32 $0x3FFF, v8;
	[tilespmem:$0xF0] =	vst v4;
	v4 =	vshrl.u32 v6, $0xE;
	v8 =	vsub.s32 v10, v0  }
.Ltmp6:
0xad: {  	v5 =	vand.u32 $0x3FFF, v9;
	[tilespmem:$0xA0] =	vst v8;
	v8 =	vand.u32 $0x3FFF, v6;
	v6 =	vsub.s32 v4, v0;
	v4 =	vld [tilespmem:$0x40];
	(pc) =	sbr.rel @!p0 .LBB2_8-.Ltmp6, $4  }
0xae: {  	[tilespmem:$0xE0] =	vst v12;
	v9 =	vshrl.u32 v9, $0xE;
	v10 =	vsub.s32 v5, v0  }
0xaf: {  	v14 =	vand.u32 $0x3FFF, v11;
	v5 =	vsub.s32 v9, v0;
	v7 =	vsub.s32 v7, v0;
	[tilespmem:$0x80] =	vst v10  }
0xb0: {  	v9 =	vshrl.u32 v11, $0xE;
	[tilespmem:$0x90] =	vst v7;
	v7 =	vsub.s32 v63, v0;
	v8 =	vsub.s32 v8, v0  }
0xb1: {  	s15 =	smov.u32 s17;
	s31 =	sadd.s32 $0xFFFFFFFF, s4;
	v10 =	vsub.s32 v13, v0;
	v9 =	vsub.s32 v9, v0;
	[tilespmem:$0xB0] =	vst v8;
	v8 =	vsub.s32 v14, v0  }
.LBB2_7:
0xb2: {  	p0 =	sne.s32 s31, $0x1;
	s31 =	sadd.s32 $0xFFFFFFFF, s31;
	[tilespmem:$0x120] =	vst v10;
	v10 =	vand.u32 $0x3FFF, v4;
	v4 =	vshrl.u32 v4, $0xE;
	s15 =	sadd.s32 $0x200, s15  }
0xb3: {  	v10 =	vsub.s32 v10, v0;
	v4 =	vsub.s32 v4, v0;
	[tilespmem:$0xD0] =	vst v8  }
0xb4: {  	[tilespmem:$0x140] =	vst v4  }
0xb5: {  	[tilespmem:$0x150] =	vst v9  }
0xb6: {  	[tilespmem:$0x100] =	vst v5  }
0xb7: {  	[tilespmem:$0xC0] =	vst v10  }
0xb8: {  	[tilespmem:$0x110] =	vst v7  }
0xb9: {  	[tilespmem:$0x130] =	vst v6  }
0xba: {  	[tilespmem:s24], [sflag:$0x1] =	stream.indirect.gather [spmem:s2], $0x80, s23, s23, $0xb8;
	[tilespmem:$0x19280] =	vst v63  }
0xbb: {  	_ =	swait.ge [sflag:s25], $0x4000  }
0xbc: {  	[sflag:s25] =	ssyncset.done $0x0  }
0xbd: {  	[sflag:s25] =	ssyncadd.s32 $0xFFFFC000  }
0xbe: {  	[spmem:s3] =	stream.indirect.scatter.add.f32 [tilespmem:s24], [sflag:$0x2], $0x80, s26, s23, $0xb8;
	[tilespmem:$0x19280] =	vst v63  }
0xbf: {  	_ =	swait.ge [sflag:s20], $0x4000  }
0xc0: {  	s4 =	sshrl.u32 s15, $0x3;
	[sflag:s20] =	ssyncset.done $0x0  }
0xc1: {  	s4 =	sadd.s32 s6, s4;
	[sflag:s20] =	ssyncadd.s32 $0xFFFFC000  }
0xc2: {  	[tilespmem:s5], [sflag:$0x2] =	stream.linear.gather [hbm4b:s4+s5], $0x80, $0x38;
	[tilespmem:$0x19280] =	vst v63  }
0xc3: {  	_ =	swait.ge [sflag:s20], $0x80  }
0xc4: {  	[sflag:s20] =	ssyncset.done $0x0  }
0xc5: {  	[sflag:s20] =	ssyncadd.s32 $0xFFFFFF80  }
0xc6: {  	v4 =	vld [tilespmem:$0x70]  }
0xc7: {  	v5 =	vld [tilespmem:$0x60]  }
0xc8: {  	v6 =	vld [tilespmem:$0x30]  }
0xc9: {  	v7 =	vld [tilespmem:$0x20]  }
0xca: {  	v8 =	vld [tilespmem:$0x10]  }
0xcb: {  	v9 =	vld [tilespmem:$0x0];
	v10 =	vand.u32 $0x3FFF, v4;
	v4 =	vshrl.u32 v4, $0xE  }
0xcc: {  	v11 =	vld [tilespmem:$0x50];
	v12 =	vand.u32 $0x3FFF, v5;
	v5 =	vshrl.u32 v5, $0xE;
	v13 =	vsub.s32 v4, v0  }
0xcd: {  	v10 =	vsub.s32 v10, v0;
	v4 =	vld [tilespmem:$0x40];
	v12 =	vsub.s32 v12, v0;
	v5 =	vsub.s32 v5, v0;
	[tilespmem:$0x170] =	vst v13  }
0xce: {  	v13 =	vand.u32 $0x3FFF, v7;
	v14 =	vshrl.u32 v7, $0xE;
	[tilespmem:$0xE0] =	vst v12  }
0xcf: {  	v7 =	vand.u32 $0x3FFF, v8;
	v12 =	vshrl.u32 v8, $0xE;
	v8 =	vsub.s32 v13, v0;
	[tilespmem:$0x160] =	vst v5  }
.Ltmp7:
0xd0: {  	v5 =	vand.u32 $0x3FFF, v9;
	v9 =	vshrl.u32 v9, $0xE;
	[tilespmem:$0xA0] =	vst v8;
	v8 =	vand.u32 $0x3FFF, v6;
	(pc) =	sbr.rel @p0 .LBB2_7-.Ltmp7, $4  }
0xd1: {  	v13 =	vsub.s32 v5, v0;
	v8 =	vsub.s32 v8, v0;
	v15 =	vand.u32 $0x3FFF, v11;
	[tilespmem:$0xF0] =	vst v10  }
0xd2: {  	v7 =	vsub.s32 v7, v0;
	v6 =	vshrl.u32 v6, $0xE;
	v5 =	vsub.s32 v9, v0;
	[tilespmem:$0xB0] =	vst v8  }
0xd3: {  	v6 =	vsub.s32 v6, v0;
	v9 =	vshrl.u32 v11, $0xE;
	v8 =	vsub.s32 v15, v0;
	[tilespmem:$0x80] =	vst v13  }
0xd4: {  	v10 =	vsub.s32 v14, v0;
	v9 =	vsub.s32 v9, v0;
	[tilespmem:$0x90] =	vst v7;
	v7 =	vsub.s32 v12, v0  }
.LBB2_8:
0xd5: {  	[tilespmem:$0x120] =	vst v10  }
0xd6: {  	[tilespmem:$0xD0] =	vst v8  }
0xd7: {  	[tilespmem:$0x150] =	vst v9  }
0xd8: {  	[tilespmem:$0x100] =	vst v5  }
0xd9: {  	v63 =	vshrl.u32 v4, $0xE;
	[tilespmem:$0x110] =	vst v7  }
0xda: {  	v4 =	vand.u32 $0x3FFF, v4;
	[tilespmem:$0x130] =	vst v6;
	v10 =	vsub.s32 v63, v0  }
0xdb: {  	v4 =	vsub.s32 v4, v0;
	[tilespmem:$0x140] =	vst v10  }
0xdc: {  	[tilespmem:$0xC0] =	vst v4  }
0xdd: {  	[tilespmem:s24], [sflag:$0x1] =	stream.indirect.gather [spmem:s2], $0x80, s23, s23, $0xb8;
	[tilespmem:$0x19280] =	vst v63  }
0xde: {  	_ =	swait.ge [sflag:s25], $0x4000  }
0xdf: {  	[sflag:s25] =	ssyncset.done $0x0  }
0xe0: {  	[sflag:s25] =	ssyncadd.s32 $0xFFFFC000  }
0xe1: {  	[spmem:s3] =	stream.indirect.scatter.add.f32 [tilespmem:s24], [sflag:$0x2], $0x80, s26, s23, $0xb8;
	[tilespmem:$0x19280] =	vst v63  }
0xe2: {  	_ =	swait.ge [sflag:s20], $0x4000  }
0xe3: {  	[sflag:s20] =	ssyncset.done $0x0  }
0xe4: {  	[sflag:s20] =	ssyncadd.s32 $0xFFFFC000  }
.LBB2_9:
0xe5: {  	[bflag:$0x0] =	sbarrier.arrive $0xFFFF  }
0xe6: {  	[spmem:s30], [sflag:s8] =	dma.local [hbm:s13], $0x1400  }
0xe7: {  	_ =	swait.ge [sflag:s20], $0x1400  }
0xe8: {  	[sflag:s20] =	ssyncset.done $0x0  }
0xe9: {  	[sflag:s20] =	ssyncadd.s32 $0xFFFFEC00  }
0xea: {  	v3 =	vnsel vm1, $0x0, v3;
	[bflag:$0x0] =	sbarrier.arrive $0xFFFF  }
0xeb: {  	(xrf0) =	vadd.scan.msk.s32 $0xffff, v3;
	_ =	sdelay $0x5  }
0xec: {  	v3, _, _ =	vpop (xrf0)  }
0xed: {  	(v2sf) =	vpush v3, $0xF;
	_ =	sdelay $0xe  }
0xee: {  	s4 =	spop (v2sf)  }
0xef: {  	s15 =	sadd.s32 $0x7F, s4  }
0xf0: {  	p0 =	slt.s32 s15, $0x80  }
.Ltmp8:
0xf1: {  	_ = 	snop;
	(pc) =	sbr.rel @p0 .LBB2_13-.Ltmp8, $1  }
0xf2: {  	_ =	sdelay $0x3  }
0xf3: {  	s4 =	sshrl.u32 s18, $0x3  }
0xf4: {  	s4 =	sadd.s32 s6, s4  }
0xf5: {  	[tilespmem:s5], [sflag:$0x2] =	stream.linear.gather [hbm4b:s4+s5], $0x80, $0x38;
	[tilespmem:$0x19280] =	vst v63  }
0xf6: {  	_ =	swait.ge [sflag:s20], $0x80  }
0xf7: {  	[sflag:s20] =	ssyncset.done $0x0  }
0xf8: {  	[sflag:s20] =	ssyncadd.s32 $0xFFFFFF80  }
0xf9: {  	v3 =	vld [tilespmem:$0x70]  }
0xfa: {  	v4 =	vld [tilespmem:$0x60];
	_ =	sdelay $0x1  }
0xfb: {  	v6 =	vld [tilespmem:$0x20]  }
0xfc: {  	v7 =	vld [tilespmem:$0x10]  }
0xfd: {  	v5 =	vld [tilespmem:$0x30];
	v9 =	vshrl.u32 v3, $0xE  }
0xfe: {  	s31 =	sshra.s32 s15, $0x1F;
	v8 =	vld [tilespmem:$0x0];
	v11 =	vand.u32 $0x3FFF, v4;
	v9 =	vsub.s32 v9, v0  }
0xff: {  	s4 =	sshrl.u32 s31, $0x19;
	v4 =	vshrl.u32 v4, $0xE;
	v11 =	vsub.s32 v11, v1;
	[tilespmem:$0x170] =	vst v9  }
0x100: {  	s4 =	sadd.s32 s4, s15;
	v10 =	vld [tilespmem:$0x50];
	v3 =	vand.u32 $0x3FFF, v3;
	v12 =	vshrl.u32 v6, $0xE;
	v4 =	vsub.s32 v4, v0;
	[tilespmem:$0xE0] =	vst v11  }
0x101: {  	s4 =	sshra.s32 s4, $0x7;
	v3 =	vsub.s32 v3, v1;
	v9 =	vand.u32 $0x3FFF, v6;
	v6 =	vand.u32 $0x3FFF, v7;
	[tilespmem:$0x160] =	vst v4  }
0x102: {  	p0 =	sne.s32 s4, $0x1;
	v11 =	vshrl.u32 v7, $0xE;
	[tilespmem:$0xF0] =	vst v3;
	v3 =	vshrl.u32 v5, $0xE;
	v7 =	vsub.s32 v9, v1  }
.Ltmp9:
0x103: {  	v4 =	vand.u32 $0x3FFF, v8;
	[tilespmem:$0xA0] =	vst v7;
	v7 =	vand.u32 $0x3FFF, v5;
	v5 =	vsub.s32 v3, v0;
	v3 =	vld [tilespmem:$0x40];
	(pc) =	sbr.rel @!p0 .LBB2_12-.Ltmp9, $4  }
0x104: {  	v8 =	vshrl.u32 v8, $0xE;
	v9 =	vsub.s32 v4, v1  }
0x105: {  	v13 =	vand.u32 $0x3FFF, v10;
	v4 =	vsub.s32 v8, v0;
	v6 =	vsub.s32 v6, v1;
	[tilespmem:$0x80] =	vst v9  }
0x106: {  	v8 =	vshrl.u32 v10, $0xE;
	[tilespmem:$0x90] =	vst v6;
	v6 =	vsub.s32 v11, v0;
	v7 =	vsub.s32 v7, v1  }
0x107: {  	s15 =	smov.u32 s18;
	s30 =	sadd.s32 $0xFFFFFFFF, s4;
	v9 =	vsub.s32 v12, v0;
	v8 =	vsub.s32 v8, v0;
	[tilespmem:$0xB0] =	vst v7;
	v7 =	vsub.s32 v13, v1  }
.LBB2_11:
0x108: {  	p0 =	sne.s32 s30, $0x1;
	s30 =	sadd.s32 $0xFFFFFFFF, s30;
	[tilespmem:$0x120] =	vst v9;
	v9 =	vand.u32 $0x3FFF, v3;
	v3 =	vshrl.u32 v3, $0xE;
	s15 =	sadd.s32 $0x200, s15  }
0x109: {  	v9 =	vsub.s32 v9, v1;
	v3 =	vsub.s32 v3, v0;
	[tilespmem:$0xD0] =	vst v7  }
0x10a: {  	[tilespmem:$0x140] =	vst v3  }
0x10b: {  	[tilespmem:$0x150] =	vst v8  }
0x10c: {  	[tilespmem:$0x100] =	vst v4  }
0x10d: {  	[tilespmem:$0xC0] =	vst v9  }
0x10e: {  	[tilespmem:$0x110] =	vst v6  }
0x10f: {  	[tilespmem:$0x130] =	vst v5  }
0x110: {  	[tilespmem:s24], [sflag:$0x1] =	stream.indirect.gather [spmem:s2], $0x80, s23, s23, $0xb8;
	[tilespmem:$0x19280] =	vst v63  }
0x111: {  	_ =	swait.ge [sflag:s25], $0x4000  }
0x112: {  	[sflag:s25] =	ssyncset.done $0x0  }
0x113: {  	[sflag:s25] =	ssyncadd.s32 $0xFFFFC000  }
0x114: {  	[spmem:s3] =	stream.indirect.scatter.add.f32 [tilespmem:s24], [sflag:$0x2], $0x80, s26, s23, $0xb8;
	[tilespmem:$0x19280] =	vst v63  }
0x115: {  	_ =	swait.ge [sflag:s20], $0x4000  }
0x116: {  	s4 =	sshrl.u32 s15, $0x3;
	[sflag:s20] =	ssyncset.done $0x0  }
0x117: {  	s4 =	sadd.s32 s6, s4;
	[sflag:s20] =	ssyncadd.s32 $0xFFFFC000  }
0x118: {  	[tilespmem:s5], [sflag:$0x2] =	stream.linear.gather [hbm4b:s4+s5], $0x80, $0x38;
	[tilespmem:$0x19280] =	vst v63  }
0x119: {  	_ =	swait.ge [sflag:s20], $0x80  }
0x11a: {  	[sflag:s20] =	ssyncset.done $0x0  }
0x11b: {  	[sflag:s20] =	ssyncadd.s32 $0xFFFFFF80  }
0x11c: {  	v3 =	vld [tilespmem:$0x70]  }
0x11d: {  	v4 =	vld [tilespmem:$0x60]  }
0x11e: {  	v5 =	vld [tilespmem:$0x30]  }
0x11f: {  	v6 =	vld [tilespmem:$0x20]  }
0x120: {  	v7 =	vld [tilespmem:$0x10]  }
0x121: {  	v8 =	vld [tilespmem:$0x0];
	v9 =	vand.u32 $0x3FFF, v3;
	v3 =	vshrl.u32 v3, $0xE  }
0x122: {  	v10 =	vld [tilespmem:$0x50];
	v11 =	vand.u32 $0x3FFF, v4;
	v4 =	vshrl.u32 v4, $0xE;
	v12 =	vsub.s32 v3, v0  }
0x123: {  	v9 =	vsub.s32 v9, v1;
	v3 =	vld [tilespmem:$0x40];
	v11 =	vsub.s32 v11, v1;
	v4 =	vsub.s32 v4, v0;
	[tilespmem:$0x170] =	vst v12  }
0x124: {  	v12 =	vand.u32 $0x3FFF, v6;
	v13 =	vshrl.u32 v6, $0xE;
	[tilespmem:$0xE0] =	vst v11  }
0x125: {  	v6 =	vand.u32 $0x3FFF, v7;
	v11 =	vshrl.u32 v7, $0xE;
	v7 =	vsub.s32 v12, v1;
	[tilespmem:$0x160] =	vst v4  }
.Ltmp10:
0x126: {  	v4 =	vand.u32 $0x3FFF, v8;
	v8 =	vshrl.u32 v8, $0xE;
	[tilespmem:$0xA0] =	vst v7;
	v7 =	vand.u32 $0x3FFF, v5;
	(pc) =	sbr.rel @p0 .LBB2_11-.Ltmp10, $4  }
0x127: {  	v12 =	vsub.s32 v4, v1;
	v7 =	vsub.s32 v7, v1;
	v14 =	vand.u32 $0x3FFF, v10;
	[tilespmem:$0xF0] =	vst v9  }
0x128: {  	v6 =	vsub.s32 v6, v1;
	v5 =	vshrl.u32 v5, $0xE;
	v4 =	vsub.s32 v8, v0;
	[tilespmem:$0xB0] =	vst v7  }
0x129: {  	v5 =	vsub.s32 v5, v0;
	v8 =	vshrl.u32 v10, $0xE;
	v7 =	vsub.s32 v14, v1;
	[tilespmem:$0x80] =	vst v12  }
0x12a: {  	v9 =	vsub.s32 v13, v0;
	v8 =	vsub.s32 v8, v0;
	[tilespmem:$0x90] =	vst v6;
	v6 =	vsub.s32 v11, v0  }
.LBB2_12:
0x12b: {  	[tilespmem:$0x120] =	vst v9  }
0x12c: {  	[tilespmem:$0xD0] =	vst v7  }
0x12d: {  	[tilespmem:$0x150] =	vst v8  }
0x12e: {  	[tilespmem:$0x100] =	vst v4  }
0x12f: {  	v63 =	vshrl.u32 v3, $0xE;
	[tilespmem:$0x110] =	vst v6  }
0x130: {  	v3 =	vand.u32 $0x3FFF, v3;
	[tilespmem:$0x130] =	vst v5;
	v9 =	vsub.s32 v63, v0  }
0x131: {  	v3 =	vsub.s32 v3, v1;
	[tilespmem:$0x140] =	vst v9  }
0x132: {  	[tilespmem:$0xC0] =	vst v3  }
0x133: {  	[tilespmem:s24], [sflag:$0x1] =	stream.indirect.gather [spmem:s2], $0x80, s23, s23, $0xb8;
	[tilespmem:$0x19280] =	vst v63  }
0x134: {  	_ =	swait.ge [sflag:s25], $0x4000  }
0x135: {  	[sflag:s25] =	ssyncset.done $0x0  }
0x136: {  	[sflag:s25] =	ssyncadd.s32 $0xFFFFC000  }
0x137: {  	[spmem:s3] =	stream.indirect.scatter.add.f32 [tilespmem:s24], [sflag:$0x2], $0x80, s26, s23, $0xb8;
	[tilespmem:$0x19280] =	vst v63  }
0x138: {  	_ =	swait.ge [sflag:s20], $0x4000  }
0x139: {  	[sflag:s20] =	ssyncset.done $0x0  }
0x13a: {  	[sflag:s20] =	ssyncadd.s32 $0xFFFFC000  }
.LBB2_13:
0x13b: {  	v2 =	vnsel vm1, $0x0, v2  }
0x13c: {  	(xrf0) =	vadd.scan.msk.s32 $0xffff, v2;
	_ =	sdelay $0x5  }
0x13d: {  	v2, _, _ =	vpop (xrf0)  }
0x13e: {  	(v2sf) =	vpush v2, $0xF;
	_ =	sdelay $0xe  }
0x13f: {  	s4 =	spop (v2sf)  }
0x140: {  	s15 =	sadd.s32 $0x7F, s4  }
0x141: {  	p0 =	slt.s32 s15, $0x80  }
.Ltmp11:
0x142: {  	_ = 	snop;
	(pc) =	sbr.rel @p0 .LBB2_17-.Ltmp11, $1  }
0x143: {  	_ =	sdelay $0x3  }
0x144: {  	s4 =	sshrl.u32 s19, $0x3  }
0x145: {  	s4 =	sadd.s32 s6, s4  }
0x146: {  	[tilespmem:s5], [sflag:$0x2] =	stream.linear.gather [hbm4b:s4+s5], $0x80, $0x38;
	[tilespmem:$0x19280] =	vst v63  }
0x147: {  	_ =	swait.ge [sflag:s20], $0x80  }
0x148: {  	[sflag:s20] =	ssyncset.done $0x0  }
0x149: {  	[sflag:s20] =	ssyncadd.s32 $0xFFFFFF80  }
0x14a: {  	v2 =	vld [tilespmem:$0x70]  }
0x14b: {  	v3 =	vld [tilespmem:$0x60];
	_ =	sdelay $0x1  }
0x14c: {  	v5 =	vld [tilespmem:$0x20]  }
0x14d: {  	v6 =	vld [tilespmem:$0x10]  }
0x14e: {  	v4 =	vld [tilespmem:$0x30];
	v8 =	vshrl.u32 v2, $0xE  }
0x14f: {  	s31 =	sshra.s32 s15, $0x1F;
	v7 =	vld [tilespmem:$0x0];
	v10 =	vand.u32 $0x3FFF, v3;
	v8 =	vsub.s32 v8, v0  }
0x150: {  	s4 =	sshrl.u32 s31, $0x19;
	v3 =	vshrl.u32 v3, $0xE;
	v10 =	vsub.s32 v10, v1;
	[tilespmem:$0x170] =	vst v8  }
0x151: {  	s4 =	sadd.s32 s4, s15;
	v9 =	vld [tilespmem:$0x50];
	v2 =	vand.u32 $0x3FFF, v2;
	v11 =	vshrl.u32 v5, $0xE;
	v3 =	vsub.s32 v3, v0;
	[tilespmem:$0xE0] =	vst v10  }
0x152: {  	s4 =	sshra.s32 s4, $0x7;
	v2 =	vsub.s32 v2, v1;
	v8 =	vand.u32 $0x3FFF, v5;
	v5 =	vand.u32 $0x3FFF, v6;
	[tilespmem:$0x160] =	vst v3  }
0x153: {  	p0 =	sne.s32 s4, $0x1;
	v10 =	vshrl.u32 v6, $0xE;
	[tilespmem:$0xF0] =	vst v2;
	v2 =	vshrl.u32 v4, $0xE;
	v6 =	vsub.s32 v8, v1  }
.Ltmp12:
0x154: {  	v3 =	vand.u32 $0x3FFF, v7;
	[tilespmem:$0xA0] =	vst v6;
	v6 =	vand.u32 $0x3FFF, v4;
	v4 =	vsub.s32 v2, v0;
	v2 =	vld [tilespmem:$0x40];
	(pc) =	sbr.rel @!p0 .LBB2_16-.Ltmp12, $4  }
0x155: {  	v7 =	vshrl.u32 v7, $0xE;
	v8 =	vsub.s32 v3, v1  }
0x156: {  	v12 =	vand.u32 $0x3FFF, v9;
	v3 =	vsub.s32 v7, v0;
	v5 =	vsub.s32 v5, v1;
	[tilespmem:$0x80] =	vst v8  }
0x157: {  	v7 =	vshrl.u32 v9, $0xE;
	[tilespmem:$0x90] =	vst v5;
	v5 =	vsub.s32 v10, v0;
	v6 =	vsub.s32 v6, v1  }
0x158: {  	s15 =	smov.u32 s19;
	s30 =	sadd.s32 $0xFFFFFFFF, s4;
	v8 =	vsub.s32 v11, v0;
	v7 =	vsub.s32 v7, v0;
	[tilespmem:$0xB0] =	vst v6;
	v6 =	vsub.s32 v12, v1  }
.LBB2_15:
0x159: {  	p0 =	sne.s32 s30, $0x1;
	s30 =	sadd.s32 $0xFFFFFFFF, s30;
	[tilespmem:$0x120] =	vst v8;
	v8 =	vand.u32 $0x3FFF, v2;
	v2 =	vshrl.u32 v2, $0xE;
	s15 =	sadd.s32 $0x200, s15  }
0x15a: {  	v8 =	vsub.s32 v8, v1;
	v2 =	vsub.s32 v2, v0;
	[tilespmem:$0xD0] =	vst v6  }
0x15b: {  	[tilespmem:$0x140] =	vst v2  }
0x15c: {  	[tilespmem:$0x150] =	vst v7  }
0x15d: {  	[tilespmem:$0x100] =	vst v3  }
0x15e: {  	[tilespmem:$0xC0] =	vst v8  }
0x15f: {  	[tilespmem:$0x110] =	vst v5  }
0x160: {  	[tilespmem:$0x130] =	vst v4  }
0x161: {  	[tilespmem:s24], [sflag:$0x1] =	stream.indirect.gather [spmem:s2], $0x80, s23, s23, $0xb8;
	[tilespmem:$0x19280] =	vst v63  }
0x162: {  	_ =	swait.ge [sflag:s25], $0x4000  }
0x163: {  	[sflag:s25] =	ssyncset.done $0x0  }
0x164: {  	[sflag:s25] =	ssyncadd.s32 $0xFFFFC000  }
0x165: {  	[spmem:s3] =	stream.indirect.scatter.add.f32 [tilespmem:s24], [sflag:$0x2], $0x80, s26, s23, $0xb8;
	[tilespmem:$0x19280] =	vst v63  }
0x166: {  	_ =	swait.ge [sflag:s20], $0x4000  }
0x167: {  	s4 =	sshrl.u32 s15, $0x3;
	[sflag:s20] =	ssyncset.done $0x0  }
0x168: {  	s4 =	sadd.s32 s6, s4;
	[sflag:s20] =	ssyncadd.s32 $0xFFFFC000  }
0x169: {  	[tilespmem:s5], [sflag:$0x2] =	stream.linear.gather [hbm4b:s4+s5], $0x80, $0x38;
	[tilespmem:$0x19280] =	vst v63  }
0x16a: {  	_ =	swait.ge [sflag:s20], $0x80  }
0x16b: {  	[sflag:s20] =	ssyncset.done $0x0  }
0x16c: {  	[sflag:s20] =	ssyncadd.s32 $0xFFFFFF80  }
0x16d: {  	v2 =	vld [tilespmem:$0x70]  }
0x16e: {  	v3 =	vld [tilespmem:$0x60]  }
0x16f: {  	v4 =	vld [tilespmem:$0x30]  }
0x170: {  	v5 =	vld [tilespmem:$0x20]  }
0x171: {  	v6 =	vld [tilespmem:$0x10]  }
0x172: {  	v7 =	vld [tilespmem:$0x0];
	v8 =	vand.u32 $0x3FFF, v2;
	v2 =	vshrl.u32 v2, $0xE  }
0x173: {  	v9 =	vld [tilespmem:$0x50];
	v10 =	vand.u32 $0x3FFF, v3;
	v3 =	vshrl.u32 v3, $0xE;
	v11 =	vsub.s32 v2, v0  }
0x174: {  	v8 =	vsub.s32 v8, v1;
	v2 =	vld [tilespmem:$0x40];
	v10 =	vsub.s32 v10, v1;
	v3 =	vsub.s32 v3, v0;
	[tilespmem:$0x170] =	vst v11  }
0x175: {  	v11 =	vand.u32 $0x3FFF, v5;
	v12 =	vshrl.u32 v5, $0xE;
	[tilespmem:$0xE0] =	vst v10  }
0x176: {  	v5 =	vand.u32 $0x3FFF, v6;
	v10 =	vshrl.u32 v6, $0xE;
	v6 =	vsub.s32 v11, v1;
	[tilespmem:$0x160] =	vst v3  }
.Ltmp13:
0x177: {  	v3 =	vand.u32 $0x3FFF, v7;
	v7 =	vshrl.u32 v7, $0xE;
	[tilespmem:$0xA0] =	vst v6;
	v6 =	vand.u32 $0x3FFF, v4;
	(pc) =	sbr.rel @p0 .LBB2_15-.Ltmp13, $4  }
0x178: {  	v11 =	vsub.s32 v3, v1;
	v6 =	vsub.s32 v6, v1;
	v13 =	vand.u32 $0x3FFF, v9;
	[tilespmem:$0xF0] =	vst v8  }
0x179: {  	v5 =	vsub.s32 v5, v1;
	v4 =	vshrl.u32 v4, $0xE;
	v3 =	vsub.s32 v7, v0;
	[tilespmem:$0xB0] =	vst v6  }
0x17a: {  	v4 =	vsub.s32 v4, v0;
	v7 =	vshrl.u32 v9, $0xE;
	v6 =	vsub.s32 v13, v1;
	[tilespmem:$0x80] =	vst v11  }
0x17b: {  	v8 =	vsub.s32 v12, v0;
	v7 =	vsub.s32 v7, v0;
	[tilespmem:$0x90] =	vst v5;
	v5 =	vsub.s32 v10, v0  }
.Ltmp14:
0x17c: {  	_ = 	snop;
	(pc) =	sbr.rel .LBB2_16-.Ltmp14, $1  }
0x17d: {  	_ =	sdelay $0x3  }
.LBB2_18:
0x17e: {  	_ =	sfence.sel $0x180000  }
0x17f: {  	[bflag:$0x0] =	sbarrier.arrive $0xFFFF  }
0x180: {  	_ =	strace $0x9000004A  }
0x181: {  	s0 =	stileid.u32;
	[bflag:$0x2] =	sbarrier.arrive $0xFFFF  }
0x182: {  	p0 =	sne.s32 s0, $0x0;
	s0 =	rddreg [dreg:$0x4]  }
0x183: {  	s0 =	sadd.s32 @!p0 $0x100000, s0  }
0x184: {  	[sflag:s0] =	ssyncadd.tile.s32 @!p0 $0x1;
	_ =	shalt  }
.Lfunc_end2:
_tile_overlayer_lowered:
.L_overlay_start_2:
0x185: {  	(tag) =	ssettag $0x2  }
0x186: {  	s0 =	rddreg [dreg:$0x0];
	s2 =	stileid.u32  }
0x187: {  	s1 =	rddreg [dreg:$0x1];
	p0 =	sne.s32 s2, $0x0  }
0x188: {  	s3 =	rddreg [dreg:$0x2];
	[bflag:$0x3] =	sbarrier.arrive $0xFFFF;
	s2 =	simm.s32 @!p0 $0x1C02  }
0x189: {  	[timem:s3], [sflag:s2] =	dma.local @!p0 [hbm:s0], s1  }
0x18a: {  	s0 =	simm.s32 @!p0 $0x2  }
0x18b: {  	_ =	swait.ge @!p0 [sflag:s0], s1  }
0x18c: {  	s1 =	ssub.s32 @!p0 $0x0, s1;
	[sflag:s0] =	ssyncset.done @!p0 $0x0  }
0x18d: {  	[sflag:s0] =	ssyncadd.s32 @!p0 s1  }
0x18e: {  	[bflag:$0x3] =	sbarrier.arrive $0xFFFF  }
0x18f: {  	_ =	shalt  }

</sc_bundles>
